<compile_context>
chip_gen: v7x
topology: tpu7x:2x2x1
jax: 0.10.2.dev20260603
libtpu: 0.0.44.dev20260713+nightly
codegen_flags: <defaults>
</compile_context>

<pallas_src>
import dataclasses
import functools

import jax
import jax.numpy as jnp
from jax import lax
from jax.experimental import pallas as pl
from jax.experimental.pallas import tpu as pltpu
from jax.experimental.pallas import tpu_sc as plsc

N = 10000
E = 160000
R = 12
NB = 8
HID = 768
EHID = 384
BATCH = 16
ELEN = 32
TLEN = 64
NLAYER = 12
NBLOCK = 2
NHEAD = 12

NPOS = BATCH * ELEN
NSC = 2
NTILE = 16
SLOTS_PER_SC = NPOS // NSC
ROWS_PER_SC = SLOTS_PER_SC * R
ACC_ROWS = ROWS_PER_SC + 16
SM_PAD = 10240
EDGES_PER_TILE = E // NTILE
ECH = 400
GCH = 64
LIST_PAD = EDGES_PER_TILE + GCH
KPT = NPOS // NTILE
ZROWS = 16

_MESH = dict(core_axis_name="c", subcore_axis_name="s")


def _sc_params():
    cp = pltpu.CompilerParams()
    if "needs_layout_passes" in pltpu.CompilerParams.__dataclass_fields__:
        cp = dataclasses.replace(cp, needs_layout_passes=False)
    return cp


def _first_idx_kernel(eid_col, eid_row):
    def body(a_ref, b_ref, o_ref):
        eq = a_ref[...] == b_ref[...]
        jj = lax.broadcasted_iota(jnp.int32, (NPOS, NPOS), 1)
        o_ref[...] = jnp.min(jnp.where(eq, jj, NPOS), axis=1, keepdims=True)
    return pl.pallas_call(
        body,
        out_shape=jax.ShapeDtypeStruct((NPOS, 1), jnp.int32),
    )(eid_col, eid_row)


NWORK = NSC * NTILE
SPT = NPOS // NWORK
AROWS = SPT * R
ADUMMY = AROWS
ACCP = AROWS + 8
LIST_CAP = 8192
EPW = E // NWORK
EPWP = EPW + 16


def _sc_scan(eid, fidx, edge_index, et):
    mesh = plsc.VectorSubcoreMesh(**_MESH)

    @functools.partial(
        pl.kernel,
        out_type=(
            jax.ShapeDtypeStruct((NWORK, EPWP), jnp.int32),
            jax.ShapeDtypeStruct((NWORK, 16), jnp.int32),
        ),
        mesh=mesh,
        compiler_params=_sc_params(),
        scratch_types=[
            pltpu.VMEM((SM_PAD,), jnp.int32),
            pltpu.VMEM((NPOS,), jnp.int32),
            pltpu.VMEM((NPOS,), jnp.int32),
            pltpu.VMEM((EPW,), jnp.int32),
            pltpu.VMEM((EPW,), jnp.int32),
            pltpu.VMEM((EPW,), jnp.int32),
            pltpu.VMEM((EPWP,), jnp.int32),
            pltpu.VMEM((16,), jnp.int32),
        ],
    )
    def k(eid_hbm, fidx_hbm, ei_hbm, et_hbm, list_hbm, n_hbm,
          sm_vm, eid_vm, val_vm, esrc_vm, edst_vm, etyp_vm, plist_vm, n_vm):
        c = lax.axis_index("c")
        s = lax.axis_index("s")
        w = s * NSC + c

        @pl.loop(0, SM_PAD, step=16)
        def _(i):
            sm_vm[pl.ds(i, 16)] = jnp.full((16,), -1, jnp.int32)

        pltpu.sync_copy(eid_hbm, eid_vm)
        pltpu.sync_copy(fidx_hbm, val_vm)

        @pl.loop(0, NPOS, step=16)
        def _(j):
            plsc.store_scatter(sm_vm, [eid_vm[pl.ds(j, 16)]],
                               val_vm[pl.ds(j, 16)])

        eb = w * EPW
        pltpu.sync_copy(ei_hbm.at[pl.ds(eb, EPW)], esrc_vm)
        pltpu.sync_copy(ei_hbm.at[pl.ds(E + eb, EPW)], edst_vm)
        pltpu.sync_copy(et_hbm.at[pl.ds(eb, EPW)], etyp_vm)

        def vec_body(jj, off):
            j = jj * 16
            sv = esrc_vm[pl.ds(j, 16)]
            dv = edst_vm[pl.ds(j, 16)]
            tv = etyp_vm[pl.ds(j, 16)]
            slot = plsc.load_gather(sm_vm, [dv])
            msk = slot >= 0
            packed = (sv << 13) | jnp.where(msk, slot << 4, 0) | tv
            plsc.store_compressed(plist_vm.at[pl.ds(off, 16)], packed,
                                  mask=msk)
            return off + jnp.sum(msk.astype(jnp.int32))

        n_sel = lax.fori_loop(0, EPW // 16, vec_body, jnp.int32(0))

        n_vm[pl.ds(0, 16)] = jnp.where(
            lax.iota(jnp.int32, 16) == 0, n_sel, 0)
        pltpu.sync_copy(plist_vm, list_hbm.at[w])
        pltpu.sync_copy(n_vm, n_hbm.at[w])

    return k(eid, fidx, edge_index.reshape(2 * E), et)


def _sc_accumulate(lists, counts, eid, x, zrows):
    mesh = plsc.VectorSubcoreMesh(**_MESH)

    @functools.partial(
        pl.kernel,
        out_type=(
            jax.ShapeDtypeStruct((NPOS * R, EHID), jnp.float32),
            jax.ShapeDtypeStruct((NPOS * R,), jnp.float32),
            jax.ShapeDtypeStruct((NPOS, EHID), jnp.float32),
        ),
        mesh=mesh,
        compiler_params=_sc_params(),
        scratch_types=[
            pltpu.VMEM((ACCP, EHID), jnp.float32),
            pltpu.VMEM((GCH, EHID), jnp.float32),
            pltpu.VMEM((GCH,), jnp.int32),
            pltpu.VMEM((GCH + 16,), jnp.int32),
            pltpu.VMEM((ACCP,), jnp.float32),
            pltpu.VMEM((NPOS,), jnp.int32),
            pltpu.VMEM((EPWP,), jnp.int32),
            pltpu.VMEM((512,), jnp.int32),
            pltpu.VMEM((512,), jnp.int32),
            pltpu.VMEM((NWORK, 16), jnp.int32),
            pltpu.VMEM((LIST_CAP + EPWP,), jnp.int32),
            pltpu.SemaphoreType.DMA,
            pltpu.SemaphoreType.DMA,
            pltpu.SemaphoreType.DMA,
        ],
    )
    def k(list_hbm, n_hbm, eid_hbm, x_hbm, zr_hbm,
          m_hbm, cnt_hbm, xs_hbm,
          acc_vm, rows_vm, gstage_vm, astage_vm, cnt_vm,
          eid_vm, full_vm, bufa_vm, bufb_vm, nall_vm, plist_vm,
          sem, sema, semb):
        c = lax.axis_index("c")
        s = lax.axis_index("s")
        w = s * NSC + c
        lo = w * SPT

        pltpu.sync_copy(zr_hbm, acc_vm)

        @pl.loop(0, ACCP, step=16)
        def _(i):
            cnt_vm[pl.ds(i, 16)] = jnp.zeros((16,), jnp.float32)

        pltpu.sync_copy(eid_hbm, eid_vm)
        pltpu.async_copy(x_hbm.at[eid_vm.at[pl.ds(lo, SPT)]],
                         rows_vm.at[pl.ds(0, SPT)], sem).wait()
        pltpu.sync_copy(rows_vm.at[pl.ds(0, SPT)], xs_hbm.at[pl.ds(lo, SPT)])

        def drain(n_items):
            nch = (n_items + (GCH - 1)) // GCH

            def gs_body(i, carry):
                gbase = i * GCH
                for kk in range(GCH // 16):
                    pos = gbase + kk * 16
                    lane = pos + lax.iota(jnp.int32, 16)
                    valid = lane < n_items
                    pk = plist_vm[pl.ds(pos, 16)]
                    gstage_vm[pl.ds(kk * 16, 16)] = jnp.where(
                        valid, lax.shift_right_logical(pk, 8), 0)
                    astage_vm[pl.ds(kk * 16, 16)] = jnp.where(
                        valid, pk & 255, ADUMMY)
                    plsc.addupdate_scatter(
                        cnt_vm, [jnp.where(valid, pk & 255, ADUMMY)],
                        jnp.ones((16,), jnp.float32), mask=valid)
                pltpu.async_copy(x_hbm.at[gstage_vm], rows_vm, sem).wait()

                @pl.loop(0, GCH)
                def _(rr):
                    aidx = astage_vm[pl.ds(rr, 16)][0]

                    @pl.loop(0, EHID, step=16)
                    def _(kk):
                        v = rows_vm[rr, pl.ds(kk, 16)]
                        plsc.addupdate(acc_vm.at[aidx, pl.ds(kk, 16)], v)

                return carry

            lax.fori_loop(0, nch, gs_body, jnp.int32(0))

        SHORT = 512
        pltpu.sync_copy(n_hbm, nall_vm)

        def start_short(v, buf, sem_):
            pltpu.async_copy(list_hbm.at[v, pl.ds(0, SHORT)], buf, sem_)

        def wait_short(buf, sem_):
            pltpu.make_async_copy(list_hbm.at[0, pl.ds(0, SHORT)],
                                  buf, sem_).wait()

        def scan_from(ref, n_v, off):
            def vec_body(jj, off2):
                j = jj * 16
                pk = ref[pl.ds(j, 16)]
                valid = (j + lax.iota(jnp.int32, 16)) < n_v
                slot = lax.shift_right_logical(pk, 4) & 511
                sl = slot - lo
                msk = valid & (sl >= 0) & (sl < SPT)
                aidx = jnp.where(msk, sl * R + (pk & 15), 0)
                repk = (lax.shift_right_logical(pk, 13) << 8) | aidx
                plsc.store_compressed(plist_vm.at[pl.ds(off2, 16)], repk,
                                      mask=msk)
                return off2 + jnp.sum(msk.astype(jnp.int32))

            return lax.fori_loop(0, (n_v + 15) // 16, vec_body, off)

        def handle(v, buf, off):
            n_v = nall_vm[v, pl.ds(0, 16)][0]

            def short_case(o):
                return scan_from(buf, n_v, o)

            def full_case(o):
                pltpu.sync_copy(list_hbm.at[v], full_vm)
                return scan_from(full_vm, n_v, o)

            off = lax.cond(n_v <= SHORT, short_case, full_case, off)

            def do_drain(o):
                drain(o)
                return jnp.int32(0)

            return lax.cond(off >= LIST_CAP, do_drain, lambda o: o, off)

        start_short(0, bufa_vm, sema)

        def pair_body(p, off):
            v0 = 2 * p
            start_short(v0 + 1, bufb_vm, semb)
            wait_short(bufa_vm, sema)
            off = handle(v0, bufa_vm, off)

            @pl.when(v0 + 2 < NWORK)
            def _():
                start_short(v0 + 2, bufa_vm, sema)

            wait_short(bufb_vm, semb)
            return handle(v0 + 1, bufb_vm, off)

        n_left = lax.fori_loop(0, NWORK // 2, pair_body, jnp.int32(0))
        drain(n_left)

        pltpu.sync_copy(acc_vm.at[pl.ds(0, AROWS)],
                        m_hbm.at[pl.ds(w * AROWS, AROWS)])
        pltpu.sync_copy(cnt_vm.at[pl.ds(0, AROWS)],
                        cnt_hbm.at[pl.ds(w * AROWS, AROWS)])

    return k(lists, counts, eid, x, zrows)


def _sc_aggregate(eid, fidx, edge_index, et, x, zrows):
    lists, counts = _sc_scan(eid, fidx, edge_index, et)
    return _sc_accumulate(lists, counts, eid, x, zrows)


def _entity_kernel(m2, cntp, xs, comp, bases, root, rgcn_bias,
                   ep1_w1, ep1_b1, ep1_w2, ep1_b2, ep2_w, ep2_b):
    def body(m_ref, c_ref, xs_ref, comp_ref, bases_ref, root_ref, b0_ref,
             w1_ref, b1_ref, w2_ref, b2_ref, w3_ref, b3_ref, out_ref):
        inv = 1.0 / jnp.maximum(c_ref[...], 1.0)
        agg = jnp.zeros((NPOS, EHID), jnp.float32)
        for r in range(R):
            wr = jnp.zeros((EHID, EHID), jnp.float32)
            for b in range(NB):
                wr = wr + comp_ref[r, b] * bases_ref[b]
            mr = m_ref[:, r * EHID:(r + 1) * EHID] * inv[:, r:r + 1]
            agg = agg + jnp.dot(mr.astype(jnp.bfloat16),
                                wr.astype(jnp.bfloat16),
                                preferred_element_type=jnp.float32)
        x = xs_ref[...]
        ent0 = (agg + jnp.dot(x, root_ref[...],
                              preferred_element_type=jnp.float32)
                + b0_ref[...] + x)
        h = jnp.maximum(
            jnp.dot(ent0, w1_ref[...], preferred_element_type=jnp.float32)
            + b1_ref[...], 0.0)
        ent1 = (jnp.dot(h, w2_ref[...], preferred_element_type=jnp.float32)
                + b2_ref[...] + ent0)
        out_ref[...] = (jnp.dot(ent1, w3_ref[...],
                                preferred_element_type=jnp.float32)
                        + b3_ref[...])

    return pl.pallas_call(
        body,
        out_shape=jax.ShapeDtypeStruct((NPOS, HID), jnp.float32),
        in_specs=[pl.BlockSpec((NPOS, R * EHID), lambda: (0, 0)),
                 pl.BlockSpec((NPOS, R), lambda: (0, 0)),
                 pl.BlockSpec((NPOS, EHID), lambda: (0, 0)),
                 pl.BlockSpec(memory_space=pltpu.SMEM),
                 pl.BlockSpec((NB, EHID, EHID), lambda: (0, 0, 0)),
                 pl.BlockSpec((EHID, EHID), lambda: (0, 0)),
                 pl.BlockSpec((EHID,), lambda: (0,)),
                 pl.BlockSpec((EHID, EHID // 2), lambda: (0, 0)),
                 pl.BlockSpec((EHID // 2,), lambda: (0,)),
                 pl.BlockSpec((EHID // 2, EHID), lambda: (0, 0)),
                 pl.BlockSpec((EHID,), lambda: (0,)),
                 pl.BlockSpec((EHID, HID), lambda: (0, 0)),
                 pl.BlockSpec((HID,), lambda: (0,))],
        out_specs=pl.BlockSpec((NPOS, HID), lambda: (0, 0)),
    )(m2, cntp, xs, comp, bases, root, rgcn_bias,
      ep1_w1, ep1_b1, ep1_w2, ep1_b2, ep2_w, ep2_b)


def _sc_gather(ent, sidx):
    mesh = plsc.VectorSubcoreMesh(**_MESH)
    per_w = NPOS // (NSC * NTILE)

    @functools.partial(
        pl.kernel,
        out_type=jax.ShapeDtypeStruct((NPOS, HID), jnp.float32),
        mesh=mesh,
        scratch_types=[
            pltpu.VMEM((per_w,), jnp.int32),
            pltpu.VMEM((per_w, HID), jnp.float32),
            pltpu.SemaphoreType.DMA,
        ],
    )
    def k(ent_hbm, sidx_hbm, out_hbm, idx_vm, rows_vm, sem):
        c = lax.axis_index("c")
        s = lax.axis_index("s")
        base = (s * NSC + c) * per_w
        pltpu.sync_copy(sidx_hbm.at[pl.ds(base, per_w)], idx_vm)
        pltpu.async_copy(ent_hbm.at[idx_vm], rows_vm, sem).wait()
        pltpu.sync_copy(rows_vm, out_hbm.at[pl.ds(base, per_w)])

    return k(ent, sidx)


def _attn_kernel(tok, ee, tw1, tb1, tw2, tb2, tw3, tb3,
                 ca_w, w1, b1, w2, b2):
    def body(t_ref, e_ref, tw1_ref, tb1_ref, tw2_ref, tb2_ref, tw3_ref,
             tb3_ref, ca_ref, w1_ref, b1_ref, w2_ref, b2_ref, o_ref):
        t0 = t_ref[0]
        th = jnp.maximum(
            jnp.dot(t0, tw1_ref[...], preferred_element_type=jnp.float32)
            + tb1_ref[...], 0.0)
        t1 = (jnp.dot(th, tw2_ref[...], preferred_element_type=jnp.float32)
              + tb2_ref[...] + t0)
        tb = (jnp.dot(t1, tw3_ref[...], preferred_element_type=jnp.float32)
              + tb3_ref[...])
        eb = e_ref[0]
        q = jnp.dot(tb, ca_ref[...], preferred_element_type=jnp.float32)
        attn = lax.dot_general(q, eb, (((1,), (1,)), ((), ())),
                               preferred_element_type=jnp.float32) / HID
        mx = jnp.max(attn, axis=0, keepdims=True)
        ex = jnp.exp(attn - mx)
        sm = ex / jnp.sum(ex, axis=0, keepdims=True)
        p0 = lax.dot_general(sm, tb, (((0,), (0,)), ((), ())),
                             preferred_element_type=jnp.float32) + eb
        h = jnp.maximum(
            jnp.dot(p0, w1_ref[...], preferred_element_type=jnp.float32)
            + b1_ref[...], 0.0)
        o_ref[0] = (jnp.dot(h, w2_ref[...], preferred_element_type=jnp.float32)
                    + b2_ref[...] + p0)

    return pl.pallas_call(
        body,
        grid=(BATCH,),
        in_specs=[
            pl.BlockSpec((1, TLEN, HID), lambda i: (i, 0, 0)),
            pl.BlockSpec((1, ELEN, HID), lambda i: (i, 0, 0)),
            pl.BlockSpec((HID, HID // 2), lambda i: (0, 0)),
            pl.BlockSpec((HID // 2,), lambda i: (0,)),
            pl.BlockSpec((HID // 2, HID), lambda i: (0, 0)),
            pl.BlockSpec((HID,), lambda i: (0,)),
            pl.BlockSpec((HID, HID), lambda i: (0, 0)),
            pl.BlockSpec((HID,), lambda i: (0,)),
            pl.BlockSpec((HID, HID), lambda i: (0, 0)),
            pl.BlockSpec((HID, HID // 2), lambda i: (0, 0)),
            pl.BlockSpec((HID // 2,), lambda i: (0,)),
            pl.BlockSpec((HID // 2, HID), lambda i: (0, 0)),
            pl.BlockSpec((HID,), lambda i: (0,)),
        ],
        out_specs=pl.BlockSpec((1, ELEN, HID), lambda i: (i, 0, 0)),
        out_shape=jax.ShapeDtypeStruct((BATCH, ELEN, HID), jnp.float32),
    )(tok, ee, tw1, tb1, tw2, tb2, tw3, tb3, ca_w, w1, b1, w2, b2)


def _pp2_kernel(x, w, b):
    OUTD = NLAYER * NBLOCK * HID
    HD = HID // NHEAD

    def body(x_ref, w_ref, b_ref, o_ref):
        y = (jnp.dot(x_ref[...].astype(jnp.bfloat16), w_ref[...],
                     preferred_element_type=jnp.float32)
             + b_ref[...])
        o_ref[0, 0] = jnp.transpose(
            y.reshape(BATCH, ELEN, NHEAD, HD), (0, 2, 1, 3))

    return pl.pallas_call(
        body,
        grid=(NLAYER * NBLOCK,),
        in_specs=[
            pl.BlockSpec((NPOS, HID), lambda j: (0, 0)),
            pl.BlockSpec((HID, HID), lambda j: (0, j)),
            pl.BlockSpec((1, HID), lambda j: (0, j)),
        ],
        out_specs=pl.BlockSpec((1, 1, BATCH, NHEAD, ELEN, HD),
                               lambda j: (j // NBLOCK, j % NBLOCK,
                                          0, 0, 0, 0)),
        out_shape=jax.ShapeDtypeStruct(
            (NLAYER, NBLOCK, BATCH, NHEAD, ELEN, HD), jnp.float32),
    )(x, w.astype(jnp.bfloat16), b.reshape(1, OUTD))


def kernel(entity_ids, token_embeds, edge_index, edge_type, node_embeds,
           comp, bases, root, rgcn_bias, ep1_w1, ep1_b1, ep1_w2, ep1_b2,
           ep2_w, ep2_b, tp1_w1, tp1_b1, tp1_w2, tp1_b2, tp2_w, tp2_b,
           ca_w, pp1_w1, pp1_b1, pp1_w2, pp1_b2, pp2_w, pp2_b):
    eid = entity_ids.reshape(NPOS).astype(jnp.int32)
    ei = edge_index.astype(jnp.int32)
    et = edge_type.astype(jnp.int32)

    fidx = _first_idx_kernel(eid.reshape(NPOS, 1),
                             eid.reshape(1, NPOS)).reshape(NPOS)

    zrows = jnp.zeros((ACCP, EHID), jnp.float32)
    m, cnt, xs = _sc_aggregate(eid, fidx, ei, et, node_embeds, zrows)

    m2 = m.reshape(NPOS, R * EHID)
    cnt2 = cnt.reshape(NPOS, R)

    ent = _entity_kernel(m2, cnt2, xs, comp, bases, root, rgcn_bias,
                         ep1_w1, ep1_b1, ep1_w2, ep1_b2, ep2_w, ep2_b)

    ee = _sc_gather(ent, fidx)

    presid = _attn_kernel(token_embeds,
                          ee.reshape(BATCH, ELEN, HID),
                          tp1_w1, tp1_b1, tp1_w2, tp1_b2, tp2_w, tp2_b,
                          ca_w, pp1_w1, pp1_b1, pp1_w2, pp1_b2)

    return _pp2_kernel(presid.reshape(NPOS, HID), pp2_w, pp2_b)

# --- scband reference (transcript-rebuilt; emitter-appended) ---
"""Pipeline reference for scband-kgprompt-89824946029271 (READ-ONLY COPY).

The authoritative reference and input builder live on the scoring server;
editing this copy changes nothing except your own understanding.
"""

import jax, jax.numpy as jnp
import numpy as np

N_ENTITY = 10000
E = 160000
R = 12
NB = 8
HID = 768
EHID = 384
BATCH = 16
ELEN = 32
TLEN = 64
N_LAYER = 12
N_BLOCK = 2
N_HEAD = 12


def setup_inputs(seed: int = 0):
    key = jax.random.key(seed)
    ks = jax.random.split(key, 32)
    s = 0.02
    inp = {}
    inp['entity_ids'] = jax.random.randint(ks[0], (BATCH, ELEN), 0, N_ENTITY)
    inp['token_embeds'] = jax.random.normal(ks[1], (BATCH, TLEN, HID), jnp.float32)
    inp['edge_index'] = jax.random.randint(ks[2], (2, E), 0, N_ENTITY)
    inp['edge_type'] = jax.random.randint(ks[3], (E,), 0, R)
    stdv = float(np.sqrt(6.0 / (N_ENTITY + EHID)))
    inp['node_embeds'] = jax.random.uniform(ks[4], (N_ENTITY, EHID), jnp.float32, -stdv, stdv)
    inp['comp'] = jax.random.normal(ks[5], (R, NB), jnp.float32) * s
    inp['bases'] = jax.random.normal(ks[6], (NB, EHID, EHID), jnp.float32) * s
    inp['root'] = jax.random.normal(ks[7], (EHID, EHID), jnp.float32) * s
    inp['rgcn_bias'] = jnp.zeros((EHID,), jnp.float32)
    inp['ep1_w1'] = jax.random.normal(ks[8], (EHID, EHID // 2), jnp.float32) * s
    inp['ep1_b1'] = jnp.zeros((EHID // 2,), jnp.float32)
    inp['ep1_w2'] = jax.random.normal(ks[9], (EHID // 2, EHID), jnp.float32) * s
    inp['ep1_b2'] = jnp.zeros((EHID,), jnp.float32)
    inp['ep2_w'] = jax.random.normal(ks[10], (EHID, HID), jnp.float32) * s
    inp['ep2_b'] = jnp.zeros((HID,), jnp.float32)
    inp['tp1_w1'] = jax.random.normal(ks[11], (HID, HID // 2), jnp.float32) * s
    inp['tp1_b1'] = jnp.zeros((HID // 2,), jnp.float32)
    inp['tp1_w2'] = jax.random.normal(ks[12], (HID // 2, HID), jnp.float32) * s
    inp['tp1_b2'] = jnp.zeros((HID,), jnp.float32)
    inp['tp2_w'] = jax.random.normal(ks[13], (HID, HID), jnp.float32) * s
    inp['tp2_b'] = jnp.zeros((HID,), jnp.float32)
    inp['ca_w'] = jax.random.normal(ks[14], (HID, HID), jnp.float32) * s
    inp['pp1_w1'] = jax.random.normal(ks[15], (HID, HID // 2), jnp.float32) * s
    inp['pp1_b1'] = jnp.zeros((HID // 2,), jnp.float32)
    inp['pp1_w2'] = jax.random.normal(ks[16], (HID // 2, HID), jnp.float32) * s
    inp['pp1_b2'] = jnp.zeros((HID,), jnp.float32)
    inp['pp2_w'] = jax.random.normal(ks[17], (HID, N_LAYER * N_BLOCK * HID), jnp.float32) * s
    inp['pp2_b'] = jnp.zeros((N_LAYER * N_BLOCK * HID,), jnp.float32)
    return inp


def _rgcn(x, edge_index, edge_type, comp, bases, root, bias):
    # PyG RGCNConv with basis decomposition, per-relation mean aggregation + root + bias
    W = jnp.einsum('rb,bio->rio', comp, bases)  # [R, EHID, EHID]
    src = edge_index[0]
    dst = edge_index[1]
    out = x @ root + bias
    for r in range(R):
        mask = (edge_type == r).astype(x.dtype)
        xr = x @ W[r]                       # transform at node level (equivalent, cheaper)
        msg = xr[src] * mask[:, None]       # gather per edge
        agg = jax.ops.segment_sum(msg, dst, num_segments=N_ENTITY)
        cnt = jax.ops.segment_sum(mask, dst, num_segments=N_ENTITY)
        out = out + agg / jnp.maximum(cnt, 1.0)[:, None]
    return out


def _forward(entity_ids, edge_index, edge_type, token_embeds, node_embeds, comp, bases, root, rgcn_bias, ep1_w1, ep1_b1, ep1_w2, ep1_b2, ep2_w, ep2_b, tp1_w1, tp1_b1, tp1_w2, tp1_b2, tp2_w, tp2_b, ca_w, pp1_w1, pp1_b1, pp1_w2, pp1_b2, pp2_w, pp2_b):
    # get_entity_embeds (shape=None path)
    ent = _rgcn(node_embeds, edge_index, edge_type, comp, bases, root, rgcn_bias) + node_embeds
    ent = (jax.nn.relu(ent @ ep1_w1 + ep1_b1) @ ep1_w2 + ep1_b2) + ent
    ent = ent @ ep2_w + ep2_b                      # [N_ENTITY, HID]
    ee = ent[entity_ids]                           # gather -> [B, ELEN, HID]
    # token projections
    tok = (jax.nn.relu(token_embeds @ tp1_w1 + tp1_b1) @ tp1_w2 + tp1_b2) + token_embeds
    tok = tok @ tp2_w + tp2_b
    # cross attention, output_entity=True branch
    attn = (tok @ ca_w) @ jnp.transpose(ee, (0, 2, 1)) / HID   # [B, TLEN, ELEN]
    tw = jnp.transpose(jax.nn.softmax(attn, axis=1), (0, 2, 1))  # [B, ELEN, TLEN]
    prompt = tw @ tok + ee
    prompt = (jax.nn.relu(prompt @ pp1_w1 + pp1_b1) @ pp1_w2 + pp1_b2) + prompt
    prompt = prompt @ pp2_w + pp2_b
    prompt = prompt.reshape(BATCH, ELEN, N_LAYER, N_BLOCK, N_HEAD, HID // N_HEAD)
    prompt = jnp.transpose(prompt, (2, 3, 0, 4, 1, 5))
    return prompt


def reference(entity_ids, token_embeds, edge_index, edge_type, node_embeds, comp, bases, root, rgcn_bias, ep1_w1, ep1_b1, ep1_w2, ep1_b2, ep2_w, ep2_b, tp1_w1, tp1_b1, tp1_w2, tp1_b2, tp2_w, tp2_b, ca_w, pp1_w1, pp1_b1, pp1_w2, pp1_b2, pp2_w, pp2_b):
    return _forward(entity_ids, edge_index, edge_type, token_embeds, node_embeds, comp, bases, root, rgcn_bias, ep1_w1, ep1_b1, ep1_w2, ep1_b2, ep2_w, ep2_b, tp1_w1, tp1_b1, tp1_w2, tp1_b2, tp2_w, tp2_b, ca_w, pp1_w1, pp1_b1, pp1_w2, pp1_b2, pp2_w, pp2_b)

if __name__ == "__main__":
    import jax
    _d = setup_inputs()
    print(jax.jit(kernel)(*tuple(_d.values())))

</pallas_src>

<mosaic_0001>
#map = affine_map<(d0, d1) -> (0, 0)>
#map1 = affine_map<(d0, d1) -> (0)>
module attributes {stable_mosaic.version = 14 : i64} {
  func.func @k(%arg0: i32, %arg1: i32, %arg2: memref<512x768xf32, #tpu.memory_space<hbm>>, %arg3: memref<512xi32, #tpu.memory_space<hbm>>, %arg4: memref<512x768xf32, #tpu.memory_space<hbm>>, %arg5: memref<16xi32, #tpu.memory_space<vmem>>, %arg6: memref<16x768xf32, #tpu.memory_space<vmem>>, %arg7: memref<!tpu.dma_semaphore, #tpu.memory_space<semaphore_mem>>) attributes {dimension_semantics = [#tpu.dimension_semantics<core_parallel>, #tpu.dimension_semantics<subcore_parallel>], iteration_bounds = array<i64: 2, 16>, scalar_prefetch = 0 : i64, scratch_operands = 3 : i64, tpu.core_type = #tpu.core_type<sc_vector_subcore>, window_params = [{transform_indices = #map}, {transform_indices = #map1}, {transform_indices = #map}]} {
    %mul3A = arith.constant 2 : i32
    %mul3A_0 = arith.muli %arg1, %mul3A : i32
    %add3A = arith.addi %mul3A_0, %arg0 : i32
    %mul3A_1 = arith.constant 16 : i32
    %mul3A_2 = arith.muli %add3A, %mul3A_1 : i32
    "tpu.region"() ({
      %run_scoped3A = tpu.sem_alloc : memref<!tpu.dma_semaphore, #tpu.memory_space<semaphore_mem>>
      %dma_start3A_7 = tpu.memref_slice %arg3[%mul3A_2] : memref<512xi32, #tpu.memory_space<hbm>> -> memref<16xi32, #tpu.memory_space<hbm>>
      %dma_start3A_8 = tpu.memref_slice %arg3[%mul3A_2] : memref<512xi32, #tpu.memory_space<hbm>> -> memref<16xi32, #tpu.memory_space<hbm>>
      tpu.enqueue_dma source(%dma_start3A_8 : memref<16xi32, #tpu.memory_space<hbm>>) target(%arg5 : memref<16xi32, #tpu.memory_space<vmem>>) target_semaphore(%run_scoped3A : memref<!tpu.dma_semaphore, #tpu.memory_space<semaphore_mem>>)
      %dma_wait3A_9 = tpu.memref_slice %arg3[%mul3A_2] : memref<512xi32, #tpu.memory_space<hbm>> -> memref<16xi32, #tpu.memory_space<hbm>>
      %dma_wait3A_10 = tpu.memref_slice %arg3[%mul3A_2] : memref<512xi32, #tpu.memory_space<hbm>> -> memref<16xi32, #tpu.memory_space<hbm>>
      tpu.wait_dma2 semaphore(%run_scoped3A : memref<!tpu.dma_semaphore, #tpu.memory_space<semaphore_mem>>) src(%dma_wait3A_10 : memref<16xi32, #tpu.memory_space<hbm>>) dst(%arg5 : memref<16xi32, #tpu.memory_space<vmem>>)
      tpu.yield
    }) : () -> ()
    %dma_start3A = arith.constant 0 : i32
    %dma_start3A_3 = arith.constant 0 : i32
    %dma_start3A_4 = tpu.memref_slice %arg2[%dma_start3A, %dma_start3A_3] : memref<512x768xf32, #tpu.memory_space<hbm>> -> memref<512x768xf32, #tpu.memory_space<hbm>>
    tpu.enqueue_indirect_dma source(%dma_start3A_4 : memref<512x768xf32, #tpu.memory_space<hbm>>) target(%arg6 : memref<16x768xf32, #tpu.memory_space<vmem>>) offsets(%arg5 : memref<16xi32, #tpu.memory_space<vmem>>) semaphore(%arg7 : memref<!tpu.dma_semaphore, #tpu.memory_space<semaphore_mem>>)
    %dma_wait3A = arith.constant 0 : i32
    %dma_wait3A_5 = arith.constant 0 : i32
    %dma_wait3A_6 = tpu.memref_slice %arg2[%dma_wait3A, %dma_wait3A_5] : memref<512x768xf32, #tpu.memory_space<hbm>> -> memref<512x768xf32, #tpu.memory_space<hbm>>
    tpu.wait_indirect_dma semaphore(%arg7 : memref<!tpu.dma_semaphore, #tpu.memory_space<semaphore_mem>>) src(%dma_wait3A_6 : memref<512x768xf32, #tpu.memory_space<hbm>>) dst(%arg6 : memref<16x768xf32, #tpu.memory_space<vmem>>)
    "tpu.region"() ({
      %run_scoped3A = tpu.sem_alloc : memref<!tpu.dma_semaphore, #tpu.memory_space<semaphore_mem>>
      %dma_start3A_7 = arith.constant 0 : i32
      %dma_start3A_8 = tpu.memref_slice %arg4[%mul3A_2, %dma_start3A_7] : memref<512x768xf32, #tpu.memory_space<hbm>> -> memref<16x768xf32, #tpu.memory_space<hbm>>
      %dma_start3A_9 = arith.constant 0 : i32
      %dma_start3A_10 = tpu.memref_slice %arg4[%mul3A_2, %dma_start3A_9] : memref<512x768xf32, #tpu.memory_space<hbm>> -> memref<16x768xf32, #tpu.memory_space<hbm>>
      tpu.enqueue_dma source(%arg6 : memref<16x768xf32, #tpu.memory_space<vmem>>) target(%dma_start3A_10 : memref<16x768xf32, #tpu.memory_space<hbm>>) target_semaphore(%run_scoped3A : memref<!tpu.dma_semaphore, #tpu.memory_space<semaphore_mem>>)
      %dma_wait3A_11 = arith.constant 0 : i32
      %dma_wait3A_12 = tpu.memref_slice %arg4[%mul3A_2, %dma_wait3A_11] : memref<512x768xf32, #tpu.memory_space<hbm>> -> memref<16x768xf32, #tpu.memory_space<hbm>>
      %dma_wait3A_13 = arith.constant 0 : i32
      %dma_wait3A_14 = tpu.memref_slice %arg4[%mul3A_2, %dma_wait3A_13] : memref<512x768xf32, #tpu.memory_space<hbm>> -> memref<16x768xf32, #tpu.memory_space<hbm>>
      tpu.wait_dma2 semaphore(%run_scoped3A : memref<!tpu.dma_semaphore, #tpu.memory_space<semaphore_mem>>) src(%arg6 : memref<16x768xf32, #tpu.memory_space<vmem>>) dst(%dma_wait3A_14 : memref<16x768xf32, #tpu.memory_space<hbm>>)
      tpu.yield
    }) : () -> ()
    return
  }
}

#map = affine_map<(d0, d1) -> (0, 0)>
#map1 = affine_map<(d0, d1) -> (0)>
module attributes {stable_mosaic.version = 14 : i64} {
  func.func @k(%arg0: i32, %arg1: i32, %arg2: memref<32x5016xi32, #tpu.memory_space<hbm>>, %arg3: memref<32x16xi32, #tpu.memory_space<hbm>>, %arg4: memref<512xi32, #tpu.memory_space<hbm>>, %arg5: memref<10000x384xf32, #tpu.memory_space<hbm>>, %arg6: memref<200x384xf32, #tpu.memory_space<hbm>>, %arg7: memref<6144x384xf32, #tpu.memory_space<hbm>>, %arg8: memref<6144xf32, #tpu.memory_space<hbm>>, %arg9: memref<512x384xf32, #tpu.memory_space<hbm>>, %arg10: memref<200x384xf32, #tpu.memory_space<vmem>>, %arg11: memref<64x384xf32, #tpu.memory_space<vmem>>, %arg12: memref<64xi32, #tpu.memory_space<vmem>>, %arg13: memref<80xi32, #tpu.memory_space<vmem>>, %arg14: memref<200xf32, #tpu.memory_space<vmem>>, %arg15: memref<512xi32, #tpu.memory_space<vmem>>, %arg16: memref<5016xi32, #tpu.memory_space<vmem>>, %arg17: memref<512xi32, #tpu.memory_space<vmem>>, %arg18: memref<512xi32, #tpu.memory_space<vmem>>, %arg19: memref<32x16xi32, #tpu.memory_space<vmem>>, %arg20: memref<13208xi32, #tpu.memory_space<vmem>>, %arg21: memref<!tpu.dma_semaphore, #tpu.memory_space<semaphore_mem>>, %arg22: memref<!tpu.dma_semaphore, #tpu.memory_space<semaphore_mem>>, %arg23: memref<!tpu.dma_semaphore, #tpu.memory_space<semaphore_mem>>) attributes {dimension_semantics = [#tpu.dimension_semantics<core_parallel>, #tpu.dimension_semantics<subcore_parallel>], iteration_bounds = array<i64: 2, 16>, scalar_prefetch = 0 : i64, scratch_operands = 14 : i64, tpu.core_type = #tpu.core_type<sc_vector_subcore>, window_params = [{transform_indices = #map}, {transform_indices = #map}, {transform_indices = #map1}, {transform_indices = #map}, {transform_indices = #map}, {transform_indices = #map}, {transform_indices = #map1}, {transform_indices = #map}]} {
    %mul3A = arith.constant 2 : i32
    %mul3A_0 = arith.muli %arg1, %mul3A : i32
    %add3A = arith.addi %mul3A_0, %arg0 : i32
    %mul3A_1 = arith.constant 16 : i32
    %mul3A_2 = arith.muli %add3A, %mul3A_1 : i32
    "tpu.region"() ({
      %run_scoped3A = tpu.sem_alloc : memref<!tpu.dma_semaphore, #tpu.memory_space<semaphore_mem>>
      tpu.enqueue_dma source(%arg6 : memref<200x384xf32, #tpu.memory_space<hbm>>) target(%arg10 : memref<200x384xf32, #tpu.memory_space<vmem>>) target_semaphore(%run_scoped3A : memref<!tpu.dma_semaphore, #tpu.memory_space<semaphore_mem>>)
      tpu.wait_dma2 semaphore(%run_scoped3A : memref<!tpu.dma_semaphore, #tpu.memory_space<semaphore_mem>>) src(%arg6 : memref<200x384xf32, #tpu.memory_space<hbm>>) dst(%arg10 : memref<200x384xf32, #tpu.memory_space<vmem>>)
      tpu.yield
    }) : () -> ()
    %scan3A = arith.constant 0 : i32
    %scan3A_3 = arith.constant 13 : i32
    %scan3A_4 = arith.addi %scan3A, %scan3A_3 : i32
    %scan3A_5 = arith.constant 1 : i32
    scf.for %scan3A_64 = %scan3A to %scan3A_4 step %scan3A_5  : i32 {
      %mul3A_65 = arith.constant 16 : i32
      %mul3A_66 = arith.muli %scan3A_64, %mul3A_65 : i32
      %add3A_67 = arith.constant 0 : i32
      %add3A_68 = arith.addi %add3A_67, %mul3A_66 : i32
      %broadcast_in_dim3A = arith.constant 0.000000e+00 : f32
      %broadcast_in_dim3A_69 = vector.broadcast %broadcast_in_dim3A : f32 to vector<16xf32>
      %swap3A = arith.index_cast %add3A_68 : i32 to index
      %swap3A_70 = tpu.vector_load %arg14[%swap3A] {strides = array<i32>} : memref<200xf32, #tpu.memory_space<vmem>>, vector<16xf32>,
      tpu.vector_store %arg14[%swap3A], %broadcast_in_dim3A_69 {strides = array<i32>} : memref<200xf32, #tpu.memory_space<vmem>>, vector<16xf32>,
    }
    %scan3A_6 = arith.constant 13 : i32
    "tpu.region"() ({
      %run_scoped3A = tpu.sem_alloc : memref<!tpu.dma_semaphore, #tpu.memory_space<semaphore_mem>>
      tpu.enqueue_dma source(%arg4 : memref<512xi32, #tpu.memory_space<hbm>>) target(%arg15 : memref<512xi32, #tpu.memory_space<vmem>>) target_semaphore(%run_scoped3A : memref<!tpu.dma_semaphore, #tpu.memory_space<semaphore_mem>>)
      tpu.wait_dma2 semaphore(%run_scoped3A : memref<!tpu.dma_semaphore, #tpu.memory_space<semaphore_mem>>) src(%arg4 : memref<512xi32, #tpu.memory_space<hbm>>) dst(%arg15 : memref<512xi32, #tpu.memory_space<vmem>>)
      tpu.yield
    }) : () -> ()
    %dma_start3A = arith.constant 0 : i32
    %dma_start3A_7 = arith.constant 0 : i32
    %dma_start3A_8 = tpu.memref_slice %arg11[%dma_start3A, %dma_start3A_7] : memref<64x384xf32, #tpu.memory_space<vmem>> -> memref<16x384xf32, #tpu.memory_space<vmem>>
    %dma_start3A_9 = tpu.memref_slice %arg15[%mul3A_2] : memref<512xi32, #tpu.memory_space<vmem>> -> memref<16xi32, #tpu.memory_space<vmem>>
    %dma_start3A_10 = arith.constant 0 : i32
    %dma_start3A_11 = arith.constant 0 : i32
    %dma_start3A_12 = tpu.memref_slice %arg5[%dma_start3A_10, %dma_start3A_11] : memref<10000x384xf32, #tpu.memory_space<hbm>> -> memref<10000x384xf32, #tpu.memory_space<hbm>>
    tpu.enqueue_indirect_dma source(%dma_start3A_12 : memref<10000x384xf32, #tpu.memory_space<hbm>>) target(%dma_start3A_8 : memref<16x384xf32, #tpu.memory_space<vmem>>) offsets(%dma_start3A_9 : memref<16xi32, #tpu.memory_space<vmem>>) semaphore(%arg21 : memref<!tpu.dma_semaphore, #tpu.memory_space<semaphore_mem>>)
    %dma_wait3A = arith.constant 0 : i32
    %dma_wait3A_13 = arith.constant 0 : i32
    %dma_wait3A_14 = tpu.memref_slice %arg11[%dma_wait3A, %dma_wait3A_13] : memref<64x384xf32, #tpu.memory_space<vmem>> -> memref<16x384xf32, #tpu.memory_space<vmem>>
    %dma_wait3A_15 = tpu.memref_slice %arg15[%mul3A_2] : memref<512xi32, #tpu.memory_space<vmem>> -> memref<16xi32, #tpu.memory_space<vmem>>
    %dma_wait3A_16 = arith.constant 0 : i32
    %dma_wait3A_17 = arith.constant 0 : i32
    %dma_wait3A_18 = tpu.memref_slice %arg5[%dma_wait3A_16, %dma_wait3A_17] : memref<10000x384xf32, #tpu.memory_space<hbm>> -> memref<10000x384xf32, #tpu.memory_space<hbm>>
    tpu.wait_indirect_dma semaphore(%arg21 : memref<!tpu.dma_semaphore, #tpu.memory_space<semaphore_mem>>) src(%dma_wait3A_18 : memref<10000x384xf32, #tpu.memory_space<hbm>>) dst(%dma_wait3A_14 : memref<16x384xf32, #tpu.memory_space<vmem>>)
    "tpu.region"() ({
      %run_scoped3A = tpu.sem_alloc : memref<!tpu.dma_semaphore, #tpu.memory_space<semaphore_mem>>
      %dma_start3A_64 = arith.constant 0 : i32
      %dma_start3A_65 = arith.constant 0 : i32
      %dma_start3A_66 = tpu.memref_slice %arg11[%dma_start3A_64, %dma_start3A_65] : memref<64x384xf32, #tpu.memory_space<vmem>> -> memref<16x384xf32, #tpu.memory_space<vmem>>
      %dma_start3A_67 = arith.constant 0 : i32
      %dma_start3A_68 = tpu.memref_slice %arg9[%mul3A_2, %dma_start3A_67] : memref<512x384xf32, #tpu.memory_space<hbm>> -> memref<16x384xf32, #tpu.memory_space<hbm>>
      %dma_start3A_69 = arith.constant 0 : i32
      %dma_start3A_70 = tpu.memref_slice %arg9[%mul3A_2, %dma_start3A_69] : memref<512x384xf32, #tpu.memory_space<hbm>> -> memref<16x384xf32, #tpu.memory_space<hbm>>
      %dma_start3A_71 = arith.constant 0 : i32
      %dma_start3A_72 = arith.constant 0 : i32
      %dma_start3A_73 = tpu.memref_slice %arg11[%dma_start3A_71, %dma_start3A_72] : memref<64x384xf32, #tpu.memory_space<vmem>> -> memref<16x384xf32, #tpu.memory_space<vmem>>
      tpu.enqueue_dma source(%dma_start3A_73 : memref<16x384xf32, #tpu.memory_space<vmem>>) target(%dma_start3A_70 : memref<16x384xf32, #tpu.memory_space<hbm>>) target_semaphore(%run_scoped3A : memref<!tpu.dma_semaphore, #tpu.memory_space<semaphore_mem>>)
      %dma_wait3A_74 = arith.constant 0 : i32
      %dma_wait3A_75 = arith.constant 0 : i32
      %dma_wait3A_76 = tpu.memref_slice %arg11[%dma_wait3A_74, %dma_wait3A_75] : memref<64x384xf32, #tpu.memory_space<vmem>> -> memref<16x384xf32, #tpu.memory_space<vmem>>
      %dma_wait3A_77 = arith.constant 0 : i32
      %dma_wait3A_78 = tpu.memref_slice %arg9[%mul3A_2, %dma_wait3A_77] : memref<512x384xf32, #tpu.memory_space<hbm>> -> memref<16x384xf32, #tpu.memory_space<hbm>>
      %dma_wait3A_79 = arith.constant 0 : i32
      %dma_wait3A_80 = tpu.memref_slice %arg9[%mul3A_2, %dma_wait3A_79] : memref<512x384xf32, #tpu.memory_space<hbm>> -> memref<16x384xf32, #tpu.memory_space<hbm>>
      %dma_wait3A_81 = arith.constant 0 : i32
      %dma_wait3A_82 = arith.constant 0 : i32
      %dma_wait3A_83 = tpu.memref_slice %arg11[%dma_wait3A_81, %dma_wait3A_82] : memref<64x384xf32, #tpu.memory_space<vmem>> -> memref<16x384xf32, #tpu.memory_space<vmem>>
      tpu.wait_dma2 semaphore(%run_scoped3A : memref<!tpu.dma_semaphore, #tpu.memory_space<semaphore_mem>>) src(%dma_wait3A_83 : memref<16x384xf32, #tpu.memory_space<vmem>>) dst(%dma_wait3A_80 : memref<16x384xf32, #tpu.memory_space<hbm>>)
      tpu.yield
    }) : () -> ()
    "tpu.region"() ({
      %run_scoped3A = tpu.sem_alloc : memref<!tpu.dma_semaphore, #tpu.memory_space<semaphore_mem>>
      tpu.enqueue_dma source(%arg3 : memref<32x16xi32, #tpu.memory_space<hbm>>) target(%arg19 : memref<32x16xi32, #tpu.memory_space<vmem>>) target_semaphore(%run_scoped3A : memref<!tpu.dma_semaphore, #tpu.memory_space<semaphore_mem>>)
      tpu.wait_dma2 semaphore(%run_scoped3A : memref<!tpu.dma_semaphore, #tpu.memory_space<semaphore_mem>>) src(%arg3 : memref<32x16xi32, #tpu.memory_space<hbm>>) dst(%arg19 : memref<32x16xi32, #tpu.memory_space<vmem>>)
      tpu.yield
    }) : () -> ()
    %dma_start3A_19 = arith.constant 0 : i32
    %dma_start3A_20 = arith.constant 0 : i32
    %dma_start3A_21 = tpu.memref_slice %arg2[%dma_start3A_19, %dma_start3A_20] : memref<32x5016xi32, #tpu.memory_space<hbm>> -> memref<1x512xi32, #tpu.memory_space<hbm>>
    %dma_start3A_22 = tpu.memref_squeeze %dma_start3A_21 : memref<1x512xi32, #tpu.memory_space<hbm>> -> memref<512xi32, #tpu.memory_space<hbm>>
    %dma_start3A_23 = arith.constant 0 : i32
    %dma_start3A_24 = tpu.memref_slice %arg2[%dma_start3A_19, %dma_start3A_23] : memref<32x5016xi32, #tpu.memory_space<hbm>> -> memref<1x512xi32, #tpu.memory_space<hbm>>
    %dma_start3A_25 = tpu.memref_squeeze %dma_start3A_24 : memref<1x512xi32, #tpu.memory_space<hbm>> -> memref<512xi32, #tpu.memory_space<hbm>>
    tpu.enqueue_dma source(%dma_start3A_25 : memref<512xi32, #tpu.memory_space<hbm>>) target(%arg17 : memref<512xi32, #tpu.memory_space<vmem>>) target_semaphore(%arg22 : memref<!tpu.dma_semaphore, #tpu.memory_space<semaphore_mem>>)
    %scan3A_26 = arith.constant 0 : i32
    %scan3A_27 = arith.constant 0 : i32
    %scan3A_28 = arith.constant 16 : i32
    %scan3A_29 = arith.addi %scan3A_27, %scan3A_28 : i32
    %scan3A_30 = arith.constant 1 : i32
    %scan3A_31 = scf.for %scan3A_64 = %scan3A_27 to %scan3A_29 step %scan3A_30 iter_args(%scan3A_65 = %scan3A_26) -> (i32)  : i32 {
      %mul3A_66 = arith.constant 2 : i32
      %mul3A_67 = arith.muli %mul3A_66, %scan3A_64 : i32
      %add3A_68 = arith.constant 1 : i32
      %add3A_69 = arith.addi %mul3A_67, %add3A_68 : i32
      %dma_start3A_70 = arith.constant 0 : i32
      %dma_start3A_71 = tpu.memref_slice %arg2[%add3A_69, %dma_start3A_70] : memref<32x5016xi32, #tpu.memory_space<hbm>> -> memref<1x512xi32, #tpu.memory_space<hbm>>
      %dma_start3A_72 = tpu.memref_squeeze %dma_start3A_71 : memref<1x512xi32, #tpu.memory_space<hbm>> -> memref<512xi32, #tpu.memory_space<hbm>>
      %dma_start3A_73 = arith.constant 0 : i32
      %dma_start3A_74 = tpu.memref_slice %arg2[%add3A_69, %dma_start3A_73] : memref<32x5016xi32, #tpu.memory_space<hbm>> -> memref<1x512xi32, #tpu.memory_space<hbm>>
      %dma_start3A_75 = tpu.memref_squeeze %dma_start3A_74 : memref<1x512xi32, #tpu.memory_space<hbm>> -> memref<512xi32, #tpu.memory_space<hbm>>
      tpu.enqueue_dma source(%dma_start3A_75 : memref<512xi32, #tpu.memory_space<hbm>>) target(%arg18 : memref<512xi32, #tpu.memory_space<vmem>>) target_semaphore(%arg23 : memref<!tpu.dma_semaphore, #tpu.memory_space<semaphore_mem>>)
      %dma_wait3A_76 = arith.constant 0 : i32
      %dma_wait3A_77 = arith.constant 0 : i32
      %dma_wait3A_78 = tpu.memref_slice %arg2[%dma_wait3A_76, %dma_wait3A_77] : memref<32x5016xi32, #tpu.memory_space<hbm>> -> memref<1x512xi32, #tpu.memory_space<hbm>>
      %dma_wait3A_79 = tpu.memref_squeeze %dma_wait3A_78 : memref<1x512xi32, #tpu.memory_space<hbm>> -> memref<512xi32, #tpu.memory_space<hbm>>
      %dma_wait3A_80 = arith.constant 0 : i32
      %dma_wait3A_81 = tpu.memref_slice %arg2[%dma_wait3A_76, %dma_wait3A_80] : memref<32x5016xi32, #tpu.memory_space<hbm>> -> memref<1x512xi32, #tpu.memory_space<hbm>>
      %dma_wait3A_82 = tpu.memref_squeeze %dma_wait3A_81 : memref<1x512xi32, #tpu.memory_space<hbm>> -> memref<512xi32, #tpu.memory_space<hbm>>
      tpu.wait_dma2 semaphore(%arg22 : memref<!tpu.dma_semaphore, #tpu.memory_space<semaphore_mem>>) src(%dma_wait3A_82 : memref<512xi32, #tpu.memory_space<hbm>>) dst(%arg17 : memref<512xi32, #tpu.memory_space<vmem>>)
      %get3A = arith.index_cast %mul3A_67 : i32 to index
      %get3A_83 = arith.constant 0 : index
      %get3A_84 = tpu.vector_load %arg19[%get3A, %get3A_83] {strides = array<i32>} : memref<32x16xi32, #tpu.memory_space<vmem>>, vector<16xi32>,
      %slice3A = vector.extract_strided_slice %get3A_84 {offsets = [0], sizes = [1], strides = [1]} : vector<16xi32> to vector<1xi32>
      %squeeze3A = vector.extract %slice3A[0] : i32 from vector<1xi32>
      %le3A = arith.constant 512 : i32
      %le3A_85 = arith.cmpi sle, %squeeze3A, %le3A : i32
      %convert_element_type3A = arith.extui %le3A_85 : i1 to i32
      %cond3A = arith.constant 0 : i32
      %cond3A_86 = arith.cmpi ne, %convert_element_type3A, %cond3A : i32
      %cond3A_87 = scf.if %cond3A_86 -> (i32) {
        %add3A_125 = arith.constant 15 : i32
        %add3A_126 = arith.addi %squeeze3A, %add3A_125 : i32
        %jit3A_127 = arith.constant 16 : i32
        %div3A_128 = arith.divsi %add3A_126, %jit3A_127 : i32
        %sign3A_129 = arith.constant 0 : i32
        %sign3A_130 = arith.cmpi sgt, %add3A_126, %sign3A_129 : i32
        %sign3A_131 = arith.extui %sign3A_130 : i1 to i32
        %sign3A_132 = arith.constant 0 : i32
        %sign3A_133 = arith.cmpi slt, %add3A_126, %sign3A_132 : i32
        %sign3A_134 = arith.extui %sign3A_133 : i1 to i32
        %sign3A_135 = arith.subi %sign3A_131, %sign3A_134 : i32
        %sign3A_136 = arith.constant 0 : i32
        %sign3A_137 = arith.cmpi sgt, %jit3A_127, %sign3A_136 : i32
        %sign3A_138 = arith.extui %sign3A_137 : i1 to i32
        %sign3A_139 = arith.constant 0 : i32
        %sign3A_140 = arith.cmpi slt, %jit3A_127, %sign3A_139 : i32
        %sign3A_141 = arith.extui %sign3A_140 : i1 to i32
        %sign3A_142 = arith.subi %sign3A_138, %sign3A_141 : i32
        %ne3A_143 = arith.cmpi ne, %sign3A_135, %sign3A_142 : i32
        %rem3A_144 = arith.remsi %add3A_126, %jit3A_127 : i32
        %ne3A_145 = arith.constant 0 : i32
        %ne3A_146 = arith.cmpi ne, %rem3A_144, %ne3A_145 : i32
        %and3A_147 = arith.andi %ne3A_143, %ne3A_146 : i1
        %sub3A_148 = arith.constant 1 : i32
        %sub3A_149 = arith.subi %div3A_128, %sub3A_148 : i32
        %select_n3A_150 = arith.select %and3A_147, %sub3A_149, %div3A_128 : i32
        %while3A_151 = arith.constant 0 : i32
        %while3A_152 = arith.subi %select_n3A_150, %while3A_151 : i32
        %while3A_153 = arith.addi %while3A_151, %while3A_152 : i32
        %while3A_154 = arith.constant 1 : i32
        %while3A_155 = arith.divsi %while3A_152, %while3A_154 : i32
        %while3A_156 = arith.muli %while3A_155, %while3A_154 : i32
        %while3A_157 = arith.addi %while3A_151, %while3A_156 : i32
        %while3A_158 = arith.constant 1 : i32
        %while3A_159 = scf.for %while3A_162 = %while3A_151 to %while3A_157 step %while3A_158 iter_args(%while3A_163 = %scan3A_65) -> (i32)  : i32 {
          %mul3A_164 = arith.constant 16 : i32
          %mul3A_165 = arith.muli %while3A_162, %mul3A_164 : i32
          %get3A_166 = arith.index_cast %mul3A_165 : i32 to index
          %get3A_167 = tpu.vector_load %arg17[%get3A_166] {strides = array<i32>} : memref<512xi32, #tpu.memory_space<vmem>>, vector<16xi32>,
          %iota3A = tpu.iota {dimensions = array<i32: 0>} : vector<16xi32>
          %add3A_168 = vector.broadcast %mul3A_165 : i32 to vector<16xi32>
          %add3A_169 = arith.addi %add3A_168, %iota3A : vector<16xi32>
          %lt3A_170 = vector.broadcast %squeeze3A : i32 to vector<16xi32>
          %lt3A_171 = arith.cmpi slt, %add3A_169, %lt3A_170 : vector<16xi32>
          %shift_right_logical3A = arith.constant 4 : i32
          %shift_right_logical3A_172 = vector.broadcast %shift_right_logical3A : i32 to vector<16xi32>
          %shift_right_logical3A_173 = arith.shrui %get3A_167, %shift_right_logical3A_172 : vector<16xi32>
          %and3A_174 = arith.constant 511 : i32
          %and3A_175 = vector.broadcast %and3A_174 : i32 to vector<16xi32>
          %and3A_176 = arith.andi %shift_right_logical3A_173, %and3A_175 : vector<16xi32>
          %sub3A_177 = vector.broadcast %mul3A_2 : i32 to vector<16xi32>
          %sub3A_178 = arith.subi %and3A_176, %sub3A_177 : vector<16xi32>
          %ge3A_179 = arith.constant 0 : i32
          %ge3A_180 = vector.broadcast %ge3A_179 : i32 to vector<16xi32>
          %ge3A_181 = arith.cmpi sge, %sub3A_178, %ge3A_180 : vector<16xi32>
          %and3A_182 = arith.andi %lt3A_171, %ge3A_181 : vector<16xi1>
          %lt3A_183 = arith.constant 16 : i32
          %lt3A_184 = vector.broadcast %lt3A_183 : i32 to vector<16xi32>
          %lt3A_185 = arith.cmpi slt, %sub3A_178, %lt3A_184 : vector<16xi32>
          %and3A_186 = arith.andi %and3A_182, %lt3A_185 : vector<16xi1>
          %mul3A_187 = arith.constant 12 : i32
          %mul3A_188 = vector.broadcast %mul3A_187 : i32 to vector<16xi32>
          %mul3A_189 = arith.muli %sub3A_178, %mul3A_188 : vector<16xi32>
          %and3A_190 = arith.constant 15 : i32
          %and3A_191 = vector.broadcast %and3A_190 : i32 to vector<16xi32>
          %and3A_192 = arith.andi %get3A_167, %and3A_191 : vector<16xi32>
          %add3A_193 = arith.addi %mul3A_189, %and3A_192 : vector<16xi32>
          %jit3A_194 = arith.constant 0 : i32
          %broadcast_in_dim3A = vector.broadcast %jit3A_194 : i32 to vector<16xi32>
          %select_n3A_195 = arith.select %and3A_186, %add3A_193, %broadcast_in_dim3A : vector<16xi1>, vector<16xi32>
          %shift_right_logical3A_196 = arith.constant 13 : i32
          %shift_right_logical3A_197 = vector.broadcast %shift_right_logical3A_196 : i32 to vector<16xi32>
          %shift_right_logical3A_198 = arith.shrui %get3A_167, %shift_right_logical3A_197 : vector<16xi32>
          %shift_left3A = arith.constant 8 : i32
          %shift_left3A_199 = vector.broadcast %shift_left3A : i32 to vector<16xi32>
          %shift_left3A_200 = arith.shli %shift_right_logical3A_198, %shift_left3A_199 : vector<16xi32>
          %or3A = arith.ori %shift_left3A_200, %select_n3A_195 : vector<16xi32>
          %swap3A = arith.index_cast %while3A_163 : i32 to index
          %swap3A_201 = tpu.vector_load %arg20[%swap3A] masked %and3A_186 {strides = array<i32>} : memref<13208xi32, #tpu.memory_space<vmem>>, vector<16xi32>, vector<16xi1>
          tpu.vector_store %arg20[%swap3A], %or3A masked %and3A_186 {strides = array<i32>} : memref<13208xi32, #tpu.memory_space<vmem>>, vector<16xi32>, vector<16xi1>
          %convert_element_type3A_202 = arith.extui %and3A_186 : vector<16xi1> to vector<16xi32>
          %reduce_sum3A = arith.constant true
          %reduce_sum3A_203 = vector.broadcast %reduce_sum3A : i1 to vector<16xi1>
          %reduce_sum3A_204 = tpu.scan <sum>, %convert_element_type3A_202 masked %reduce_sum3A_203 : vector<16xi32>, vector<16xi1> -> vector<16xi32>
          %reduce_sum3A_205 = vector.extract %reduce_sum3A_204[15] : i32 from vector<16xi32>
          %add3A_206 = arith.addi %while3A_163, %reduce_sum3A_205 : i32
          scf.yield %add3A_206 : i32
        }
        %while3A_160 = arith.constant 1 : i32
        %while3A_161 = scf.for %while3A_162 = %while3A_157 to %while3A_153 step %while3A_160 iter_args(%while3A_163 = %while3A_159) -> (i32)  : i32 {
          %mul3A_164 = arith.constant 16 : i32
          %mul3A_165 = arith.muli %while3A_162, %mul3A_164 : i32
          %get3A_166 = arith.index_cast %mul3A_165 : i32 to index
          %get3A_167 = tpu.vector_load %arg17[%get3A_166] {strides = array<i32>} : memref<512xi32, #tpu.memory_space<vmem>>, vector<16xi32>,
          %iota3A = tpu.iota {dimensions = array<i32: 0>} : vector<16xi32>
          %add3A_168 = vector.broadcast %mul3A_165 : i32 to vector<16xi32>
          %add3A_169 = arith.addi %add3A_168, %iota3A : vector<16xi32>
          %lt3A_170 = vector.broadcast %squeeze3A : i32 to vector<16xi32>
          %lt3A_171 = arith.cmpi slt, %add3A_169, %lt3A_170 : vector<16xi32>
          %shift_right_logical3A = arith.constant 4 : i32
          %shift_right_logical3A_172 = vector.broadcast %shift_right_logical3A : i32 to vector<16xi32>
          %shift_right_logical3A_173 = arith.shrui %get3A_167, %shift_right_logical3A_172 : vector<16xi32>
          %and3A_174 = arith.constant 511 : i32
          %and3A_175 = vector.broadcast %and3A_174 : i32 to vector<16xi32>
          %and3A_176 = arith.andi %shift_right_logical3A_173, %and3A_175 : vector<16xi32>
          %sub3A_177 = vector.broadcast %mul3A_2 : i32 to vector<16xi32>
          %sub3A_178 = arith.subi %and3A_176, %sub3A_177 : vector<16xi32>
          %ge3A_179 = arith.constant 0 : i32
          %ge3A_180 = vector.broadcast %ge3A_179 : i32 to vector<16xi32>
          %ge3A_181 = arith.cmpi sge, %sub3A_178, %ge3A_180 : vector<16xi32>
          %and3A_182 = arith.andi %lt3A_171, %ge3A_181 : vector<16xi1>
          %lt3A_183 = arith.constant 16 : i32
          %lt3A_184 = vector.broadcast %lt3A_183 : i32 to vector<16xi32>
          %lt3A_185 = arith.cmpi slt, %sub3A_178, %lt3A_184 : vector<16xi32>
          %and3A_186 = arith.andi %and3A_182, %lt3A_185 : vector<16xi1>
          %mul3A_187 = arith.constant 12 : i32
          %mul3A_188 = vector.broadcast %mul3A_187 : i32 to vector<16xi32>
          %mul3A_189 = arith.muli %sub3A_178, %mul3A_188 : vector<16xi32>
          %and3A_190 = arith.constant 15 : i32
          %and3A_191 = vector.broadcast %and3A_190 : i32 to vector<16xi32>
          %and3A_192 = arith.andi %get3A_167, %and3A_191 : vector<16xi32>
          %add3A_193 = arith.addi %mul3A_189, %and3A_192 : vector<16xi32>
          %jit3A_194 = arith.constant 0 : i32
          %broadcast_in_dim3A = vector.broadcast %jit3A_194 : i32 to vector<16xi32>
          %select_n3A_195 = arith.select %and3A_186, %add3A_193, %broadcast_in_dim3A : vector<16xi1>, vector<16xi32>
          %shift_right_logical3A_196 = arith.constant 13 : i32
          %shift_right_logical3A_197 = vector.broadcast %shift_right_logical3A_196 : i32 to vector<16xi32>
          %shift_right_logical3A_198 = arith.shrui %get3A_167, %shift_right_logical3A_197 : vector<16xi32>
          %shift_left3A = arith.constant 8 : i32
          %shift_left3A_199 = vector.broadcast %shift_left3A : i32 to vector<16xi32>
          %shift_left3A_200 = arith.shli %shift_right_logical3A_198, %shift_left3A_199 : vector<16xi32>
          %or3A = arith.ori %shift_left3A_200, %select_n3A_195 : vector<16xi32>
          %swap3A = arith.index_cast %while3A_163 : i32 to index
          %swap3A_201 = tpu.vector_load %arg20[%swap3A] masked %and3A_186 {strides = array<i32>} : memref<13208xi32, #tpu.memory_space<vmem>>, vector<16xi32>, vector<16xi1>
          tpu.vector_store %arg20[%swap3A], %or3A masked %and3A_186 {strides = array<i32>} : memref<13208xi32, #tpu.memory_space<vmem>>, vector<16xi32>, vector<16xi1>
          %convert_element_type3A_202 = arith.extui %and3A_186 : vector<16xi1> to vector<16xi32>
          %reduce_sum3A = arith.constant true
          %reduce_sum3A_203 = vector.broadcast %reduce_sum3A : i1 to vector<16xi1>
          %reduce_sum3A_204 = tpu.scan <sum>, %convert_element_type3A_202 masked %reduce_sum3A_203 : vector<16xi32>, vector<16xi1> -> vector<16xi32>
          %reduce_sum3A_205 = vector.extract %reduce_sum3A_204[15] : i32 from vector<16xi32>
          %add3A_206 = arith.addi %while3A_163, %reduce_sum3A_205 : i32
          scf.yield %add3A_206 : i32
        }
        scf.yield %while3A_161 : i32
      } else {
        "tpu.region"() ({
          %run_scoped3A = tpu.sem_alloc : memref<!tpu.dma_semaphore, #tpu.memory_space<semaphore_mem>>
          %dma_start3A_162 = arith.constant 0 : i32
          %dma_start3A_163 = tpu.memref_slice %arg2[%mul3A_67, %dma_start3A_162] : memref<32x5016xi32, #tpu.memory_space<hbm>> -> memref<1x5016xi32, #tpu.memory_space<hbm>>
          %dma_start3A_164 = tpu.memref_squeeze %dma_start3A_163 : memref<1x5016xi32, #tpu.memory_space<hbm>> -> memref<5016xi32, #tpu.memory_space<hbm>>
          %dma_start3A_165 = arith.constant 0 : i32
          %dma_start3A_166 = tpu.memref_slice %arg2[%mul3A_67, %dma_start3A_165] : memref<32x5016xi32, #tpu.memory_space<hbm>> -> memref<1x5016xi32, #tpu.memory_space<hbm>>
          %dma_start3A_167 = tpu.memref_squeeze %dma_start3A_166 : memref<1x5016xi32, #tpu.memory_space<hbm>> -> memref<5016xi32, #tpu.memory_space<hbm>>
          tpu.enqueue_dma source(%dma_start3A_167 : memref<5016xi32, #tpu.memory_space<hbm>>) target(%arg16 : memref<5016xi32, #tpu.memory_space<vmem>>) target_semaphore(%run_scoped3A : memref<!tpu.dma_semaphore, #tpu.memory_space<semaphore_mem>>)
          %dma_wait3A_168 = arith.constant 0 : i32
          %dma_wait3A_169 = tpu.memref_slice %arg2[%mul3A_67, %dma_wait3A_168] : memref<32x5016xi32, #tpu.memory_space<hbm>> -> memref<1x5016xi32, #tpu.memory_space<hbm>>
          %dma_wait3A_170 = tpu.memref_squeeze %dma_wait3A_169 : memref<1x5016xi32, #tpu.memory_space<hbm>> -> memref<5016xi32, #tpu.memory_space<hbm>>
          %dma_wait3A_171 = arith.constant 0 : i32
          %dma_wait3A_172 = tpu.memref_slice %arg2[%mul3A_67, %dma_wait3A_171] : memref<32x5016xi32, #tpu.memory_space<hbm>> -> memref<1x5016xi32, #tpu.memory_space<hbm>>
          %dma_wait3A_173 = tpu.memref_squeeze %dma_wait3A_172 : memref<1x5016xi32, #tpu.memory_space<hbm>> -> memref<5016xi32, #tpu.memory_space<hbm>>
          tpu.wait_dma2 semaphore(%run_scoped3A : memref<!tpu.dma_semaphore, #tpu.memory_space<semaphore_mem>>) src(%dma_wait3A_173 : memref<5016xi32, #tpu.memory_space<hbm>>) dst(%arg16 : memref<5016xi32, #tpu.memory_space<vmem>>)
          tpu.yield
        }) : () -> ()
        %add3A_125 = arith.constant 15 : i32
        %add3A_126 = arith.addi %squeeze3A, %add3A_125 : i32
        %jit3A_127 = arith.constant 16 : i32
        %div3A_128 = arith.divsi %add3A_126, %jit3A_127 : i32
        %sign3A_129 = arith.constant 0 : i32
        %sign3A_130 = arith.cmpi sgt, %add3A_126, %sign3A_129 : i32
        %sign3A_131 = arith.extui %sign3A_130 : i1 to i32
        %sign3A_132 = arith.constant 0 : i32
        %sign3A_133 = arith.cmpi slt, %add3A_126, %sign3A_132 : i32
        %sign3A_134 = arith.extui %sign3A_133 : i1 to i32
        %sign3A_135 = arith.subi %sign3A_131, %sign3A_134 : i32
        %sign3A_136 = arith.constant 0 : i32
        %sign3A_137 = arith.cmpi sgt, %jit3A_127, %sign3A_136 : i32
        %sign3A_138 = arith.extui %sign3A_137 : i1 to i32
        %sign3A_139 = arith.constant 0 : i32
        %sign3A_140 = arith.cmpi slt, %jit3A_127, %sign3A_139 : i32
        %sign3A_141 = arith.extui %sign3A_140 : i1 to i32
        %sign3A_142 = arith.subi %sign3A_138, %sign3A_141 : i32
        %ne3A_143 = arith.cmpi ne, %sign3A_135, %sign3A_142 : i32
        %rem3A_144 = arith.remsi %add3A_126, %jit3A_127 : i32
        %ne3A_145 = arith.constant 0 : i32
        %ne3A_146 = arith.cmpi ne, %rem3A_144, %ne3A_145 : i32
        %and3A_147 = arith.andi %ne3A_143, %ne3A_146 : i1
        %sub3A_148 = arith.constant 1 : i32
        %sub3A_149 = arith.subi %div3A_128, %sub3A_148 : i32
        %select_n3A_150 = arith.select %and3A_147, %sub3A_149, %div3A_128 : i32
        %while3A_151 = arith.constant 0 : i32
        %while3A_152 = arith.subi %select_n3A_150, %while3A_151 : i32
        %while3A_153 = arith.addi %while3A_151, %while3A_152 : i32
        %while3A_154 = arith.constant 1 : i32
        %while3A_155 = arith.divsi %while3A_152, %while3A_154 : i32
        %while3A_156 = arith.muli %while3A_155, %while3A_154 : i32
        %while3A_157 = arith.addi %while3A_151, %while3A_156 : i32
        %while3A_158 = arith.constant 1 : i32
        %while3A_159 = scf.for %while3A_162 = %while3A_151 to %while3A_157 step %while3A_158 iter_args(%while3A_163 = %scan3A_65) -> (i32)  : i32 {
          %mul3A_164 = arith.constant 16 : i32
          %mul3A_165 = arith.muli %while3A_162, %mul3A_164 : i32
          %get3A_166 = arith.index_cast %mul3A_165 : i32 to index
          %get3A_167 = tpu.vector_load %arg16[%get3A_166] {strides = array<i32>} : memref<5016xi32, #tpu.memory_space<vmem>>, vector<16xi32>,
          %iota3A = tpu.iota {dimensions = array<i32: 0>} : vector<16xi32>
          %add3A_168 = vector.broadcast %mul3A_165 : i32 to vector<16xi32>
          %add3A_169 = arith.addi %add3A_168, %iota3A : vector<16xi32>
          %lt3A_170 = vector.broadcast %squeeze3A : i32 to vector<16xi32>
          %lt3A_171 = arith.cmpi slt, %add3A_169, %lt3A_170 : vector<16xi32>
          %shift_right_logical3A = arith.constant 4 : i32
          %shift_right_logical3A_172 = vector.broadcast %shift_right_logical3A : i32 to vector<16xi32>
          %shift_right_logical3A_173 = arith.shrui %get3A_167, %shift_right_logical3A_172 : vector<16xi32>
          %and3A_174 = arith.constant 511 : i32
          %and3A_175 = vector.broadcast %and3A_174 : i32 to vector<16xi32>
          %and3A_176 = arith.andi %shift_right_logical3A_173, %and3A_175 : vector<16xi32>
          %sub3A_177 = vector.broadcast %mul3A_2 : i32 to vector<16xi32>
          %sub3A_178 = arith.subi %and3A_176, %sub3A_177 : vector<16xi32>
          %ge3A_179 = arith.constant 0 : i32
          %ge3A_180 = vector.broadcast %ge3A_179 : i32 to vector<16xi32>
          %ge3A_181 = arith.cmpi sge, %sub3A_178, %ge3A_180 : vector<16xi32>
          %and3A_182 = arith.andi %lt3A_171, %ge3A_181 : vector<16xi1>
          %lt3A_183 = arith.constant 16 : i32
          %lt3A_184 = vector.broadcast %lt3A_183 : i32 to vector<16xi32>
          %lt3A_185 = arith.cmpi slt, %sub3A_178, %lt3A_184 : vector<16xi32>
          %and3A_186 = arith.andi %and3A_182, %lt3A_185 : vector<16xi1>
          %mul3A_187 = arith.constant 12 : i32
          %mul3A_188 = vector.broadcast %mul3A_187 : i32 to vector<16xi32>
          %mul3A_189 = arith.muli %sub3A_178, %mul3A_188 : vector<16xi32>
          %and3A_190 = arith.constant 15 : i32
          %and3A_191 = vector.broadcast %and3A_190 : i32 to vector<16xi32>
          %and3A_192 = arith.andi %get3A_167, %and3A_191 : vector<16xi32>
          %add3A_193 = arith.addi %mul3A_189, %and3A_192 : vector<16xi32>
          %jit3A_194 = arith.constant 0 : i32
          %broadcast_in_dim3A = vector.broadcast %jit3A_194 : i32 to vector<16xi32>
          %select_n3A_195 = arith.select %and3A_186, %add3A_193, %broadcast_in_dim3A : vector<16xi1>, vector<16xi32>
          %shift_right_logical3A_196 = arith.constant 13 : i32
          %shift_right_logical3A_197 = vector.broadcast %shift_right_logical3A_196 : i32 to vector<16xi32>
          %shift_right_logical3A_198 = arith.shrui %get3A_167, %shift_right_logical3A_197 : vector<16xi32>
          %shift_left3A = arith.constant 8 : i32
          %shift_left3A_199 = vector.broadcast %shift_left3A : i32 to vector<16xi32>
          %shift_left3A_200 = arith.shli %shift_right_logical3A_198, %shift_left3A_199 : vector<16xi32>
          %or3A = arith.ori %shift_left3A_200, %select_n3A_195 : vector<16xi32>
          %swap3A = arith.index_cast %while3A_163 : i32 to index
          %swap3A_201 = tpu.vector_load %arg20[%swap3A] masked %and3A_186 {strides = array<i32>} : memref<13208xi32, #tpu.memory_space<vmem>>, vector<16xi32>, vector<16xi1>
          tpu.vector_store %arg20[%swap3A], %or3A masked %and3A_186 {strides = array<i32>} : memref<13208xi32, #tpu.memory_space<vmem>>, vector<16xi32>, vector<16xi1>
          %convert_element_type3A_202 = arith.extui %and3A_186 : vector<16xi1> to vector<16xi32>
          %reduce_sum3A = arith.constant true
          %reduce_sum3A_203 = vector.broadcast %reduce_sum3A : i1 to vector<16xi1>
          %reduce_sum3A_204 = tpu.scan <sum>, %convert_element_type3A_202 masked %reduce_sum3A_203 : vector<16xi32>, vector<16xi1> -> vector<16xi32>
          %reduce_sum3A_205 = vector.extract %reduce_sum3A_204[15] : i32 from vector<16xi32>
          %add3A_206 = arith.addi %while3A_163, %reduce_sum3A_205 : i32
          scf.yield %add3A_206 : i32
        }
        %while3A_160 = arith.constant 1 : i32
        %while3A_161 = scf.for %while3A_162 = %while3A_157 to %while3A_153 step %while3A_160 iter_args(%while3A_163 = %while3A_159) -> (i32)  : i32 {
          %mul3A_164 = arith.constant 16 : i32
          %mul3A_165 = arith.muli %while3A_162, %mul3A_164 : i32
          %get3A_166 = arith.index_cast %mul3A_165 : i32 to index
          %get3A_167 = tpu.vector_load %arg16[%get3A_166] {strides = array<i32>} : memref<5016xi32, #tpu.memory_space<vmem>>, vector<16xi32>,
          %iota3A = tpu.iota {dimensions = array<i32: 0>} : vector<16xi32>
          %add3A_168 = vector.broadcast %mul3A_165 : i32 to vector<16xi32>
          %add3A_169 = arith.addi %add3A_168, %iota3A : vector<16xi32>
          %lt3A_170 = vector.broadcast %squeeze3A : i32 to vector<16xi32>
          %lt3A_171 = arith.cmpi slt, %add3A_169, %lt3A_170 : vector<16xi32>
          %shift_right_logical3A = arith.constant 4 : i32
          %shift_right_logical3A_172 = vector.broadcast %shift_right_logical3A : i32 to vector<16xi32>
          %shift_right_logical3A_173 = arith.shrui %get3A_167, %shift_right_logical3A_172 : vector<16xi32>
          %and3A_174 = arith.constant 511 : i32
          %and3A_175 = vector.broadcast %and3A_174 : i32 to vector<16xi32>
          %and3A_176 = arith.andi %shift_right_logical3A_173, %and3A_175 : vector<16xi32>
          %sub3A_177 = vector.broadcast %mul3A_2 : i32 to vector<16xi32>
          %sub3A_178 = arith.subi %and3A_176, %sub3A_177 : vector<16xi32>
          %ge3A_179 = arith.constant 0 : i32
          %ge3A_180 = vector.broadcast %ge3A_179 : i32 to vector<16xi32>
          %ge3A_181 = arith.cmpi sge, %sub3A_178, %ge3A_180 : vector<16xi32>
          %and3A_182 = arith.andi %lt3A_171, %ge3A_181 : vector<16xi1>
          %lt3A_183 = arith.constant 16 : i32
          %lt3A_184 = vector.broadcast %lt3A_183 : i32 to vector<16xi32>
          %lt3A_185 = arith.cmpi slt, %sub3A_178, %lt3A_184 : vector<16xi32>
          %and3A_186 = arith.andi %and3A_182, %lt3A_185 : vector<16xi1>
          %mul3A_187 = arith.constant 12 : i32
          %mul3A_188 = vector.broadcast %mul3A_187 : i32 to vector<16xi32>
          %mul3A_189 = arith.muli %sub3A_178, %mul3A_188 : vector<16xi32>
          %and3A_190 = arith.constant 15 : i32
          %and3A_191 = vector.broadcast %and3A_190 : i32 to vector<16xi32>
          %and3A_192 = arith.andi %get3A_167, %and3A_191 : vector<16xi32>
          %add3A_193 = arith.addi %mul3A_189, %and3A_192 : vector<16xi32>
          %jit3A_194 = arith.constant 0 : i32
          %broadcast_in_dim3A = vector.broadcast %jit3A_194 : i32 to vector<16xi32>
          %select_n3A_195 = arith.select %and3A_186, %add3A_193, %broadcast_in_dim3A : vector<16xi1>, vector<16xi32>
          %shift_right_logical3A_196 = arith.constant 13 : i32
          %shift_right_logical3A_197 = vector.broadcast %shift_right_logical3A_196 : i32 to vector<16xi32>
          %shift_right_logical3A_198 = arith.shrui %get3A_167, %shift_right_logical3A_197 : vector<16xi32>
          %shift_left3A = arith.constant 8 : i32
          %shift_left3A_199 = vector.broadcast %shift_left3A : i32 to vector<16xi32>
          %shift_left3A_200 = arith.shli %shift_right_logical3A_198, %shift_left3A_199 : vector<16xi32>
          %or3A = arith.ori %shift_left3A_200, %select_n3A_195 : vector<16xi32>
          %swap3A = arith.index_cast %while3A_163 : i32 to index
          %swap3A_201 = tpu.vector_load %arg20[%swap3A] masked %and3A_186 {strides = array<i32>} : memref<13208xi32, #tpu.memory_space<vmem>>, vector<16xi32>, vector<16xi1>
          tpu.vector_store %arg20[%swap3A], %or3A masked %and3A_186 {strides = array<i32>} : memref<13208xi32, #tpu.memory_space<vmem>>, vector<16xi32>, vector<16xi1>
          %convert_element_type3A_202 = arith.extui %and3A_186 : vector<16xi1> to vector<16xi32>
          %reduce_sum3A = arith.constant true
          %reduce_sum3A_203 = vector.broadcast %reduce_sum3A : i1 to vector<16xi1>
          %reduce_sum3A_204 = tpu.scan <sum>, %convert_element_type3A_202 masked %reduce_sum3A_203 : vector<16xi32>, vector<16xi1> -> vector<16xi32>
          %reduce_sum3A_205 = vector.extract %reduce_sum3A_204[15] : i32 from vector<16xi32>
          %add3A_206 = arith.addi %while3A_163, %reduce_sum3A_205 : i32
          scf.yield %add3A_206 : i32
        }
        scf.yield %while3A_161 : i32
      }
      %ge3A = arith.constant 8192 : i32
      %ge3A_88 = arith.cmpi sge, %cond3A_87, %ge3A : i32
      %convert_element_type3A_89 = arith.extui %ge3A_88 : i1 to i32
      %cond3A_90 = arith.constant 0 : i32
      %cond3A_91 = arith.cmpi ne, %convert_element_type3A_89, %cond3A_90 : i32
      %cond3A_92 = scf.if %cond3A_91 -> (i32) {
        %add3A_125 = arith.constant 63 : i32
        %add3A_126 = arith.addi %cond3A_87, %add3A_125 : i32
        %jit3A_127 = arith.constant 64 : i32
        %div3A_128 = arith.divsi %add3A_126, %jit3A_127 : i32
        %sign3A_129 = arith.constant 0 : i32
        %sign3A_130 = arith.cmpi sgt, %add3A_126, %sign3A_129 : i32
        %sign3A_131 = arith.extui %sign3A_130 : i1 to i32
        %sign3A_132 = arith.constant 0 : i32
        %sign3A_133 = arith.cmpi slt, %add3A_126, %sign3A_132 : i32
        %sign3A_134 = arith.extui %sign3A_133 : i1 to i32
        %sign3A_135 = arith.subi %sign3A_131, %sign3A_134 : i32
        %sign3A_136 = arith.constant 0 : i32
        %sign3A_137 = arith.cmpi sgt, %jit3A_127, %sign3A_136 : i32
        %sign3A_138 = arith.extui %sign3A_137 : i1 to i32
        %sign3A_139 = arith.constant 0 : i32
        %sign3A_140 = arith.cmpi slt, %jit3A_127, %sign3A_139 : i32
        %sign3A_141 = arith.extui %sign3A_140 : i1 to i32
        %sign3A_142 = arith.subi %sign3A_138, %sign3A_141 : i32
        %ne3A_143 = arith.cmpi ne, %sign3A_135, %sign3A_142 : i32
        %rem3A_144 = arith.remsi %add3A_126, %jit3A_127 : i32
        %ne3A_145 = arith.constant 0 : i32
        %ne3A_146 = arith.cmpi ne, %rem3A_144, %ne3A_145 : i32
        %and3A_147 = arith.andi %ne3A_143, %ne3A_146 : i1
        %sub3A_148 = arith.constant 1 : i32
        %sub3A_149 = arith.subi %div3A_128, %sub3A_148 : i32
        %select_n3A_150 = arith.select %and3A_147, %sub3A_149, %div3A_128 : i32
        %while3A_151 = arith.constant 0 : i32
        %while3A_152 = arith.constant 0 : i32
        %while3A_153 = arith.subi %select_n3A_150, %while3A_152 : i32
        %while3A_154 = arith.addi %while3A_152, %while3A_153 : i32
        %while3A_155 = arith.constant 1 : i32
        %while3A_156 = arith.divsi %while3A_153, %while3A_155 : i32
        %while3A_157 = arith.muli %while3A_156, %while3A_155 : i32
        %while3A_158 = arith.addi %while3A_152, %while3A_157 : i32
        %while3A_159 = arith.constant 1 : i32
        scf.for %while3A_162 = %while3A_152 to %while3A_158 step %while3A_159  : i32 {
          %mul3A_163 = arith.constant 64 : i32
          %mul3A_164 = arith.muli %while3A_162, %mul3A_163 : i32
          %add3A_165 = arith.constant 0 : i32
          %add3A_166 = arith.addi %mul3A_164, %add3A_165 : i32
          %iota3A = tpu.iota {dimensions = array<i32: 0>} : vector<16xi32>
          %add3A_167 = vector.broadcast %add3A_166 : i32 to vector<16xi32>
          %add3A_168 = arith.addi %add3A_167, %iota3A : vector<16xi32>
          %lt3A_169 = vector.broadcast %cond3A_87 : i32 to vector<16xi32>
          %lt3A_170 = arith.cmpi slt, %add3A_168, %lt3A_169 : vector<16xi32>
          %get3A_171 = arith.index_cast %add3A_166 : i32 to index
          %get3A_172 = tpu.vector_load %arg20[%get3A_171] {strides = array<i32>} : memref<13208xi32, #tpu.memory_space<vmem>>, vector<16xi32>,
          %shift_right_logical3A = arith.constant 8 : i32
          %shift_right_logical3A_173 = vector.broadcast %shift_right_logical3A : i32 to vector<16xi32>
          %shift_right_logical3A_174 = arith.shrui %get3A_172, %shift_right_logical3A_173 : vector<16xi32>
          %jit3A_175 = arith.constant 0 : i32
          %broadcast_in_dim3A = vector.broadcast %jit3A_175 : i32 to vector<16xi32>
          %select_n3A_176 = arith.select %lt3A_170, %shift_right_logical3A_174, %broadcast_in_dim3A : vector<16xi1>, vector<16xi32>
          %swap3A = arith.constant 0 : index
          %swap3A_177 = tpu.vector_load %arg12[%swap3A] {strides = array<i32>} : memref<64xi32, #tpu.memory_space<vmem>>, vector<16xi32>,
          tpu.vector_store %arg12[%swap3A], %select_n3A_176 {strides = array<i32>} : memref<64xi32, #tpu.memory_space<vmem>>, vector<16xi32>,
          %and3A_178 = arith.constant 255 : i32
          %and3A_179 = vector.broadcast %and3A_178 : i32 to vector<16xi32>
          %and3A_180 = arith.andi %get3A_172, %and3A_179 : vector<16xi32>
          %jit3A_181 = arith.constant 192 : i32
          %broadcast_in_dim3A_182 = vector.broadcast %jit3A_181 : i32 to vector<16xi32>
          %select_n3A_183 = arith.select %lt3A_170, %and3A_180, %broadcast_in_dim3A_182 : vector<16xi1>, vector<16xi32>
          %swap3A_184 = arith.constant 0 : index
          %swap3A_185 = tpu.vector_load %arg13[%swap3A_184] {strides = array<i32>} : memref<80xi32, #tpu.memory_space<vmem>>, vector<16xi32>,
          tpu.vector_store %arg13[%swap3A_184], %select_n3A_183 {strides = array<i32>} : memref<80xi32, #tpu.memory_space<vmem>>, vector<16xi32>,
          %and3A_186 = arith.constant 255 : i32
          %and3A_187 = vector.broadcast %and3A_186 : i32 to vector<16xi32>
          %and3A_188 = arith.andi %get3A_172, %and3A_187 : vector<16xi32>
          %jit3A_189 = arith.constant 192 : i32
          %broadcast_in_dim3A_190 = vector.broadcast %jit3A_189 : i32 to vector<16xi32>
          %select_n3A_191 = arith.select %lt3A_170, %and3A_188, %broadcast_in_dim3A_190 : vector<16xi1>, vector<16xi32>
          %broadcast_in_dim3A_192 = arith.constant 1.000000e+00 : f32
          %broadcast_in_dim3A_193 = vector.broadcast %broadcast_in_dim3A_192 : f32 to vector<16xf32>
          tpu.vector_store_idx %arg14[%select_n3A_191], %broadcast_in_dim3A_193 masked %lt3A_170 {add = true} : memref<200xf32, #tpu.memory_space<vmem>>[vector<16xi32>], vector<16xf32>, vector<16xi1>
          %add3A_194 = arith.constant 16 : i32
          %add3A_195 = arith.addi %mul3A_164, %add3A_194 : i32
          %iota3A_196 = tpu.iota {dimensions = array<i32: 0>} : vector<16xi32>
          %add3A_197 = vector.broadcast %add3A_195 : i32 to vector<16xi32>
          %add3A_198 = arith.addi %add3A_197, %iota3A_196 : vector<16xi32>
          %lt3A_199 = vector.broadcast %cond3A_87 : i32 to vector<16xi32>
          %lt3A_200 = arith.cmpi slt, %add3A_198, %lt3A_199 : vector<16xi32>
          %get3A_201 = arith.index_cast %add3A_195 : i32 to index
          %get3A_202 = tpu.vector_load %arg20[%get3A_201] {strides = array<i32>} : memref<13208xi32, #tpu.memory_space<vmem>>, vector<16xi32>,
          %shift_right_logical3A_203 = arith.constant 8 : i32
          %shift_right_logical3A_204 = vector.broadcast %shift_right_logical3A_203 : i32 to vector<16xi32>
          %shift_right_logical3A_205 = arith.shrui %get3A_202, %shift_right_logical3A_204 : vector<16xi32>
          %jit3A_206 = arith.constant 0 : i32
          %broadcast_in_dim3A_207 = vector.broadcast %jit3A_206 : i32 to vector<16xi32>
          %select_n3A_208 = arith.select %lt3A_200, %shift_right_logical3A_205, %broadcast_in_dim3A_207 : vector<16xi1>, vector<16xi32>
          %swap3A_209 = arith.constant 16 : index
          %swap3A_210 = tpu.vector_load %arg12[%swap3A_209] {strides = array<i32>} : memref<64xi32, #tpu.memory_space<vmem>>, vector<16xi32>,
          tpu.vector_store %arg12[%swap3A_209], %select_n3A_208 {strides = array<i32>} : memref<64xi32, #tpu.memory_space<vmem>>, vector<16xi32>,
          %and3A_211 = arith.constant 255 : i32
          %and3A_212 = vector.broadcast %and3A_211 : i32 to vector<16xi32>
          %and3A_213 = arith.andi %get3A_202, %and3A_212 : vector<16xi32>
          %jit3A_214 = arith.constant 192 : i32
          %broadcast_in_dim3A_215 = vector.broadcast %jit3A_214 : i32 to vector<16xi32>
          %select_n3A_216 = arith.select %lt3A_200, %and3A_213, %broadcast_in_dim3A_215 : vector<16xi1>, vector<16xi32>
          %swap3A_217 = arith.constant 16 : index
          %swap3A_218 = tpu.vector_load %arg13[%swap3A_217] {strides = array<i32>} : memref<80xi32, #tpu.memory_space<vmem>>, vector<16xi32>,
          tpu.vector_store %arg13[%swap3A_217], %select_n3A_216 {strides = array<i32>} : memref<80xi32, #tpu.memory_space<vmem>>, vector<16xi32>,
          %and3A_219 = arith.constant 255 : i32
          %and3A_220 = vector.broadcast %and3A_219 : i32 to vector<16xi32>
          %and3A_221 = arith.andi %get3A_202, %and3A_220 : vector<16xi32>
          %jit3A_222 = arith.constant 192 : i32
          %broadcast_in_dim3A_223 = vector.broadcast %jit3A_222 : i32 to vector<16xi32>
          %select_n3A_224 = arith.select %lt3A_200, %and3A_221, %broadcast_in_dim3A_223 : vector<16xi1>, vector<16xi32>
          %broadcast_in_dim3A_225 = arith.constant 1.000000e+00 : f32
          %broadcast_in_dim3A_226 = vector.broadcast %broadcast_in_dim3A_225 : f32 to vector<16xf32>
          tpu.vector_store_idx %arg14[%select_n3A_224], %broadcast_in_dim3A_226 masked %lt3A_200 {add = true} : memref<200xf32, #tpu.memory_space<vmem>>[vector<16xi32>], vector<16xf32>, vector<16xi1>
          %add3A_227 = arith.constant 32 : i32
          %add3A_228 = arith.addi %mul3A_164, %add3A_227 : i32
          %iota3A_229 = tpu.iota {dimensions = array<i32: 0>} : vector<16xi32>
          %add3A_230 = vector.broadcast %add3A_228 : i32 to vector<16xi32>
          %add3A_231 = arith.addi %add3A_230, %iota3A_229 : vector<16xi32>
          %lt3A_232 = vector.broadcast %cond3A_87 : i32 to vector<16xi32>
          %lt3A_233 = arith.cmpi slt, %add3A_231, %lt3A_232 : vector<16xi32>
          %get3A_234 = arith.index_cast %add3A_228 : i32 to index
          %get3A_235 = tpu.vector_load %arg20[%get3A_234] {strides = array<i32>} : memref<13208xi32, #tpu.memory_space<vmem>>, vector<16xi32>,
          %shift_right_logical3A_236 = arith.constant 8 : i32
          %shift_right_logical3A_237 = vector.broadcast %shift_right_logical3A_236 : i32 to vector<16xi32>
          %shift_right_logical3A_238 = arith.shrui %get3A_235, %shift_right_logical3A_237 : vector<16xi32>
          %jit3A_239 = arith.constant 0 : i32
          %broadcast_in_dim3A_240 = vector.broadcast %jit3A_239 : i32 to vector<16xi32>
          %select_n3A_241 = arith.select %lt3A_233, %shift_right_logical3A_238, %broadcast_in_dim3A_240 : vector<16xi1>, vector<16xi32>
          %swap3A_242 = arith.constant 32 : index
          %swap3A_243 = tpu.vector_load %arg12[%swap3A_242] {strides = array<i32>} : memref<64xi32, #tpu.memory_space<vmem>>, vector<16xi32>,
          tpu.vector_store %arg12[%swap3A_242], %select_n3A_241 {strides = array<i32>} : memref<64xi32, #tpu.memory_space<vmem>>, vector<16xi32>,
          %and3A_244 = arith.constant 255 : i32
          %and3A_245 = vector.broadcast %and3A_244 : i32 to vector<16xi32>
          %and3A_246 = arith.andi %get3A_235, %and3A_245 : vector<16xi32>
          %jit3A_247 = arith.constant 192 : i32
          %broadcast_in_dim3A_248 = vector.broadcast %jit3A_247 : i32 to vector<16xi32>
          %select_n3A_249 = arith.select %lt3A_233, %and3A_246, %broadcast_in_dim3A_248 : vector<16xi1>, vector<16xi32>
          %swap3A_250 = arith.constant 32 : index
          %swap3A_251 = tpu.vector_load %arg13[%swap3A_250] {strides = array<i32>} : memref<80xi32, #tpu.memory_space<vmem>>, vector<16xi32>,
          tpu.vector_store %arg13[%swap3A_250], %select_n3A_249 {strides = array<i32>} : memref<80xi32, #tpu.memory_space<vmem>>, vector<16xi32>,
          %and3A_252 = arith.constant 255 : i32
          %and3A_253 = vector.broadcast %and3A_252 : i32 to vector<16xi32>
          %and3A_254 = arith.andi %get3A_235, %and3A_253 : vector<16xi32>
          %jit3A_255 = arith.constant 192 : i32
          %broadcast_in_dim3A_256 = vector.broadcast %jit3A_255 : i32 to vector<16xi32>
          %select_n3A_257 = arith.select %lt3A_233, %and3A_254, %broadcast_in_dim3A_256 : vector<16xi1>, vector<16xi32>
          %broadcast_in_dim3A_258 = arith.constant 1.000000e+00 : f32
          %broadcast_in_dim3A_259 = vector.broadcast %broadcast_in_dim3A_258 : f32 to vector<16xf32>
          tpu.vector_store_idx %arg14[%select_n3A_257], %broadcast_in_dim3A_259 masked %lt3A_233 {add = true} : memref<200xf32, #tpu.memory_space<vmem>>[vector<16xi32>], vector<16xf32>, vector<16xi1>
          %add3A_260 = arith.constant 48 : i32
          %add3A_261 = arith.addi %mul3A_164, %add3A_260 : i32
          %iota3A_262 = tpu.iota {dimensions = array<i32: 0>} : vector<16xi32>
          %add3A_263 = vector.broadcast %add3A_261 : i32 to vector<16xi32>
          %add3A_264 = arith.addi %add3A_263, %iota3A_262 : vector<16xi32>
          %lt3A_265 = vector.broadcast %cond3A_87 : i32 to vector<16xi32>
          %lt3A_266 = arith.cmpi slt, %add3A_264, %lt3A_265 : vector<16xi32>
          %get3A_267 = arith.index_cast %add3A_261 : i32 to index
          %get3A_268 = tpu.vector_load %arg20[%get3A_267] {strides = array<i32>} : memref<13208xi32, #tpu.memory_space<vmem>>, vector<16xi32>,
          %shift_right_logical3A_269 = arith.constant 8 : i32
          %shift_right_logical3A_270 = vector.broadcast %shift_right_logical3A_269 : i32 to vector<16xi32>
          %shift_right_logical3A_271 = arith.shrui %get3A_268, %shift_right_logical3A_270 : vector<16xi32>
          %jit3A_272 = arith.constant 0 : i32
          %broadcast_in_dim3A_273 = vector.broadcast %jit3A_272 : i32 to vector<16xi32>
          %select_n3A_274 = arith.select %lt3A_266, %shift_right_logical3A_271, %broadcast_in_dim3A_273 : vector<16xi1>, vector<16xi32>
          %swap3A_275 = arith.constant 48 : index
          %swap3A_276 = tpu.vector_load %arg12[%swap3A_275] {strides = array<i32>} : memref<64xi32, #tpu.memory_space<vmem>>, vector<16xi32>,
          tpu.vector_store %arg12[%swap3A_275], %select_n3A_274 {strides = array<i32>} : memref<64xi32, #tpu.memory_space<vmem>>, vector<16xi32>,
          %and3A_277 = arith.constant 255 : i32
          %and3A_278 = vector.broadcast %and3A_277 : i32 to vector<16xi32>
          %and3A_279 = arith.andi %get3A_268, %and3A_278 : vector<16xi32>
          %jit3A_280 = arith.constant 192 : i32
          %broadcast_in_dim3A_281 = vector.broadcast %jit3A_280 : i32 to vector<16xi32>
          %select_n3A_282 = arith.select %lt3A_266, %and3A_279, %broadcast_in_dim3A_281 : vector<16xi1>, vector<16xi32>
          %swap3A_283 = arith.constant 48 : index
          %swap3A_284 = tpu.vector_load %arg13[%swap3A_283] {strides = array<i32>} : memref<80xi32, #tpu.memory_space<vmem>>, vector<16xi32>,
          tpu.vector_store %arg13[%swap3A_283], %select_n3A_282 {strides = array<i32>} : memref<80xi32, #tpu.memory_space<vmem>>, vector<16xi32>,
          %and3A_285 = arith.constant 255 : i32
          %and3A_286 = vector.broadcast %and3A_285 : i32 to vector<16xi32>
          %and3A_287 = arith.andi %get3A_268, %and3A_286 : vector<16xi32>
          %jit3A_288 = arith.constant 192 : i32
          %broadcast_in_dim3A_289 = vector.broadcast %jit3A_288 : i32 to vector<16xi32>
          %select_n3A_290 = arith.select %lt3A_266, %and3A_287, %broadcast_in_dim3A_289 : vector<16xi1>, vector<16xi32>
          %broadcast_in_dim3A_291 = arith.constant 1.000000e+00 : f32
          %broadcast_in_dim3A_292 = vector.broadcast %broadcast_in_dim3A_291 : f32 to vector<16xf32>
          tpu.vector_store_idx %arg14[%select_n3A_290], %broadcast_in_dim3A_292 masked %lt3A_266 {add = true} : memref<200xf32, #tpu.memory_space<vmem>>[vector<16xi32>], vector<16xf32>, vector<16xi1>
          %dma_start3A_293 = arith.constant 0 : i32
          %dma_start3A_294 = arith.constant 0 : i32
          %dma_start3A_295 = tpu.memref_slice %arg5[%dma_start3A_293, %dma_start3A_294] : memref<10000x384xf32, #tpu.memory_space<hbm>> -> memref<10000x384xf32, #tpu.memory_space<hbm>>
          tpu.enqueue_indirect_dma source(%dma_start3A_295 : memref<10000x384xf32, #tpu.memory_space<hbm>>) target(%arg11 : memref<64x384xf32, #tpu.memory_space<vmem>>) offsets(%arg12 : memref<64xi32, #tpu.memory_space<vmem>>) semaphore(%arg21 : memref<!tpu.dma_semaphore, #tpu.memory_space<semaphore_mem>>)
          %dma_wait3A_296 = arith.constant 0 : i32
          %dma_wait3A_297 = arith.constant 0 : i32
          %dma_wait3A_298 = tpu.memref_slice %arg5[%dma_wait3A_296, %dma_wait3A_297] : memref<10000x384xf32, #tpu.memory_space<hbm>> -> memref<10000x384xf32, #tpu.memory_space<hbm>>
          tpu.wait_indirect_dma semaphore(%arg21 : memref<!tpu.dma_semaphore, #tpu.memory_space<semaphore_mem>>) src(%dma_wait3A_298 : memref<10000x384xf32, #tpu.memory_space<hbm>>) dst(%arg11 : memref<64x384xf32, #tpu.memory_space<vmem>>)
          %scan3A_299 = arith.constant 0 : i32
          %scan3A_300 = arith.constant 64 : i32
          %scan3A_301 = arith.addi %scan3A_299, %scan3A_300 : i32
          %scan3A_302 = arith.constant 1 : i32
          scf.for %scan3A_304 = %scan3A_299 to %scan3A_301 step %scan3A_302  : i32 {
            %mul3A_305 = arith.constant 1 : i32
            %mul3A_306 = arith.muli %scan3A_304, %mul3A_305 : i32
            %add3A_307 = arith.constant 0 : i32
            %add3A_308 = arith.addi %add3A_307, %mul3A_306 : i32
            %get3A_309 = arith.index_cast %add3A_308 : i32 to index
            %get3A_310 = tpu.vector_load %arg13[%get3A_309] {strides = array<i32>} : memref<80xi32, #tpu.memory_space<vmem>>, vector<16xi32>,
            %slice3A_311 = vector.extract_strided_slice %get3A_310 {offsets = [0], sizes = [1], strides = [1]} : vector<16xi32> to vector<1xi32>
            %squeeze3A_312 = vector.extract %slice3A_311[0] : i32 from vector<1xi32>
            %scan3A_313 = arith.constant 0 : i32
            %scan3A_314 = arith.constant 24 : i32
            %scan3A_315 = arith.addi %scan3A_313, %scan3A_314 : i32
            %scan3A_316 = arith.constant 1 : i32
            scf.for %scan3A_318 = %scan3A_313 to %scan3A_315 step %scan3A_316  : i32 {
              %mul3A_319 = arith.constant 16 : i32
              %mul3A_320 = arith.muli %scan3A_318, %mul3A_319 : i32
              %add3A_321 = arith.constant 0 : i32
              %add3A_322 = arith.addi %add3A_321, %mul3A_320 : i32
              %get3A_323 = arith.index_cast %add3A_308 : i32 to index
              %get3A_324 = arith.index_cast %add3A_322 : i32 to index
              %get3A_325 = tpu.vector_load %arg11[%get3A_323, %get3A_324] {strides = array<i32>} : memref<64x384xf32, #tpu.memory_space<vmem>>, vector<16xf32>,
              %swap3A_326 = arith.index_cast %squeeze3A_312 : i32 to index
              %swap3A_327 = arith.index_cast %add3A_322 : i32 to index
              %swap3A_328 = tpu.vector_load %arg10[%swap3A_326, %swap3A_327] {strides = array<i32>} : memref<200x384xf32, #tpu.memory_space<vmem>>, vector<16xf32>,
              tpu.vector_store %arg10[%swap3A_326, %swap3A_327], %get3A_325 {add = true, strides = array<i32>} : memref<200x384xf32, #tpu.memory_space<vmem>>, vector<16xf32>,
            }
            %scan3A_317 = arith.constant 24 : i32
          }
          %scan3A_303 = arith.constant 64 : i32
        }
        %while3A_160 = arith.constant 1 : i32
        scf.for %while3A_162 = %while3A_158 to %while3A_154 step %while3A_160  : i32 {
          %mul3A_163 = arith.constant 64 : i32
          %mul3A_164 = arith.muli %while3A_162, %mul3A_163 : i32
          %add3A_165 = arith.constant 0 : i32
          %add3A_166 = arith.addi %mul3A_164, %add3A_165 : i32
          %iota3A = tpu.iota {dimensions = array<i32: 0>} : vector<16xi32>
          %add3A_167 = vector.broadcast %add3A_166 : i32 to vector<16xi32>
          %add3A_168 = arith.addi %add3A_167, %iota3A : vector<16xi32>
          %lt3A_169 = vector.broadcast %cond3A_87 : i32 to vector<16xi32>
          %lt3A_170 = arith.cmpi slt, %add3A_168, %lt3A_169 : vector<16xi32>
          %get3A_171 = arith.index_cast %add3A_166 : i32 to index
          %get3A_172 = tpu.vector_load %arg20[%get3A_171] {strides = array<i32>} : memref<13208xi32, #tpu.memory_space<vmem>>, vector<16xi32>,
          %shift_right_logical3A = arith.constant 8 : i32
          %shift_right_logical3A_173 = vector.broadcast %shift_right_logical3A : i32 to vector<16xi32>
          %shift_right_logical3A_174 = arith.shrui %get3A_172, %shift_right_logical3A_173 : vector<16xi32>
          %jit3A_175 = arith.constant 0 : i32
          %broadcast_in_dim3A = vector.broadcast %jit3A_175 : i32 to vector<16xi32>
          %select_n3A_176 = arith.select %lt3A_170, %shift_right_logical3A_174, %broadcast_in_dim3A : vector<16xi1>, vector<16xi32>
          %swap3A = arith.constant 0 : index
          %swap3A_177 = tpu.vector_load %arg12[%swap3A] {strides = array<i32>} : memref<64xi32, #tpu.memory_space<vmem>>, vector<16xi32>,
          tpu.vector_store %arg12[%swap3A], %select_n3A_176 {strides = array<i32>} : memref<64xi32, #tpu.memory_space<vmem>>, vector<16xi32>,
          %and3A_178 = arith.constant 255 : i32
          %and3A_179 = vector.broadcast %and3A_178 : i32 to vector<16xi32>
          %and3A_180 = arith.andi %get3A_172, %and3A_179 : vector<16xi32>
          %jit3A_181 = arith.constant 192 : i32
          %broadcast_in_dim3A_182 = vector.broadcast %jit3A_181 : i32 to vector<16xi32>
          %select_n3A_183 = arith.select %lt3A_170, %and3A_180, %broadcast_in_dim3A_182 : vector<16xi1>, vector<16xi32>
          %swap3A_184 = arith.constant 0 : index
          %swap3A_185 = tpu.vector_load %arg13[%swap3A_184] {strides = array<i32>} : memref<80xi32, #tpu.memory_space<vmem>>, vector<16xi32>,
          tpu.vector_store %arg13[%swap3A_184], %select_n3A_183 {strides = array<i32>} : memref<80xi32, #tpu.memory_space<vmem>>, vector<16xi32>,
          %and3A_186 = arith.constant 255 : i32
          %and3A_187 = vector.broadcast %and3A_186 : i32 to vector<16xi32>
          %and3A_188 = arith.andi %get3A_172, %and3A_187 : vector<16xi32>
          %jit3A_189 = arith.constant 192 : i32
          %broadcast_in_dim3A_190 = vector.broadcast %jit3A_189 : i32 to vector<16xi32>
          %select_n3A_191 = arith.select %lt3A_170, %and3A_188, %broadcast_in_dim3A_190 : vector<16xi1>, vector<16xi32>
          %broadcast_in_dim3A_192 = arith.constant 1.000000e+00 : f32
          %broadcast_in_dim3A_193 = vector.broadcast %broadcast_in_dim3A_192 : f32 to vector<16xf32>
          tpu.vector_store_idx %arg14[%select_n3A_191], %broadcast_in_dim3A_193 masked %lt3A_170 {add = true} : memref<200xf32, #tpu.memory_space<vmem>>[vector<16xi32>], vector<16xf32>, vector<16xi1>
          %add3A_194 = arith.constant 16 : i32
          %add3A_195 = arith.addi %mul3A_164, %add3A_194 : i32
          %iota3A_196 = tpu.iota {dimensions = array<i32: 0>} : vector<16xi32>
          %add3A_197 = vector.broadcast %add3A_195 : i32 to vector<16xi32>
          %add3A_198 = arith.addi %add3A_197, %iota3A_196 : vector<16xi32>
          %lt3A_199 = vector.broadcast %cond3A_87 : i32 to vector<16xi32>
          %lt3A_200 = arith.cmpi slt, %add3A_198, %lt3A_199 : vector<16xi32>
          %get3A_201 = arith.index_cast %add3A_195 : i32 to index
          %get3A_202 = tpu.vector_load %arg20[%get3A_201] {strides = array<i32>} : memref<13208xi32, #tpu.memory_space<vmem>>, vector<16xi32>,
          %shift_right_logical3A_203 = arith.constant 8 : i32
          %shift_right_logical3A_204 = vector.broadcast %shift_right_logical3A_203 : i32 to vector<16xi32>
          %shift_right_logical3A_205 = arith.shrui %get3A_202, %shift_right_logical3A_204 : vector<16xi32>
          %jit3A_206 = arith.constant 0 : i32
          %broadcast_in_dim3A_207 = vector.broadcast %jit3A_206 : i32 to vector<16xi32>
          %select_n3A_208 = arith.select %lt3A_200, %shift_right_logical3A_205, %broadcast_in_dim3A_207 : vector<16xi1>, vector<16xi32>
          %swap3A_209 = arith.constant 16 : index
          %swap3A_210 = tpu.vector_load %arg12[%swap3A_209] {strides = array<i32>} : memref<64xi32, #tpu.memory_space<vmem>>, vector<16xi32>,
          tpu.vector_store %arg12[%swap3A_209], %select_n3A_208 {strides = array<i32>} : memref<64xi32, #tpu.memory_space<vmem>>, vector<16xi32>,
          %and3A_211 = arith.constant 255 : i32
          %and3A_212 = vector.broadcast %and3A_211 : i32 to vector<16xi32>
          %and3A_213 = arith.andi %get3A_202, %and3A_212 : vector<16xi32>
          %jit3A_214 = arith.constant 192 : i32
          %broadcast_in_dim3A_215 = vector.broadcast %jit3A_214 : i32 to vector<16xi32>
          %select_n3A_216 = arith.select %lt3A_200, %and3A_213, %broadcast_in_dim3A_215 : vector<16xi1>, vector<16xi32>
          %swap3A_217 = arith.constant 16 : index
          %swap3A_218 = tpu.vector_load %arg13[%swap3A_217] {strides = array<i32>} : memref<80xi32, #tpu.memory_space<vmem>>, vector<16xi32>,
          tpu.vector_store %arg13[%swap3A_217], %select_n3A_216 {strides = array<i32>} : memref<80xi32, #tpu.memory_space<vmem>>, vector<16xi32>,
          %and3A_219 = arith.constant 255 : i32
          %and3A_220 = vector.broadcast %and3A_219 : i32 to vector<16xi32>
          %and3A_221 = arith.andi %get3A_202, %and3A_220 : vector<16xi32>
          %jit3A_222 = arith.constant 192 : i32
          %broadcast_in_dim3A_223 = vector.broadcast %jit3A_222 : i32 to vector<16xi32>
          %select_n3A_224 = arith.select %lt3A_200, %and3A_221, %broadcast_in_dim3A_223 : vector<16xi1>, vector<16xi32>
          %broadcast_in_dim3A_225 = arith.constant 1.000000e+00 : f32
          %broadcast_in_dim3A_226 = vector.broadcast %broadcast_in_dim3A_225 : f32 to vector<16xf32>
          tpu.vector_store_idx %arg14[%select_n3A_224], %broadcast_in_dim3A_226 masked %lt3A_200 {add = true} : memref<200xf32, #tpu.memory_space<vmem>>[vector<16xi32>], vector<16xf32>, vector<16xi1>
          %add3A_227 = arith.constant 32 : i32
          %add3A_228 = arith.addi %mul3A_164, %add3A_227 : i32
          %iota3A_229 = tpu.iota {dimensions = array<i32: 0>} : vector<16xi32>
          %add3A_230 = vector.broadcast %add3A_228 : i32 to vector<16xi32>
          %add3A_231 = arith.addi %add3A_230, %iota3A_229 : vector<16xi32>
          %lt3A_232 = vector.broadcast %cond3A_87 : i32 to vector<16xi32>
          %lt3A_233 = arith.cmpi slt, %add3A_231, %lt3A_232 : vector<16xi32>
          %get3A_234 = arith.index_cast %add3A_228 : i32 to index
          %get3A_235 = tpu.vector_load %arg20[%get3A_234] {strides = array<i32>} : memref<13208xi32, #tpu.memory_space<vmem>>, vector<16xi32>,
          %shift_right_logical3A_236 = arith.constant 8 : i32
          %shift_right_logical3A_237 = vector.broadcast %shift_right_logical3A_236 : i32 to vector<16xi32>
          %shift_right_logical3A_238 = arith.shrui %get3A_235, %shift_right_logical3A_237 : vector<16xi32>
          %jit3A_239 = arith.constant 0 : i32
          %broadcast_in_dim3A_240 = vector.broadcast %jit3A_239 : i32 to vector<16xi32>
          %select_n3A_241 = arith.select %lt3A_233, %shift_right_logical3A_238, %broadcast_in_dim3A_240 : vector<16xi1>, vector<16xi32>
          %swap3A_242 = arith.constant 32 : index
          %swap3A_243 = tpu.vector_load %arg12[%swap3A_242] {strides = array<i32>} : memref<64xi32, #tpu.memory_space<vmem>>, vector<16xi32>,
          tpu.vector_store %arg12[%swap3A_242], %select_n3A_241 {strides = array<i32>} : memref<64xi32, #tpu.memory_space<vmem>>, vector<16xi32>,
          %and3A_244 = arith.constant 255 : i32
          %and3A_245 = vector.broadcast %and3A_244 : i32 to vector<16xi32>
          %and3A_246 = arith.andi %get3A_235, %and3A_245 : vector<16xi32>
          %jit3A_247 = arith.constant 192 : i32
          %broadcast_in_dim3A_248 = vector.broadcast %jit3A_247 : i32 to vector<16xi32>
          %select_n3A_249 = arith.select %lt3A_233, %and3A_246, %broadcast_in_dim3A_248 : vector<16xi1>, vector<16xi32>
          %swap3A_250 = arith.constant 32 : index
          %swap3A_251 = tpu.vector_load %arg13[%swap3A_250] {strides = array<i32>} : memref<80xi32, #tpu.memory_space<vmem>>, vector<16xi32>,
          tpu.vector_store %arg13[%swap3A_250], %select_n3A_249 {strides = array<i32>} : memref<80xi32, #tpu.memory_space<vmem>>, vector<16xi32>,
          %and3A_252 = arith.constant 255 : i32
          %and3A_253 = vector.broadcast %and3A_252 : i32 to vector<16xi32>
          %and3A_254 = arith.andi %get3A_235, %and3A_253 : vector<16xi32>
          %jit3A_255 = arith.constant 192 : i32
          %broadcast_in_dim3A_256 = vector.broadcast %jit3A_255 : i32 to vector<16xi32>
          %select_n3A_257 = arith.select %lt3A_233, %and3A_254, %broadcast_in_dim3A_256 : vector<16xi1>, vector<16xi32>
          %broadcast_in_dim3A_258 = arith.constant 1.000000e+00 : f32
          %broadcast_in_dim3A_259 = vector.broadcast %broadcast_in_dim3A_258 : f32 to vector<16xf32>
          tpu.vector_store_idx %arg14[%select_n3A_257], %broadcast_in_dim3A_259 masked %lt3A_233 {add = true} : memref<200xf32, #tpu.memory_space<vmem>>[vector<16xi32>], vector<16xf32>, vector<16xi1>
          %add3A_260 = arith.constant 48 : i32
          %add3A_261 = arith.addi %mul3A_164, %add3A_260 : i32
          %iota3A_262 = tpu.iota {dimensions = array<i32: 0>} : vector<16xi32>
          %add3A_263 = vector.broadcast %add3A_261 : i32 to vector<16xi32>
          %add3A_264 = arith.addi %add3A_263, %iota3A_262 : vector<16xi32>
          %lt3A_265 = vector.broadcast %cond3A_87 : i32 to vector<16xi32>
          %lt3A_266 = arith.cmpi slt, %add3A_264, %lt3A_265 : vector<16xi32>
          %get3A_267 = arith.index_cast %add3A_261 : i32 to index
          %get3A_268 = tpu.vector_load %arg20[%get3A_267] {strides = array<i32>} : memref<13208xi32, #tpu.memory_space<vmem>>, vector<16xi32>,
          %shift_right_logical3A_269 = arith.constant 8 : i32
          %shift_right_logical3A_270 = vector.broadcast %shift_right_logical3A_269 : i32 to vector<16xi32>
          %shift_right_logical3A_271 = arith.shrui %get3A_268, %shift_right_logical3A_270 : vector<16xi32>
          %jit3A_272 = arith.constant 0 : i32
          %broadcast_in_dim3A_273 = vector.broadcast %jit3A_272 : i32 to vector<16xi32>
          %select_n3A_274 = arith.select %lt3A_266, %shift_right_logical3A_271, %broadcast_in_dim3A_273 : vector<16xi1>, vector<16xi32>
          %swap3A_275 = arith.constant 48 : index
          %swap3A_276 = tpu.vector_load %arg12[%swap3A_275] {strides = array<i32>} : memref<64xi32, #tpu.memory_space<vmem>>, vector<16xi32>,
          tpu.vector_store %arg12[%swap3A_275], %select_n3A_274 {strides = array<i32>} : memref<64xi32, #tpu.memory_space<vmem>>, vector<16xi32>,
          %and3A_277 = arith.constant 255 : i32
          %and3A_278 = vector.broadcast %and3A_277 : i32 to vector<16xi32>
          %and3A_279 = arith.andi %get3A_268, %and3A_278 : vector<16xi32>
          %jit3A_280 = arith.constant 192 : i32
          %broadcast_in_dim3A_281 = vector.broadcast %jit3A_280 : i32 to vector<16xi32>
          %select_n3A_282 = arith.select %lt3A_266, %and3A_279, %broadcast_in_dim3A_281 : vector<16xi1>, vector<16xi32>
          %swap3A_283 = arith.constant 48 : index
          %swap3A_284 = tpu.vector_load %arg13[%swap3A_283] {strides = array<i32>} : memref<80xi32, #tpu.memory_space<vmem>>, vector<16xi32>,
          tpu.vector_store %arg13[%swap3A_283], %select_n3A_282 {strides = array<i32>} : memref<80xi32, #tpu.memory_space<vmem>>, vector<16xi32>,
          %and3A_285 = arith.constant 255 : i32
          %and3A_286 = vector.broadcast %and3A_285 : i32 to vector<16xi32>
          %and3A_287 = arith.andi %get3A_268, %and3A_286 : vector<16xi32>
          %jit3A_288 = arith.constant 192 : i32
          %broadcast_in_dim3A_289 = vector.broadcast %jit3A_288 : i32 to vector<16xi32>
          %select_n3A_290 = arith.select %lt3A_266, %and3A_287, %broadcast_in_dim3A_289 : vector<16xi1>, vector<16xi32>
          %broadcast_in_dim3A_291 = arith.constant 1.000000e+00 : f32
          %broadcast_in_dim3A_292 = vector.broadcast %broadcast_in_dim3A_291 : f32 to vector<16xf32>
          tpu.vector_store_idx %arg14[%select_n3A_290], %broadcast_in_dim3A_292 masked %lt3A_266 {add = true} : memref<200xf32, #tpu.memory_space<vmem>>[vector<16xi32>], vector<16xf32>, vector<16xi1>
          %dma_start3A_293 = arith.constant 0 : i32
          %dma_start3A_294 = arith.constant 0 : i32
          %dma_start3A_295 = tpu.memref_slice %arg5[%dma_start3A_293, %dma_start3A_294] : memref<10000x384xf32, #tpu.memory_space<hbm>> -> memref<10000x384xf32, #tpu.memory_space<hbm>>
          tpu.enqueue_indirect_dma source(%dma_start3A_295 : memref<10000x384xf32, #tpu.memory_space<hbm>>) target(%arg11 : memref<64x384xf32, #tpu.memory_space<vmem>>) offsets(%arg12 : memref<64xi32, #tpu.memory_space<vmem>>) semaphore(%arg21 : memref<!tpu.dma_semaphore, #tpu.memory_space<semaphore_mem>>)
          %dma_wait3A_296 = arith.constant 0 : i32
          %dma_wait3A_297 = arith.constant 0 : i32
          %dma_wait3A_298 = tpu.memref_slice %arg5[%dma_wait3A_296, %dma_wait3A_297] : memref<10000x384xf32, #tpu.memory_space<hbm>> -> memref<10000x384xf32, #tpu.memory_space<hbm>>
          tpu.wait_indirect_dma semaphore(%arg21 : memref<!tpu.dma_semaphore, #tpu.memory_space<semaphore_mem>>) src(%dma_wait3A_298 : memref<10000x384xf32, #tpu.memory_space<hbm>>) dst(%arg11 : memref<64x384xf32, #tpu.memory_space<vmem>>)
          %scan3A_299 = arith.constant 0 : i32
          %scan3A_300 = arith.constant 64 : i32
          %scan3A_301 = arith.addi %scan3A_299, %scan3A_300 : i32
          %scan3A_302 = arith.constant 1 : i32
          scf.for %scan3A_304 = %scan3A_299 to %scan3A_301 step %scan3A_302  : i32 {
            %mul3A_305 = arith.constant 1 : i32
            %mul3A_306 = arith.muli %scan3A_304, %mul3A_305 : i32
            %add3A_307 = arith.constant 0 : i32
            %add3A_308 = arith.addi %add3A_307, %mul3A_306 : i32
            %get3A_309 = arith.index_cast %add3A_308 : i32 to index
            %get3A_310 = tpu.vector_load %arg13[%get3A_309] {strides = array<i32>} : memref<80xi32, #tpu.memory_space<vmem>>, vector<16xi32>,
            %slice3A_311 = vector.extract_strided_slice %get3A_310 {offsets = [0], sizes = [1], strides = [1]} : vector<16xi32> to vector<1xi32>
            %squeeze3A_312 = vector.extract %slice3A_311[0] : i32 from vector<1xi32>
            %scan3A_313 = arith.constant 0 : i32
            %scan3A_314 = arith.constant 24 : i32
            %scan3A_315 = arith.addi %scan3A_313, %scan3A_314 : i32
            %scan3A_316 = arith.constant 1 : i32
            scf.for %scan3A_318 = %scan3A_313 to %scan3A_315 step %scan3A_316  : i32 {
              %mul3A_319 = arith.constant 16 : i32
              %mul3A_320 = arith.muli %scan3A_318, %mul3A_319 : i32
              %add3A_321 = arith.constant 0 : i32
              %add3A_322 = arith.addi %add3A_321, %mul3A_320 : i32
              %get3A_323 = arith.index_cast %add3A_308 : i32 to index
              %get3A_324 = arith.index_cast %add3A_322 : i32 to index
              %get3A_325 = tpu.vector_load %arg11[%get3A_323, %get3A_324] {strides = array<i32>} : memref<64x384xf32, #tpu.memory_space<vmem>>, vector<16xf32>,
              %swap3A_326 = arith.index_cast %squeeze3A_312 : i32 to index
              %swap3A_327 = arith.index_cast %add3A_322 : i32 to index
              %swap3A_328 = tpu.vector_load %arg10[%swap3A_326, %swap3A_327] {strides = array<i32>} : memref<200x384xf32, #tpu.memory_space<vmem>>, vector<16xf32>,
              tpu.vector_store %arg10[%swap3A_326, %swap3A_327], %get3A_325 {add = true, strides = array<i32>} : memref<200x384xf32, #tpu.memory_space<vmem>>, vector<16xf32>,
            }
            %scan3A_317 = arith.constant 24 : i32
          }
          %scan3A_303 = arith.constant 64 : i32
        }
        %cond3A_161 = arith.constant 0 : i32
        scf.yield %cond3A_161 : i32
      } else {
        scf.yield %cond3A_87 : i32
      }
      %add3A_93 = arith.constant 2 : i32
      %add3A_94 = arith.addi %mul3A_67, %add3A_93 : i32
      %lt3A = arith.constant 32 : i32
      %lt3A_95 = arith.cmpi slt, %add3A_94, %lt3A : i32
      %convert_element_type3A_96 = arith.extui %lt3A_95 : i1 to i32
      %cond3A_97 = arith.constant 0 : i32
      %cond3A_98 = arith.cmpi ne, %convert_element_type3A_96, %cond3A_97 : i32
      scf.if %cond3A_98 {
        %add3A_125 = arith.constant 2 : i32
        %add3A_126 = arith.addi %mul3A_67, %add3A_125 : i32
        %dma_start3A_127 = arith.constant 0 : i32
        %dma_start3A_128 = tpu.memref_slice %arg2[%add3A_126, %dma_start3A_127] : memref<32x5016xi32, #tpu.memory_space<hbm>> -> memref<1x512xi32, #tpu.memory_space<hbm>>
        %dma_start3A_129 = tpu.memref_squeeze %dma_start3A_128 : memref<1x512xi32, #tpu.memory_space<hbm>> -> memref<512xi32, #tpu.memory_space<hbm>>
        %dma_start3A_130 = arith.constant 0 : i32
        %dma_start3A_131 = tpu.memref_slice %arg2[%add3A_126, %dma_start3A_130] : memref<32x5016xi32, #tpu.memory_space<hbm>> -> memref<1x512xi32, #tpu.memory_space<hbm>>
        %dma_start3A_132 = tpu.memref_squeeze %dma_start3A_131 : memref<1x512xi32, #tpu.memory_space<hbm>> -> memref<512xi32, #tpu.memory_space<hbm>>
        tpu.enqueue_dma source(%dma_start3A_132 : memref<512xi32, #tpu.memory_space<hbm>>) target(%arg17 : memref<512xi32, #tpu.memory_space<vmem>>) target_semaphore(%arg22 : memref<!tpu.dma_semaphore, #tpu.memory_space<semaphore_mem>>)
      } else {
      }
      %dma_wait3A_99 = arith.constant 0 : i32
      %dma_wait3A_100 = arith.constant 0 : i32
      %dma_wait3A_101 = tpu.memref_slice %arg2[%dma_wait3A_99, %dma_wait3A_100] : memref<32x5016xi32, #tpu.memory_space<hbm>> -> memref<1x512xi32, #tpu.memory_space<hbm>>
      %dma_wait3A_102 = tpu.memref_squeeze %dma_wait3A_101 : memref<1x512xi32, #tpu.memory_space<hbm>> -> memref<512xi32, #tpu.memory_space<hbm>>
      %dma_wait3A_103 = arith.constant 0 : i32
      %dma_wait3A_104 = tpu.memref_slice %arg2[%dma_wait3A_99, %dma_wait3A_103] : memref<32x5016xi32, #tpu.memory_space<hbm>> -> memref<1x512xi32, #tpu.memory_space<hbm>>
      %dma_wait3A_105 = tpu.memref_squeeze %dma_wait3A_104 : memref<1x512xi32, #tpu.memory_space<hbm>> -> memref<512xi32, #tpu.memory_space<hbm>>
      tpu.wait_dma2 semaphore(%arg23 : memref<!tpu.dma_semaphore, #tpu.memory_space<semaphore_mem>>) src(%dma_wait3A_105 : memref<512xi32, #tpu.memory_space<hbm>>) dst(%arg18 : memref<512xi32, #tpu.memory_space<vmem>>)
      %add3A_106 = arith.constant 1 : i32
      %add3A_107 = arith.addi %mul3A_67, %add3A_106 : i32
      %get3A_108 = arith.index_cast %add3A_107 : i32 to index
      %get3A_109 = arith.constant 0 : index
      %get3A_110 = tpu.vector_load %arg19[%get3A_108, %get3A_109] {strides = array<i32>} : memref<32x16xi32, #tpu.memory_space<vmem>>, vector<16xi32>,
      %slice3A_111 = vector.extract_strided_slice %get3A_110 {offsets = [0], sizes = [1], strides = [1]} : vector<16xi32> to vector<1xi32>
      %squeeze3A_112 = vector.extract %slice3A_111[0] : i32 from vector<1xi32>
      %le3A_113 = arith.constant 512 : i32
      %le3A_114 = arith.cmpi sle, %squeeze3A_112, %le3A_113 : i32
      %convert_element_type3A_115 = arith.extui %le3A_114 : i1 to i32
      %cond3A_116 = arith.constant 0 : i32
      %cond3A_117 = arith.cmpi ne, %convert_element_type3A_115, %cond3A_116 : i32
      %cond3A_118 = scf.if %cond3A_117 -> (i32) {
        %add3A_125 = arith.constant 15 : i32
        %add3A_126 = arith.addi %squeeze3A_112, %add3A_125 : i32
        %jit3A_127 = arith.constant 16 : i32
        %div3A_128 = arith.divsi %add3A_126, %jit3A_127 : i32
        %sign3A_129 = arith.constant 0 : i32
        %sign3A_130 = arith.cmpi sgt, %add3A_126, %sign3A_129 : i32
        %sign3A_131 = arith.extui %sign3A_130 : i1 to i32
        %sign3A_132 = arith.constant 0 : i32
        %sign3A_133 = arith.cmpi slt, %add3A_126, %sign3A_132 : i32
        %sign3A_134 = arith.extui %sign3A_133 : i1 to i32
        %sign3A_135 = arith.subi %sign3A_131, %sign3A_134 : i32
        %sign3A_136 = arith.constant 0 : i32
        %sign3A_137 = arith.cmpi sgt, %jit3A_127, %sign3A_136 : i32
        %sign3A_138 = arith.extui %sign3A_137 : i1 to i32
        %sign3A_139 = arith.constant 0 : i32
        %sign3A_140 = arith.cmpi slt, %jit3A_127, %sign3A_139 : i32
        %sign3A_141 = arith.extui %sign3A_140 : i1 to i32
        %sign3A_142 = arith.subi %sign3A_138, %sign3A_141 : i32
        %ne3A_143 = arith.cmpi ne, %sign3A_135, %sign3A_142 : i32
        %rem3A_144 = arith.remsi %add3A_126, %jit3A_127 : i32
        %ne3A_145 = arith.constant 0 : i32
        %ne3A_146 = arith.cmpi ne, %rem3A_144, %ne3A_145 : i32
        %and3A_147 = arith.andi %ne3A_143, %ne3A_146 : i1
        %sub3A_148 = arith.constant 1 : i32
        %sub3A_149 = arith.subi %div3A_128, %sub3A_148 : i32
        %select_n3A_150 = arith.select %and3A_147, %sub3A_149, %div3A_128 : i32
        %while3A_151 = arith.constant 0 : i32
        %while3A_152 = arith.subi %select_n3A_150, %while3A_151 : i32
        %while3A_153 = arith.addi %while3A_151, %while3A_152 : i32
        %while3A_154 = arith.constant 1 : i32
        %while3A_155 = arith.divsi %while3A_152, %while3A_154 : i32
        %while3A_156 = arith.muli %while3A_155, %while3A_154 : i32
        %while3A_157 = arith.addi %while3A_151, %while3A_156 : i32
        %while3A_158 = arith.constant 1 : i32
        %while3A_159 = scf.for %while3A_162 = %while3A_151 to %while3A_157 step %while3A_158 iter_args(%while3A_163 = %cond3A_92) -> (i32)  : i32 {
          %mul3A_164 = arith.constant 16 : i32
          %mul3A_165 = arith.muli %while3A_162, %mul3A_164 : i32
          %get3A_166 = arith.index_cast %mul3A_165 : i32 to index
          %get3A_167 = tpu.vector_load %arg18[%get3A_166] {strides = array<i32>} : memref<512xi32, #tpu.memory_space<vmem>>, vector<16xi32>,
          %iota3A = tpu.iota {dimensions = array<i32: 0>} : vector<16xi32>
          %add3A_168 = vector.broadcast %mul3A_165 : i32 to vector<16xi32>
          %add3A_169 = arith.addi %add3A_168, %iota3A : vector<16xi32>
          %lt3A_170 = vector.broadcast %squeeze3A_112 : i32 to vector<16xi32>
          %lt3A_171 = arith.cmpi slt, %add3A_169, %lt3A_170 : vector<16xi32>
          %shift_right_logical3A = arith.constant 4 : i32
          %shift_right_logical3A_172 = vector.broadcast %shift_right_logical3A : i32 to vector<16xi32>
          %shift_right_logical3A_173 = arith.shrui %get3A_167, %shift_right_logical3A_172 : vector<16xi32>
          %and3A_174 = arith.constant 511 : i32
          %and3A_175 = vector.broadcast %and3A_174 : i32 to vector<16xi32>
          %and3A_176 = arith.andi %shift_right_logical3A_173, %and3A_175 : vector<16xi32>
          %sub3A_177 = vector.broadcast %mul3A_2 : i32 to vector<16xi32>
          %sub3A_178 = arith.subi %and3A_176, %sub3A_177 : vector<16xi32>
          %ge3A_179 = arith.constant 0 : i32
          %ge3A_180 = vector.broadcast %ge3A_179 : i32 to vector<16xi32>
          %ge3A_181 = arith.cmpi sge, %sub3A_178, %ge3A_180 : vector<16xi32>
          %and3A_182 = arith.andi %lt3A_171, %ge3A_181 : vector<16xi1>
          %lt3A_183 = arith.constant 16 : i32
          %lt3A_184 = vector.broadcast %lt3A_183 : i32 to vector<16xi32>
          %lt3A_185 = arith.cmpi slt, %sub3A_178, %lt3A_184 : vector<16xi32>
          %and3A_186 = arith.andi %and3A_182, %lt3A_185 : vector<16xi1>
          %mul3A_187 = arith.constant 12 : i32
          %mul3A_188 = vector.broadcast %mul3A_187 : i32 to vector<16xi32>
          %mul3A_189 = arith.muli %sub3A_178, %mul3A_188 : vector<16xi32>
          %and3A_190 = arith.constant 15 : i32
          %and3A_191 = vector.broadcast %and3A_190 : i32 to vector<16xi32>
          %and3A_192 = arith.andi %get3A_167, %and3A_191 : vector<16xi32>
          %add3A_193 = arith.addi %mul3A_189, %and3A_192 : vector<16xi32>
          %jit3A_194 = arith.constant 0 : i32
          %broadcast_in_dim3A = vector.broadcast %jit3A_194 : i32 to vector<16xi32>
          %select_n3A_195 = arith.select %and3A_186, %add3A_193, %broadcast_in_dim3A : vector<16xi1>, vector<16xi32>
          %shift_right_logical3A_196 = arith.constant 13 : i32
          %shift_right_logical3A_197 = vector.broadcast %shift_right_logical3A_196 : i32 to vector<16xi32>
          %shift_right_logical3A_198 = arith.shrui %get3A_167, %shift_right_logical3A_197 : vector<16xi32>
          %shift_left3A = arith.constant 8 : i32
          %shift_left3A_199 = vector.broadcast %shift_left3A : i32 to vector<16xi32>
          %shift_left3A_200 = arith.shli %shift_right_logical3A_198, %shift_left3A_199 : vector<16xi32>
          %or3A = arith.ori %shift_left3A_200, %select_n3A_195 : vector<16xi32>
          %swap3A = arith.index_cast %while3A_163 : i32 to index
          %swap3A_201 = tpu.vector_load %arg20[%swap3A] masked %and3A_186 {strides = array<i32>} : memref<13208xi32, #tpu.memory_space<vmem>>, vector<16xi32>, vector<16xi1>
          tpu.vector_store %arg20[%swap3A], %or3A masked %and3A_186 {strides = array<i32>} : memref<13208xi32, #tpu.memory_space<vmem>>, vector<16xi32>, vector<16xi1>
          %convert_element_type3A_202 = arith.extui %and3A_186 : vector<16xi1> to vector<16xi32>
          %reduce_sum3A = arith.constant true
          %reduce_sum3A_203 = vector.broadcast %reduce_sum3A : i1 to vector<16xi1>
          %reduce_sum3A_204 = tpu.scan <sum>, %convert_element_type3A_202 masked %reduce_sum3A_203 : vector<16xi32>, vector<16xi1> -> vector<16xi32>
          %reduce_sum3A_205 = vector.extract %reduce_sum3A_204[15] : i32 from vector<16xi32>
          %add3A_206 = arith.addi %while3A_163, %reduce_sum3A_205 : i32
          scf.yield %add3A_206 : i32
        }
        %while3A_160 = arith.constant 1 : i32
        %while3A_161 = scf.for %while3A_162 = %while3A_157 to %while3A_153 step %while3A_160 iter_args(%while3A_163 = %while3A_159) -> (i32)  : i32 {
          %mul3A_164 = arith.constant 16 : i32
          %mul3A_165 = arith.muli %while3A_162, %mul3A_164 : i32
          %get3A_166 = arith.index_cast %mul3A_165 : i32 to index
          %get3A_167 = tpu.vector_load %arg18[%get3A_166] {strides = array<i32>} : memref<512xi32, #tpu.memory_space<vmem>>, vector<16xi32>,
          %iota3A = tpu.iota {dimensions = array<i32: 0>} : vector<16xi32>
          %add3A_168 = vector.broadcast %mul3A_165 : i32 to vector<16xi32>
          %add3A_169 = arith.addi %add3A_168, %iota3A : vector<16xi32>
          %lt3A_170 = vector.broadcast %squeeze3A_112 : i32 to vector<16xi32>
          %lt3A_171 = arith.cmpi slt, %add3A_169, %lt3A_170 : vector<16xi32>
          %shift_right_logical3A = arith.constant 4 : i32
          %shift_right_logical3A_172 = vector.broadcast %shift_right_logical3A : i32 to vector<16xi32>
          %shift_right_logical3A_173 = arith.shrui %get3A_167, %shift_right_logical3A_172 : vector<16xi32>
          %and3A_174 = arith.constant 511 : i32
          %and3A_175 = vector.broadcast %and3A_174 : i32 to vector<16xi32>
          %and3A_176 = arith.andi %shift_right_logical3A_173, %and3A_175 : vector<16xi32>
          %sub3A_177 = vector.broadcast %mul3A_2 : i32 to vector<16xi32>
          %sub3A_178 = arith.subi %and3A_176, %sub3A_177 : vector<16xi32>
          %ge3A_179 = arith.constant 0 : i32
          %ge3A_180 = vector.broadcast %ge3A_179 : i32 to vector<16xi32>
          %ge3A_181 = arith.cmpi sge, %sub3A_178, %ge3A_180 : vector<16xi32>
          %and3A_182 = arith.andi %lt3A_171, %ge3A_181 : vector<16xi1>
          %lt3A_183 = arith.constant 16 : i32
          %lt3A_184 = vector.broadcast %lt3A_183 : i32 to vector<16xi32>
          %lt3A_185 = arith.cmpi slt, %sub3A_178, %lt3A_184 : vector<16xi32>
          %and3A_186 = arith.andi %and3A_182, %lt3A_185 : vector<16xi1>
          %mul3A_187 = arith.constant 12 : i32
          %mul3A_188 = vector.broadcast %mul3A_187 : i32 to vector<16xi32>
          %mul3A_189 = arith.muli %sub3A_178, %mul3A_188 : vector<16xi32>
          %and3A_190 = arith.constant 15 : i32
          %and3A_191 = vector.broadcast %and3A_190 : i32 to vector<16xi32>
          %and3A_192 = arith.andi %get3A_167, %and3A_191 : vector<16xi32>
          %add3A_193 = arith.addi %mul3A_189, %and3A_192 : vector<16xi32>
          %jit3A_194 = arith.constant 0 : i32
          %broadcast_in_dim3A = vector.broadcast %jit3A_194 : i32 to vector<16xi32>
          %select_n3A_195 = arith.select %and3A_186, %add3A_193, %broadcast_in_dim3A : vector<16xi1>, vector<16xi32>
          %shift_right_logical3A_196 = arith.constant 13 : i32
          %shift_right_logical3A_197 = vector.broadcast %shift_right_logical3A_196 : i32 to vector<16xi32>
          %shift_right_logical3A_198 = arith.shrui %get3A_167, %shift_right_logical3A_197 : vector<16xi32>
          %shift_left3A = arith.constant 8 : i32
          %shift_left3A_199 = vector.broadcast %shift_left3A : i32 to vector<16xi32>
          %shift_left3A_200 = arith.shli %shift_right_logical3A_198, %shift_left3A_199 : vector<16xi32>
          %or3A = arith.ori %shift_left3A_200, %select_n3A_195 : vector<16xi32>
          %swap3A = arith.index_cast %while3A_163 : i32 to index
          %swap3A_201 = tpu.vector_load %arg20[%swap3A] masked %and3A_186 {strides = array<i32>} : memref<13208xi32, #tpu.memory_space<vmem>>, vector<16xi32>, vector<16xi1>
          tpu.vector_store %arg20[%swap3A], %or3A masked %and3A_186 {strides = array<i32>} : memref<13208xi32, #tpu.memory_space<vmem>>, vector<16xi32>, vector<16xi1>
          %convert_element_type3A_202 = arith.extui %and3A_186 : vector<16xi1> to vector<16xi32>
          %reduce_sum3A = arith.constant true
          %reduce_sum3A_203 = vector.broadcast %reduce_sum3A : i1 to vector<16xi1>
          %reduce_sum3A_204 = tpu.scan <sum>, %convert_element_type3A_202 masked %reduce_sum3A_203 : vector<16xi32>, vector<16xi1> -> vector<16xi32>
          %reduce_sum3A_205 = vector.extract %reduce_sum3A_204[15] : i32 from vector<16xi32>
          %add3A_206 = arith.addi %while3A_163, %reduce_sum3A_205 : i32
          scf.yield %add3A_206 : i32
        }
        scf.yield %while3A_161 : i32
      } else {
        "tpu.region"() ({
          %run_scoped3A = tpu.sem_alloc : memref<!tpu.dma_semaphore, #tpu.memory_space<semaphore_mem>>
          %dma_start3A_162 = arith.constant 0 : i32
          %dma_start3A_163 = tpu.memref_slice %arg2[%add3A_107, %dma_start3A_162] : memref<32x5016xi32, #tpu.memory_space<hbm>> -> memref<1x5016xi32, #tpu.memory_space<hbm>>
          %dma_start3A_164 = tpu.memref_squeeze %dma_start3A_163 : memref<1x5016xi32, #tpu.memory_space<hbm>> -> memref<5016xi32, #tpu.memory_space<hbm>>
          %dma_start3A_165 = arith.constant 0 : i32
          %dma_start3A_166 = tpu.memref_slice %arg2[%add3A_107, %dma_start3A_165] : memref<32x5016xi32, #tpu.memory_space<hbm>> -> memref<1x5016xi32, #tpu.memory_space<hbm>>
          %dma_start3A_167 = tpu.memref_squeeze %dma_start3A_166 : memref<1x5016xi32, #tpu.memory_space<hbm>> -> memref<5016xi32, #tpu.memory_space<hbm>>
          tpu.enqueue_dma source(%dma_start3A_167 : memref<5016xi32, #tpu.memory_space<hbm>>) target(%arg16 : memref<5016xi32, #tpu.memory_space<vmem>>) target_semaphore(%run_scoped3A : memref<!tpu.dma_semaphore, #tpu.memory_space<semaphore_mem>>)
          %dma_wait3A_168 = arith.constant 0 : i32
          %dma_wait3A_169 = tpu.memref_slice %arg2[%add3A_107, %dma_wait3A_168] : memref<32x5016xi32, #tpu.memory_space<hbm>> -> memref<1x5016xi32, #tpu.memory_space<hbm>>
          %dma_wait3A_170 = tpu.memref_squeeze %dma_wait3A_169 : memref<1x5016xi32, #tpu.memory_space<hbm>> -> memref<5016xi32, #tpu.memory_space<hbm>>
          %dma_wait3A_171 = arith.constant 0 : i32
          %dma_wait3A_172 = tpu.memref_slice %arg2[%add3A_107, %dma_wait3A_171] : memref<32x5016xi32, #tpu.memory_space<hbm>> -> memref<1x5016xi32, #tpu.memory_space<hbm>>
          %dma_wait3A_173 = tpu.memref_squeeze %dma_wait3A_172 : memref<1x5016xi32, #tpu.memory_space<hbm>> -> memref<5016xi32, #tpu.memory_space<hbm>>
          tpu.wait_dma2 semaphore(%run_scoped3A : memref<!tpu.dma_semaphore, #tpu.memory_space<semaphore_mem>>) src(%dma_wait3A_173 : memref<5016xi32, #tpu.memory_space<hbm>>) dst(%arg16 : memref<5016xi32, #tpu.memory_space<vmem>>)
          tpu.yield
        }) : () -> ()
        %add3A_125 = arith.constant 15 : i32
        %add3A_126 = arith.addi %squeeze3A_112, %add3A_125 : i32
        %jit3A_127 = arith.constant 16 : i32
        %div3A_128 = arith.divsi %add3A_126, %jit3A_127 : i32
        %sign3A_129 = arith.constant 0 : i32
        %sign3A_130 = arith.cmpi sgt, %add3A_126, %sign3A_129 : i32
        %sign3A_131 = arith.extui %sign3A_130 : i1 to i32
        %sign3A_132 = arith.constant 0 : i32
        %sign3A_133 = arith.cmpi slt, %add3A_126, %sign3A_132 : i32
        %sign3A_134 = arith.extui %sign3A_133 : i1 to i32
        %sign3A_135 = arith.subi %sign3A_131, %sign3A_134 : i32
        %sign3A_136 = arith.constant 0 : i32
        %sign3A_137 = arith.cmpi sgt, %jit3A_127, %sign3A_136 : i32
        %sign3A_138 = arith.extui %sign3A_137 : i1 to i32
        %sign3A_139 = arith.constant 0 : i32
        %sign3A_140 = arith.cmpi slt, %jit3A_127, %sign3A_139 : i32
        %sign3A_141 = arith.extui %sign3A_140 : i1 to i32
        %sign3A_142 = arith.subi %sign3A_138, %sign3A_141 : i32
        %ne3A_143 = arith.cmpi ne, %sign3A_135, %sign3A_142 : i32
        %rem3A_144 = arith.remsi %add3A_126, %jit3A_127 : i32
        %ne3A_145 = arith.constant 0 : i32
        %ne3A_146 = arith.cmpi ne, %rem3A_144, %ne3A_145 : i32
        %and3A_147 = arith.andi %ne3A_143, %ne3A_146 : i1
        %sub3A_148 = arith.constant 1 : i32
        %sub3A_149 = arith.subi %div3A_128, %sub3A_148 : i32
        %select_n3A_150 = arith.select %and3A_147, %sub3A_149, %div3A_128 : i32
        %while3A_151 = arith.constant 0 : i32
        %while3A_152 = arith.subi %select_n3A_150, %while3A_151 : i32
        %while3A_153 = arith.addi %while3A_151, %while3A_152 : i32
        %while3A_154 = arith.constant 1 : i32
        %while3A_155 = arith.divsi %while3A_152, %while3A_154 : i32
        %while3A_156 = arith.muli %while3A_155, %while3A_154 : i32
        %while3A_157 = arith.addi %while3A_151, %while3A_156 : i32
        %while3A_158 = arith.constant 1 : i32
        %while3A_159 = scf.for %while3A_162 = %while3A_151 to %while3A_157 step %while3A_158 iter_args(%while3A_163 = %cond3A_92) -> (i32)  : i32 {
          %mul3A_164 = arith.constant 16 : i32
          %mul3A_165 = arith.muli %while3A_162, %mul3A_164 : i32
          %get3A_166 = arith.index_cast %mul3A_165 : i32 to index
          %get3A_167 = tpu.vector_load %arg16[%get3A_166] {strides = array<i32>} : memref<5016xi32, #tpu.memory_space<vmem>>, vector<16xi32>,
          %iota3A = tpu.iota {dimensions = array<i32: 0>} : vector<16xi32>
          %add3A_168 = vector.broadcast %mul3A_165 : i32 to vector<16xi32>
          %add3A_169 = arith.addi %add3A_168, %iota3A : vector<16xi32>
          %lt3A_170 = vector.broadcast %squeeze3A_112 : i32 to vector<16xi32>
          %lt3A_171 = arith.cmpi slt, %add3A_169, %lt3A_170 : vector<16xi32>
          %shift_right_logical3A = arith.constant 4 : i32
          %shift_right_logical3A_172 = vector.broadcast %shift_right_logical3A : i32 to vector<16xi32>
          %shift_right_logical3A_173 = arith.shrui %get3A_167, %shift_right_logical3A_172 : vector<16xi32>
          %and3A_174 = arith.constant 511 : i32
          %and3A_175 = vector.broadcast %and3A_174 : i32 to vector<16xi32>
          %and3A_176 = arith.andi %shift_right_logical3A_173, %and3A_175 : vector<16xi32>
          %sub3A_177 = vector.broadcast %mul3A_2 : i32 to vector<16xi32>
          %sub3A_178 = arith.subi %and3A_176, %sub3A_177 : vector<16xi32>
          %ge3A_179 = arith.constant 0 : i32
          %ge3A_180 = vector.broadcast %ge3A_179 : i32 to vector<16xi32>
          %ge3A_181 = arith.cmpi sge, %sub3A_178, %ge3A_180 : vector<16xi32>
          %and3A_182 = arith.andi %lt3A_171, %ge3A_181 : vector<16xi1>
          %lt3A_183 = arith.constant 16 : i32
          %lt3A_184 = vector.broadcast %lt3A_183 : i32 to vector<16xi32>
          %lt3A_185 = arith.cmpi slt, %sub3A_178, %lt3A_184 : vector<16xi32>
          %and3A_186 = arith.andi %and3A_182, %lt3A_185 : vector<16xi1>
          %mul3A_187 = arith.constant 12 : i32
          %mul3A_188 = vector.broadcast %mul3A_187 : i32 to vector<16xi32>
          %mul3A_189 = arith.muli %sub3A_178, %mul3A_188 : vector<16xi32>
          %and3A_190 = arith.constant 15 : i32
          %and3A_191 = vector.broadcast %and3A_190 : i32 to vector<16xi32>
          %and3A_192 = arith.andi %get3A_167, %and3A_191 : vector<16xi32>
          %add3A_193 = arith.addi %mul3A_189, %and3A_192 : vector<16xi32>
          %jit3A_194 = arith.constant 0 : i32
          %broadcast_in_dim3A = vector.broadcast %jit3A_194 : i32 to vector<16xi32>
          %select_n3A_195 = arith.select %and3A_186, %add3A_193, %broadcast_in_dim3A : vector<16xi1>, vector<16xi32>
          %shift_right_logical3A_196 = arith.constant 13 : i32
          %shift_right_logical3A_197 = vector.broadcast %shift_right_logical3A_196 : i32 to vector<16xi32>
          %shift_right_logical3A_198 = arith.shrui %get3A_167, %shift_right_logical3A_197 : vector<16xi32>
          %shift_left3A = arith.constant 8 : i32
          %shift_left3A_199 = vector.broadcast %shift_left3A : i32 to vector<16xi32>
          %shift_left3A_200 = arith.shli %shift_right_logical3A_198, %shift_left3A_199 : vector<16xi32>
          %or3A = arith.ori %shift_left3A_200, %select_n3A_195 : vector<16xi32>
          %swap3A = arith.index_cast %while3A_163 : i32 to index
          %swap3A_201 = tpu.vector_load %arg20[%swap3A] masked %and3A_186 {strides = array<i32>} : memref<13208xi32, #tpu.memory_space<vmem>>, vector<16xi32>, vector<16xi1>
          tpu.vector_store %arg20[%swap3A], %or3A masked %and3A_186 {strides = array<i32>} : memref<13208xi32, #tpu.memory_space<vmem>>, vector<16xi32>, vector<16xi1>
          %convert_element_type3A_202 = arith.extui %and3A_186 : vector<16xi1> to vector<16xi32>
          %reduce_sum3A = arith.constant true
          %reduce_sum3A_203 = vector.broadcast %reduce_sum3A : i1 to vector<16xi1>
          %reduce_sum3A_204 = tpu.scan <sum>, %convert_element_type3A_202 masked %reduce_sum3A_203 : vector<16xi32>, vector<16xi1> -> vector<16xi32>
          %reduce_sum3A_205 = vector.extract %reduce_sum3A_204[15] : i32 from vector<16xi32>
          %add3A_206 = arith.addi %while3A_163, %reduce_sum3A_205 : i32
          scf.yield %add3A_206 : i32
        }
        %while3A_160 = arith.constant 1 : i32
        %while3A_161 = scf.for %while3A_162 = %while3A_157 to %while3A_153 step %while3A_160 iter_args(%while3A_163 = %while3A_159) -> (i32)  : i32 {
          %mul3A_164 = arith.constant 16 : i32
          %mul3A_165 = arith.muli %while3A_162, %mul3A_164 : i32
          %get3A_166 = arith.index_cast %mul3A_165 : i32 to index
          %get3A_167 = tpu.vector_load %arg16[%get3A_166] {strides = array<i32>} : memref<5016xi32, #tpu.memory_space<vmem>>, vector<16xi32>,
          %iota3A = tpu.iota {dimensions = array<i32: 0>} : vector<16xi32>
          %add3A_168 = vector.broadcast %mul3A_165 : i32 to vector<16xi32>
          %add3A_169 = arith.addi %add3A_168, %iota3A : vector<16xi32>
          %lt3A_170 = vector.broadcast %squeeze3A_112 : i32 to vector<16xi32>
          %lt3A_171 = arith.cmpi slt, %add3A_169, %lt3A_170 : vector<16xi32>
          %shift_right_logical3A = arith.constant 4 : i32
          %shift_right_logical3A_172 = vector.broadcast %shift_right_logical3A : i32 to vector<16xi32>
          %shift_right_logical3A_173 = arith.shrui %get3A_167, %shift_right_logical3A_172 : vector<16xi32>
          %and3A_174 = arith.constant 511 : i32
          %and3A_175 = vector.broadcast %and3A_174 : i32 to vector<16xi32>
          %and3A_176 = arith.andi %shift_right_logical3A_173, %and3A_175 : vector<16xi32>
          %sub3A_177 = vector.broadcast %mul3A_2 : i32 to vector<16xi32>
          %sub3A_178 = arith.subi %and3A_176, %sub3A_177 : vector<16xi32>
          %ge3A_179 = arith.constant 0 : i32
          %ge3A_180 = vector.broadcast %ge3A_179 : i32 to vector<16xi32>
          %ge3A_181 = arith.cmpi sge, %sub3A_178, %ge3A_180 : vector<16xi32>
          %and3A_182 = arith.andi %lt3A_171, %ge3A_181 : vector<16xi1>
          %lt3A_183 = arith.constant 16 : i32
          %lt3A_184 = vector.broadcast %lt3A_183 : i32 to vector<16xi32>
          %lt3A_185 = arith.cmpi slt, %sub3A_178, %lt3A_184 : vector<16xi32>
          %and3A_186 = arith.andi %and3A_182, %lt3A_185 : vector<16xi1>
          %mul3A_187 = arith.constant 12 : i32
          %mul3A_188 = vector.broadcast %mul3A_187 : i32 to vector<16xi32>
          %mul3A_189 = arith.muli %sub3A_178, %mul3A_188 : vector<16xi32>
          %and3A_190 = arith.constant 15 : i32
          %and3A_191 = vector.broadcast %and3A_190 : i32 to vector<16xi32>
          %and3A_192 = arith.andi %get3A_167, %and3A_191 : vector<16xi32>
          %add3A_193 = arith.addi %mul3A_189, %and3A_192 : vector<16xi32>
          %jit3A_194 = arith.constant 0 : i32
          %broadcast_in_dim3A = vector.broadcast %jit3A_194 : i32 to vector<16xi32>
          %select_n3A_195 = arith.select %and3A_186, %add3A_193, %broadcast_in_dim3A : vector<16xi1>, vector<16xi32>
          %shift_right_logical3A_196 = arith.constant 13 : i32
          %shift_right_logical3A_197 = vector.broadcast %shift_right_logical3A_196 : i32 to vector<16xi32>
          %shift_right_logical3A_198 = arith.shrui %get3A_167, %shift_right_logical3A_197 : vector<16xi32>
          %shift_left3A = arith.constant 8 : i32
          %shift_left3A_199 = vector.broadcast %shift_left3A : i32 to vector<16xi32>
          %shift_left3A_200 = arith.shli %shift_right_logical3A_198, %shift_left3A_199 : vector<16xi32>
          %or3A = arith.ori %shift_left3A_200, %select_n3A_195 : vector<16xi32>
          %swap3A = arith.index_cast %while3A_163 : i32 to index
          %swap3A_201 = tpu.vector_load %arg20[%swap3A] masked %and3A_186 {strides = array<i32>} : memref<13208xi32, #tpu.memory_space<vmem>>, vector<16xi32>, vector<16xi1>
          tpu.vector_store %arg20[%swap3A], %or3A masked %and3A_186 {strides = array<i32>} : memref<13208xi32, #tpu.memory_space<vmem>>, vector<16xi32>, vector<16xi1>
          %convert_element_type3A_202 = arith.extui %and3A_186 : vector<16xi1> to vector<16xi32>
          %reduce_sum3A = arith.constant true
          %reduce_sum3A_203 = vector.broadcast %reduce_sum3A : i1 to vector<16xi1>
          %reduce_sum3A_204 = tpu.scan <sum>, %convert_element_type3A_202 masked %reduce_sum3A_203 : vector<16xi32>, vector<16xi1> -> vector<16xi32>
          %reduce_sum3A_205 = vector.extract %reduce_sum3A_204[15] : i32 from vector<16xi32>
          %add3A_206 = arith.addi %while3A_163, %reduce_sum3A_205 : i32
          scf.yield %add3A_206 : i32
        }
        scf.yield %while3A_161 : i32
      }
      %ge3A_119 = arith.constant 8192 : i32
      %ge3A_120 = arith.cmpi sge, %cond3A_118, %ge3A_119 : i32
      %convert_element_type3A_121 = arith.extui %ge3A_120 : i1 to i32
      %cond3A_122 = arith.constant 0 : i32
      %cond3A_123 = arith.cmpi ne, %convert_element_type3A_121, %cond3A_122 : i32
      %cond3A_124 = scf.if %cond3A_123 -> (i32) {
        %add3A_125 = arith.constant 63 : i32
        %add3A_126 = arith.addi %cond3A_118, %add3A_125 : i32
        %jit3A_127 = arith.constant 64 : i32
        %div3A_128 = arith.divsi %add3A_126, %jit3A_127 : i32
        %sign3A_129 = arith.constant 0 : i32
        %sign3A_130 = arith.cmpi sgt, %add3A_126, %sign3A_129 : i32
        %sign3A_131 = arith.extui %sign3A_130 : i1 to i32
        %sign3A_132 = arith.constant 0 : i32
        %sign3A_133 = arith.cmpi slt, %add3A_126, %sign3A_132 : i32
        %sign3A_134 = arith.extui %sign3A_133 : i1 to i32
        %sign3A_135 = arith.subi %sign3A_131, %sign3A_134 : i32
        %sign3A_136 = arith.constant 0 : i32
        %sign3A_137 = arith.cmpi sgt, %jit3A_127, %sign3A_136 : i32
        %sign3A_138 = arith.extui %sign3A_137 : i1 to i32
        %sign3A_139 = arith.constant 0 : i32
        %sign3A_140 = arith.cmpi slt, %jit3A_127, %sign3A_139 : i32
        %sign3A_141 = arith.extui %sign3A_140 : i1 to i32
        %sign3A_142 = arith.subi %sign3A_138, %sign3A_141 : i32
        %ne3A_143 = arith.cmpi ne, %sign3A_135, %sign3A_142 : i32
        %rem3A_144 = arith.remsi %add3A_126, %jit3A_127 : i32
        %ne3A_145 = arith.constant 0 : i32
        %ne3A_146 = arith.cmpi ne, %rem3A_144, %ne3A_145 : i32
        %and3A_147 = arith.andi %ne3A_143, %ne3A_146 : i1
        %sub3A_148 = arith.constant 1 : i32
        %sub3A_149 = arith.subi %div3A_128, %sub3A_148 : i32
        %select_n3A_150 = arith.select %and3A_147, %sub3A_149, %div3A_128 : i32
        %while3A_151 = arith.constant 0 : i32
        %while3A_152 = arith.constant 0 : i32
        %while3A_153 = arith.subi %select_n3A_150, %while3A_152 : i32
        %while3A_154 = arith.addi %while3A_152, %while3A_153 : i32
        %while3A_155 = arith.constant 1 : i32
        %while3A_156 = arith.divsi %while3A_153, %while3A_155 : i32
        %while3A_157 = arith.muli %while3A_156, %while3A_155 : i32
        %while3A_158 = arith.addi %while3A_152, %while3A_157 : i32
        %while3A_159 = arith.constant 1 : i32
        scf.for %while3A_162 = %while3A_152 to %while3A_158 step %while3A_159  : i32 {
          %mul3A_163 = arith.constant 64 : i32
          %mul3A_164 = arith.muli %while3A_162, %mul3A_163 : i32
          %add3A_165 = arith.constant 0 : i32
          %add3A_166 = arith.addi %mul3A_164, %add3A_165 : i32
          %iota3A = tpu.iota {dimensions = array<i32: 0>} : vector<16xi32>
          %add3A_167 = vector.broadcast %add3A_166 : i32 to vector<16xi32>
          %add3A_168 = arith.addi %add3A_167, %iota3A : vector<16xi32>
          %lt3A_169 = vector.broadcast %cond3A_118 : i32 to vector<16xi32>
          %lt3A_170 = arith.cmpi slt, %add3A_168, %lt3A_169 : vector<16xi32>
          %get3A_171 = arith.index_cast %add3A_166 : i32 to index
          %get3A_172 = tpu.vector_load %arg20[%get3A_171] {strides = array<i32>} : memref<13208xi32, #tpu.memory_space<vmem>>, vector<16xi32>,
          %shift_right_logical3A = arith.constant 8 : i32
          %shift_right_logical3A_173 = vector.broadcast %shift_right_logical3A : i32 to vector<16xi32>
          %shift_right_logical3A_174 = arith.shrui %get3A_172, %shift_right_logical3A_173 : vector<16xi32>
          %jit3A_175 = arith.constant 0 : i32
          %broadcast_in_dim3A = vector.broadcast %jit3A_175 : i32 to vector<16xi32>
          %select_n3A_176 = arith.select %lt3A_170, %shift_right_logical3A_174, %broadcast_in_dim3A : vector<16xi1>, vector<16xi32>
          %swap3A = arith.constant 0 : index
          %swap3A_177 = tpu.vector_load %arg12[%swap3A] {strides = array<i32>} : memref<64xi32, #tpu.memory_space<vmem>>, vector<16xi32>,
          tpu.vector_store %arg12[%swap3A], %select_n3A_176 {strides = array<i32>} : memref<64xi32, #tpu.memory_space<vmem>>, vector<16xi32>,
          %and3A_178 = arith.constant 255 : i32
          %and3A_179 = vector.broadcast %and3A_178 : i32 to vector<16xi32>
          %and3A_180 = arith.andi %get3A_172, %and3A_179 : vector<16xi32>
          %jit3A_181 = arith.constant 192 : i32
          %broadcast_in_dim3A_182 = vector.broadcast %jit3A_181 : i32 to vector<16xi32>
          %select_n3A_183 = arith.select %lt3A_170, %and3A_180, %broadcast_in_dim3A_182 : vector<16xi1>, vector<16xi32>
          %swap3A_184 = arith.constant 0 : index
          %swap3A_185 = tpu.vector_load %arg13[%swap3A_184] {strides = array<i32>} : memref<80xi32, #tpu.memory_space<vmem>>, vector<16xi32>,
          tpu.vector_store %arg13[%swap3A_184], %select_n3A_183 {strides = array<i32>} : memref<80xi32, #tpu.memory_space<vmem>>, vector<16xi32>,
          %and3A_186 = arith.constant 255 : i32
          %and3A_187 = vector.broadcast %and3A_186 : i32 to vector<16xi32>
          %and3A_188 = arith.andi %get3A_172, %and3A_187 : vector<16xi32>
          %jit3A_189 = arith.constant 192 : i32
          %broadcast_in_dim3A_190 = vector.broadcast %jit3A_189 : i32 to vector<16xi32>
          %select_n3A_191 = arith.select %lt3A_170, %and3A_188, %broadcast_in_dim3A_190 : vector<16xi1>, vector<16xi32>
          %broadcast_in_dim3A_192 = arith.constant 1.000000e+00 : f32
          %broadcast_in_dim3A_193 = vector.broadcast %broadcast_in_dim3A_192 : f32 to vector<16xf32>
          tpu.vector_store_idx %arg14[%select_n3A_191], %broadcast_in_dim3A_193 masked %lt3A_170 {add = true} : memref<200xf32, #tpu.memory_space<vmem>>[vector<16xi32>], vector<16xf32>, vector<16xi1>
          %add3A_194 = arith.constant 16 : i32
          %add3A_195 = arith.addi %mul3A_164, %add3A_194 : i32
          %iota3A_196 = tpu.iota {dimensions = array<i32: 0>} : vector<16xi32>
          %add3A_197 = vector.broadcast %add3A_195 : i32 to vector<16xi32>
          %add3A_198 = arith.addi %add3A_197, %iota3A_196 : vector<16xi32>
          %lt3A_199 = vector.broadcast %cond3A_118 : i32 to vector<16xi32>
          %lt3A_200 = arith.cmpi slt, %add3A_198, %lt3A_199 : vector<16xi32>
          %get3A_201 = arith.index_cast %add3A_195 : i32 to index
          %get3A_202 = tpu.vector_load %arg20[%get3A_201] {strides = array<i32>} : memref<13208xi32, #tpu.memory_space<vmem>>, vector<16xi32>,
          %shift_right_logical3A_203 = arith.constant 8 : i32
          %shift_right_logical3A_204 = vector.broadcast %shift_right_logical3A_203 : i32 to vector<16xi32>
          %shift_right_logical3A_205 = arith.shrui %get3A_202, %shift_right_logical3A_204 : vector<16xi32>
          %jit3A_206 = arith.constant 0 : i32
          %broadcast_in_dim3A_207 = vector.broadcast %jit3A_206 : i32 to vector<16xi32>
          %select_n3A_208 = arith.select %lt3A_200, %shift_right_logical3A_205, %broadcast_in_dim3A_207 : vector<16xi1>, vector<16xi32>
          %swap3A_209 = arith.constant 16 : index
          %swap3A_210 = tpu.vector_load %arg12[%swap3A_209] {strides = array<i32>} : memref<64xi32, #tpu.memory_space<vmem>>, vector<16xi32>,
          tpu.vector_store %arg12[%swap3A_209], %select_n3A_208 {strides = array<i32>} : memref<64xi32, #tpu.memory_space<vmem>>, vector<16xi32>,
          %and3A_211 = arith.constant 255 : i32
          %and3A_212 = vector.broadcast %and3A_211 : i32 to vector<16xi32>
          %and3A_213 = arith.andi %get3A_202, %and3A_212 : vector<16xi32>
          %jit3A_214 = arith.constant 192 : i32
          %broadcast_in_dim3A_215 = vector.broadcast %jit3A_214 : i32 to vector<16xi32>
          %select_n3A_216 = arith.select %lt3A_200, %and3A_213, %broadcast_in_dim3A_215 : vector<16xi1>, vector<16xi32>
          %swap3A_217 = arith.constant 16 : index
          %swap3A_218 = tpu.vector_load %arg13[%swap3A_217] {strides = array<i32>} : memref<80xi32, #tpu.memory_space<vmem>>, vector<16xi32>,
          tpu.vector_store %arg13[%swap3A_217], %select_n3A_216 {strides = array<i32>} : memref<80xi32, #tpu.memory_space<vmem>>, vector<16xi32>,
          %and3A_219 = arith.constant 255 : i32
          %and3A_220 = vector.broadcast %and3A_219 : i32 to vector<16xi32>
          %and3A_221 = arith.andi %get3A_202, %and3A_220 : vector<16xi32>
          %jit3A_222 = arith.constant 192 : i32
          %broadcast_in_dim3A_223 = vector.broadcast %jit3A_222 : i32 to vector<16xi32>
          %select_n3A_224 = arith.select %lt3A_200, %and3A_221, %broadcast_in_dim3A_223 : vector<16xi1>, vector<16xi32>
          %broadcast_in_dim3A_225 = arith.constant 1.000000e+00 : f32
          %broadcast_in_dim3A_226 = vector.broadcast %broadcast_in_dim3A_225 : f32 to vector<16xf32>
          tpu.vector_store_idx %arg14[%select_n3A_224], %broadcast_in_dim3A_226 masked %lt3A_200 {add = true} : memref<200xf32, #tpu.memory_space<vmem>>[vector<16xi32>], vector<16xf32>, vector<16xi1>
          %add3A_227 = arith.constant 32 : i32
          %add3A_228 = arith.addi %mul3A_164, %add3A_227 : i32
          %iota3A_229 = tpu.iota {dimensions = array<i32: 0>} : vector<16xi32>
          %add3A_230 = vector.broadcast %add3A_228 : i32 to vector<16xi32>
          %add3A_231 = arith.addi %add3A_230, %iota3A_229 : vector<16xi32>
          %lt3A_232 = vector.broadcast %cond3A_118 : i32 to vector<16xi32>
          %lt3A_233 = arith.cmpi slt, %add3A_231, %lt3A_232 : vector<16xi32>
          %get3A_234 = arith.index_cast %add3A_228 : i32 to index
          %get3A_235 = tpu.vector_load %arg20[%get3A_234] {strides = array<i32>} : memref<13208xi32, #tpu.memory_space<vmem>>, vector<16xi32>,
          %shift_right_logical3A_236 = arith.constant 8 : i32
          %shift_right_logical3A_237 = vector.broadcast %shift_right_logical3A_236 : i32 to vector<16xi32>
          %shift_right_logical3A_238 = arith.shrui %get3A_235, %shift_right_logical3A_237 : vector<16xi32>
          %jit3A_239 = arith.constant 0 : i32
          %broadcast_in_dim3A_240 = vector.broadcast %jit3A_239 : i32 to vector<16xi32>
          %select_n3A_241 = arith.select %lt3A_233, %shift_right_logical3A_238, %broadcast_in_dim3A_240 : vector<16xi1>, vector<16xi32>
          %swap3A_242 = arith.constant 32 : index
          %swap3A_243 = tpu.vector_load %arg12[%swap3A_242] {strides = array<i32>} : memref<64xi32, #tpu.memory_space<vmem>>, vector<16xi32>,
          tpu.vector_store %arg12[%swap3A_242], %select_n3A_241 {strides = array<i32>} : memref<64xi32, #tpu.memory_space<vmem>>, vector<16xi32>,
          %and3A_244 = arith.constant 255 : i32
          %and3A_245 = vector.broadcast %and3A_244 : i32 to vector<16xi32>
          %and3A_246 = arith.andi %get3A_235, %and3A_245 : vector<16xi32>
          %jit3A_247 = arith.constant 192 : i32
          %broadcast_in_dim3A_248 = vector.broadcast %jit3A_247 : i32 to vector<16xi32>
          %select_n3A_249 = arith.select %lt3A_233, %and3A_246, %broadcast_in_dim3A_248 : vector<16xi1>, vector<16xi32>
          %swap3A_250 = arith.constant 32 : index
          %swap3A_251 = tpu.vector_load %arg13[%swap3A_250] {strides = array<i32>} : memref<80xi32, #tpu.memory_space<vmem>>, vector<16xi32>,
          tpu.vector_store %arg13[%swap3A_250], %select_n3A_249 {strides = array<i32>} : memref<80xi32, #tpu.memory_space<vmem>>, vector<16xi32>,
          %and3A_252 = arith.constant 255 : i32
          %and3A_253 = vector.broadcast %and3A_252 : i32 to vector<16xi32>
          %and3A_254 = arith.andi %get3A_235, %and3A_253 : vector<16xi32>
          %jit3A_255 = arith.constant 192 : i32
          %broadcast_in_dim3A_256 = vector.broadcast %jit3A_255 : i32 to vector<16xi32>
          %select_n3A_257 = arith.select %lt3A_233, %and3A_254, %broadcast_in_dim3A_256 : vector<16xi1>, vector<16xi32>
          %broadcast_in_dim3A_258 = arith.constant 1.000000e+00 : f32
          %broadcast_in_dim3A_259 = vector.broadcast %broadcast_in_dim3A_258 : f32 to vector<16xf32>
          tpu.vector_store_idx %arg14[%select_n3A_257], %broadcast_in_dim3A_259 masked %lt3A_233 {add = true} : memref<200xf32, #tpu.memory_space<vmem>>[vector<16xi32>], vector<16xf32>, vector<16xi1>
          %add3A_260 = arith.constant 48 : i32
          %add3A_261 = arith.addi %mul3A_164, %add3A_260 : i32
          %iota3A_262 = tpu.iota {dimensions = array<i32: 0>} : vector<16xi32>
          %add3A_263 = vector.broadcast %add3A_261 : i32 to vector<16xi32>
          %add3A_264 = arith.addi %add3A_263, %iota3A_262 : vector<16xi32>
          %lt3A_265 = vector.broadcast %cond3A_118 : i32 to vector<16xi32>
          %lt3A_266 = arith.cmpi slt, %add3A_264, %lt3A_265 : vector<16xi32>
          %get3A_267 = arith.index_cast %add3A_261 : i32 to index
          %get3A_268 = tpu.vector_load %arg20[%get3A_267] {strides = array<i32>} : memref<13208xi32, #tpu.memory_space<vmem>>, vector<16xi32>,
          %shift_right_logical3A_269 = arith.constant 8 : i32
          %shift_right_logical3A_270 = vector.broadcast %shift_right_logical3A_269 : i32 to vector<16xi32>
          %shift_right_logical3A_271 = arith.shrui %get3A_268, %shift_right_logical3A_270 : vector<16xi32>
          %jit3A_272 = arith.constant 0 : i32
          %broadcast_in_dim3A_273 = vector.broadcast %jit3A_272 : i32 to vector<16xi32>
          %select_n3A_274 = arith.select %lt3A_266, %shift_right_logical3A_271, %broadcast_in_dim3A_273 : vector<16xi1>, vector<16xi32>
          %swap3A_275 = arith.constant 48 : index
          %swap3A_276 = tpu.vector_load %arg12[%swap3A_275] {strides = array<i32>} : memref<64xi32, #tpu.memory_space<vmem>>, vector<16xi32>,
          tpu.vector_store %arg12[%swap3A_275], %select_n3A_274 {strides = array<i32>} : memref<64xi32, #tpu.memory_space<vmem>>, vector<16xi32>,
          %and3A_277 = arith.constant 255 : i32
          %and3A_278 = vector.broadcast %and3A_277 : i32 to vector<16xi32>
          %and3A_279 = arith.andi %get3A_268, %and3A_278 : vector<16xi32>
          %jit3A_280 = arith.constant 192 : i32
          %broadcast_in_dim3A_281 = vector.broadcast %jit3A_280 : i32 to vector<16xi32>
          %select_n3A_282 = arith.select %lt3A_266, %and3A_279, %broadcast_in_dim3A_281 : vector<16xi1>, vector<16xi32>
          %swap3A_283 = arith.constant 48 : index
          %swap3A_284 = tpu.vector_load %arg13[%swap3A_283] {strides = array<i32>} : memref<80xi32, #tpu.memory_space<vmem>>, vector<16xi32>,
          tpu.vector_store %arg13[%swap3A_283], %select_n3A_282 {strides = array<i32>} : memref<80xi32, #tpu.memory_space<vmem>>, vector<16xi32>,
          %and3A_285 = arith.constant 255 : i32
          %and3A_286 = vector.broadcast %and3A_285 : i32 to vector<16xi32>
          %and3A_287 = arith.andi %get3A_268, %and3A_286 : vector<16xi32>
          %jit3A_288 = arith.constant 192 : i32
          %broadcast_in_dim3A_289 = vector.broadcast %jit3A_288 : i32 to vector<16xi32>
          %select_n3A_290 = arith.select %lt3A_266, %and3A_287, %broadcast_in_dim3A_289 : vector<16xi1>, vector<16xi32>
          %broadcast_in_dim3A_291 = arith.constant 1.000000e+00 : f32
          %broadcast_in_dim3A_292 = vector.broadcast %broadcast_in_dim3A_291 : f32 to vector<16xf32>
          tpu.vector_store_idx %arg14[%select_n3A_290], %broadcast_in_dim3A_292 masked %lt3A_266 {add = true} : memref<200xf32, #tpu.memory_space<vmem>>[vector<16xi32>], vector<16xf32>, vector<16xi1>
          %dma_start3A_293 = arith.constant 0 : i32
          %dma_start3A_294 = arith.constant 0 : i32
          %dma_start3A_295 = tpu.memref_slice %arg5[%dma_start3A_293, %dma_start3A_294] : memref<10000x384xf32, #tpu.memory_space<hbm>> -> memref<10000x384xf32, #tpu.memory_space<hbm>>
          tpu.enqueue_indirect_dma source(%dma_start3A_295 : memref<10000x384xf32, #tpu.memory_space<hbm>>) target(%arg11 : memref<64x384xf32, #tpu.memory_space<vmem>>) offsets(%arg12 : memref<64xi32, #tpu.memory_space<vmem>>) semaphore(%arg21 : memref<!tpu.dma_semaphore, #tpu.memory_space<semaphore_mem>>)
          %dma_wait3A_296 = arith.constant 0 : i32
          %dma_wait3A_297 = arith.constant 0 : i32
          %dma_wait3A_298 = tpu.memref_slice %arg5[%dma_wait3A_296, %dma_wait3A_297] : memref<10000x384xf32, #tpu.memory_space<hbm>> -> memref<10000x384xf32, #tpu.memory_space<hbm>>
          tpu.wait_indirect_dma semaphore(%arg21 : memref<!tpu.dma_semaphore, #tpu.memory_space<semaphore_mem>>) src(%dma_wait3A_298 : memref<10000x384xf32, #tpu.memory_space<hbm>>) dst(%arg11 : memref<64x384xf32, #tpu.memory_space<vmem>>)
          %scan3A_299 = arith.constant 0 : i32
          %scan3A_300 = arith.constant 64 : i32
          %scan3A_301 = arith.addi %scan3A_299, %scan3A_300 : i32
          %scan3A_302 = arith.constant 1 : i32
          scf.for %scan3A_304 = %scan3A_299 to %scan3A_301 step %scan3A_302  : i32 {
            %mul3A_305 = arith.constant 1 : i32
            %mul3A_306 = arith.muli %scan3A_304, %mul3A_305 : i32
            %add3A_307 = arith.constant 0 : i32
            %add3A_308 = arith.addi %add3A_307, %mul3A_306 : i32
            %get3A_309 = arith.index_cast %add3A_308 : i32 to index
            %get3A_310 = tpu.vector_load %arg13[%get3A_309] {strides = array<i32>} : memref<80xi32, #tpu.memory_space<vmem>>, vector<16xi32>,
            %slice3A_311 = vector.extract_strided_slice %get3A_310 {offsets = [0], sizes = [1], strides = [1]} : vector<16xi32> to vector<1xi32>
            %squeeze3A_312 = vector.extract %slice3A_311[0] : i32 from vector<1xi32>
            %scan3A_313 = arith.constant 0 : i32
            %scan3A_314 = arith.constant 24 : i32
            %scan3A_315 = arith.addi %scan3A_313, %scan3A_314 : i32
            %scan3A_316 = arith.constant 1 : i32
            scf.for %scan3A_318 = %scan3A_313 to %scan3A_315 step %scan3A_316  : i32 {
              %mul3A_319 = arith.constant 16 : i32
              %mul3A_320 = arith.muli %scan3A_318, %mul3A_319 : i32
              %add3A_321 = arith.constant 0 : i32
              %add3A_322 = arith.addi %add3A_321, %mul3A_320 : i32
              %get3A_323 = arith.index_cast %add3A_308 : i32 to index
              %get3A_324 = arith.index_cast %add3A_322 : i32 to index
              %get3A_325 = tpu.vector_load %arg11[%get3A_323, %get3A_324] {strides = array<i32>} : memref<64x384xf32, #tpu.memory_space<vmem>>, vector<16xf32>,
              %swap3A_326 = arith.index_cast %squeeze3A_312 : i32 to index
              %swap3A_327 = arith.index_cast %add3A_322 : i32 to index
              %swap3A_328 = tpu.vector_load %arg10[%swap3A_326, %swap3A_327] {strides = array<i32>} : memref<200x384xf32, #tpu.memory_space<vmem>>, vector<16xf32>,
              tpu.vector_store %arg10[%swap3A_326, %swap3A_327], %get3A_325 {add = true, strides = array<i32>} : memref<200x384xf32, #tpu.memory_space<vmem>>, vector<16xf32>,
            }
            %scan3A_317 = arith.constant 24 : i32
          }
          %scan3A_303 = arith.constant 64 : i32
        }
        %while3A_160 = arith.constant 1 : i32
        scf.for %while3A_162 = %while3A_158 to %while3A_154 step %while3A_160  : i32 {
          %mul3A_163 = arith.constant 64 : i32
          %mul3A_164 = arith.muli %while3A_162, %mul3A_163 : i32
          %add3A_165 = arith.constant 0 : i32
          %add3A_166 = arith.addi %mul3A_164, %add3A_165 : i32
          %iota3A = tpu.iota {dimensions = array<i32: 0>} : vector<16xi32>
          %add3A_167 = vector.broadcast %add3A_166 : i32 to vector<16xi32>
          %add3A_168 = arith.addi %add3A_167, %iota3A : vector<16xi32>
          %lt3A_169 = vector.broadcast %cond3A_118 : i32 to vector<16xi32>
          %lt3A_170 = arith.cmpi slt, %add3A_168, %lt3A_169 : vector<16xi32>
          %get3A_171 = arith.index_cast %add3A_166 : i32 to index
          %get3A_172 = tpu.vector_load %arg20[%get3A_171] {strides = array<i32>} : memref<13208xi32, #tpu.memory_space<vmem>>, vector<16xi32>,
          %shift_right_logical3A = arith.constant 8 : i32
          %shift_right_logical3A_173 = vector.broadcast %shift_right_logical3A : i32 to vector<16xi32>
          %shift_right_logical3A_174 = arith.shrui %get3A_172, %shift_right_logical3A_173 : vector<16xi32>
          %jit3A_175 = arith.constant 0 : i32
          %broadcast_in_dim3A = vector.broadcast %jit3A_175 : i32 to vector<16xi32>
          %select_n3A_176 = arith.select %lt3A_170, %shift_right_logical3A_174, %broadcast_in_dim3A : vector<16xi1>, vector<16xi32>
          %swap3A = arith.constant 0 : index
          %swap3A_177 = tpu.vector_load %arg12[%swap3A] {strides = array<i32>} : memref<64xi32, #tpu.memory_space<vmem>>, vector<16xi32>,
          tpu.vector_store %arg12[%swap3A], %select_n3A_176 {strides = array<i32>} : memref<64xi32, #tpu.memory_space<vmem>>, vector<16xi32>,
          %and3A_178 = arith.constant 255 : i32
          %and3A_179 = vector.broadcast %and3A_178 : i32 to vector<16xi32>
          %and3A_180 = arith.andi %get3A_172, %and3A_179 : vector<16xi32>
          %jit3A_181 = arith.constant 192 : i32
          %broadcast_in_dim3A_182 = vector.broadcast %jit3A_181 : i32 to vector<16xi32>
          %select_n3A_183 = arith.select %lt3A_170, %and3A_180, %broadcast_in_dim3A_182 : vector<16xi1>, vector<16xi32>
          %swap3A_184 = arith.constant 0 : index
          %swap3A_185 = tpu.vector_load %arg13[%swap3A_184] {strides = array<i32>} : memref<80xi32, #tpu.memory_space<vmem>>, vector<16xi32>,
          tpu.vector_store %arg13[%swap3A_184], %select_n3A_183 {strides = array<i32>} : memref<80xi32, #tpu.memory_space<vmem>>, vector<16xi32>,
          %and3A_186 = arith.constant 255 : i32
          %and3A_187 = vector.broadcast %and3A_186 : i32 to vector<16xi32>
          %and3A_188 = arith.andi %get3A_172, %and3A_187 : vector<16xi32>
          %jit3A_189 = arith.constant 192 : i32
          %broadcast_in_dim3A_190 = vector.broadcast %jit3A_189 : i32 to vector<16xi32>
          %select_n3A_191 = arith.select %lt3A_170, %and3A_188, %broadcast_in_dim3A_190 : vector<16xi1>, vector<16xi32>
          %broadcast_in_dim3A_192 = arith.constant 1.000000e+00 : f32
          %broadcast_in_dim3A_193 = vector.broadcast %broadcast_in_dim3A_192 : f32 to vector<16xf32>
          tpu.vector_store_idx %arg14[%select_n3A_191], %broadcast_in_dim3A_193 masked %lt3A_170 {add = true} : memref<200xf32, #tpu.memory_space<vmem>>[vector<16xi32>], vector<16xf32>, vector<16xi1>
          %add3A_194 = arith.constant 16 : i32
          %add3A_195 = arith.addi %mul3A_164, %add3A_194 : i32
          %iota3A_196 = tpu.iota {dimensions = array<i32: 0>} : vector<16xi32>
          %add3A_197 = vector.broadcast %add3A_195 : i32 to vector<16xi32>
          %add3A_198 = arith.addi %add3A_197, %iota3A_196 : vector<16xi32>
          %lt3A_199 = vector.broadcast %cond3A_118 : i32 to vector<16xi32>
          %lt3A_200 = arith.cmpi slt, %add3A_198, %lt3A_199 : vector<16xi32>
          %get3A_201 = arith.index_cast %add3A_195 : i32 to index
          %get3A_202 = tpu.vector_load %arg20[%get3A_201] {strides = array<i32>} : memref<13208xi32, #tpu.memory_space<vmem>>, vector<16xi32>,
          %shift_right_logical3A_203 = arith.constant 8 : i32
          %shift_right_logical3A_204 = vector.broadcast %shift_right_logical3A_203 : i32 to vector<16xi32>
          %shift_right_logical3A_205 = arith.shrui %get3A_202, %shift_right_logical3A_204 : vector<16xi32>
          %jit3A_206 = arith.constant 0 : i32
          %broadcast_in_dim3A_207 = vector.broadcast %jit3A_206 : i32 to vector<16xi32>
          %select_n3A_208 = arith.select %lt3A_200, %shift_right_logical3A_205, %broadcast_in_dim3A_207 : vector<16xi1>, vector<16xi32>
          %swap3A_209 = arith.constant 16 : index
          %swap3A_210 = tpu.vector_load %arg12[%swap3A_209] {strides = array<i32>} : memref<64xi32, #tpu.memory_space<vmem>>, vector<16xi32>,
          tpu.vector_store %arg12[%swap3A_209], %select_n3A_208 {strides = array<i32>} : memref<64xi32, #tpu.memory_space<vmem>>, vector<16xi32>,
          %and3A_211 = arith.constant 255 : i32
          %and3A_212 = vector.broadcast %and3A_211 : i32 to vector<16xi32>
          %and3A_213 = arith.andi %get3A_202, %and3A_212 : vector<16xi32>
          %jit3A_214 = arith.constant 192 : i32
          %broadcast_in_dim3A_215 = vector.broadcast %jit3A_214 : i32 to vector<16xi32>
          %select_n3A_216 = arith.select %lt3A_200, %and3A_213, %broadcast_in_dim3A_215 : vector<16xi1>, vector<16xi32>
          %swap3A_217 = arith.constant 16 : index
          %swap3A_218 = tpu.vector_load %arg13[%swap3A_217] {strides = array<i32>} : memref<80xi32, #tpu.memory_space<vmem>>, vector<16xi32>,
          tpu.vector_store %arg13[%swap3A_217], %select_n3A_216 {strides = array<i32>} : memref<80xi32, #tpu.memory_space<vmem>>, vector<16xi32>,
          %and3A_219 = arith.constant 255 : i32
          %and3A_220 = vector.broadcast %and3A_219 : i32 to vector<16xi32>
          %and3A_221 = arith.andi %get3A_202, %and3A_220 : vector<16xi32>
          %jit3A_222 = arith.constant 192 : i32
          %broadcast_in_dim3A_223 = vector.broadcast %jit3A_222 : i32 to vector<16xi32>
          %select_n3A_224 = arith.select %lt3A_200, %and3A_221, %broadcast_in_dim3A_223 : vector<16xi1>, vector<16xi32>
          %broadcast_in_dim3A_225 = arith.constant 1.000000e+00 : f32
          %broadcast_in_dim3A_226 = vector.broadcast %broadcast_in_dim3A_225 : f32 to vector<16xf32>
          tpu.vector_store_idx %arg14[%select_n3A_224], %broadcast_in_dim3A_226 masked %lt3A_200 {add = true} : memref<200xf32, #tpu.memory_space<vmem>>[vector<16xi32>], vector<16xf32>, vector<16xi1>
          %add3A_227 = arith.constant 32 : i32
          %add3A_228 = arith.addi %mul3A_164, %add3A_227 : i32
          %iota3A_229 = tpu.iota {dimensions = array<i32: 0>} : vector<16xi32>
          %add3A_230 = vector.broadcast %add3A_228 : i32 to vector<16xi32>
          %add3A_231 = arith.addi %add3A_230, %iota3A_229 : vector<16xi32>
          %lt3A_232 = vector.broadcast %cond3A_118 : i32 to vector<16xi32>
          %lt3A_233 = arith.cmpi slt, %add3A_231, %lt3A_232 : vector<16xi32>
          %get3A_234 = arith.index_cast %add3A_228 : i32 to index
          %get3A_235 = tpu.vector_load %arg20[%get3A_234] {strides = array<i32>} : memref<13208xi32, #tpu.memory_space<vmem>>, vector<16xi32>,
          %shift_right_logical3A_236 = arith.constant 8 : i32
          %shift_right_logical3A_237 = vector.broadcast %shift_right_logical3A_236 : i32 to vector<16xi32>
          %shift_right_logical3A_238 = arith.shrui %get3A_235, %shift_right_logical3A_237 : vector<16xi32>
          %jit3A_239 = arith.constant 0 : i32
          %broadcast_in_dim3A_240 = vector.broadcast %jit3A_239 : i32 to vector<16xi32>
          %select_n3A_241 = arith.select %lt3A_233, %shift_right_logical3A_238, %broadcast_in_dim3A_240 : vector<16xi1>, vector<16xi32>
          %swap3A_242 = arith.constant 32 : index
          %swap3A_243 = tpu.vector_load %arg12[%swap3A_242] {strides = array<i32>} : memref<64xi32, #tpu.memory_space<vmem>>, vector<16xi32>,
          tpu.vector_store %arg12[%swap3A_242], %select_n3A_241 {strides = array<i32>} : memref<64xi32, #tpu.memory_space<vmem>>, vector<16xi32>,
          %and3A_244 = arith.constant 255 : i32
          %and3A_245 = vector.broadcast %and3A_244 : i32 to vector<16xi32>
          %and3A_246 = arith.andi %get3A_235, %and3A_245 : vector<16xi32>
          %jit3A_247 = arith.constant 192 : i32
          %broadcast_in_dim3A_248 = vector.broadcast %jit3A_247 : i32 to vector<16xi32>
          %select_n3A_249 = arith.select %lt3A_233, %and3A_246, %broadcast_in_dim3A_248 : vector<16xi1>, vector<16xi32>
          %swap3A_250 = arith.constant 32 : index
          %swap3A_251 = tpu.vector_load %arg13[%swap3A_250] {strides = array<i32>} : memref<80xi32, #tpu.memory_space<vmem>>, vector<16xi32>,
          tpu.vector_store %arg13[%swap3A_250], %select_n3A_249 {strides = array<i32>} : memref<80xi32, #tpu.memory_space<vmem>>, vector<16xi32>,
          %and3A_252 = arith.constant 255 : i32
          %and3A_253 = vector.broadcast %and3A_252 : i32 to vector<16xi32>
          %and3A_254 = arith.andi %get3A_235, %and3A_253 : vector<16xi32>
          %jit3A_255 = arith.constant 192 : i32
          %broadcast_in_dim3A_256 = vector.broadcast %jit3A_255 : i32 to vector<16xi32>
          %select_n3A_257 = arith.select %lt3A_233, %and3A_254, %broadcast_in_dim3A_256 : vector<16xi1>, vector<16xi32>
          %broadcast_in_dim3A_258 = arith.constant 1.000000e+00 : f32
          %broadcast_in_dim3A_259 = vector.broadcast %broadcast_in_dim3A_258 : f32 to vector<16xf32>
          tpu.vector_store_idx %arg14[%select_n3A_257], %broadcast_in_dim3A_259 masked %lt3A_233 {add = true} : memref<200xf32, #tpu.memory_space<vmem>>[vector<16xi32>], vector<16xf32>, vector<16xi1>
          %add3A_260 = arith.constant 48 : i32
          %add3A_261 = arith.addi %mul3A_164, %add3A_260 : i32
          %iota3A_262 = tpu.iota {dimensions = array<i32: 0>} : vector<16xi32>
          %add3A_263 = vector.broadcast %add3A_261 : i32 to vector<16xi32>
          %add3A_264 = arith.addi %add3A_263, %iota3A_262 : vector<16xi32>
          %lt3A_265 = vector.broadcast %cond3A_118 : i32 to vector<16xi32>
          %lt3A_266 = arith.cmpi slt, %add3A_264, %lt3A_265 : vector<16xi32>
          %get3A_267 = arith.index_cast %add3A_261 : i32 to index
          %get3A_268 = tpu.vector_load %arg20[%get3A_267] {strides = array<i32>} : memref<13208xi32, #tpu.memory_space<vmem>>, vector<16xi32>,
          %shift_right_logical3A_269 = arith.constant 8 : i32
          %shift_right_logical3A_270 = vector.broadcast %shift_right_logical3A_269 : i32 to vector<16xi32>
          %shift_right_logical3A_271 = arith.shrui %get3A_268, %shift_right_logical3A_270 : vector<16xi32>
          %jit3A_272 = arith.constant 0 : i32
          %broadcast_in_dim3A_273 = vector.broadcast %jit3A_272 : i32 to vector<16xi32>
          %select_n3A_274 = arith.select %lt3A_266, %shift_right_logical3A_271, %broadcast_in_dim3A_273 : vector<16xi1>, vector<16xi32>
          %swap3A_275 = arith.constant 48 : index
          %swap3A_276 = tpu.vector_load %arg12[%swap3A_275] {strides = array<i32>} : memref<64xi32, #tpu.memory_space<vmem>>, vector<16xi32>,
          tpu.vector_store %arg12[%swap3A_275], %select_n3A_274 {strides = array<i32>} : memref<64xi32, #tpu.memory_space<vmem>>, vector<16xi32>,
          %and3A_277 = arith.constant 255 : i32
          %and3A_278 = vector.broadcast %and3A_277 : i32 to vector<16xi32>
          %and3A_279 = arith.andi %get3A_268, %and3A_278 : vector<16xi32>
          %jit3A_280 = arith.constant 192 : i32
          %broadcast_in_dim3A_281 = vector.broadcast %jit3A_280 : i32 to vector<16xi32>
          %select_n3A_282 = arith.select %lt3A_266, %and3A_279, %broadcast_in_dim3A_281 : vector<16xi1>, vector<16xi32>
          %swap3A_283 = arith.constant 48 : index
          %swap3A_284 = tpu.vector_load %arg13[%swap3A_283] {strides = array<i32>} : memref<80xi32, #tpu.memory_space<vmem>>, vector<16xi32>,
          tpu.vector_store %arg13[%swap3A_283], %select_n3A_282 {strides = array<i32>} : memref<80xi32, #tpu.memory_space<vmem>>, vector<16xi32>,
          %and3A_285 = arith.constant 255 : i32
          %and3A_286 = vector.broadcast %and3A_285 : i32 to vector<16xi32>
          %and3A_287 = arith.andi %get3A_268, %and3A_286 : vector<16xi32>
          %jit3A_288 = arith.constant 192 : i32
          %broadcast_in_dim3A_289 = vector.broadcast %jit3A_288 : i32 to vector<16xi32>
          %select_n3A_290 = arith.select %lt3A_266, %and3A_287, %broadcast_in_dim3A_289 : vector<16xi1>, vector<16xi32>
          %broadcast_in_dim3A_291 = arith.constant 1.000000e+00 : f32
          %broadcast_in_dim3A_292 = vector.broadcast %broadcast_in_dim3A_291 : f32 to vector<16xf32>
          tpu.vector_store_idx %arg14[%select_n3A_290], %broadcast_in_dim3A_292 masked %lt3A_266 {add = true} : memref<200xf32, #tpu.memory_space<vmem>>[vector<16xi32>], vector<16xf32>, vector<16xi1>
          %dma_start3A_293 = arith.constant 0 : i32
          %dma_start3A_294 = arith.constant 0 : i32
          %dma_start3A_295 = tpu.memref_slice %arg5[%dma_start3A_293, %dma_start3A_294] : memref<10000x384xf32, #tpu.memory_space<hbm>> -> memref<10000x384xf32, #tpu.memory_space<hbm>>
          tpu.enqueue_indirect_dma source(%dma_start3A_295 : memref<10000x384xf32, #tpu.memory_space<hbm>>) target(%arg11 : memref<64x384xf32, #tpu.memory_space<vmem>>) offsets(%arg12 : memref<64xi32, #tpu.memory_space<vmem>>) semaphore(%arg21 : memref<!tpu.dma_semaphore, #tpu.memory_space<semaphore_mem>>)
          %dma_wait3A_296 = arith.constant 0 : i32
          %dma_wait3A_297 = arith.constant 0 : i32
          %dma_wait3A_298 = tpu.memref_slice %arg5[%dma_wait3A_296, %dma_wait3A_297] : memref<10000x384xf32, #tpu.memory_space<hbm>> -> memref<10000x384xf32, #tpu.memory_space<hbm>>
          tpu.wait_indirect_dma semaphore(%arg21 : memref<!tpu.dma_semaphore, #tpu.memory_space<semaphore_mem>>) src(%dma_wait3A_298 : memref<10000x384xf32, #tpu.memory_space<hbm>>) dst(%arg11 : memref<64x384xf32, #tpu.memory_space<vmem>>)
          %scan3A_299 = arith.constant 0 : i32
          %scan3A_300 = arith.constant 64 : i32
          %scan3A_301 = arith.addi %scan3A_299, %scan3A_300 : i32
          %scan3A_302 = arith.constant 1 : i32
          scf.for %scan3A_304 = %scan3A_299 to %scan3A_301 step %scan3A_302  : i32 {
            %mul3A_305 = arith.constant 1 : i32
            %mul3A_306 = arith.muli %scan3A_304, %mul3A_305 : i32
            %add3A_307 = arith.constant 0 : i32
            %add3A_308 = arith.addi %add3A_307, %mul3A_306 : i32
            %get3A_309 = arith.index_cast %add3A_308 : i32 to index
            %get3A_310 = tpu.vector_load %arg13[%get3A_309] {strides = array<i32>} : memref<80xi32, #tpu.memory_space<vmem>>, vector<16xi32>,
            %slice3A_311 = vector.extract_strided_slice %get3A_310 {offsets = [0], sizes = [1], strides = [1]} : vector<16xi32> to vector<1xi32>
            %squeeze3A_312 = vector.extract %slice3A_311[0] : i32 from vector<1xi32>
            %scan3A_313 = arith.constant 0 : i32
            %scan3A_314 = arith.constant 24 : i32
            %scan3A_315 = arith.addi %scan3A_313, %scan3A_314 : i32
            %scan3A_316 = arith.constant 1 : i32
            scf.for %scan3A_318 = %scan3A_313 to %scan3A_315 step %scan3A_316  : i32 {
              %mul3A_319 = arith.constant 16 : i32
              %mul3A_320 = arith.muli %scan3A_318, %mul3A_319 : i32
              %add3A_321 = arith.constant 0 : i32
              %add3A_322 = arith.addi %add3A_321, %mul3A_320 : i32
              %get3A_323 = arith.index_cast %add3A_308 : i32 to index
              %get3A_324 = arith.index_cast %add3A_322 : i32 to index
              %get3A_325 = tpu.vector_load %arg11[%get3A_323, %get3A_324] {strides = array<i32>} : memref<64x384xf32, #tpu.memory_space<vmem>>, vector<16xf32>,
              %swap3A_326 = arith.index_cast %squeeze3A_312 : i32 to index
              %swap3A_327 = arith.index_cast %add3A_322 : i32 to index
              %swap3A_328 = tpu.vector_load %arg10[%swap3A_326, %swap3A_327] {strides = array<i32>} : memref<200x384xf32, #tpu.memory_space<vmem>>, vector<16xf32>,
              tpu.vector_store %arg10[%swap3A_326, %swap3A_327], %get3A_325 {add = true, strides = array<i32>} : memref<200x384xf32, #tpu.memory_space<vmem>>, vector<16xf32>,
            }
            %scan3A_317 = arith.constant 24 : i32
          }
          %scan3A_303 = arith.constant 64 : i32
        }
        %cond3A_161 = arith.constant 0 : i32
        scf.yield %cond3A_161 : i32
      } else {
        scf.yield %cond3A_118 : i32
      }
      scf.yield %cond3A_124 : i32
    }
    %scan3A_32 = arith.constant 16 : i32
    %add3A_33 = arith.constant 63 : i32
    %add3A_34 = arith.addi %scan3A_31, %add3A_33 : i32
    %jit3A = arith.constant 64 : i32
    %div3A = arith.divsi %add3A_34, %jit3A : i32
    %sign3A = arith.constant 0 : i32
    %sign3A_35 = arith.cmpi sgt, %add3A_34, %sign3A : i32
    %sign3A_36 = arith.extui %sign3A_35 : i1 to i32
    %sign3A_37 = arith.constant 0 : i32
    %sign3A_38 = arith.cmpi slt, %add3A_34, %sign3A_37 : i32
    %sign3A_39 = arith.extui %sign3A_38 : i1 to i32
    %sign3A_40 = arith.subi %sign3A_36, %sign3A_39 : i32
    %sign3A_41 = arith.constant 0 : i32
    %sign3A_42 = arith.cmpi sgt, %jit3A, %sign3A_41 : i32
    %sign3A_43 = arith.extui %sign3A_42 : i1 to i32
    %sign3A_44 = arith.constant 0 : i32
    %sign3A_45 = arith.cmpi slt, %jit3A, %sign3A_44 : i32
    %sign3A_46 = arith.extui %sign3A_45 : i1 to i32
    %sign3A_47 = arith.subi %sign3A_43, %sign3A_46 : i32
    %ne3A = arith.cmpi ne, %sign3A_40, %sign3A_47 : i32
    %rem3A = arith.remsi %add3A_34, %jit3A : i32
    %ne3A_48 = arith.constant 0 : i32
    %ne3A_49 = arith.cmpi ne, %rem3A, %ne3A_48 : i32
    %and3A = arith.andi %ne3A, %ne3A_49 : i1
    %sub3A = arith.constant 1 : i32
    %sub3A_50 = arith.subi %div3A, %sub3A : i32
    %select_n3A = arith.select %and3A, %sub3A_50, %div3A : i32
    %while3A = arith.constant 0 : i32
    %while3A_51 = arith.constant 0 : i32
    %while3A_52 = arith.subi %select_n3A, %while3A_51 : i32
    %while3A_53 = arith.addi %while3A_51, %while3A_52 : i32
    %while3A_54 = arith.constant 1 : i32
    %while3A_55 = arith.divsi %while3A_52, %while3A_54 : i32
    %while3A_56 = arith.muli %while3A_55, %while3A_54 : i32
    %while3A_57 = arith.addi %while3A_51, %while3A_56 : i32
    %while3A_58 = arith.constant 1 : i32
    scf.for %while3A_64 = %while3A_51 to %while3A_57 step %while3A_58  : i32 {
      %mul3A_65 = arith.constant 64 : i32
      %mul3A_66 = arith.muli %while3A_64, %mul3A_65 : i32
      %add3A_67 = arith.constant 0 : i32
      %add3A_68 = arith.addi %mul3A_66, %add3A_67 : i32
      %iota3A = tpu.iota {dimensions = array<i32: 0>} : vector<16xi32>
      %add3A_69 = vector.broadcast %add3A_68 : i32 to vector<16xi32>
      %add3A_70 = arith.addi %add3A_69, %iota3A : vector<16xi32>
      %lt3A = vector.broadcast %scan3A_31 : i32 to vector<16xi32>
      %lt3A_71 = arith.cmpi slt, %add3A_70, %lt3A : vector<16xi32>
      %get3A = arith.index_cast %add3A_68 : i32 to index
      %get3A_72 = tpu.vector_load %arg20[%get3A] {strides = array<i32>} : memref<13208xi32, #tpu.memory_space<vmem>>, vector<16xi32>,
      %shift_right_logical3A = arith.constant 8 : i32
      %shift_right_logical3A_73 = vector.broadcast %shift_right_logical3A : i32 to vector<16xi32>
      %shift_right_logical3A_74 = arith.shrui %get3A_72, %shift_right_logical3A_73 : vector<16xi32>
      %jit3A_75 = arith.constant 0 : i32
      %broadcast_in_dim3A = vector.broadcast %jit3A_75 : i32 to vector<16xi32>
      %select_n3A_76 = arith.select %lt3A_71, %shift_right_logical3A_74, %broadcast_in_dim3A : vector<16xi1>, vector<16xi32>
      %swap3A = arith.constant 0 : index
      %swap3A_77 = tpu.vector_load %arg12[%swap3A] {strides = array<i32>} : memref<64xi32, #tpu.memory_space<vmem>>, vector<16xi32>,
      tpu.vector_store %arg12[%swap3A], %select_n3A_76 {strides = array<i32>} : memref<64xi32, #tpu.memory_space<vmem>>, vector<16xi32>,
      %and3A_78 = arith.constant 255 : i32
      %and3A_79 = vector.broadcast %and3A_78 : i32 to vector<16xi32>
      %and3A_80 = arith.andi %get3A_72, %and3A_79 : vector<16xi32>
      %jit3A_81 = arith.constant 192 : i32
      %broadcast_in_dim3A_82 = vector.broadcast %jit3A_81 : i32 to vector<16xi32>
      %select_n3A_83 = arith.select %lt3A_71, %and3A_80, %broadcast_in_dim3A_82 : vector<16xi1>, vector<16xi32>
      %swap3A_84 = arith.constant 0 : index
      %swap3A_85 = tpu.vector_load %arg13[%swap3A_84] {strides = array<i32>} : memref<80xi32, #tpu.memory_space<vmem>>, vector<16xi32>,
      tpu.vector_store %arg13[%swap3A_84], %select_n3A_83 {strides = array<i32>} : memref<80xi32, #tpu.memory_space<vmem>>, vector<16xi32>,
      %and3A_86 = arith.constant 255 : i32
      %and3A_87 = vector.broadcast %and3A_86 : i32 to vector<16xi32>
      %and3A_88 = arith.andi %get3A_72, %and3A_87 : vector<16xi32>
      %jit3A_89 = arith.constant 192 : i32
      %broadcast_in_dim3A_90 = vector.broadcast %jit3A_89 : i32 to vector<16xi32>
      %select_n3A_91 = arith.select %lt3A_71, %and3A_88, %broadcast_in_dim3A_90 : vector<16xi1>, vector<16xi32>
      %broadcast_in_dim3A_92 = arith.constant 1.000000e+00 : f32
      %broadcast_in_dim3A_93 = vector.broadcast %broadcast_in_dim3A_92 : f32 to vector<16xf32>
      tpu.vector_store_idx %arg14[%select_n3A_91], %broadcast_in_dim3A_93 masked %lt3A_71 {add = true} : memref<200xf32, #tpu.memory_space<vmem>>[vector<16xi32>], vector<16xf32>, vector<16xi1>
      %add3A_94 = arith.constant 16 : i32
      %add3A_95 = arith.addi %mul3A_66, %add3A_94 : i32
      %iota3A_96 = tpu.iota {dimensions = array<i32: 0>} : vector<16xi32>
      %add3A_97 = vector.broadcast %add3A_95 : i32 to vector<16xi32>
      %add3A_98 = arith.addi %add3A_97, %iota3A_96 : vector<16xi32>
      %lt3A_99 = vector.broadcast %scan3A_31 : i32 to vector<16xi32>
      %lt3A_100 = arith.cmpi slt, %add3A_98, %lt3A_99 : vector<16xi32>
      %get3A_101 = arith.index_cast %add3A_95 : i32 to index
      %get3A_102 = tpu.vector_load %arg20[%get3A_101] {strides = array<i32>} : memref<13208xi32, #tpu.memory_space<vmem>>, vector<16xi32>,
      %shift_right_logical3A_103 = arith.constant 8 : i32
      %shift_right_logical3A_104 = vector.broadcast %shift_right_logical3A_103 : i32 to vector<16xi32>
      %shift_right_logical3A_105 = arith.shrui %get3A_102, %shift_right_logical3A_104 : vector<16xi32>
      %jit3A_106 = arith.constant 0 : i32
      %broadcast_in_dim3A_107 = vector.broadcast %jit3A_106 : i32 to vector<16xi32>
      %select_n3A_108 = arith.select %lt3A_100, %shift_right_logical3A_105, %broadcast_in_dim3A_107 : vector<16xi1>, vector<16xi32>
      %swap3A_109 = arith.constant 16 : index
      %swap3A_110 = tpu.vector_load %arg12[%swap3A_109] {strides = array<i32>} : memref<64xi32, #tpu.memory_space<vmem>>, vector<16xi32>,
      tpu.vector_store %arg12[%swap3A_109], %select_n3A_108 {strides = array<i32>} : memref<64xi32, #tpu.memory_space<vmem>>, vector<16xi32>,
      %and3A_111 = arith.constant 255 : i32
      %and3A_112 = vector.broadcast %and3A_111 : i32 to vector<16xi32>
      %and3A_113 = arith.andi %get3A_102, %and3A_112 : vector<16xi32>
      %jit3A_114 = arith.constant 192 : i32
      %broadcast_in_dim3A_115 = vector.broadcast %jit3A_114 : i32 to vector<16xi32>
      %select_n3A_116 = arith.select %lt3A_100, %and3A_113, %broadcast_in_dim3A_115 : vector<16xi1>, vector<16xi32>
      %swap3A_117 = arith.constant 16 : index
      %swap3A_118 = tpu.vector_load %arg13[%swap3A_117] {strides = array<i32>} : memref<80xi32, #tpu.memory_space<vmem>>, vector<16xi32>,
      tpu.vector_store %arg13[%swap3A_117], %select_n3A_116 {strides = array<i32>} : memref<80xi32, #tpu.memory_space<vmem>>, vector<16xi32>,
      %and3A_119 = arith.constant 255 : i32
      %and3A_120 = vector.broadcast %and3A_119 : i32 to vector<16xi32>
      %and3A_121 = arith.andi %get3A_102, %and3A_120 : vector<16xi32>
      %jit3A_122 = arith.constant 192 : i32
      %broadcast_in_dim3A_123 = vector.broadcast %jit3A_122 : i32 to vector<16xi32>
      %select_n3A_124 = arith.select %lt3A_100, %and3A_121, %broadcast_in_dim3A_123 : vector<16xi1>, vector<16xi32>
      %broadcast_in_dim3A_125 = arith.constant 1.000000e+00 : f32
      %broadcast_in_dim3A_126 = vector.broadcast %broadcast_in_dim3A_125 : f32 to vector<16xf32>
      tpu.vector_store_idx %arg14[%select_n3A_124], %broadcast_in_dim3A_126 masked %lt3A_100 {add = true} : memref<200xf32, #tpu.memory_space<vmem>>[vector<16xi32>], vector<16xf32>, vector<16xi1>
      %add3A_127 = arith.constant 32 : i32
      %add3A_128 = arith.addi %mul3A_66, %add3A_127 : i32
      %iota3A_129 = tpu.iota {dimensions = array<i32: 0>} : vector<16xi32>
      %add3A_130 = vector.broadcast %add3A_128 : i32 to vector<16xi32>
      %add3A_131 = arith.addi %add3A_130, %iota3A_129 : vector<16xi32>
      %lt3A_132 = vector.broadcast %scan3A_31 : i32 to vector<16xi32>
      %lt3A_133 = arith.cmpi slt, %add3A_131, %lt3A_132 : vector<16xi32>
      %get3A_134 = arith.index_cast %add3A_128 : i32 to index
      %get3A_135 = tpu.vector_load %arg20[%get3A_134] {strides = array<i32>} : memref<13208xi32, #tpu.memory_space<vmem>>, vector<16xi32>,
      %shift_right_logical3A_136 = arith.constant 8 : i32
      %shift_right_logical3A_137 = vector.broadcast %shift_right_logical3A_136 : i32 to vector<16xi32>
      %shift_right_logical3A_138 = arith.shrui %get3A_135, %shift_right_logical3A_137 : vector<16xi32>
      %jit3A_139 = arith.constant 0 : i32
      %broadcast_in_dim3A_140 = vector.broadcast %jit3A_139 : i32 to vector<16xi32>
      %select_n3A_141 = arith.select %lt3A_133, %shift_right_logical3A_138, %broadcast_in_dim3A_140 : vector<16xi1>, vector<16xi32>
      %swap3A_142 = arith.constant 32 : index
      %swap3A_143 = tpu.vector_load %arg12[%swap3A_142] {strides = array<i32>} : memref<64xi32, #tpu.memory_space<vmem>>, vector<16xi32>,
      tpu.vector_store %arg12[%swap3A_142], %select_n3A_141 {strides = array<i32>} : memref<64xi32, #tpu.memory_space<vmem>>, vector<16xi32>,
      %and3A_144 = arith.constant 255 : i32
      %and3A_145 = vector.broadcast %and3A_144 : i32 to vector<16xi32>
      %and3A_146 = arith.andi %get3A_135, %and3A_145 : vector<16xi32>
      %jit3A_147 = arith.constant 192 : i32
      %broadcast_in_dim3A_148 = vector.broadcast %jit3A_147 : i32 to vector<16xi32>
      %select_n3A_149 = arith.select %lt3A_133, %and3A_146, %broadcast_in_dim3A_148 : vector<16xi1>, vector<16xi32>
      %swap3A_150 = arith.constant 32 : index
      %swap3A_151 = tpu.vector_load %arg13[%swap3A_150] {strides = array<i32>} : memref<80xi32, #tpu.memory_space<vmem>>, vector<16xi32>,
      tpu.vector_store %arg13[%swap3A_150], %select_n3A_149 {strides = array<i32>} : memref<80xi32, #tpu.memory_space<vmem>>, vector<16xi32>,
      %and3A_152 = arith.constant 255 : i32
      %and3A_153 = vector.broadcast %and3A_152 : i32 to vector<16xi32>
      %and3A_154 = arith.andi %get3A_135, %and3A_153 : vector<16xi32>
      %jit3A_155 = arith.constant 192 : i32
      %broadcast_in_dim3A_156 = vector.broadcast %jit3A_155 : i32 to vector<16xi32>
      %select_n3A_157 = arith.select %lt3A_133, %and3A_154, %broadcast_in_dim3A_156 : vector<16xi1>, vector<16xi32>
      %broadcast_in_dim3A_158 = arith.constant 1.000000e+00 : f32
      %broadcast_in_dim3A_159 = vector.broadcast %broadcast_in_dim3A_158 : f32 to vector<16xf32>
      tpu.vector_store_idx %arg14[%select_n3A_157], %broadcast_in_dim3A_159 masked %lt3A_133 {add = true} : memref<200xf32, #tpu.memory_space<vmem>>[vector<16xi32>], vector<16xf32>, vector<16xi1>
      %add3A_160 = arith.constant 48 : i32
      %add3A_161 = arith.addi %mul3A_66, %add3A_160 : i32
      %iota3A_162 = tpu.iota {dimensions = array<i32: 0>} : vector<16xi32>
      %add3A_163 = vector.broadcast %add3A_161 : i32 to vector<16xi32>
      %add3A_164 = arith.addi %add3A_163, %iota3A_162 : vector<16xi32>
      %lt3A_165 = vector.broadcast %scan3A_31 : i32 to vector<16xi32>
      %lt3A_166 = arith.cmpi slt, %add3A_164, %lt3A_165 : vector<16xi32>
      %get3A_167 = arith.index_cast %add3A_161 : i32 to index
      %get3A_168 = tpu.vector_load %arg20[%get3A_167] {strides = array<i32>} : memref<13208xi32, #tpu.memory_space<vmem>>, vector<16xi32>,
      %shift_right_logical3A_169 = arith.constant 8 : i32
      %shift_right_logical3A_170 = vector.broadcast %shift_right_logical3A_169 : i32 to vector<16xi32>
      %shift_right_logical3A_171 = arith.shrui %get3A_168, %shift_right_logical3A_170 : vector<16xi32>
      %jit3A_172 = arith.constant 0 : i32
      %broadcast_in_dim3A_173 = vector.broadcast %jit3A_172 : i32 to vector<16xi32>
      %select_n3A_174 = arith.select %lt3A_166, %shift_right_logical3A_171, %broadcast_in_dim3A_173 : vector<16xi1>, vector<16xi32>
      %swap3A_175 = arith.constant 48 : index
      %swap3A_176 = tpu.vector_load %arg12[%swap3A_175] {strides = array<i32>} : memref<64xi32, #tpu.memory_space<vmem>>, vector<16xi32>,
      tpu.vector_store %arg12[%swap3A_175], %select_n3A_174 {strides = array<i32>} : memref<64xi32, #tpu.memory_space<vmem>>, vector<16xi32>,
      %and3A_177 = arith.constant 255 : i32
      %and3A_178 = vector.broadcast %and3A_177 : i32 to vector<16xi32>
      %and3A_179 = arith.andi %get3A_168, %and3A_178 : vector<16xi32>
      %jit3A_180 = arith.constant 192 : i32
      %broadcast_in_dim3A_181 = vector.broadcast %jit3A_180 : i32 to vector<16xi32>
      %select_n3A_182 = arith.select %lt3A_166, %and3A_179, %broadcast_in_dim3A_181 : vector<16xi1>, vector<16xi32>
      %swap3A_183 = arith.constant 48 : index
      %swap3A_184 = tpu.vector_load %arg13[%swap3A_183] {strides = array<i32>} : memref<80xi32, #tpu.memory_space<vmem>>, vector<16xi32>,
      tpu.vector_store %arg13[%swap3A_183], %select_n3A_182 {strides = array<i32>} : memref<80xi32, #tpu.memory_space<vmem>>, vector<16xi32>,
      %and3A_185 = arith.constant 255 : i32
      %and3A_186 = vector.broadcast %and3A_185 : i32 to vector<16xi32>
      %and3A_187 = arith.andi %get3A_168, %and3A_186 : vector<16xi32>
      %jit3A_188 = arith.constant 192 : i32
      %broadcast_in_dim3A_189 = vector.broadcast %jit3A_188 : i32 to vector<16xi32>
      %select_n3A_190 = arith.select %lt3A_166, %and3A_187, %broadcast_in_dim3A_189 : vector<16xi1>, vector<16xi32>
      %broadcast_in_dim3A_191 = arith.constant 1.000000e+00 : f32
      %broadcast_in_dim3A_192 = vector.broadcast %broadcast_in_dim3A_191 : f32 to vector<16xf32>
      tpu.vector_store_idx %arg14[%select_n3A_190], %broadcast_in_dim3A_192 masked %lt3A_166 {add = true} : memref<200xf32, #tpu.memory_space<vmem>>[vector<16xi32>], vector<16xf32>, vector<16xi1>
      %dma_start3A_193 = arith.constant 0 : i32
      %dma_start3A_194 = arith.constant 0 : i32
      %dma_start3A_195 = tpu.memref_slice %arg5[%dma_start3A_193, %dma_start3A_194] : memref<10000x384xf32, #tpu.memory_space<hbm>> -> memref<10000x384xf32, #tpu.memory_space<hbm>>
      tpu.enqueue_indirect_dma source(%dma_start3A_195 : memref<10000x384xf32, #tpu.memory_space<hbm>>) target(%arg11 : memref<64x384xf32, #tpu.memory_space<vmem>>) offsets(%arg12 : memref<64xi32, #tpu.memory_space<vmem>>) semaphore(%arg21 : memref<!tpu.dma_semaphore, #tpu.memory_space<semaphore_mem>>)
      %dma_wait3A_196 = arith.constant 0 : i32
      %dma_wait3A_197 = arith.constant 0 : i32
      %dma_wait3A_198 = tpu.memref_slice %arg5[%dma_wait3A_196, %dma_wait3A_197] : memref<10000x384xf32, #tpu.memory_space<hbm>> -> memref<10000x384xf32, #tpu.memory_space<hbm>>
      tpu.wait_indirect_dma semaphore(%arg21 : memref<!tpu.dma_semaphore, #tpu.memory_space<semaphore_mem>>) src(%dma_wait3A_198 : memref<10000x384xf32, #tpu.memory_space<hbm>>) dst(%arg11 : memref<64x384xf32, #tpu.memory_space<vmem>>)
      %scan3A_199 = arith.constant 0 : i32
      %scan3A_200 = arith.constant 64 : i32
      %scan3A_201 = arith.addi %scan3A_199, %scan3A_200 : i32
      %scan3A_202 = arith.constant 1 : i32
      scf.for %scan3A_204 = %scan3A_199 to %scan3A_201 step %scan3A_202  : i32 {
        %mul3A_205 = arith.constant 1 : i32
        %mul3A_206 = arith.muli %scan3A_204, %mul3A_205 : i32
        %add3A_207 = arith.constant 0 : i32
        %add3A_208 = arith.addi %add3A_207, %mul3A_206 : i32
        %get3A_209 = arith.index_cast %add3A_208 : i32 to index
        %get3A_210 = tpu.vector_load %arg13[%get3A_209] {strides = array<i32>} : memref<80xi32, #tpu.memory_space<vmem>>, vector<16xi32>,
        %slice3A = vector.extract_strided_slice %get3A_210 {offsets = [0], sizes = [1], strides = [1]} : vector<16xi32> to vector<1xi32>
        %squeeze3A = vector.extract %slice3A[0] : i32 from vector<1xi32>
        %scan3A_211 = arith.constant 0 : i32
        %scan3A_212 = arith.constant 24 : i32
        %scan3A_213 = arith.addi %scan3A_211, %scan3A_212 : i32
        %scan3A_214 = arith.constant 1 : i32
        scf.for %scan3A_216 = %scan3A_211 to %scan3A_213 step %scan3A_214  : i32 {
          %mul3A_217 = arith.constant 16 : i32
          %mul3A_218 = arith.muli %scan3A_216, %mul3A_217 : i32
          %add3A_219 = arith.constant 0 : i32
          %add3A_220 = arith.addi %add3A_219, %mul3A_218 : i32
          %get3A_221 = arith.index_cast %add3A_208 : i32 to index
          %get3A_222 = arith.index_cast %add3A_220 : i32 to index
          %get3A_223 = tpu.vector_load %arg11[%get3A_221, %get3A_222] {strides = array<i32>} : memref<64x384xf32, #tpu.memory_space<vmem>>, vector<16xf32>,
          %swap3A_224 = arith.index_cast %squeeze3A : i32 to index
          %swap3A_225 = arith.index_cast %add3A_220 : i32 to index
          %swap3A_226 = tpu.vector_load %arg10[%swap3A_224, %swap3A_225] {strides = array<i32>} : memref<200x384xf32, #tpu.memory_space<vmem>>, vector<16xf32>,
          tpu.vector_store %arg10[%swap3A_224, %swap3A_225], %get3A_223 {add = true, strides = array<i32>} : memref<200x384xf32, #tpu.memory_space<vmem>>, vector<16xf32>,
        }
        %scan3A_215 = arith.constant 24 : i32
      }
      %scan3A_203 = arith.constant 64 : i32
    }
    %while3A_59 = arith.constant 1 : i32
    scf.for %while3A_64 = %while3A_57 to %while3A_53 step %while3A_59  : i32 {
      %mul3A_65 = arith.constant 64 : i32
      %mul3A_66 = arith.muli %while3A_64, %mul3A_65 : i32
      %add3A_67 = arith.constant 0 : i32
      %add3A_68 = arith.addi %mul3A_66, %add3A_67 : i32
      %iota3A = tpu.iota {dimensions = array<i32: 0>} : vector<16xi32>
      %add3A_69 = vector.broadcast %add3A_68 : i32 to vector<16xi32>
      %add3A_70 = arith.addi %add3A_69, %iota3A : vector<16xi32>
      %lt3A = vector.broadcast %scan3A_31 : i32 to vector<16xi32>
      %lt3A_71 = arith.cmpi slt, %add3A_70, %lt3A : vector<16xi32>
      %get3A = arith.index_cast %add3A_68 : i32 to index
      %get3A_72 = tpu.vector_load %arg20[%get3A] {strides = array<i32>} : memref<13208xi32, #tpu.memory_space<vmem>>, vector<16xi32>,
      %shift_right_logical3A = arith.constant 8 : i32
      %shift_right_logical3A_73 = vector.broadcast %shift_right_logical3A : i32 to vector<16xi32>
      %shift_right_logical3A_74 = arith.shrui %get3A_72, %shift_right_logical3A_73 : vector<16xi32>
      %jit3A_75 = arith.constant 0 : i32
      %broadcast_in_dim3A = vector.broadcast %jit3A_75 : i32 to vector<16xi32>
      %select_n3A_76 = arith.select %lt3A_71, %shift_right_logical3A_74, %broadcast_in_dim3A : vector<16xi1>, vector<16xi32>
      %swap3A = arith.constant 0 : index
      %swap3A_77 = tpu.vector_load %arg12[%swap3A] {strides = array<i32>} : memref<64xi32, #tpu.memory_space<vmem>>, vector<16xi32>,
      tpu.vector_store %arg12[%swap3A], %select_n3A_76 {strides = array<i32>} : memref<64xi32, #tpu.memory_space<vmem>>, vector<16xi32>,
      %and3A_78 = arith.constant 255 : i32
      %and3A_79 = vector.broadcast %and3A_78 : i32 to vector<16xi32>
      %and3A_80 = arith.andi %get3A_72, %and3A_79 : vector<16xi32>
      %jit3A_81 = arith.constant 192 : i32
      %broadcast_in_dim3A_82 = vector.broadcast %jit3A_81 : i32 to vector<16xi32>
      %select_n3A_83 = arith.select %lt3A_71, %and3A_80, %broadcast_in_dim3A_82 : vector<16xi1>, vector<16xi32>
      %swap3A_84 = arith.constant 0 : index
      %swap3A_85 = tpu.vector_load %arg13[%swap3A_84] {strides = array<i32>} : memref<80xi32, #tpu.memory_space<vmem>>, vector<16xi32>,
      tpu.vector_store %arg13[%swap3A_84], %select_n3A_83 {strides = array<i32>} : memref<80xi32, #tpu.memory_space<vmem>>, vector<16xi32>,
      %and3A_86 = arith.constant 255 : i32
      %and3A_87 = vector.broadcast %and3A_86 : i32 to vector<16xi32>
      %and3A_88 = arith.andi %get3A_72, %and3A_87 : vector<16xi32>
      %jit3A_89 = arith.constant 192 : i32
      %broadcast_in_dim3A_90 = vector.broadcast %jit3A_89 : i32 to vector<16xi32>
      %select_n3A_91 = arith.select %lt3A_71, %and3A_88, %broadcast_in_dim3A_90 : vector<16xi1>, vector<16xi32>
      %broadcast_in_dim3A_92 = arith.constant 1.000000e+00 : f32
      %broadcast_in_dim3A_93 = vector.broadcast %broadcast_in_dim3A_92 : f32 to vector<16xf32>
      tpu.vector_store_idx %arg14[%select_n3A_91], %broadcast_in_dim3A_93 masked %lt3A_71 {add = true} : memref<200xf32, #tpu.memory_space<vmem>>[vector<16xi32>], vector<16xf32>, vector<16xi1>
      %add3A_94 = arith.constant 16 : i32
      %add3A_95 = arith.addi %mul3A_66, %add3A_94 : i32
      %iota3A_96 = tpu.iota {dimensions = array<i32: 0>} : vector<16xi32>
      %add3A_97 = vector.broadcast %add3A_95 : i32 to vector<16xi32>
      %add3A_98 = arith.addi %add3A_97, %iota3A_96 : vector<16xi32>
      %lt3A_99 = vector.broadcast %scan3A_31 : i32 to vector<16xi32>
      %lt3A_100 = arith.cmpi slt, %add3A_98, %lt3A_99 : vector<16xi32>
      %get3A_101 = arith.index_cast %add3A_95 : i32 to index
      %get3A_102 = tpu.vector_load %arg20[%get3A_101] {strides = array<i32>} : memref<13208xi32, #tpu.memory_space<vmem>>, vector<16xi32>,
      %shift_right_logical3A_103 = arith.constant 8 : i32
      %shift_right_logical3A_104 = vector.broadcast %shift_right_logical3A_103 : i32 to vector<16xi32>
      %shift_right_logical3A_105 = arith.shrui %get3A_102, %shift_right_logical3A_104 : vector<16xi32>
      %jit3A_106 = arith.constant 0 : i32
      %broadcast_in_dim3A_107 = vector.broadcast %jit3A_106 : i32 to vector<16xi32>
      %select_n3A_108 = arith.select %lt3A_100, %shift_right_logical3A_105, %broadcast_in_dim3A_107 : vector<16xi1>, vector<16xi32>
      %swap3A_109 = arith.constant 16 : index
      %swap3A_110 = tpu.vector_load %arg12[%swap3A_109] {strides = array<i32>} : memref<64xi32, #tpu.memory_space<vmem>>, vector<16xi32>,
      tpu.vector_store %arg12[%swap3A_109], %select_n3A_108 {strides = array<i32>} : memref<64xi32, #tpu.memory_space<vmem>>, vector<16xi32>,
      %and3A_111 = arith.constant 255 : i32
      %and3A_112 = vector.broadcast %and3A_111 : i32 to vector<16xi32>
      %and3A_113 = arith.andi %get3A_102, %and3A_112 : vector<16xi32>
      %jit3A_114 = arith.constant 192 : i32
      %broadcast_in_dim3A_115 = vector.broadcast %jit3A_114 : i32 to vector<16xi32>
      %select_n3A_116 = arith.select %lt3A_100, %and3A_113, %broadcast_in_dim3A_115 : vector<16xi1>, vector<16xi32>
      %swap3A_117 = arith.constant 16 : index
      %swap3A_118 = tpu.vector_load %arg13[%swap3A_117] {strides = array<i32>} : memref<80xi32, #tpu.memory_space<vmem>>, vector<16xi32>,
      tpu.vector_store %arg13[%swap3A_117], %select_n3A_116 {strides = array<i32>} : memref<80xi32, #tpu.memory_space<vmem>>, vector<16xi32>,
      %and3A_119 = arith.constant 255 : i32
      %and3A_120 = vector.broadcast %and3A_119 : i32 to vector<16xi32>
      %and3A_121 = arith.andi %get3A_102, %and3A_120 : vector<16xi32>
      %jit3A_122 = arith.constant 192 : i32
      %broadcast_in_dim3A_123 = vector.broadcast %jit3A_122 : i32 to vector<16xi32>
      %select_n3A_124 = arith.select %lt3A_100, %and3A_121, %broadcast_in_dim3A_123 : vector<16xi1>, vector<16xi32>
      %broadcast_in_dim3A_125 = arith.constant 1.000000e+00 : f32
      %broadcast_in_dim3A_126 = vector.broadcast %broadcast_in_dim3A_125 : f32 to vector<16xf32>
      tpu.vector_store_idx %arg14[%select_n3A_124], %broadcast_in_dim3A_126 masked %lt3A_100 {add = true} : memref<200xf32, #tpu.memory_space<vmem>>[vector<16xi32>], vector<16xf32>, vector<16xi1>
      %add3A_127 = arith.constant 32 : i32
      %add3A_128 = arith.addi %mul3A_66, %add3A_127 : i32
      %iota3A_129 = tpu.iota {dimensions = array<i32: 0>} : vector<16xi32>
      %add3A_130 = vector.broadcast %add3A_128 : i32 to vector<16xi32>
      %add3A_131 = arith.addi %add3A_130, %iota3A_129 : vector<16xi32>
      %lt3A_132 = vector.broadcast %scan3A_31 : i32 to vector<16xi32>
      %lt3A_133 = arith.cmpi slt, %add3A_131, %lt3A_132 : vector<16xi32>
      %get3A_134 = arith.index_cast %add3A_128 : i32 to index
      %get3A_135 = tpu.vector_load %arg20[%get3A_134] {strides = array<i32>} : memref<13208xi32, #tpu.memory_space<vmem>>, vector<16xi32>,
      %shift_right_logical3A_136 = arith.constant 8 : i32
      %shift_right_logical3A_137 = vector.broadcast %shift_right_logical3A_136 : i32 to vector<16xi32>
      %shift_right_logical3A_138 = arith.shrui %get3A_135, %shift_right_logical3A_137 : vector<16xi32>
      %jit3A_139 = arith.constant 0 : i32
      %broadcast_in_dim3A_140 = vector.broadcast %jit3A_139 : i32 to vector<16xi32>
      %select_n3A_141 = arith.select %lt3A_133, %shift_right_logical3A_138, %broadcast_in_dim3A_140 : vector<16xi1>, vector<16xi32>
      %swap3A_142 = arith.constant 32 : index
      %swap3A_143 = tpu.vector_load %arg12[%swap3A_142] {strides = array<i32>} : memref<64xi32, #tpu.memory_space<vmem>>, vector<16xi32>,
      tpu.vector_store %arg12[%swap3A_142], %select_n3A_141 {strides = array<i32>} : memref<64xi32, #tpu.memory_space<vmem>>, vector<16xi32>,
      %and3A_144 = arith.constant 255 : i32
      %and3A_145 = vector.broadcast %and3A_144 : i32 to vector<16xi32>
      %and3A_146 = arith.andi %get3A_135, %and3A_145 : vector<16xi32>
      %jit3A_147 = arith.constant 192 : i32
      %broadcast_in_dim3A_148 = vector.broadcast %jit3A_147 : i32 to vector<16xi32>
      %select_n3A_149 = arith.select %lt3A_133, %and3A_146, %broadcast_in_dim3A_148 : vector<16xi1>, vector<16xi32>
      %swap3A_150 = arith.constant 32 : index
      %swap3A_151 = tpu.vector_load %arg13[%swap3A_150] {strides = array<i32>} : memref<80xi32, #tpu.memory_space<vmem>>, vector<16xi32>,
      tpu.vector_store %arg13[%swap3A_150], %select_n3A_149 {strides = array<i32>} : memref<80xi32, #tpu.memory_space<vmem>>, vector<16xi32>,
      %and3A_152 = arith.constant 255 : i32
      %and3A_153 = vector.broadcast %and3A_152 : i32 to vector<16xi32>
      %and3A_154 = arith.andi %get3A_135, %and3A_153 : vector<16xi32>
      %jit3A_155 = arith.constant 192 : i32
      %broadcast_in_dim3A_156 = vector.broadcast %jit3A_155 : i32 to vector<16xi32>
      %select_n3A_157 = arith.select %lt3A_133, %and3A_154, %broadcast_in_dim3A_156 : vector<16xi1>, vector<16xi32>
      %broadcast_in_dim3A_158 = arith.constant 1.000000e+00 : f32
      %broadcast_in_dim3A_159 = vector.broadcast %broadcast_in_dim3A_158 : f32 to vector<16xf32>
      tpu.vector_store_idx %arg14[%select_n3A_157], %broadcast_in_dim3A_159 masked %lt3A_133 {add = true} : memref<200xf32, #tpu.memory_space<vmem>>[vector<16xi32>], vector<16xf32>, vector<16xi1>
      %add3A_160 = arith.constant 48 : i32
      %add3A_161 = arith.addi %mul3A_66, %add3A_160 : i32
      %iota3A_162 = tpu.iota {dimensions = array<i32: 0>} : vector<16xi32>
      %add3A_163 = vector.broadcast %add3A_161 : i32 to vector<16xi32>
      %add3A_164 = arith.addi %add3A_163, %iota3A_162 : vector<16xi32>
      %lt3A_165 = vector.broadcast %scan3A_31 : i32 to vector<16xi32>
      %lt3A_166 = arith.cmpi slt, %add3A_164, %lt3A_165 : vector<16xi32>
      %get3A_167 = arith.index_cast %add3A_161 : i32 to index
      %get3A_168 = tpu.vector_load %arg20[%get3A_167] {strides = array<i32>} : memref<13208xi32, #tpu.memory_space<vmem>>, vector<16xi32>,
      %shift_right_logical3A_169 = arith.constant 8 : i32
      %shift_right_logical3A_170 = vector.broadcast %shift_right_logical3A_169 : i32 to vector<16xi32>
      %shift_right_logical3A_171 = arith.shrui %get3A_168, %shift_right_logical3A_170 : vector<16xi32>
      %jit3A_172 = arith.constant 0 : i32
      %broadcast_in_dim3A_173 = vector.broadcast %jit3A_172 : i32 to vector<16xi32>
      %select_n3A_174 = arith.select %lt3A_166, %shift_right_logical3A_171, %broadcast_in_dim3A_173 : vector<16xi1>, vector<16xi32>
      %swap3A_175 = arith.constant 48 : index
      %swap3A_176 = tpu.vector_load %arg12[%swap3A_175] {strides = array<i32>} : memref<64xi32, #tpu.memory_space<vmem>>, vector<16xi32>,
      tpu.vector_store %arg12[%swap3A_175], %select_n3A_174 {strides = array<i32>} : memref<64xi32, #tpu.memory_space<vmem>>, vector<16xi32>,
      %and3A_177 = arith.constant 255 : i32
      %and3A_178 = vector.broadcast %and3A_177 : i32 to vector<16xi32>
      %and3A_179 = arith.andi %get3A_168, %and3A_178 : vector<16xi32>
      %jit3A_180 = arith.constant 192 : i32
      %broadcast_in_dim3A_181 = vector.broadcast %jit3A_180 : i32 to vector<16xi32>
      %select_n3A_182 = arith.select %lt3A_166, %and3A_179, %broadcast_in_dim3A_181 : vector<16xi1>, vector<16xi32>
      %swap3A_183 = arith.constant 48 : index
      %swap3A_184 = tpu.vector_load %arg13[%swap3A_183] {strides = array<i32>} : memref<80xi32, #tpu.memory_space<vmem>>, vector<16xi32>,
      tpu.vector_store %arg13[%swap3A_183], %select_n3A_182 {strides = array<i32>} : memref<80xi32, #tpu.memory_space<vmem>>, vector<16xi32>,
      %and3A_185 = arith.constant 255 : i32
      %and3A_186 = vector.broadcast %and3A_185 : i32 to vector<16xi32>
      %and3A_187 = arith.andi %get3A_168, %and3A_186 : vector<16xi32>
      %jit3A_188 = arith.constant 192 : i32
      %broadcast_in_dim3A_189 = vector.broadcast %jit3A_188 : i32 to vector<16xi32>
      %select_n3A_190 = arith.select %lt3A_166, %and3A_187, %broadcast_in_dim3A_189 : vector<16xi1>, vector<16xi32>
      %broadcast_in_dim3A_191 = arith.constant 1.000000e+00 : f32
      %broadcast_in_dim3A_192 = vector.broadcast %broadcast_in_dim3A_191 : f32 to vector<16xf32>
      tpu.vector_store_idx %arg14[%select_n3A_190], %broadcast_in_dim3A_192 masked %lt3A_166 {add = true} : memref<200xf32, #tpu.memory_space<vmem>>[vector<16xi32>], vector<16xf32>, vector<16xi1>
      %dma_start3A_193 = arith.constant 0 : i32
      %dma_start3A_194 = arith.constant 0 : i32
      %dma_start3A_195 = tpu.memref_slice %arg5[%dma_start3A_193, %dma_start3A_194] : memref<10000x384xf32, #tpu.memory_space<hbm>> -> memref<10000x384xf32, #tpu.memory_space<hbm>>
      tpu.enqueue_indirect_dma source(%dma_start3A_195 : memref<10000x384xf32, #tpu.memory_space<hbm>>) target(%arg11 : memref<64x384xf32, #tpu.memory_space<vmem>>) offsets(%arg12 : memref<64xi32, #tpu.memory_space<vmem>>) semaphore(%arg21 : memref<!tpu.dma_semaphore, #tpu.memory_space<semaphore_mem>>)
      %dma_wait3A_196 = arith.constant 0 : i32
      %dma_wait3A_197 = arith.constant 0 : i32
      %dma_wait3A_198 = tpu.memref_slice %arg5[%dma_wait3A_196, %dma_wait3A_197] : memref<10000x384xf32, #tpu.memory_space<hbm>> -> memref<10000x384xf32, #tpu.memory_space<hbm>>
      tpu.wait_indirect_dma semaphore(%arg21 : memref<!tpu.dma_semaphore, #tpu.memory_space<semaphore_mem>>) src(%dma_wait3A_198 : memref<10000x384xf32, #tpu.memory_space<hbm>>) dst(%arg11 : memref<64x384xf32, #tpu.memory_space<vmem>>)
      %scan3A_199 = arith.constant 0 : i32
      %scan3A_200 = arith.constant 64 : i32
      %scan3A_201 = arith.addi %scan3A_199, %scan3A_200 : i32
      %scan3A_202 = arith.constant 1 : i32
      scf.for %scan3A_204 = %scan3A_199 to %scan3A_201 step %scan3A_202  : i32 {
        %mul3A_205 = arith.constant 1 : i32
        %mul3A_206 = arith.muli %scan3A_204, %mul3A_205 : i32
        %add3A_207 = arith.constant 0 : i32
        %add3A_208 = arith.addi %add3A_207, %mul3A_206 : i32
        %get3A_209 = arith.index_cast %add3A_208 : i32 to index
        %get3A_210 = tpu.vector_load %arg13[%get3A_209] {strides = array<i32>} : memref<80xi32, #tpu.memory_space<vmem>>, vector<16xi32>,
        %slice3A = vector.extract_strided_slice %get3A_210 {offsets = [0], sizes = [1], strides = [1]} : vector<16xi32> to vector<1xi32>
        %squeeze3A = vector.extract %slice3A[0] : i32 from vector<1xi32>
        %scan3A_211 = arith.constant 0 : i32
        %scan3A_212 = arith.constant 24 : i32
        %scan3A_213 = arith.addi %scan3A_211, %scan3A_212 : i32
        %scan3A_214 = arith.constant 1 : i32
        scf.for %scan3A_216 = %scan3A_211 to %scan3A_213 step %scan3A_214  : i32 {
          %mul3A_217 = arith.constant 16 : i32
          %mul3A_218 = arith.muli %scan3A_216, %mul3A_217 : i32
          %add3A_219 = arith.constant 0 : i32
          %add3A_220 = arith.addi %add3A_219, %mul3A_218 : i32
          %get3A_221 = arith.index_cast %add3A_208 : i32 to index
          %get3A_222 = arith.index_cast %add3A_220 : i32 to index
          %get3A_223 = tpu.vector_load %arg11[%get3A_221, %get3A_222] {strides = array<i32>} : memref<64x384xf32, #tpu.memory_space<vmem>>, vector<16xf32>,
          %swap3A_224 = arith.index_cast %squeeze3A : i32 to index
          %swap3A_225 = arith.index_cast %add3A_220 : i32 to index
          %swap3A_226 = tpu.vector_load %arg10[%swap3A_224, %swap3A_225] {strides = array<i32>} : memref<200x384xf32, #tpu.memory_space<vmem>>, vector<16xf32>,
          tpu.vector_store %arg10[%swap3A_224, %swap3A_225], %get3A_223 {add = true, strides = array<i32>} : memref<200x384xf32, #tpu.memory_space<vmem>>, vector<16xf32>,
        }
        %scan3A_215 = arith.constant 24 : i32
      }
      %scan3A_203 = arith.constant 64 : i32
    }
    %mul3A_60 = arith.constant 192 : i32
    %mul3A_61 = arith.muli %add3A, %mul3A_60 : i32
    "tpu.region"() ({
      %run_scoped3A = tpu.sem_alloc : memref<!tpu.dma_semaphore, #tpu.memory_space<semaphore_mem>>
      %dma_start3A_64 = arith.constant 0 : i32
      %dma_start3A_65 = arith.constant 0 : i32
      %dma_start3A_66 = tpu.memref_slice %arg10[%dma_start3A_64, %dma_start3A_65] : memref<200x384xf32, #tpu.memory_space<vmem>> -> memref<192x384xf32, #tpu.memory_space<vmem>>
      %dma_start3A_67 = arith.constant 0 : i32
      %dma_start3A_68 = tpu.memref_slice %arg7[%mul3A_61, %dma_start3A_67] : memref<6144x384xf32, #tpu.memory_space<hbm>> -> memref<192x384xf32, #tpu.memory_space<hbm>>
      %dma_start3A_69 = arith.constant 0 : i32
      %dma_start3A_70 = tpu.memref_slice %arg7[%mul3A_61, %dma_start3A_69] : memref<6144x384xf32, #tpu.memory_space<hbm>> -> memref<192x384xf32, #tpu.memory_space<hbm>>
      %dma_start3A_71 = arith.constant 0 : i32
      %dma_start3A_72 = arith.constant 0 : i32
      %dma_start3A_73 = tpu.memref_slice %arg10[%dma_start3A_71, %dma_start3A_72] : memref<200x384xf32, #tpu.memory_space<vmem>> -> memref<192x384xf32, #tpu.memory_space<vmem>>
      tpu.enqueue_dma source(%dma_start3A_73 : memref<192x384xf32, #tpu.memory_space<vmem>>) target(%dma_start3A_70 : memref<192x384xf32, #tpu.memory_space<hbm>>) target_semaphore(%run_scoped3A : memref<!tpu.dma_semaphore, #tpu.memory_space<semaphore_mem>>)
      %dma_wait3A_74 = arith.constant 0 : i32
      %dma_wait3A_75 = arith.constant 0 : i32
      %dma_wait3A_76 = tpu.memref_slice %arg10[%dma_wait3A_74, %dma_wait3A_75] : memref<200x384xf32, #tpu.memory_space<vmem>> -> memref<192x384xf32, #tpu.memory_space<vmem>>
      %dma_wait3A_77 = arith.constant 0 : i32
      %dma_wait3A_78 = tpu.memref_slice %arg7[%mul3A_61, %dma_wait3A_77] : memref<6144x384xf32, #tpu.memory_space<hbm>> -> memref<192x384xf32, #tpu.memory_space<hbm>>
      %dma_wait3A_79 = arith.constant 0 : i32
      %dma_wait3A_80 = tpu.memref_slice %arg7[%mul3A_61, %dma_wait3A_79] : memref<6144x384xf32, #tpu.memory_space<hbm>> -> memref<192x384xf32, #tpu.memory_space<hbm>>
      %dma_wait3A_81 = arith.constant 0 : i32
      %dma_wait3A_82 = arith.constant 0 : i32
      %dma_wait3A_83 = tpu.memref_slice %arg10[%dma_wait3A_81, %dma_wait3A_82] : memref<200x384xf32, #tpu.memory_space<vmem>> -> memref<192x384xf32, #tpu.memory_space<vmem>>
      tpu.wait_dma2 semaphore(%run_scoped3A : memref<!tpu.dma_semaphore, #tpu.memory_space<semaphore_mem>>) src(%dma_wait3A_83 : memref<192x384xf32, #tpu.memory_space<vmem>>) dst(%dma_wait3A_80 : memref<192x384xf32, #tpu.memory_space<hbm>>)
      tpu.yield
    }) : () -> ()
    %mul3A_62 = arith.constant 192 : i32
    %mul3A_63 = arith.muli %add3A, %mul3A_62 : i32
    "tpu.region"() ({
      %run_scoped3A = tpu.sem_alloc : memref<!tpu.dma_semaphore, #tpu.memory_space<semaphore_mem>>
      %dma_start3A_64 = arith.constant 0 : i32
      %dma_start3A_65 = tpu.memref_slice %arg14[%dma_start3A_64] : memref<200xf32, #tpu.memory_space<vmem>> -> memref<192xf32, #tpu.memory_space<vmem>>
      %dma_start3A_66 = tpu.memref_slice %arg8[%mul3A_63] : memref<6144xf32, #tpu.memory_space<hbm>> -> memref<192xf32, #tpu.memory_space<hbm>>
      %dma_start3A_67 = tpu.memref_slice %arg8[%mul3A_63] : memref<6144xf32, #tpu.memory_space<hbm>> -> memref<192xf32, #tpu.memory_space<hbm>>
      %dma_start3A_68 = arith.constant 0 : i32
      %dma_start3A_69 = tpu.memref_slice %arg14[%dma_start3A_68] : memref<200xf32, #tpu.memory_space<vmem>> -> memref<192xf32, #tpu.memory_space<vmem>>
      tpu.enqueue_dma source(%dma_start3A_69 : memref<192xf32, #tpu.memory_space<vmem>>) target(%dma_start3A_67 : memref<192xf32, #tpu.memory_space<hbm>>) target_semaphore(%run_scoped3A : memref<!tpu.dma_semaphore, #tpu.memory_space<semaphore_mem>>)
      %dma_wait3A_70 = arith.constant 0 : i32
      %dma_wait3A_71 = tpu.memref_slice %arg14[%dma_wait3A_70] : memref<200xf32, #tpu.memory_space<vmem>> -> memref<192xf32, #tpu.memory_space<vmem>>
      %dma_wait3A_72 = tpu.memref_slice %arg8[%mul3A_63] : memref<6144xf32, #tpu.memory_space<hbm>> -> memref<192xf32, #tpu.memory_space<hbm>>
      %dma_wait3A_73 = tpu.memref_slice %arg8[%mul3A_63] : memref<6144xf32, #tpu.memory_space<hbm>> -> memref<192xf32, #tpu.memory_space<hbm>>
      %dma_wait3A_74 = arith.constant 0 : i32
      %dma_wait3A_75 = tpu.memref_slice %arg14[%dma_wait3A_74] : memref<200xf32, #tpu.memory_space<vmem>> -> memref<192xf32, #tpu.memory_space<vmem>>
      tpu.wait_dma2 semaphore(%run_scoped3A : memref<!tpu.dma_semaphore, #tpu.memory_space<semaphore_mem>>) src(%dma_wait3A_75 : memref<192xf32, #tpu.memory_space<vmem>>) dst(%dma_wait3A_73 : memref<192xf32, #tpu.memory_space<hbm>>)
      tpu.yield
    }) : () -> ()
    return
  }
}

#map = affine_map<(d0, d1) -> (0)>
#map1 = affine_map<(d0, d1) -> (0, 0)>
module attributes {stable_mosaic.version = 14 : i64} {
  func.func @k(%arg0: i32, %arg1: i32, %arg2: memref<512xi32, #tpu.memory_space<hbm>>, %arg3: memref<512xi32, #tpu.memory_space<hbm>>, %arg4: memref<320000xi32, #tpu.memory_space<hbm>>, %arg5: memref<160000xi32, #tpu.memory_space<hbm>>, %arg6: memref<32x5016xi32, #tpu.memory_space<hbm>>, %arg7: memref<32x16xi32, #tpu.memory_space<hbm>>, %arg8: memref<10240xi32, #tpu.memory_space<vmem>>, %arg9: memref<512xi32, #tpu.memory_space<vmem>>, %arg10: memref<512xi32, #tpu.memory_space<vmem>>, %arg11: memref<5000xi32, #tpu.memory_space<vmem>>, %arg12: memref<5000xi32, #tpu.memory_space<vmem>>, %arg13: memref<5000xi32, #tpu.memory_space<vmem>>, %arg14: memref<5016xi32, #tpu.memory_space<vmem>>, %arg15: memref<16xi32, #tpu.memory_space<vmem>>) attributes {dimension_semantics = [#tpu.dimension_semantics<core_parallel>, #tpu.dimension_semantics<subcore_parallel>], iteration_bounds = array<i64: 2, 16>, scalar_prefetch = 0 : i64, scratch_operands = 8 : i64, tpu.core_type = #tpu.core_type<sc_vector_subcore>, window_params = [{transform_indices = #map}, {transform_indices = #map}, {transform_indices = #map}, {transform_indices = #map}, {transform_indices = #map1}, {transform_indices = #map1}]} {
    %mul3A = arith.constant 2 : i32
    %mul3A_0 = arith.muli %arg1, %mul3A : i32
    %add3A = arith.addi %mul3A_0, %arg0 : i32
    %scan3A = arith.constant 0 : i32
    %scan3A_1 = arith.constant 640 : i32
    %scan3A_2 = arith.addi %scan3A, %scan3A_1 : i32
    %scan3A_3 = arith.constant 1 : i32
    scf.for %scan3A_25 = %scan3A to %scan3A_2 step %scan3A_3  : i32 {
      %mul3A_26 = arith.constant 16 : i32
      %mul3A_27 = arith.muli %scan3A_25, %mul3A_26 : i32
      %add3A_28 = arith.constant 0 : i32
      %add3A_29 = arith.addi %add3A_28, %mul3A_27 : i32
      %broadcast_in_dim3A_30 = arith.constant -1 : i32
      %broadcast_in_dim3A_31 = vector.broadcast %broadcast_in_dim3A_30 : i32 to vector<16xi32>
      %swap3A_32 = arith.index_cast %add3A_29 : i32 to index
      %swap3A_33 = tpu.vector_load %arg8[%swap3A_32] {strides = array<i32>} : memref<10240xi32, #tpu.memory_space<vmem>>, vector<16xi32>,
      tpu.vector_store %arg8[%swap3A_32], %broadcast_in_dim3A_31 {strides = array<i32>} : memref<10240xi32, #tpu.memory_space<vmem>>, vector<16xi32>,
    }
    %scan3A_4 = arith.constant 640 : i32
    "tpu.region"() ({
      %run_scoped3A = tpu.sem_alloc : memref<!tpu.dma_semaphore, #tpu.memory_space<semaphore_mem>>
      tpu.enqueue_dma source(%arg2 : memref<512xi32, #tpu.memory_space<hbm>>) target(%arg9 : memref<512xi32, #tpu.memory_space<vmem>>) target_semaphore(%run_scoped3A : memref<!tpu.dma_semaphore, #tpu.memory_space<semaphore_mem>>)
      tpu.wait_dma2 semaphore(%run_scoped3A : memref<!tpu.dma_semaphore, #tpu.memory_space<semaphore_mem>>) src(%arg2 : memref<512xi32, #tpu.memory_space<hbm>>) dst(%arg9 : memref<512xi32, #tpu.memory_space<vmem>>)
      tpu.yield
    }) : () -> ()
    "tpu.region"() ({
      %run_scoped3A = tpu.sem_alloc : memref<!tpu.dma_semaphore, #tpu.memory_space<semaphore_mem>>
      tpu.enqueue_dma source(%arg3 : memref<512xi32, #tpu.memory_space<hbm>>) target(%arg10 : memref<512xi32, #tpu.memory_space<vmem>>) target_semaphore(%run_scoped3A : memref<!tpu.dma_semaphore, #tpu.memory_space<semaphore_mem>>)
      tpu.wait_dma2 semaphore(%run_scoped3A : memref<!tpu.dma_semaphore, #tpu.memory_space<semaphore_mem>>) src(%arg3 : memref<512xi32, #tpu.memory_space<hbm>>) dst(%arg10 : memref<512xi32, #tpu.memory_space<vmem>>)
      tpu.yield
    }) : () -> ()
    %scan3A_5 = arith.constant 0 : i32
    %scan3A_6 = arith.constant 32 : i32
    %scan3A_7 = arith.addi %scan3A_5, %scan3A_6 : i32
    %scan3A_8 = arith.constant 1 : i32
    scf.for %scan3A_25 = %scan3A_5 to %scan3A_7 step %scan3A_8  : i32 {
      %mul3A_26 = arith.constant 16 : i32
      %mul3A_27 = arith.muli %scan3A_25, %mul3A_26 : i32
      %add3A_28 = arith.constant 0 : i32
      %add3A_29 = arith.addi %add3A_28, %mul3A_27 : i32
      %get3A = arith.index_cast %add3A_29 : i32 to index
      %get3A_30 = tpu.vector_load %arg9[%get3A] {strides = array<i32>} : memref<512xi32, #tpu.memory_space<vmem>>, vector<16xi32>,
      %get3A_31 = arith.index_cast %add3A_29 : i32 to index
      %get3A_32 = tpu.vector_load %arg10[%get3A_31] {strides = array<i32>} : memref<512xi32, #tpu.memory_space<vmem>>, vector<16xi32>,
      tpu.vector_store_idx %arg8[%get3A_30], %get3A_32 : memref<10240xi32, #tpu.memory_space<vmem>>[vector<16xi32>], vector<16xi32>,
    }
    %scan3A_9 = arith.constant 32 : i32
    %mul3A_10 = arith.constant 5000 : i32
    %mul3A_11 = arith.muli %add3A, %mul3A_10 : i32
    "tpu.region"() ({
      %run_scoped3A = tpu.sem_alloc : memref<!tpu.dma_semaphore, #tpu.memory_space<semaphore_mem>>
      %dma_start3A = tpu.memref_slice %arg4[%mul3A_11] : memref<320000xi32, #tpu.memory_space<hbm>> -> memref<5000xi32, #tpu.memory_space<hbm>>
      %dma_start3A_25 = tpu.memref_slice %arg4[%mul3A_11] : memref<320000xi32, #tpu.memory_space<hbm>> -> memref<5000xi32, #tpu.memory_space<hbm>>
      tpu.enqueue_dma source(%dma_start3A_25 : memref<5000xi32, #tpu.memory_space<hbm>>) target(%arg11 : memref<5000xi32, #tpu.memory_space<vmem>>) target_semaphore(%run_scoped3A : memref<!tpu.dma_semaphore, #tpu.memory_space<semaphore_mem>>)
      %dma_wait3A = tpu.memref_slice %arg4[%mul3A_11] : memref<320000xi32, #tpu.memory_space<hbm>> -> memref<5000xi32, #tpu.memory_space<hbm>>
      %dma_wait3A_26 = tpu.memref_slice %arg4[%mul3A_11] : memref<320000xi32, #tpu.memory_space<hbm>> -> memref<5000xi32, #tpu.memory_space<hbm>>
      tpu.wait_dma2 semaphore(%run_scoped3A : memref<!tpu.dma_semaphore, #tpu.memory_space<semaphore_mem>>) src(%dma_wait3A_26 : memref<5000xi32, #tpu.memory_space<hbm>>) dst(%arg11 : memref<5000xi32, #tpu.memory_space<vmem>>)
      tpu.yield
    }) : () -> ()
    %add3A_12 = arith.constant 160000 : i32
    %add3A_13 = arith.addi %add3A_12, %mul3A_11 : i32
    "tpu.region"() ({
      %run_scoped3A = tpu.sem_alloc : memref<!tpu.dma_semaphore, #tpu.memory_space<semaphore_mem>>
      %dma_start3A = tpu.memref_slice %arg4[%add3A_13] : memref<320000xi32, #tpu.memory_space<hbm>> -> memref<5000xi32, #tpu.memory_space<hbm>>
      %dma_start3A_25 = tpu.memref_slice %arg4[%add3A_13] : memref<320000xi32, #tpu.memory_space<hbm>> -> memref<5000xi32, #tpu.memory_space<hbm>>
      tpu.enqueue_dma source(%dma_start3A_25 : memref<5000xi32, #tpu.memory_space<hbm>>) target(%arg12 : memref<5000xi32, #tpu.memory_space<vmem>>) target_semaphore(%run_scoped3A : memref<!tpu.dma_semaphore, #tpu.memory_space<semaphore_mem>>)
      %dma_wait3A = tpu.memref_slice %arg4[%add3A_13] : memref<320000xi32, #tpu.memory_space<hbm>> -> memref<5000xi32, #tpu.memory_space<hbm>>
      %dma_wait3A_26 = tpu.memref_slice %arg4[%add3A_13] : memref<320000xi32, #tpu.memory_space<hbm>> -> memref<5000xi32, #tpu.memory_space<hbm>>
      tpu.wait_dma2 semaphore(%run_scoped3A : memref<!tpu.dma_semaphore, #tpu.memory_space<semaphore_mem>>) src(%dma_wait3A_26 : memref<5000xi32, #tpu.memory_space<hbm>>) dst(%arg12 : memref<5000xi32, #tpu.memory_space<vmem>>)
      tpu.yield
    }) : () -> ()
    "tpu.region"() ({
      %run_scoped3A = tpu.sem_alloc : memref<!tpu.dma_semaphore, #tpu.memory_space<semaphore_mem>>
      %dma_start3A = tpu.memref_slice %arg5[%mul3A_11] : memref<160000xi32, #tpu.memory_space<hbm>> -> memref<5000xi32, #tpu.memory_space<hbm>>
      %dma_start3A_25 = tpu.memref_slice %arg5[%mul3A_11] : memref<160000xi32, #tpu.memory_space<hbm>> -> memref<5000xi32, #tpu.memory_space<hbm>>
      tpu.enqueue_dma source(%dma_start3A_25 : memref<5000xi32, #tpu.memory_space<hbm>>) target(%arg13 : memref<5000xi32, #tpu.memory_space<vmem>>) target_semaphore(%run_scoped3A : memref<!tpu.dma_semaphore, #tpu.memory_space<semaphore_mem>>)
      %dma_wait3A = tpu.memref_slice %arg5[%mul3A_11] : memref<160000xi32, #tpu.memory_space<hbm>> -> memref<5000xi32, #tpu.memory_space<hbm>>
      %dma_wait3A_26 = tpu.memref_slice %arg5[%mul3A_11] : memref<160000xi32, #tpu.memory_space<hbm>> -> memref<5000xi32, #tpu.memory_space<hbm>>
      tpu.wait_dma2 semaphore(%run_scoped3A : memref<!tpu.dma_semaphore, #tpu.memory_space<semaphore_mem>>) src(%dma_wait3A_26 : memref<5000xi32, #tpu.memory_space<hbm>>) dst(%arg13 : memref<5000xi32, #tpu.memory_space<vmem>>)
      tpu.yield
    }) : () -> ()
    %scan3A_14 = arith.constant 0 : i32
    %scan3A_15 = arith.constant 0 : i32
    %scan3A_16 = arith.constant 312 : i32
    %scan3A_17 = arith.addi %scan3A_15, %scan3A_16 : i32
    %scan3A_18 = arith.constant 1 : i32
    %scan3A_19 = scf.for %scan3A_25 = %scan3A_15 to %scan3A_17 step %scan3A_18 iter_args(%scan3A_26 = %scan3A_14) -> (i32)  : i32 {
      %mul3A_27 = arith.constant 16 : i32
      %mul3A_28 = arith.muli %scan3A_25, %mul3A_27 : i32
      %get3A = arith.index_cast %mul3A_28 : i32 to index
      %get3A_29 = tpu.vector_load %arg11[%get3A] {strides = array<i32>} : memref<5000xi32, #tpu.memory_space<vmem>>, vector<16xi32>,
      %get3A_30 = arith.index_cast %mul3A_28 : i32 to index
      %get3A_31 = tpu.vector_load %arg12[%get3A_30] {strides = array<i32>} : memref<5000xi32, #tpu.memory_space<vmem>>, vector<16xi32>,
      %get3A_32 = arith.index_cast %mul3A_28 : i32 to index
      %get3A_33 = tpu.vector_load %arg13[%get3A_32] {strides = array<i32>} : memref<5000xi32, #tpu.memory_space<vmem>>, vector<16xi32>,
      %gather3A = tpu.vector_load_idx %arg8[%get3A_31] : memref<10240xi32, #tpu.memory_space<vmem>>[vector<16xi32>], vector<16xi32>,
      %ge3A = arith.constant 0 : i32
      %ge3A_34 = vector.broadcast %ge3A : i32 to vector<16xi32>
      %ge3A_35 = arith.cmpi sge, %gather3A, %ge3A_34 : vector<16xi32>
      %shift_left3A = arith.constant 13 : i32
      %shift_left3A_36 = vector.broadcast %shift_left3A : i32 to vector<16xi32>
      %shift_left3A_37 = arith.shli %get3A_29, %shift_left3A_36 : vector<16xi32>
      %shift_left3A_38 = arith.constant 4 : i32
      %shift_left3A_39 = vector.broadcast %shift_left3A_38 : i32 to vector<16xi32>
      %shift_left3A_40 = arith.shli %gather3A, %shift_left3A_39 : vector<16xi32>
      %jit3A_41 = arith.constant 0 : i32
      %broadcast_in_dim3A_42 = vector.broadcast %jit3A_41 : i32 to vector<16xi32>
      %select_n3A_43 = arith.select %ge3A_35, %shift_left3A_40, %broadcast_in_dim3A_42 : vector<16xi1>, vector<16xi32>
      %or3A = arith.ori %shift_left3A_37, %select_n3A_43 : vector<16xi32>
      %or3A_44 = arith.ori %or3A, %get3A_33 : vector<16xi32>
      %swap3A_45 = arith.index_cast %scan3A_26 : i32 to index
      %swap3A_46 = tpu.vector_load %arg14[%swap3A_45] masked %ge3A_35 {strides = array<i32>} : memref<5016xi32, #tpu.memory_space<vmem>>, vector<16xi32>, vector<16xi1>
      tpu.vector_store %arg14[%swap3A_45], %or3A_44 masked %ge3A_35 {strides = array<i32>} : memref<5016xi32, #tpu.memory_space<vmem>>, vector<16xi32>, vector<16xi1>
      %convert_element_type3A = arith.extui %ge3A_35 : vector<16xi1> to vector<16xi32>
      %reduce_sum3A = arith.constant true
      %reduce_sum3A_47 = vector.broadcast %reduce_sum3A : i1 to vector<16xi1>
      %reduce_sum3A_48 = tpu.scan <sum>, %convert_element_type3A masked %reduce_sum3A_47 : vector<16xi32>, vector<16xi1> -> vector<16xi32>
      %reduce_sum3A_49 = vector.extract %reduce_sum3A_48[15] : i32 from vector<16xi32>
      %add3A_50 = arith.addi %scan3A_26, %reduce_sum3A_49 : i32
      scf.yield %add3A_50 : i32
    }
    %scan3A_20 = arith.constant 312 : i32
    %iota3A = tpu.iota {dimensions = array<i32: 0>} : vector<16xi32>
    %eq3A = arith.constant 0 : i32
    %eq3A_21 = vector.broadcast %eq3A : i32 to vector<16xi32>
    %eq3A_22 = arith.cmpi eq, %iota3A, %eq3A_21 : vector<16xi32>
    %jit3A = arith.constant 0 : i32
    %broadcast_in_dim3A = vector.broadcast %scan3A_19 : i32 to vector<16xi32>
    %broadcast_in_dim3A_23 = vector.broadcast %jit3A : i32 to vector<16xi32>
    %select_n3A = arith.select %eq3A_22, %broadcast_in_dim3A, %broadcast_in_dim3A_23 : vector<16xi1>, vector<16xi32>
    %swap3A = arith.constant 0 : index
    %swap3A_24 = tpu.vector_load %arg15[%swap3A] {strides = array<i32>} : memref<16xi32, #tpu.memory_space<vmem>>, vector<16xi32>,
    tpu.vector_store %arg15[%swap3A], %select_n3A {strides = array<i32>} : memref<16xi32, #tpu.memory_space<vmem>>, vector<16xi32>,
    "tpu.region"() ({
      %run_scoped3A = tpu.sem_alloc : memref<!tpu.dma_semaphore, #tpu.memory_space<semaphore_mem>>
      %dma_start3A = arith.constant 0 : i32
      %dma_start3A_25 = tpu.memref_slice %arg6[%add3A, %dma_start3A] : memref<32x5016xi32, #tpu.memory_space<hbm>> -> memref<1x5016xi32, #tpu.memory_space<hbm>>
      %dma_start3A_26 = tpu.memref_squeeze %dma_start3A_25 : memref<1x5016xi32, #tpu.memory_space<hbm>> -> memref<5016xi32, #tpu.memory_space<hbm>>
      %dma_start3A_27 = arith.constant 0 : i32
      %dma_start3A_28 = tpu.memref_slice %arg6[%add3A, %dma_start3A_27] : memref<32x5016xi32, #tpu.memory_space<hbm>> -> memref<1x5016xi32, #tpu.memory_space<hbm>>
      %dma_start3A_29 = tpu.memref_squeeze %dma_start3A_28 : memref<1x5016xi32, #tpu.memory_space<hbm>> -> memref<5016xi32, #tpu.memory_space<hbm>>
      tpu.enqueue_dma source(%arg14 : memref<5016xi32, #tpu.memory_space<vmem>>) target(%dma_start3A_29 : memref<5016xi32, #tpu.memory_space<hbm>>) target_semaphore(%run_scoped3A : memref<!tpu.dma_semaphore, #tpu.memory_space<semaphore_mem>>)
      %dma_wait3A = arith.constant 0 : i32
      %dma_wait3A_30 = tpu.memref_slice %arg6[%add3A, %dma_wait3A] : memref<32x5016xi32, #tpu.memory_space<hbm>> -> memref<1x5016xi32, #tpu.memory_space<hbm>>
      %dma_wait3A_31 = tpu.memref_squeeze %dma_wait3A_30 : memref<1x5016xi32, #tpu.memory_space<hbm>> -> memref<5016xi32, #tpu.memory_space<hbm>>
      %dma_wait3A_32 = arith.constant 0 : i32
      %dma_wait3A_33 = tpu.memref_slice %arg6[%add3A, %dma_wait3A_32] : memref<32x5016xi32, #tpu.memory_space<hbm>> -> memref<1x5016xi32, #tpu.memory_space<hbm>>
      %dma_wait3A_34 = tpu.memref_squeeze %dma_wait3A_33 : memref<1x5016xi32, #tpu.memory_space<hbm>> -> memref<5016xi32, #tpu.memory_space<hbm>>
      tpu.wait_dma2 semaphore(%run_scoped3A : memref<!tpu.dma_semaphore, #tpu.memory_space<semaphore_mem>>) src(%arg14 : memref<5016xi32, #tpu.memory_space<vmem>>) dst(%dma_wait3A_34 : memref<5016xi32, #tpu.memory_space<hbm>>)
      tpu.yield
    }) : () -> ()
    "tpu.region"() ({
      %run_scoped3A = tpu.sem_alloc : memref<!tpu.dma_semaphore, #tpu.memory_space<semaphore_mem>>
      %dma_start3A = arith.constant 0 : i32
      %dma_start3A_25 = tpu.memref_slice %arg7[%add3A, %dma_start3A] : memref<32x16xi32, #tpu.memory_space<hbm>> -> memref<1x16xi32, #tpu.memory_space<hbm>>
      %dma_start3A_26 = tpu.memref_squeeze %dma_start3A_25 : memref<1x16xi32, #tpu.memory_space<hbm>> -> memref<16xi32, #tpu.memory_space<hbm>>
      %dma_start3A_27 = arith.constant 0 : i32
      %dma_start3A_28 = tpu.memref_slice %arg7[%add3A, %dma_start3A_27] : memref<32x16xi32, #tpu.memory_space<hbm>> -> memref<1x16xi32, #tpu.memory_space<hbm>>
      %dma_start3A_29 = tpu.memref_squeeze %dma_start3A_28 : memref<1x16xi32, #tpu.memory_space<hbm>> -> memref<16xi32, #tpu.memory_space<hbm>>
      tpu.enqueue_dma source(%arg15 : memref<16xi32, #tpu.memory_space<vmem>>) target(%dma_start3A_29 : memref<16xi32, #tpu.memory_space<hbm>>) target_semaphore(%run_scoped3A : memref<!tpu.dma_semaphore, #tpu.memory_space<semaphore_mem>>)
      %dma_wait3A = arith.constant 0 : i32
      %dma_wait3A_30 = tpu.memref_slice %arg7[%add3A, %dma_wait3A] : memref<32x16xi32, #tpu.memory_space<hbm>> -> memref<1x16xi32, #tpu.memory_space<hbm>>
      %dma_wait3A_31 = tpu.memref_squeeze %dma_wait3A_30 : memref<1x16xi32, #tpu.memory_space<hbm>> -> memref<16xi32, #tpu.memory_space<hbm>>
      %dma_wait3A_32 = arith.constant 0 : i32
      %dma_wait3A_33 = tpu.memref_slice %arg7[%add3A, %dma_wait3A_32] : memref<32x16xi32, #tpu.memory_space<hbm>> -> memref<1x16xi32, #tpu.memory_space<hbm>>
      %dma_wait3A_34 = tpu.memref_squeeze %dma_wait3A_33 : memref<1x16xi32, #tpu.memory_space<hbm>> -> memref<16xi32, #tpu.memory_space<hbm>>
      tpu.wait_dma2 semaphore(%run_scoped3A : memref<!tpu.dma_semaphore, #tpu.memory_space<semaphore_mem>>) src(%arg15 : memref<16xi32, #tpu.memory_space<vmem>>) dst(%dma_wait3A_34 : memref<16xi32, #tpu.memory_space<hbm>>)
      tpu.yield
    }) : () -> ()
    return
  }
}

module attributes {stable_mosaic.version = 14 : i64} {
  func.func @body(%arg0: memref<512x1xi32, #tpu.memory_space<vmem>>, %arg1: memref<1x512xi32, #tpu.memory_space<vmem>>, %arg2: memref<512x1xi32, #tpu.memory_space<vmem>>) attributes {dimension_semantics = [], scalar_prefetch = 0 : i64, scratch_operands = 0 : i64, tpu.core_type = #tpu.core_type<tc>} {
    %get3A = arith.constant 0 : index
    %get3A_0 = arith.constant 0 : index
    %get3A_1 = vector.load %arg0[%get3A, %get3A_0] : memref<512x1xi32, #tpu.memory_space<vmem>>, vector<512x1xi32>
    %get3A_2 = arith.constant 0 : index
    %get3A_3 = arith.constant 0 : index
    %get3A_4 = vector.load %arg1[%get3A_2, %get3A_3] : memref<1x512xi32, #tpu.memory_space<vmem>>, vector<1x512xi32>
    %eq3A = vector.broadcast %get3A_1 : vector<512x1xi32> to vector<512x512xi32>
    %eq3A_5 = vector.broadcast %get3A_4 : vector<1x512xi32> to vector<512x512xi32>
    %eq3A_6 = arith.cmpi eq, %eq3A, %eq3A_5 : vector<512x512xi32>
    %iota3A = tpu.iota {dimensions = array<i32: 1>} : vector<512x512xi32>
    %jit3A = arith.constant 512 : i32
    %broadcast_in_dim3A = vector.broadcast %jit3A : i32 to vector<512x512xi32>
    %select_n3A = arith.select %eq3A_6, %iota3A, %broadcast_in_dim3A : vector<512x512xi1>, vector<512x512xi32>
    %reduce_min3A = arith.constant dense<2147483647> : vector<512xi32>
    %reduce_min3A_7 = vector.multi_reduction <minsi>, %select_n3A, %reduce_min3A [1] : vector<512x512xi32> to vector<512xi32>
    %broadcast_in_dim3A_8 = vector.shape_cast %reduce_min3A_7 : vector<512xi32> to vector<512x1xi32>
    %swap3A = arith.constant 0 : index
    %swap3A_9 = arith.constant 0 : index
    %swap3A_10 = vector.load %arg2[%swap3A, %swap3A_9] : memref<512x1xi32, #tpu.memory_space<vmem>>, vector<512x1xi32>
    tpu.vector_store %arg2[%swap3A, %swap3A_9], %broadcast_in_dim3A_8 {strides = array<i32>} : memref<512x1xi32, #tpu.memory_space<vmem>>, vector<512x1xi32>,
    return
  }
}

module attributes {stable_mosaic.version = 14 : i64} {
  func.func @body(%arg0: memref<512x4608xf32, #tpu.memory_space<vmem>>, %arg1: memref<512x12xf32, #tpu.memory_space<vmem>>, %arg2: memref<512x384xf32, #tpu.memory_space<vmem>>, %arg3: memref<12x8xf32, #tpu.memory_space<smem>>, %arg4: memref<8x384x384xf32, #tpu.memory_space<vmem>>, %arg5: memref<384x384xf32, #tpu.memory_space<vmem>>, %arg6: memref<384xf32, #tpu.memory_space<vmem>>, %arg7: memref<384x192xf32, #tpu.memory_space<vmem>>, %arg8: memref<192xf32, #tpu.memory_space<vmem>>, %arg9: memref<192x384xf32, #tpu.memory_space<vmem>>, %arg10: memref<384xf32, #tpu.memory_space<vmem>>, %arg11: memref<384x768xf32, #tpu.memory_space<vmem>>, %arg12: memref<768xf32, #tpu.memory_space<vmem>>, %arg13: memref<512x768xf32, #tpu.memory_space<vmem>>) attributes {dimension_semantics = [], scalar_prefetch = 0 : i64, scratch_operands = 0 : i64, tpu.core_type = #tpu.core_type<tc>} {
    %get3A = arith.constant 0 : index
    %get3A_0 = arith.constant 0 : index
    %get3A_1 = vector.load %arg1[%get3A, %get3A_0] : memref<512x12xf32, #tpu.memory_space<vmem>>, vector<512x12xf32>
    %max3A = arith.constant 1.000000e+00 : f32
    %max3A_2 = vector.broadcast %max3A : f32 to vector<512x12xf32>
    %max3A_3 = arith.maximumf %get3A_1, %max3A_2 : vector<512x12xf32>
    %div3A = arith.constant 1.000000e+00 : f32
    %div3A_4 = vector.broadcast %div3A : f32 to vector<512x12xf32>
    %div3A_5 = arith.divf %div3A_4, %max3A_3 : vector<512x12xf32>
    %broadcast_in_dim3A = arith.constant 0.000000e+00 : f32
    %broadcast_in_dim3A_6 = vector.broadcast %broadcast_in_dim3A : f32 to vector<512x384xf32>
    %broadcast_in_dim3A_7 = arith.constant 0.000000e+00 : f32
    %broadcast_in_dim3A_8 = vector.broadcast %broadcast_in_dim3A_7 : f32 to vector<384x384xf32>
    %get3A_9 = arith.constant 0 : index
    %get3A_10 = arith.constant 0 : index
    %get3A_11 = memref.load %arg3[%get3A_9, %get3A_10] : memref<12x8xf32, #tpu.memory_space<smem>>
    %get3A_12 = arith.constant 0 : index
    %get3A_13 = arith.constant 0 : index
    %get3A_14 = arith.constant 0 : index
    %get3A_15 = vector.load %arg4[%get3A_12, %get3A_13, %get3A_14] : memref<8x384x384xf32, #tpu.memory_space<vmem>>, vector<1x384x384xf32>
    %get3A_16 = vector.shape_cast %get3A_15 : vector<1x384x384xf32> to vector<384x384xf32>
    %mul3A = vector.broadcast %get3A_11 : f32 to vector<384x384xf32>
    %mul3A_17 = arith.mulf %mul3A, %get3A_16 : vector<384x384xf32>
    %add3A = arith.addf %broadcast_in_dim3A_8, %mul3A_17 : vector<384x384xf32>
    %get3A_18 = arith.constant 0 : index
    %get3A_19 = arith.constant 1 : index
    %get3A_20 = memref.load %arg3[%get3A_18, %get3A_19] : memref<12x8xf32, #tpu.memory_space<smem>>
    %get3A_21 = arith.constant 1 : index
    %get3A_22 = arith.constant 0 : index
    %get3A_23 = arith.constant 0 : index
    %get3A_24 = vector.load %arg4[%get3A_21, %get3A_22, %get3A_23] : memref<8x384x384xf32, #tpu.memory_space<vmem>>, vector<1x384x384xf32>
    %get3A_25 = vector.shape_cast %get3A_24 : vector<1x384x384xf32> to vector<384x384xf32>
    %mul3A_26 = vector.broadcast %get3A_20 : f32 to vector<384x384xf32>
    %mul3A_27 = arith.mulf %mul3A_26, %get3A_25 : vector<384x384xf32>
    %add3A_28 = arith.addf %add3A, %mul3A_27 : vector<384x384xf32>
    %get3A_29 = arith.constant 0 : index
    %get3A_30 = arith.constant 2 : index
    %get3A_31 = memref.load %arg3[%get3A_29, %get3A_30] : memref<12x8xf32, #tpu.memory_space<smem>>
    %get3A_32 = arith.constant 2 : index
    %get3A_33 = arith.constant 0 : index
    %get3A_34 = arith.constant 0 : index
    %get3A_35 = vector.load %arg4[%get3A_32, %get3A_33, %get3A_34] : memref<8x384x384xf32, #tpu.memory_space<vmem>>, vector<1x384x384xf32>
    %get3A_36 = vector.shape_cast %get3A_35 : vector<1x384x384xf32> to vector<384x384xf32>
    %mul3A_37 = vector.broadcast %get3A_31 : f32 to vector<384x384xf32>
    %mul3A_38 = arith.mulf %mul3A_37, %get3A_36 : vector<384x384xf32>
    %add3A_39 = arith.addf %add3A_28, %mul3A_38 : vector<384x384xf32>
    %get3A_40 = arith.constant 0 : index
    %get3A_41 = arith.constant 3 : index
    %get3A_42 = memref.load %arg3[%get3A_40, %get3A_41] : memref<12x8xf32, #tpu.memory_space<smem>>
    %get3A_43 = arith.constant 3 : index
    %get3A_44 = arith.constant 0 : index
    %get3A_45 = arith.constant 0 : index
    %get3A_46 = vector.load %arg4[%get3A_43, %get3A_44, %get3A_45] : memref<8x384x384xf32, #tpu.memory_space<vmem>>, vector<1x384x384xf32>
    %get3A_47 = vector.shape_cast %get3A_46 : vector<1x384x384xf32> to vector<384x384xf32>
    %mul3A_48 = vector.broadcast %get3A_42 : f32 to vector<384x384xf32>
    %mul3A_49 = arith.mulf %mul3A_48, %get3A_47 : vector<384x384xf32>
    %add3A_50 = arith.addf %add3A_39, %mul3A_49 : vector<384x384xf32>
    %get3A_51 = arith.constant 0 : index
    %get3A_52 = arith.constant 4 : index
    %get3A_53 = memref.load %arg3[%get3A_51, %get3A_52] : memref<12x8xf32, #tpu.memory_space<smem>>
    %get3A_54 = arith.constant 4 : index
    %get3A_55 = arith.constant 0 : index
    %get3A_56 = arith.constant 0 : index
    %get3A_57 = vector.load %arg4[%get3A_54, %get3A_55, %get3A_56] : memref<8x384x384xf32, #tpu.memory_space<vmem>>, vector<1x384x384xf32>
    %get3A_58 = vector.shape_cast %get3A_57 : vector<1x384x384xf32> to vector<384x384xf32>
    %mul3A_59 = vector.broadcast %get3A_53 : f32 to vector<384x384xf32>
    %mul3A_60 = arith.mulf %mul3A_59, %get3A_58 : vector<384x384xf32>
    %add3A_61 = arith.addf %add3A_50, %mul3A_60 : vector<384x384xf32>
    %get3A_62 = arith.constant 0 : index
    %get3A_63 = arith.constant 5 : index
    %get3A_64 = memref.load %arg3[%get3A_62, %get3A_63] : memref<12x8xf32, #tpu.memory_space<smem>>
    %get3A_65 = arith.constant 5 : index
    %get3A_66 = arith.constant 0 : index
    %get3A_67 = arith.constant 0 : index
    %get3A_68 = vector.load %arg4[%get3A_65, %get3A_66, %get3A_67] : memref<8x384x384xf32, #tpu.memory_space<vmem>>, vector<1x384x384xf32>
    %get3A_69 = vector.shape_cast %get3A_68 : vector<1x384x384xf32> to vector<384x384xf32>
    %mul3A_70 = vector.broadcast %get3A_64 : f32 to vector<384x384xf32>
    %mul3A_71 = arith.mulf %mul3A_70, %get3A_69 : vector<384x384xf32>
    %add3A_72 = arith.addf %add3A_61, %mul3A_71 : vector<384x384xf32>
    %get3A_73 = arith.constant 0 : index
    %get3A_74 = arith.constant 6 : index
    %get3A_75 = memref.load %arg3[%get3A_73, %get3A_74] : memref<12x8xf32, #tpu.memory_space<smem>>
    %get3A_76 = arith.constant 6 : index
    %get3A_77 = arith.constant 0 : index
    %get3A_78 = arith.constant 0 : index
    %get3A_79 = vector.load %arg4[%get3A_76, %get3A_77, %get3A_78] : memref<8x384x384xf32, #tpu.memory_space<vmem>>, vector<1x384x384xf32>
    %get3A_80 = vector.shape_cast %get3A_79 : vector<1x384x384xf32> to vector<384x384xf32>
    %mul3A_81 = vector.broadcast %get3A_75 : f32 to vector<384x384xf32>
    %mul3A_82 = arith.mulf %mul3A_81, %get3A_80 : vector<384x384xf32>
    %add3A_83 = arith.addf %add3A_72, %mul3A_82 : vector<384x384xf32>
    %get3A_84 = arith.constant 0 : index
    %get3A_85 = arith.constant 7 : index
    %get3A_86 = memref.load %arg3[%get3A_84, %get3A_85] : memref<12x8xf32, #tpu.memory_space<smem>>
    %get3A_87 = arith.constant 7 : index
    %get3A_88 = arith.constant 0 : index
    %get3A_89 = arith.constant 0 : index
    %get3A_90 = vector.load %arg4[%get3A_87, %get3A_88, %get3A_89] : memref<8x384x384xf32, #tpu.memory_space<vmem>>, vector<1x384x384xf32>
    %get3A_91 = vector.shape_cast %get3A_90 : vector<1x384x384xf32> to vector<384x384xf32>
    %mul3A_92 = vector.broadcast %get3A_86 : f32 to vector<384x384xf32>
    %mul3A_93 = arith.mulf %mul3A_92, %get3A_91 : vector<384x384xf32>
    %add3A_94 = arith.addf %add3A_83, %mul3A_93 : vector<384x384xf32>
    %get3A_95 = arith.constant 0 : index
    %get3A_96 = arith.constant 0 : index
    %get3A_97 = vector.load %arg0[%get3A_95, %get3A_96] : memref<512x4608xf32, #tpu.memory_space<vmem>>, vector<512x384xf32>
    %slice3A = vector.extract_strided_slice %div3A_5 {offsets = [0, 0], sizes = [512, 1], strides = [1, 1]} : vector<512x12xf32> to vector<512x1xf32>
    %mul3A_98 = vector.broadcast %slice3A : vector<512x1xf32> to vector<512x384xf32>
    %mul3A_99 = arith.mulf %get3A_97, %mul3A_98 : vector<512x384xf32>
    %convert_element_type3A = arith.truncf %mul3A_99 : vector<512x384xf32> to vector<512x384xbf16>
    %convert_element_type3A_100 = arith.truncf %add3A_94 : vector<384x384xf32> to vector<384x384xbf16>
    %dot_general3A = arith.constant dense<0.000000e+00> : vector<512x384xf32>
    %dot_general3A_101 = tpu.matmul %convert_element_type3A, %convert_element_type3A_100, %dot_general3A {dimension_numbers = #tpu.dot_dimension_numbers<[1], [0], [0], [1], [0, 0, 1, 1], [], []>, transpose_lhs_hint = false} : vector<512x384xbf16>, vector<384x384xbf16>, vector<512x384xf32> -> vector<512x384xf32>
    %add3A_102 = arith.addf %broadcast_in_dim3A_6, %dot_general3A_101 : vector<512x384xf32>
    %broadcast_in_dim3A_103 = arith.constant 0.000000e+00 : f32
    %broadcast_in_dim3A_104 = vector.broadcast %broadcast_in_dim3A_103 : f32 to vector<384x384xf32>
    %get3A_105 = arith.constant 1 : index
    %get3A_106 = arith.constant 0 : index
    %get3A_107 = memref.load %arg3[%get3A_105, %get3A_106] : memref<12x8xf32, #tpu.memory_space<smem>>
    %get3A_108 = arith.constant 0 : index
    %get3A_109 = arith.constant 0 : index
    %get3A_110 = arith.constant 0 : index
    %get3A_111 = vector.load %arg4[%get3A_108, %get3A_109, %get3A_110] : memref<8x384x384xf32, #tpu.memory_space<vmem>>, vector<1x384x384xf32>
    %get3A_112 = vector.shape_cast %get3A_111 : vector<1x384x384xf32> to vector<384x384xf32>
    %mul3A_113 = vector.broadcast %get3A_107 : f32 to vector<384x384xf32>
    %mul3A_114 = arith.mulf %mul3A_113, %get3A_112 : vector<384x384xf32>
    %add3A_115 = arith.addf %broadcast_in_dim3A_104, %mul3A_114 : vector<384x384xf32>
    %get3A_116 = arith.constant 1 : index
    %get3A_117 = arith.constant 1 : index
    %get3A_118 = memref.load %arg3[%get3A_116, %get3A_117] : memref<12x8xf32, #tpu.memory_space<smem>>
    %get3A_119 = arith.constant 1 : index
    %get3A_120 = arith.constant 0 : index
    %get3A_121 = arith.constant 0 : index
    %get3A_122 = vector.load %arg4[%get3A_119, %get3A_120, %get3A_121] : memref<8x384x384xf32, #tpu.memory_space<vmem>>, vector<1x384x384xf32>
    %get3A_123 = vector.shape_cast %get3A_122 : vector<1x384x384xf32> to vector<384x384xf32>
    %mul3A_124 = vector.broadcast %get3A_118 : f32 to vector<384x384xf32>
    %mul3A_125 = arith.mulf %mul3A_124, %get3A_123 : vector<384x384xf32>
    %add3A_126 = arith.addf %add3A_115, %mul3A_125 : vector<384x384xf32>
    %get3A_127 = arith.constant 1 : index
    %get3A_128 = arith.constant 2 : index
    %get3A_129 = memref.load %arg3[%get3A_127, %get3A_128] : memref<12x8xf32, #tpu.memory_space<smem>>
    %get3A_130 = arith.constant 2 : index
    %get3A_131 = arith.constant 0 : index
    %get3A_132 = arith.constant 0 : index
    %get3A_133 = vector.load %arg4[%get3A_130, %get3A_131, %get3A_132] : memref<8x384x384xf32, #tpu.memory_space<vmem>>, vector<1x384x384xf32>
    %get3A_134 = vector.shape_cast %get3A_133 : vector<1x384x384xf32> to vector<384x384xf32>
    %mul3A_135 = vector.broadcast %get3A_129 : f32 to vector<384x384xf32>
    %mul3A_136 = arith.mulf %mul3A_135, %get3A_134 : vector<384x384xf32>
    %add3A_137 = arith.addf %add3A_126, %mul3A_136 : vector<384x384xf32>
    %get3A_138 = arith.constant 1 : index
    %get3A_139 = arith.constant 3 : index
    %get3A_140 = memref.load %arg3[%get3A_138, %get3A_139] : memref<12x8xf32, #tpu.memory_space<smem>>
    %get3A_141 = arith.constant 3 : index
    %get3A_142 = arith.constant 0 : index
    %get3A_143 = arith.constant 0 : index
    %get3A_144 = vector.load %arg4[%get3A_141, %get3A_142, %get3A_143] : memref<8x384x384xf32, #tpu.memory_space<vmem>>, vector<1x384x384xf32>
    %get3A_145 = vector.shape_cast %get3A_144 : vector<1x384x384xf32> to vector<384x384xf32>
    %mul3A_146 = vector.broadcast %get3A_140 : f32 to vector<384x384xf32>
    %mul3A_147 = arith.mulf %mul3A_146, %get3A_145 : vector<384x384xf32>
    %add3A_148 = arith.addf %add3A_137, %mul3A_147 : vector<384x384xf32>
    %get3A_149 = arith.constant 1 : index
    %get3A_150 = arith.constant 4 : index
    %get3A_151 = memref.load %arg3[%get3A_149, %get3A_150] : memref<12x8xf32, #tpu.memory_space<smem>>
    %get3A_152 = arith.constant 4 : index
    %get3A_153 = arith.constant 0 : index
    %get3A_154 = arith.constant 0 : index
    %get3A_155 = vector.load %arg4[%get3A_152, %get3A_153, %get3A_154] : memref<8x384x384xf32, #tpu.memory_space<vmem>>, vector<1x384x384xf32>
    %get3A_156 = vector.shape_cast %get3A_155 : vector<1x384x384xf32> to vector<384x384xf32>
    %mul3A_157 = vector.broadcast %get3A_151 : f32 to vector<384x384xf32>
    %mul3A_158 = arith.mulf %mul3A_157, %get3A_156 : vector<384x384xf32>
    %add3A_159 = arith.addf %add3A_148, %mul3A_158 : vector<384x384xf32>
    %get3A_160 = arith.constant 1 : index
    %get3A_161 = arith.constant 5 : index
    %get3A_162 = memref.load %arg3[%get3A_160, %get3A_161] : memref<12x8xf32, #tpu.memory_space<smem>>
    %get3A_163 = arith.constant 5 : index
    %get3A_164 = arith.constant 0 : index
    %get3A_165 = arith.constant 0 : index
    %get3A_166 = vector.load %arg4[%get3A_163, %get3A_164, %get3A_165] : memref<8x384x384xf32, #tpu.memory_space<vmem>>, vector<1x384x384xf32>
    %get3A_167 = vector.shape_cast %get3A_166 : vector<1x384x384xf32> to vector<384x384xf32>
    %mul3A_168 = vector.broadcast %get3A_162 : f32 to vector<384x384xf32>
    %mul3A_169 = arith.mulf %mul3A_168, %get3A_167 : vector<384x384xf32>
    %add3A_170 = arith.addf %add3A_159, %mul3A_169 : vector<384x384xf32>
    %get3A_171 = arith.constant 1 : index
    %get3A_172 = arith.constant 6 : index
    %get3A_173 = memref.load %arg3[%get3A_171, %get3A_172] : memref<12x8xf32, #tpu.memory_space<smem>>
    %get3A_174 = arith.constant 6 : index
    %get3A_175 = arith.constant 0 : index
    %get3A_176 = arith.constant 0 : index
    %get3A_177 = vector.load %arg4[%get3A_174, %get3A_175, %get3A_176] : memref<8x384x384xf32, #tpu.memory_space<vmem>>, vector<1x384x384xf32>
    %get3A_178 = vector.shape_cast %get3A_177 : vector<1x384x384xf32> to vector<384x384xf32>
    %mul3A_179 = vector.broadcast %get3A_173 : f32 to vector<384x384xf32>
    %mul3A_180 = arith.mulf %mul3A_179, %get3A_178 : vector<384x384xf32>
    %add3A_181 = arith.addf %add3A_170, %mul3A_180 : vector<384x384xf32>
    %get3A_182 = arith.constant 1 : index
    %get3A_183 = arith.constant 7 : index
    %get3A_184 = memref.load %arg3[%get3A_182, %get3A_183] : memref<12x8xf32, #tpu.memory_space<smem>>
    %get3A_185 = arith.constant 7 : index
    %get3A_186 = arith.constant 0 : index
    %get3A_187 = arith.constant 0 : index
    %get3A_188 = vector.load %arg4[%get3A_185, %get3A_186, %get3A_187] : memref<8x384x384xf32, #tpu.memory_space<vmem>>, vector<1x384x384xf32>
    %get3A_189 = vector.shape_cast %get3A_188 : vector<1x384x384xf32> to vector<384x384xf32>
    %mul3A_190 = vector.broadcast %get3A_184 : f32 to vector<384x384xf32>
    %mul3A_191 = arith.mulf %mul3A_190, %get3A_189 : vector<384x384xf32>
    %add3A_192 = arith.addf %add3A_181, %mul3A_191 : vector<384x384xf32>
    %get3A_193 = arith.constant 0 : index
    %get3A_194 = arith.constant 384 : index
    %get3A_195 = vector.load %arg0[%get3A_193, %get3A_194] : memref<512x4608xf32, #tpu.memory_space<vmem>>, vector<512x384xf32>
    %slice3A_196 = vector.extract_strided_slice %div3A_5 {offsets = [0, 1], sizes = [512, 1], strides = [1, 1]} : vector<512x12xf32> to vector<512x1xf32>
    %mul3A_197 = vector.broadcast %slice3A_196 : vector<512x1xf32> to vector<512x384xf32>
    %mul3A_198 = arith.mulf %get3A_195, %mul3A_197 : vector<512x384xf32>
    %convert_element_type3A_199 = arith.truncf %mul3A_198 : vector<512x384xf32> to vector<512x384xbf16>
    %convert_element_type3A_200 = arith.truncf %add3A_192 : vector<384x384xf32> to vector<384x384xbf16>
    %dot_general3A_201 = arith.constant dense<0.000000e+00> : vector<512x384xf32>
    %dot_general3A_202 = tpu.matmul %convert_element_type3A_199, %convert_element_type3A_200, %dot_general3A_201 {dimension_numbers = #tpu.dot_dimension_numbers<[1], [0], [0], [1], [0, 0, 1, 1], [], []>, transpose_lhs_hint = false} : vector<512x384xbf16>, vector<384x384xbf16>, vector<512x384xf32> -> vector<512x384xf32>
    %add3A_203 = arith.addf %add3A_102, %dot_general3A_202 : vector<512x384xf32>
    %broadcast_in_dim3A_204 = arith.constant 0.000000e+00 : f32
    %broadcast_in_dim3A_205 = vector.broadcast %broadcast_in_dim3A_204 : f32 to vector<384x384xf32>
    %get3A_206 = arith.constant 2 : index
    %get3A_207 = arith.constant 0 : index
    %get3A_208 = memref.load %arg3[%get3A_206, %get3A_207] : memref<12x8xf32, #tpu.memory_space<smem>>
    %get3A_209 = arith.constant 0 : index
    %get3A_210 = arith.constant 0 : index
    %get3A_211 = arith.constant 0 : index
    %get3A_212 = vector.load %arg4[%get3A_209, %get3A_210, %get3A_211] : memref<8x384x384xf32, #tpu.memory_space<vmem>>, vector<1x384x384xf32>
    %get3A_213 = vector.shape_cast %get3A_212 : vector<1x384x384xf32> to vector<384x384xf32>
    %mul3A_214 = vector.broadcast %get3A_208 : f32 to vector<384x384xf32>
    %mul3A_215 = arith.mulf %mul3A_214, %get3A_213 : vector<384x384xf32>
    %add3A_216 = arith.addf %broadcast_in_dim3A_205, %mul3A_215 : vector<384x384xf32>
    %get3A_217 = arith.constant 2 : index
    %get3A_218 = arith.constant 1 : index
    %get3A_219 = memref.load %arg3[%get3A_217, %get3A_218] : memref<12x8xf32, #tpu.memory_space<smem>>
    %get3A_220 = arith.constant 1 : index
    %get3A_221 = arith.constant 0 : index
    %get3A_222 = arith.constant 0 : index
    %get3A_223 = vector.load %arg4[%get3A_220, %get3A_221, %get3A_222] : memref<8x384x384xf32, #tpu.memory_space<vmem>>, vector<1x384x384xf32>
    %get3A_224 = vector.shape_cast %get3A_223 : vector<1x384x384xf32> to vector<384x384xf32>
    %mul3A_225 = vector.broadcast %get3A_219 : f32 to vector<384x384xf32>
    %mul3A_226 = arith.mulf %mul3A_225, %get3A_224 : vector<384x384xf32>
    %add3A_227 = arith.addf %add3A_216, %mul3A_226 : vector<384x384xf32>
    %get3A_228 = arith.constant 2 : index
    %get3A_229 = arith.constant 2 : index
    %get3A_230 = memref.load %arg3[%get3A_228, %get3A_229] : memref<12x8xf32, #tpu.memory_space<smem>>
    %get3A_231 = arith.constant 2 : index
    %get3A_232 = arith.constant 0 : index
    %get3A_233 = arith.constant 0 : index
    %get3A_234 = vector.load %arg4[%get3A_231, %get3A_232, %get3A_233] : memref<8x384x384xf32, #tpu.memory_space<vmem>>, vector<1x384x384xf32>
    %get3A_235 = vector.shape_cast %get3A_234 : vector<1x384x384xf32> to vector<384x384xf32>
    %mul3A_236 = vector.broadcast %get3A_230 : f32 to vector<384x384xf32>
    %mul3A_237 = arith.mulf %mul3A_236, %get3A_235 : vector<384x384xf32>
    %add3A_238 = arith.addf %add3A_227, %mul3A_237 : vector<384x384xf32>
    %get3A_239 = arith.constant 2 : index
    %get3A_240 = arith.constant 3 : index
    %get3A_241 = memref.load %arg3[%get3A_239, %get3A_240] : memref<12x8xf32, #tpu.memory_space<smem>>
    %get3A_242 = arith.constant 3 : index
    %get3A_243 = arith.constant 0 : index
    %get3A_244 = arith.constant 0 : index
    %get3A_245 = vector.load %arg4[%get3A_242, %get3A_243, %get3A_244] : memref<8x384x384xf32, #tpu.memory_space<vmem>>, vector<1x384x384xf32>
    %get3A_246 = vector.shape_cast %get3A_245 : vector<1x384x384xf32> to vector<384x384xf32>
    %mul3A_247 = vector.broadcast %get3A_241 : f32 to vector<384x384xf32>
    %mul3A_248 = arith.mulf %mul3A_247, %get3A_246 : vector<384x384xf32>
    %add3A_249 = arith.addf %add3A_238, %mul3A_248 : vector<384x384xf32>
    %get3A_250 = arith.constant 2 : index
    %get3A_251 = arith.constant 4 : index
    %get3A_252 = memref.load %arg3[%get3A_250, %get3A_251] : memref<12x8xf32, #tpu.memory_space<smem>>
    %get3A_253 = arith.constant 4 : index
    %get3A_254 = arith.constant 0 : index
    %get3A_255 = arith.constant 0 : index
    %get3A_256 = vector.load %arg4[%get3A_253, %get3A_254, %get3A_255] : memref<8x384x384xf32, #tpu.memory_space<vmem>>, vector<1x384x384xf32>
    %get3A_257 = vector.shape_cast %get3A_256 : vector<1x384x384xf32> to vector<384x384xf32>
    %mul3A_258 = vector.broadcast %get3A_252 : f32 to vector<384x384xf32>
    %mul3A_259 = arith.mulf %mul3A_258, %get3A_257 : vector<384x384xf32>
    %add3A_260 = arith.addf %add3A_249, %mul3A_259 : vector<384x384xf32>
    %get3A_261 = arith.constant 2 : index
    %get3A_262 = arith.constant 5 : index
    %get3A_263 = memref.load %arg3[%get3A_261, %get3A_262] : memref<12x8xf32, #tpu.memory_space<smem>>
    %get3A_264 = arith.constant 5 : index
    %get3A_265 = arith.constant 0 : index
    %get3A_266 = arith.constant 0 : index
    %get3A_267 = vector.load %arg4[%get3A_264, %get3A_265, %get3A_266] : memref<8x384x384xf32, #tpu.memory_space<vmem>>, vector<1x384x384xf32>
    %get3A_268 = vector.shape_cast %get3A_267 : vector<1x384x384xf32> to vector<384x384xf32>
    %mul3A_269 = vector.broadcast %get3A_263 : f32 to vector<384x384xf32>
    %mul3A_270 = arith.mulf %mul3A_269, %get3A_268 : vector<384x384xf32>
    %add3A_271 = arith.addf %add3A_260, %mul3A_270 : vector<384x384xf32>
    %get3A_272 = arith.constant 2 : index
    %get3A_273 = arith.constant 6 : index
    %get3A_274 = memref.load %arg3[%get3A_272, %get3A_273] : memref<12x8xf32, #tpu.memory_space<smem>>
    %get3A_275 = arith.constant 6 : index
    %get3A_276 = arith.constant 0 : index
    %get3A_277 = arith.constant 0 : index
    %get3A_278 = vector.load %arg4[%get3A_275, %get3A_276, %get3A_277] : memref<8x384x384xf32, #tpu.memory_space<vmem>>, vector<1x384x384xf32>
    %get3A_279 = vector.shape_cast %get3A_278 : vector<1x384x384xf32> to vector<384x384xf32>
    %mul3A_280 = vector.broadcast %get3A_274 : f32 to vector<384x384xf32>
    %mul3A_281 = arith.mulf %mul3A_280, %get3A_279 : vector<384x384xf32>
    %add3A_282 = arith.addf %add3A_271, %mul3A_281 : vector<384x384xf32>
    %get3A_283 = arith.constant 2 : index
    %get3A_284 = arith.constant 7 : index
    %get3A_285 = memref.load %arg3[%get3A_283, %get3A_284] : memref<12x8xf32, #tpu.memory_space<smem>>
    %get3A_286 = arith.constant 7 : index
    %get3A_287 = arith.constant 0 : index
    %get3A_288 = arith.constant 0 : index
    %get3A_289 = vector.load %arg4[%get3A_286, %get3A_287, %get3A_288] : memref<8x384x384xf32, #tpu.memory_space<vmem>>, vector<1x384x384xf32>
    %get3A_290 = vector.shape_cast %get3A_289 : vector<1x384x384xf32> to vector<384x384xf32>
    %mul3A_291 = vector.broadcast %get3A_285 : f32 to vector<384x384xf32>
    %mul3A_292 = arith.mulf %mul3A_291, %get3A_290 : vector<384x384xf32>
    %add3A_293 = arith.addf %add3A_282, %mul3A_292 : vector<384x384xf32>
    %get3A_294 = arith.constant 0 : index
    %get3A_295 = arith.constant 768 : index
    %get3A_296 = vector.load %arg0[%get3A_294, %get3A_295] : memref<512x4608xf32, #tpu.memory_space<vmem>>, vector<512x384xf32>
    %slice3A_297 = vector.extract_strided_slice %div3A_5 {offsets = [0, 2], sizes = [512, 1], strides = [1, 1]} : vector<512x12xf32> to vector<512x1xf32>
    %mul3A_298 = vector.broadcast %slice3A_297 : vector<512x1xf32> to vector<512x384xf32>
    %mul3A_299 = arith.mulf %get3A_296, %mul3A_298 : vector<512x384xf32>
    %convert_element_type3A_300 = arith.truncf %mul3A_299 : vector<512x384xf32> to vector<512x384xbf16>
    %convert_element_type3A_301 = arith.truncf %add3A_293 : vector<384x384xf32> to vector<384x384xbf16>
    %dot_general3A_302 = arith.constant dense<0.000000e+00> : vector<512x384xf32>
    %dot_general3A_303 = tpu.matmul %convert_element_type3A_300, %convert_element_type3A_301, %dot_general3A_302 {dimension_numbers = #tpu.dot_dimension_numbers<[1], [0], [0], [1], [0, 0, 1, 1], [], []>, transpose_lhs_hint = false} : vector<512x384xbf16>, vector<384x384xbf16>, vector<512x384xf32> -> vector<512x384xf32>
    %add3A_304 = arith.addf %add3A_203, %dot_general3A_303 : vector<512x384xf32>
    %broadcast_in_dim3A_305 = arith.constant 0.000000e+00 : f32
    %broadcast_in_dim3A_306 = vector.broadcast %broadcast_in_dim3A_305 : f32 to vector<384x384xf32>
    %get3A_307 = arith.constant 3 : index
    %get3A_308 = arith.constant 0 : index
    %get3A_309 = memref.load %arg3[%get3A_307, %get3A_308] : memref<12x8xf32, #tpu.memory_space<smem>>
    %get3A_310 = arith.constant 0 : index
    %get3A_311 = arith.constant 0 : index
    %get3A_312 = arith.constant 0 : index
    %get3A_313 = vector.load %arg4[%get3A_310, %get3A_311, %get3A_312] : memref<8x384x384xf32, #tpu.memory_space<vmem>>, vector<1x384x384xf32>
    %get3A_314 = vector.shape_cast %get3A_313 : vector<1x384x384xf32> to vector<384x384xf32>
    %mul3A_315 = vector.broadcast %get3A_309 : f32 to vector<384x384xf32>
    %mul3A_316 = arith.mulf %mul3A_315, %get3A_314 : vector<384x384xf32>
    %add3A_317 = arith.addf %broadcast_in_dim3A_306, %mul3A_316 : vector<384x384xf32>
    %get3A_318 = arith.constant 3 : index
    %get3A_319 = arith.constant 1 : index
    %get3A_320 = memref.load %arg3[%get3A_318, %get3A_319] : memref<12x8xf32, #tpu.memory_space<smem>>
    %get3A_321 = arith.constant 1 : index
    %get3A_322 = arith.constant 0 : index
    %get3A_323 = arith.constant 0 : index
    %get3A_324 = vector.load %arg4[%get3A_321, %get3A_322, %get3A_323] : memref<8x384x384xf32, #tpu.memory_space<vmem>>, vector<1x384x384xf32>
    %get3A_325 = vector.shape_cast %get3A_324 : vector<1x384x384xf32> to vector<384x384xf32>
    %mul3A_326 = vector.broadcast %get3A_320 : f32 to vector<384x384xf32>
    %mul3A_327 = arith.mulf %mul3A_326, %get3A_325 : vector<384x384xf32>
    %add3A_328 = arith.addf %add3A_317, %mul3A_327 : vector<384x384xf32>
    %get3A_329 = arith.constant 3 : index
    %get3A_330 = arith.constant 2 : index
    %get3A_331 = memref.load %arg3[%get3A_329, %get3A_330] : memref<12x8xf32, #tpu.memory_space<smem>>
    %get3A_332 = arith.constant 2 : index
    %get3A_333 = arith.constant 0 : index
    %get3A_334 = arith.constant 0 : index
    %get3A_335 = vector.load %arg4[%get3A_332, %get3A_333, %get3A_334] : memref<8x384x384xf32, #tpu.memory_space<vmem>>, vector<1x384x384xf32>
    %get3A_336 = vector.shape_cast %get3A_335 : vector<1x384x384xf32> to vector<384x384xf32>
    %mul3A_337 = vector.broadcast %get3A_331 : f32 to vector<384x384xf32>
    %mul3A_338 = arith.mulf %mul3A_337, %get3A_336 : vector<384x384xf32>
    %add3A_339 = arith.addf %add3A_328, %mul3A_338 : vector<384x384xf32>
    %get3A_340 = arith.constant 3 : index
    %get3A_341 = arith.constant 3 : index
    %get3A_342 = memref.load %arg3[%get3A_340, %get3A_341] : memref<12x8xf32, #tpu.memory_space<smem>>
    %get3A_343 = arith.constant 3 : index
    %get3A_344 = arith.constant 0 : index
    %get3A_345 = arith.constant 0 : index
    %get3A_346 = vector.load %arg4[%get3A_343, %get3A_344, %get3A_345] : memref<8x384x384xf32, #tpu.memory_space<vmem>>, vector<1x384x384xf32>
    %get3A_347 = vector.shape_cast %get3A_346 : vector<1x384x384xf32> to vector<384x384xf32>
    %mul3A_348 = vector.broadcast %get3A_342 : f32 to vector<384x384xf32>
    %mul3A_349 = arith.mulf %mul3A_348, %get3A_347 : vector<384x384xf32>
    %add3A_350 = arith.addf %add3A_339, %mul3A_349 : vector<384x384xf32>
    %get3A_351 = arith.constant 3 : index
    %get3A_352 = arith.constant 4 : index
    %get3A_353 = memref.load %arg3[%get3A_351, %get3A_352] : memref<12x8xf32, #tpu.memory_space<smem>>
    %get3A_354 = arith.constant 4 : index
    %get3A_355 = arith.constant 0 : index
    %get3A_356 = arith.constant 0 : index
    %get3A_357 = vector.load %arg4[%get3A_354, %get3A_355, %get3A_356] : memref<8x384x384xf32, #tpu.memory_space<vmem>>, vector<1x384x384xf32>
    %get3A_358 = vector.shape_cast %get3A_357 : vector<1x384x384xf32> to vector<384x384xf32>
    %mul3A_359 = vector.broadcast %get3A_353 : f32 to vector<384x384xf32>
    %mul3A_360 = arith.mulf %mul3A_359, %get3A_358 : vector<384x384xf32>
    %add3A_361 = arith.addf %add3A_350, %mul3A_360 : vector<384x384xf32>
    %get3A_362 = arith.constant 3 : index
    %get3A_363 = arith.constant 5 : index
    %get3A_364 = memref.load %arg3[%get3A_362, %get3A_363] : memref<12x8xf32, #tpu.memory_space<smem>>
    %get3A_365 = arith.constant 5 : index
    %get3A_366 = arith.constant 0 : index
    %get3A_367 = arith.constant 0 : index
    %get3A_368 = vector.load %arg4[%get3A_365, %get3A_366, %get3A_367] : memref<8x384x384xf32, #tpu.memory_space<vmem>>, vector<1x384x384xf32>
    %get3A_369 = vector.shape_cast %get3A_368 : vector<1x384x384xf32> to vector<384x384xf32>
    %mul3A_370 = vector.broadcast %get3A_364 : f32 to vector<384x384xf32>
    %mul3A_371 = arith.mulf %mul3A_370, %get3A_369 : vector<384x384xf32>
    %add3A_372 = arith.addf %add3A_361, %mul3A_371 : vector<384x384xf32>
    %get3A_373 = arith.constant 3 : index
    %get3A_374 = arith.constant 6 : index
    %get3A_375 = memref.load %arg3[%get3A_373, %get3A_374] : memref<12x8xf32, #tpu.memory_space<smem>>
    %get3A_376 = arith.constant 6 : index
    %get3A_377 = arith.constant 0 : index
    %get3A_378 = arith.constant 0 : index
    %get3A_379 = vector.load %arg4[%get3A_376, %get3A_377, %get3A_378] : memref<8x384x384xf32, #tpu.memory_space<vmem>>, vector<1x384x384xf32>
    %get3A_380 = vector.shape_cast %get3A_379 : vector<1x384x384xf32> to vector<384x384xf32>
    %mul3A_381 = vector.broadcast %get3A_375 : f32 to vector<384x384xf32>
    %mul3A_382 = arith.mulf %mul3A_381, %get3A_380 : vector<384x384xf32>
    %add3A_383 = arith.addf %add3A_372, %mul3A_382 : vector<384x384xf32>
    %get3A_384 = arith.constant 3 : index
    %get3A_385 = arith.constant 7 : index
    %get3A_386 = memref.load %arg3[%get3A_384, %get3A_385] : memref<12x8xf32, #tpu.memory_space<smem>>
    %get3A_387 = arith.constant 7 : index
    %get3A_388 = arith.constant 0 : index
    %get3A_389 = arith.constant 0 : index
    %get3A_390 = vector.load %arg4[%get3A_387, %get3A_388, %get3A_389] : memref<8x384x384xf32, #tpu.memory_space<vmem>>, vector<1x384x384xf32>
    %get3A_391 = vector.shape_cast %get3A_390 : vector<1x384x384xf32> to vector<384x384xf32>
    %mul3A_392 = vector.broadcast %get3A_386 : f32 to vector<384x384xf32>
    %mul3A_393 = arith.mulf %mul3A_392, %get3A_391 : vector<384x384xf32>
    %add3A_394 = arith.addf %add3A_383, %mul3A_393 : vector<384x384xf32>
    %get3A_395 = arith.constant 0 : index
    %get3A_396 = arith.constant 1152 : index
    %get3A_397 = vector.load %arg0[%get3A_395, %get3A_396] : memref<512x4608xf32, #tpu.memory_space<vmem>>, vector<512x384xf32>
    %slice3A_398 = vector.extract_strided_slice %div3A_5 {offsets = [0, 3], sizes = [512, 1], strides = [1, 1]} : vector<512x12xf32> to vector<512x1xf32>
    %mul3A_399 = vector.broadcast %slice3A_398 : vector<512x1xf32> to vector<512x384xf32>
    %mul3A_400 = arith.mulf %get3A_397, %mul3A_399 : vector<512x384xf32>
    %convert_element_type3A_401 = arith.truncf %mul3A_400 : vector<512x384xf32> to vector<512x384xbf16>
    %convert_element_type3A_402 = arith.truncf %add3A_394 : vector<384x384xf32> to vector<384x384xbf16>
    %dot_general3A_403 = arith.constant dense<0.000000e+00> : vector<512x384xf32>
    %dot_general3A_404 = tpu.matmul %convert_element_type3A_401, %convert_element_type3A_402, %dot_general3A_403 {dimension_numbers = #tpu.dot_dimension_numbers<[1], [0], [0], [1], [0, 0, 1, 1], [], []>, transpose_lhs_hint = false} : vector<512x384xbf16>, vector<384x384xbf16>, vector<512x384xf32> -> vector<512x384xf32>
    %add3A_405 = arith.addf %add3A_304, %dot_general3A_404 : vector<512x384xf32>
    %broadcast_in_dim3A_406 = arith.constant 0.000000e+00 : f32
    %broadcast_in_dim3A_407 = vector.broadcast %broadcast_in_dim3A_406 : f32 to vector<384x384xf32>
    %get3A_408 = arith.constant 4 : index
    %get3A_409 = arith.constant 0 : index
    %get3A_410 = memref.load %arg3[%get3A_408, %get3A_409] : memref<12x8xf32, #tpu.memory_space<smem>>
    %get3A_411 = arith.constant 0 : index
    %get3A_412 = arith.constant 0 : index
    %get3A_413 = arith.constant 0 : index
    %get3A_414 = vector.load %arg4[%get3A_411, %get3A_412, %get3A_413] : memref<8x384x384xf32, #tpu.memory_space<vmem>>, vector<1x384x384xf32>
    %get3A_415 = vector.shape_cast %get3A_414 : vector<1x384x384xf32> to vector<384x384xf32>
    %mul3A_416 = vector.broadcast %get3A_410 : f32 to vector<384x384xf32>
    %mul3A_417 = arith.mulf %mul3A_416, %get3A_415 : vector<384x384xf32>
    %add3A_418 = arith.addf %broadcast_in_dim3A_407, %mul3A_417 : vector<384x384xf32>
    %get3A_419 = arith.constant 4 : index
    %get3A_420 = arith.constant 1 : index
    %get3A_421 = memref.load %arg3[%get3A_419, %get3A_420] : memref<12x8xf32, #tpu.memory_space<smem>>
    %get3A_422 = arith.constant 1 : index
    %get3A_423 = arith.constant 0 : index
    %get3A_424 = arith.constant 0 : index
    %get3A_425 = vector.load %arg4[%get3A_422, %get3A_423, %get3A_424] : memref<8x384x384xf32, #tpu.memory_space<vmem>>, vector<1x384x384xf32>
    %get3A_426 = vector.shape_cast %get3A_425 : vector<1x384x384xf32> to vector<384x384xf32>
    %mul3A_427 = vector.broadcast %get3A_421 : f32 to vector<384x384xf32>
    %mul3A_428 = arith.mulf %mul3A_427, %get3A_426 : vector<384x384xf32>
    %add3A_429 = arith.addf %add3A_418, %mul3A_428 : vector<384x384xf32>
    %get3A_430 = arith.constant 4 : index
    %get3A_431 = arith.constant 2 : index
    %get3A_432 = memref.load %arg3[%get3A_430, %get3A_431] : memref<12x8xf32, #tpu.memory_space<smem>>
    %get3A_433 = arith.constant 2 : index
    %get3A_434 = arith.constant 0 : index
    %get3A_435 = arith.constant 0 : index
    %get3A_436 = vector.load %arg4[%get3A_433, %get3A_434, %get3A_435] : memref<8x384x384xf32, #tpu.memory_space<vmem>>, vector<1x384x384xf32>
    %get3A_437 = vector.shape_cast %get3A_436 : vector<1x384x384xf32> to vector<384x384xf32>
    %mul3A_438 = vector.broadcast %get3A_432 : f32 to vector<384x384xf32>
    %mul3A_439 = arith.mulf %mul3A_438, %get3A_437 : vector<384x384xf32>
    %add3A_440 = arith.addf %add3A_429, %mul3A_439 : vector<384x384xf32>
    %get3A_441 = arith.constant 4 : index
    %get3A_442 = arith.constant 3 : index
    %get3A_443 = memref.load %arg3[%get3A_441, %get3A_442] : memref<12x8xf32, #tpu.memory_space<smem>>
    %get3A_444 = arith.constant 3 : index
    %get3A_445 = arith.constant 0 : index
    %get3A_446 = arith.constant 0 : index
    %get3A_447 = vector.load %arg4[%get3A_444, %get3A_445, %get3A_446] : memref<8x384x384xf32, #tpu.memory_space<vmem>>, vector<1x384x384xf32>
    %get3A_448 = vector.shape_cast %get3A_447 : vector<1x384x384xf32> to vector<384x384xf32>
    %mul3A_449 = vector.broadcast %get3A_443 : f32 to vector<384x384xf32>
    %mul3A_450 = arith.mulf %mul3A_449, %get3A_448 : vector<384x384xf32>
    %add3A_451 = arith.addf %add3A_440, %mul3A_450 : vector<384x384xf32>
    %get3A_452 = arith.constant 4 : index
    %get3A_453 = arith.constant 4 : index
    %get3A_454 = memref.load %arg3[%get3A_452, %get3A_453] : memref<12x8xf32, #tpu.memory_space<smem>>
    %get3A_455 = arith.constant 4 : index
    %get3A_456 = arith.constant 0 : index
    %get3A_457 = arith.constant 0 : index
    %get3A_458 = vector.load %arg4[%get3A_455, %get3A_456, %get3A_457] : memref<8x384x384xf32, #tpu.memory_space<vmem>>, vector<1x384x384xf32>
    %get3A_459 = vector.shape_cast %get3A_458 : vector<1x384x384xf32> to vector<384x384xf32>
    %mul3A_460 = vector.broadcast %get3A_454 : f32 to vector<384x384xf32>
    %mul3A_461 = arith.mulf %mul3A_460, %get3A_459 : vector<384x384xf32>
    %add3A_462 = arith.addf %add3A_451, %mul3A_461 : vector<384x384xf32>
    %get3A_463 = arith.constant 4 : index
    %get3A_464 = arith.constant 5 : index
    %get3A_465 = memref.load %arg3[%get3A_463, %get3A_464] : memref<12x8xf32, #tpu.memory_space<smem>>
    %get3A_466 = arith.constant 5 : index
    %get3A_467 = arith.constant 0 : index
    %get3A_468 = arith.constant 0 : index
    %get3A_469 = vector.load %arg4[%get3A_466, %get3A_467, %get3A_468] : memref<8x384x384xf32, #tpu.memory_space<vmem>>, vector<1x384x384xf32>
    %get3A_470 = vector.shape_cast %get3A_469 : vector<1x384x384xf32> to vector<384x384xf32>
    %mul3A_471 = vector.broadcast %get3A_465 : f32 to vector<384x384xf32>
    %mul3A_472 = arith.mulf %mul3A_471, %get3A_470 : vector<384x384xf32>
    %add3A_473 = arith.addf %add3A_462, %mul3A_472 : vector<384x384xf32>
    %get3A_474 = arith.constant 4 : index
    %get3A_475 = arith.constant 6 : index
    %get3A_476 = memref.load %arg3[%get3A_474, %get3A_475] : memref<12x8xf32, #tpu.memory_space<smem>>
    %get3A_477 = arith.constant 6 : index
    %get3A_478 = arith.constant 0 : index
    %get3A_479 = arith.constant 0 : index
    %get3A_480 = vector.load %arg4[%get3A_477, %get3A_478, %get3A_479] : memref<8x384x384xf32, #tpu.memory_space<vmem>>, vector<1x384x384xf32>
    %get3A_481 = vector.shape_cast %get3A_480 : vector<1x384x384xf32> to vector<384x384xf32>
    %mul3A_482 = vector.broadcast %get3A_476 : f32 to vector<384x384xf32>
    %mul3A_483 = arith.mulf %mul3A_482, %get3A_481 : vector<384x384xf32>
    %add3A_484 = arith.addf %add3A_473, %mul3A_483 : vector<384x384xf32>
    %get3A_485 = arith.constant 4 : index
    %get3A_486 = arith.constant 7 : index
    %get3A_487 = memref.load %arg3[%get3A_485, %get3A_486] : memref<12x8xf32, #tpu.memory_space<smem>>
    %get3A_488 = arith.constant 7 : index
    %get3A_489 = arith.constant 0 : index
    %get3A_490 = arith.constant 0 : index
    %get3A_491 = vector.load %arg4[%get3A_488, %get3A_489, %get3A_490] : memref<8x384x384xf32, #tpu.memory_space<vmem>>, vector<1x384x384xf32>
    %get3A_492 = vector.shape_cast %get3A_491 : vector<1x384x384xf32> to vector<384x384xf32>
    %mul3A_493 = vector.broadcast %get3A_487 : f32 to vector<384x384xf32>
    %mul3A_494 = arith.mulf %mul3A_493, %get3A_492 : vector<384x384xf32>
    %add3A_495 = arith.addf %add3A_484, %mul3A_494 : vector<384x384xf32>
    %get3A_496 = arith.constant 0 : index
    %get3A_497 = arith.constant 1536 : index
    %get3A_498 = vector.load %arg0[%get3A_496, %get3A_497] : memref<512x4608xf32, #tpu.memory_space<vmem>>, vector<512x384xf32>
    %slice3A_499 = vector.extract_strided_slice %div3A_5 {offsets = [0, 4], sizes = [512, 1], strides = [1, 1]} : vector<512x12xf32> to vector<512x1xf32>
    %mul3A_500 = vector.broadcast %slice3A_499 : vector<512x1xf32> to vector<512x384xf32>
    %mul3A_501 = arith.mulf %get3A_498, %mul3A_500 : vector<512x384xf32>
    %convert_element_type3A_502 = arith.truncf %mul3A_501 : vector<512x384xf32> to vector<512x384xbf16>
    %convert_element_type3A_503 = arith.truncf %add3A_495 : vector<384x384xf32> to vector<384x384xbf16>
    %dot_general3A_504 = arith.constant dense<0.000000e+00> : vector<512x384xf32>
    %dot_general3A_505 = tpu.matmul %convert_element_type3A_502, %convert_element_type3A_503, %dot_general3A_504 {dimension_numbers = #tpu.dot_dimension_numbers<[1], [0], [0], [1], [0, 0, 1, 1], [], []>, transpose_lhs_hint = false} : vector<512x384xbf16>, vector<384x384xbf16>, vector<512x384xf32> -> vector<512x384xf32>
    %add3A_506 = arith.addf %add3A_405, %dot_general3A_505 : vector<512x384xf32>
    %broadcast_in_dim3A_507 = arith.constant 0.000000e+00 : f32
    %broadcast_in_dim3A_508 = vector.broadcast %broadcast_in_dim3A_507 : f32 to vector<384x384xf32>
    %get3A_509 = arith.constant 5 : index
    %get3A_510 = arith.constant 0 : index
    %get3A_511 = memref.load %arg3[%get3A_509, %get3A_510] : memref<12x8xf32, #tpu.memory_space<smem>>
    %get3A_512 = arith.constant 0 : index
    %get3A_513 = arith.constant 0 : index
    %get3A_514 = arith.constant 0 : index
    %get3A_515 = vector.load %arg4[%get3A_512, %get3A_513, %get3A_514] : memref<8x384x384xf32, #tpu.memory_space<vmem>>, vector<1x384x384xf32>
    %get3A_516 = vector.shape_cast %get3A_515 : vector<1x384x384xf32> to vector<384x384xf32>
    %mul3A_517 = vector.broadcast %get3A_511 : f32 to vector<384x384xf32>
    %mul3A_518 = arith.mulf %mul3A_517, %get3A_516 : vector<384x384xf32>
    %add3A_519 = arith.addf %broadcast_in_dim3A_508, %mul3A_518 : vector<384x384xf32>
    %get3A_520 = arith.constant 5 : index
    %get3A_521 = arith.constant 1 : index
    %get3A_522 = memref.load %arg3[%get3A_520, %get3A_521] : memref<12x8xf32, #tpu.memory_space<smem>>
    %get3A_523 = arith.constant 1 : index
    %get3A_524 = arith.constant 0 : index
    %get3A_525 = arith.constant 0 : index
    %get3A_526 = vector.load %arg4[%get3A_523, %get3A_524, %get3A_525] : memref<8x384x384xf32, #tpu.memory_space<vmem>>, vector<1x384x384xf32>
    %get3A_527 = vector.shape_cast %get3A_526 : vector<1x384x384xf32> to vector<384x384xf32>
    %mul3A_528 = vector.broadcast %get3A_522 : f32 to vector<384x384xf32>
    %mul3A_529 = arith.mulf %mul3A_528, %get3A_527 : vector<384x384xf32>
    %add3A_530 = arith.addf %add3A_519, %mul3A_529 : vector<384x384xf32>
    %get3A_531 = arith.constant 5 : index
    %get3A_532 = arith.constant 2 : index
    %get3A_533 = memref.load %arg3[%get3A_531, %get3A_532] : memref<12x8xf32, #tpu.memory_space<smem>>
    %get3A_534 = arith.constant 2 : index
    %get3A_535 = arith.constant 0 : index
    %get3A_536 = arith.constant 0 : index
    %get3A_537 = vector.load %arg4[%get3A_534, %get3A_535, %get3A_536] : memref<8x384x384xf32, #tpu.memory_space<vmem>>, vector<1x384x384xf32>
    %get3A_538 = vector.shape_cast %get3A_537 : vector<1x384x384xf32> to vector<384x384xf32>
    %mul3A_539 = vector.broadcast %get3A_533 : f32 to vector<384x384xf32>
    %mul3A_540 = arith.mulf %mul3A_539, %get3A_538 : vector<384x384xf32>
    %add3A_541 = arith.addf %add3A_530, %mul3A_540 : vector<384x384xf32>
    %get3A_542 = arith.constant 5 : index
    %get3A_543 = arith.constant 3 : index
    %get3A_544 = memref.load %arg3[%get3A_542, %get3A_543] : memref<12x8xf32, #tpu.memory_space<smem>>
    %get3A_545 = arith.constant 3 : index
    %get3A_546 = arith.constant 0 : index
    %get3A_547 = arith.constant 0 : index
    %get3A_548 = vector.load %arg4[%get3A_545, %get3A_546, %get3A_547] : memref<8x384x384xf32, #tpu.memory_space<vmem>>, vector<1x384x384xf32>
    %get3A_549 = vector.shape_cast %get3A_548 : vector<1x384x384xf32> to vector<384x384xf32>
    %mul3A_550 = vector.broadcast %get3A_544 : f32 to vector<384x384xf32>
    %mul3A_551 = arith.mulf %mul3A_550, %get3A_549 : vector<384x384xf32>
    %add3A_552 = arith.addf %add3A_541, %mul3A_551 : vector<384x384xf32>
    %get3A_553 = arith.constant 5 : index
    %get3A_554 = arith.constant 4 : index
    %get3A_555 = memref.load %arg3[%get3A_553, %get3A_554] : memref<12x8xf32, #tpu.memory_space<smem>>
    %get3A_556 = arith.constant 4 : index
    %get3A_557 = arith.constant 0 : index
    %get3A_558 = arith.constant 0 : index
    %get3A_559 = vector.load %arg4[%get3A_556, %get3A_557, %get3A_558] : memref<8x384x384xf32, #tpu.memory_space<vmem>>, vector<1x384x384xf32>
    %get3A_560 = vector.shape_cast %get3A_559 : vector<1x384x384xf32> to vector<384x384xf32>
    %mul3A_561 = vector.broadcast %get3A_555 : f32 to vector<384x384xf32>
    %mul3A_562 = arith.mulf %mul3A_561, %get3A_560 : vector<384x384xf32>
    %add3A_563 = arith.addf %add3A_552, %mul3A_562 : vector<384x384xf32>
    %get3A_564 = arith.constant 5 : index
    %get3A_565 = arith.constant 5 : index
    %get3A_566 = memref.load %arg3[%get3A_564, %get3A_565] : memref<12x8xf32, #tpu.memory_space<smem>>
    %get3A_567 = arith.constant 5 : index
    %get3A_568 = arith.constant 0 : index
    %get3A_569 = arith.constant 0 : index
    %get3A_570 = vector.load %arg4[%get3A_567, %get3A_568, %get3A_569] : memref<8x384x384xf32, #tpu.memory_space<vmem>>, vector<1x384x384xf32>
    %get3A_571 = vector.shape_cast %get3A_570 : vector<1x384x384xf32> to vector<384x384xf32>
    %mul3A_572 = vector.broadcast %get3A_566 : f32 to vector<384x384xf32>
    %mul3A_573 = arith.mulf %mul3A_572, %get3A_571 : vector<384x384xf32>
    %add3A_574 = arith.addf %add3A_563, %mul3A_573 : vector<384x384xf32>
    %get3A_575 = arith.constant 5 : index
    %get3A_576 = arith.constant 6 : index
    %get3A_577 = memref.load %arg3[%get3A_575, %get3A_576] : memref<12x8xf32, #tpu.memory_space<smem>>
    %get3A_578 = arith.constant 6 : index
    %get3A_579 = arith.constant 0 : index
    %get3A_580 = arith.constant 0 : index
    %get3A_581 = vector.load %arg4[%get3A_578, %get3A_579, %get3A_580] : memref<8x384x384xf32, #tpu.memory_space<vmem>>, vector<1x384x384xf32>
    %get3A_582 = vector.shape_cast %get3A_581 : vector<1x384x384xf32> to vector<384x384xf32>
    %mul3A_583 = vector.broadcast %get3A_577 : f32 to vector<384x384xf32>
    %mul3A_584 = arith.mulf %mul3A_583, %get3A_582 : vector<384x384xf32>
    %add3A_585 = arith.addf %add3A_574, %mul3A_584 : vector<384x384xf32>
    %get3A_586 = arith.constant 5 : index
    %get3A_587 = arith.constant 7 : index
    %get3A_588 = memref.load %arg3[%get3A_586, %get3A_587] : memref<12x8xf32, #tpu.memory_space<smem>>
    %get3A_589 = arith.constant 7 : index
    %get3A_590 = arith.constant 0 : index
    %get3A_591 = arith.constant 0 : index
    %get3A_592 = vector.load %arg4[%get3A_589, %get3A_590, %get3A_591] : memref<8x384x384xf32, #tpu.memory_space<vmem>>, vector<1x384x384xf32>
    %get3A_593 = vector.shape_cast %get3A_592 : vector<1x384x384xf32> to vector<384x384xf32>
    %mul3A_594 = vector.broadcast %get3A_588 : f32 to vector<384x384xf32>
    %mul3A_595 = arith.mulf %mul3A_594, %get3A_593 : vector<384x384xf32>
    %add3A_596 = arith.addf %add3A_585, %mul3A_595 : vector<384x384xf32>
    %get3A_597 = arith.constant 0 : index
    %get3A_598 = arith.constant 1920 : index
    %get3A_599 = vector.load %arg0[%get3A_597, %get3A_598] : memref<512x4608xf32, #tpu.memory_space<vmem>>, vector<512x384xf32>
    %slice3A_600 = vector.extract_strided_slice %div3A_5 {offsets = [0, 5], sizes = [512, 1], strides = [1, 1]} : vector<512x12xf32> to vector<512x1xf32>
    %mul3A_601 = vector.broadcast %slice3A_600 : vector<512x1xf32> to vector<512x384xf32>
    %mul3A_602 = arith.mulf %get3A_599, %mul3A_601 : vector<512x384xf32>
    %convert_element_type3A_603 = arith.truncf %mul3A_602 : vector<512x384xf32> to vector<512x384xbf16>
    %convert_element_type3A_604 = arith.truncf %add3A_596 : vector<384x384xf32> to vector<384x384xbf16>
    %dot_general3A_605 = arith.constant dense<0.000000e+00> : vector<512x384xf32>
    %dot_general3A_606 = tpu.matmul %convert_element_type3A_603, %convert_element_type3A_604, %dot_general3A_605 {dimension_numbers = #tpu.dot_dimension_numbers<[1], [0], [0], [1], [0, 0, 1, 1], [], []>, transpose_lhs_hint = false} : vector<512x384xbf16>, vector<384x384xbf16>, vector<512x384xf32> -> vector<512x384xf32>
    %add3A_607 = arith.addf %add3A_506, %dot_general3A_606 : vector<512x384xf32>
    %broadcast_in_dim3A_608 = arith.constant 0.000000e+00 : f32
    %broadcast_in_dim3A_609 = vector.broadcast %broadcast_in_dim3A_608 : f32 to vector<384x384xf32>
    %get3A_610 = arith.constant 6 : index
    %get3A_611 = arith.constant 0 : index
    %get3A_612 = memref.load %arg3[%get3A_610, %get3A_611] : memref<12x8xf32, #tpu.memory_space<smem>>
    %get3A_613 = arith.constant 0 : index
    %get3A_614 = arith.constant 0 : index
    %get3A_615 = arith.constant 0 : index
    %get3A_616 = vector.load %arg4[%get3A_613, %get3A_614, %get3A_615] : memref<8x384x384xf32, #tpu.memory_space<vmem>>, vector<1x384x384xf32>
    %get3A_617 = vector.shape_cast %get3A_616 : vector<1x384x384xf32> to vector<384x384xf32>
    %mul3A_618 = vector.broadcast %get3A_612 : f32 to vector<384x384xf32>
    %mul3A_619 = arith.mulf %mul3A_618, %get3A_617 : vector<384x384xf32>
    %add3A_620 = arith.addf %broadcast_in_dim3A_609, %mul3A_619 : vector<384x384xf32>
    %get3A_621 = arith.constant 6 : index
    %get3A_622 = arith.constant 1 : index
    %get3A_623 = memref.load %arg3[%get3A_621, %get3A_622] : memref<12x8xf32, #tpu.memory_space<smem>>
    %get3A_624 = arith.constant 1 : index
    %get3A_625 = arith.constant 0 : index
    %get3A_626 = arith.constant 0 : index
    %get3A_627 = vector.load %arg4[%get3A_624, %get3A_625, %get3A_626] : memref<8x384x384xf32, #tpu.memory_space<vmem>>, vector<1x384x384xf32>
    %get3A_628 = vector.shape_cast %get3A_627 : vector<1x384x384xf32> to vector<384x384xf32>
    %mul3A_629 = vector.broadcast %get3A_623 : f32 to vector<384x384xf32>
    %mul3A_630 = arith.mulf %mul3A_629, %get3A_628 : vector<384x384xf32>
    %add3A_631 = arith.addf %add3A_620, %mul3A_630 : vector<384x384xf32>
    %get3A_632 = arith.constant 6 : index
    %get3A_633 = arith.constant 2 : index
    %get3A_634 = memref.load %arg3[%get3A_632, %get3A_633] : memref<12x8xf32, #tpu.memory_space<smem>>
    %get3A_635 = arith.constant 2 : index
    %get3A_636 = arith.constant 0 : index
    %get3A_637 = arith.constant 0 : index
    %get3A_638 = vector.load %arg4[%get3A_635, %get3A_636, %get3A_637] : memref<8x384x384xf32, #tpu.memory_space<vmem>>, vector<1x384x384xf32>
    %get3A_639 = vector.shape_cast %get3A_638 : vector<1x384x384xf32> to vector<384x384xf32>
    %mul3A_640 = vector.broadcast %get3A_634 : f32 to vector<384x384xf32>
    %mul3A_641 = arith.mulf %mul3A_640, %get3A_639 : vector<384x384xf32>
    %add3A_642 = arith.addf %add3A_631, %mul3A_641 : vector<384x384xf32>
    %get3A_643 = arith.constant 6 : index
    %get3A_644 = arith.constant 3 : index
    %get3A_645 = memref.load %arg3[%get3A_643, %get3A_644] : memref<12x8xf32, #tpu.memory_space<smem>>
    %get3A_646 = arith.constant 3 : index
    %get3A_647 = arith.constant 0 : index
    %get3A_648 = arith.constant 0 : index
    %get3A_649 = vector.load %arg4[%get3A_646, %get3A_647, %get3A_648] : memref<8x384x384xf32, #tpu.memory_space<vmem>>, vector<1x384x384xf32>
    %get3A_650 = vector.shape_cast %get3A_649 : vector<1x384x384xf32> to vector<384x384xf32>
    %mul3A_651 = vector.broadcast %get3A_645 : f32 to vector<384x384xf32>
    %mul3A_652 = arith.mulf %mul3A_651, %get3A_650 : vector<384x384xf32>
    %add3A_653 = arith.addf %add3A_642, %mul3A_652 : vector<384x384xf32>
    %get3A_654 = arith.constant 6 : index
    %get3A_655 = arith.constant 4 : index
    %get3A_656 = memref.load %arg3[%get3A_654, %get3A_655] : memref<12x8xf32, #tpu.memory_space<smem>>
    %get3A_657 = arith.constant 4 : index
    %get3A_658 = arith.constant 0 : index
    %get3A_659 = arith.constant 0 : index
    %get3A_660 = vector.load %arg4[%get3A_657, %get3A_658, %get3A_659] : memref<8x384x384xf32, #tpu.memory_space<vmem>>, vector<1x384x384xf32>
    %get3A_661 = vector.shape_cast %get3A_660 : vector<1x384x384xf32> to vector<384x384xf32>
    %mul3A_662 = vector.broadcast %get3A_656 : f32 to vector<384x384xf32>
    %mul3A_663 = arith.mulf %mul3A_662, %get3A_661 : vector<384x384xf32>
    %add3A_664 = arith.addf %add3A_653, %mul3A_663 : vector<384x384xf32>
    %get3A_665 = arith.constant 6 : index
    %get3A_666 = arith.constant 5 : index
    %get3A_667 = memref.load %arg3[%get3A_665, %get3A_666] : memref<12x8xf32, #tpu.memory_space<smem>>
    %get3A_668 = arith.constant 5 : index
    %get3A_669 = arith.constant 0 : index
    %get3A_670 = arith.constant 0 : index
    %get3A_671 = vector.load %arg4[%get3A_668, %get3A_669, %get3A_670] : memref<8x384x384xf32, #tpu.memory_space<vmem>>, vector<1x384x384xf32>
    %get3A_672 = vector.shape_cast %get3A_671 : vector<1x384x384xf32> to vector<384x384xf32>
    %mul3A_673 = vector.broadcast %get3A_667 : f32 to vector<384x384xf32>
    %mul3A_674 = arith.mulf %mul3A_673, %get3A_672 : vector<384x384xf32>
    %add3A_675 = arith.addf %add3A_664, %mul3A_674 : vector<384x384xf32>
    %get3A_676 = arith.constant 6 : index
    %get3A_677 = arith.constant 6 : index
    %get3A_678 = memref.load %arg3[%get3A_676, %get3A_677] : memref<12x8xf32, #tpu.memory_space<smem>>
    %get3A_679 = arith.constant 6 : index
    %get3A_680 = arith.constant 0 : index
    %get3A_681 = arith.constant 0 : index
    %get3A_682 = vector.load %arg4[%get3A_679, %get3A_680, %get3A_681] : memref<8x384x384xf32, #tpu.memory_space<vmem>>, vector<1x384x384xf32>
    %get3A_683 = vector.shape_cast %get3A_682 : vector<1x384x384xf32> to vector<384x384xf32>
    %mul3A_684 = vector.broadcast %get3A_678 : f32 to vector<384x384xf32>
    %mul3A_685 = arith.mulf %mul3A_684, %get3A_683 : vector<384x384xf32>
    %add3A_686 = arith.addf %add3A_675, %mul3A_685 : vector<384x384xf32>
    %get3A_687 = arith.constant 6 : index
    %get3A_688 = arith.constant 7 : index
    %get3A_689 = memref.load %arg3[%get3A_687, %get3A_688] : memref<12x8xf32, #tpu.memory_space<smem>>
    %get3A_690 = arith.constant 7 : index
    %get3A_691 = arith.constant 0 : index
    %get3A_692 = arith.constant 0 : index
    %get3A_693 = vector.load %arg4[%get3A_690, %get3A_691, %get3A_692] : memref<8x384x384xf32, #tpu.memory_space<vmem>>, vector<1x384x384xf32>
    %get3A_694 = vector.shape_cast %get3A_693 : vector<1x384x384xf32> to vector<384x384xf32>
    %mul3A_695 = vector.broadcast %get3A_689 : f32 to vector<384x384xf32>
    %mul3A_696 = arith.mulf %mul3A_695, %get3A_694 : vector<384x384xf32>
    %add3A_697 = arith.addf %add3A_686, %mul3A_696 : vector<384x384xf32>
    %get3A_698 = arith.constant 0 : index
    %get3A_699 = arith.constant 2304 : index
    %get3A_700 = vector.load %arg0[%get3A_698, %get3A_699] : memref<512x4608xf32, #tpu.memory_space<vmem>>, vector<512x384xf32>
    %slice3A_701 = vector.extract_strided_slice %div3A_5 {offsets = [0, 6], sizes = [512, 1], strides = [1, 1]} : vector<512x12xf32> to vector<512x1xf32>
    %mul3A_702 = vector.broadcast %slice3A_701 : vector<512x1xf32> to vector<512x384xf32>
    %mul3A_703 = arith.mulf %get3A_700, %mul3A_702 : vector<512x384xf32>
    %convert_element_type3A_704 = arith.truncf %mul3A_703 : vector<512x384xf32> to vector<512x384xbf16>
    %convert_element_type3A_705 = arith.truncf %add3A_697 : vector<384x384xf32> to vector<384x384xbf16>
    %dot_general3A_706 = arith.constant dense<0.000000e+00> : vector<512x384xf32>
    %dot_general3A_707 = tpu.matmul %convert_element_type3A_704, %convert_element_type3A_705, %dot_general3A_706 {dimension_numbers = #tpu.dot_dimension_numbers<[1], [0], [0], [1], [0, 0, 1, 1], [], []>, transpose_lhs_hint = false} : vector<512x384xbf16>, vector<384x384xbf16>, vector<512x384xf32> -> vector<512x384xf32>
    %add3A_708 = arith.addf %add3A_607, %dot_general3A_707 : vector<512x384xf32>
    %broadcast_in_dim3A_709 = arith.constant 0.000000e+00 : f32
    %broadcast_in_dim3A_710 = vector.broadcast %broadcast_in_dim3A_709 : f32 to vector<384x384xf32>
    %get3A_711 = arith.constant 7 : index
    %get3A_712 = arith.constant 0 : index
    %get3A_713 = memref.load %arg3[%get3A_711, %get3A_712] : memref<12x8xf32, #tpu.memory_space<smem>>
    %get3A_714 = arith.constant 0 : index
    %get3A_715 = arith.constant 0 : index
    %get3A_716 = arith.constant 0 : index
    %get3A_717 = vector.load %arg4[%get3A_714, %get3A_715, %get3A_716] : memref<8x384x384xf32, #tpu.memory_space<vmem>>, vector<1x384x384xf32>
    %get3A_718 = vector.shape_cast %get3A_717 : vector<1x384x384xf32> to vector<384x384xf32>
    %mul3A_719 = vector.broadcast %get3A_713 : f32 to vector<384x384xf32>
    %mul3A_720 = arith.mulf %mul3A_719, %get3A_718 : vector<384x384xf32>
    %add3A_721 = arith.addf %broadcast_in_dim3A_710, %mul3A_720 : vector<384x384xf32>
    %get3A_722 = arith.constant 7 : index
    %get3A_723 = arith.constant 1 : index
    %get3A_724 = memref.load %arg3[%get3A_722, %get3A_723] : memref<12x8xf32, #tpu.memory_space<smem>>
    %get3A_725 = arith.constant 1 : index
    %get3A_726 = arith.constant 0 : index
    %get3A_727 = arith.constant 0 : index
    %get3A_728 = vector.load %arg4[%get3A_725, %get3A_726, %get3A_727] : memref<8x384x384xf32, #tpu.memory_space<vmem>>, vector<1x384x384xf32>
    %get3A_729 = vector.shape_cast %get3A_728 : vector<1x384x384xf32> to vector<384x384xf32>
    %mul3A_730 = vector.broadcast %get3A_724 : f32 to vector<384x384xf32>
    %mul3A_731 = arith.mulf %mul3A_730, %get3A_729 : vector<384x384xf32>
    %add3A_732 = arith.addf %add3A_721, %mul3A_731 : vector<384x384xf32>
    %get3A_733 = arith.constant 7 : index
    %get3A_734 = arith.constant 2 : index
    %get3A_735 = memref.load %arg3[%get3A_733, %get3A_734] : memref<12x8xf32, #tpu.memory_space<smem>>
    %get3A_736 = arith.constant 2 : index
    %get3A_737 = arith.constant 0 : index
    %get3A_738 = arith.constant 0 : index
    %get3A_739 = vector.load %arg4[%get3A_736, %get3A_737, %get3A_738] : memref<8x384x384xf32, #tpu.memory_space<vmem>>, vector<1x384x384xf32>
    %get3A_740 = vector.shape_cast %get3A_739 : vector<1x384x384xf32> to vector<384x384xf32>
    %mul3A_741 = vector.broadcast %get3A_735 : f32 to vector<384x384xf32>
    %mul3A_742 = arith.mulf %mul3A_741, %get3A_740 : vector<384x384xf32>
    %add3A_743 = arith.addf %add3A_732, %mul3A_742 : vector<384x384xf32>
    %get3A_744 = arith.constant 7 : index
    %get3A_745 = arith.constant 3 : index
    %get3A_746 = memref.load %arg3[%get3A_744, %get3A_745] : memref<12x8xf32, #tpu.memory_space<smem>>
    %get3A_747 = arith.constant 3 : index
    %get3A_748 = arith.constant 0 : index
    %get3A_749 = arith.constant 0 : index
    %get3A_750 = vector.load %arg4[%get3A_747, %get3A_748, %get3A_749] : memref<8x384x384xf32, #tpu.memory_space<vmem>>, vector<1x384x384xf32>
    %get3A_751 = vector.shape_cast %get3A_750 : vector<1x384x384xf32> to vector<384x384xf32>
    %mul3A_752 = vector.broadcast %get3A_746 : f32 to vector<384x384xf32>
    %mul3A_753 = arith.mulf %mul3A_752, %get3A_751 : vector<384x384xf32>
    %add3A_754 = arith.addf %add3A_743, %mul3A_753 : vector<384x384xf32>
    %get3A_755 = arith.constant 7 : index
    %get3A_756 = arith.constant 4 : index
    %get3A_757 = memref.load %arg3[%get3A_755, %get3A_756] : memref<12x8xf32, #tpu.memory_space<smem>>
    %get3A_758 = arith.constant 4 : index
    %get3A_759 = arith.constant 0 : index
    %get3A_760 = arith.constant 0 : index
    %get3A_761 = vector.load %arg4[%get3A_758, %get3A_759, %get3A_760] : memref<8x384x384xf32, #tpu.memory_space<vmem>>, vector<1x384x384xf32>
    %get3A_762 = vector.shape_cast %get3A_761 : vector<1x384x384xf32> to vector<384x384xf32>
    %mul3A_763 = vector.broadcast %get3A_757 : f32 to vector<384x384xf32>
    %mul3A_764 = arith.mulf %mul3A_763, %get3A_762 : vector<384x384xf32>
    %add3A_765 = arith.addf %add3A_754, %mul3A_764 : vector<384x384xf32>
    %get3A_766 = arith.constant 7 : index
    %get3A_767 = arith.constant 5 : index
    %get3A_768 = memref.load %arg3[%get3A_766, %get3A_767] : memref<12x8xf32, #tpu.memory_space<smem>>
    %get3A_769 = arith.constant 5 : index
    %get3A_770 = arith.constant 0 : index
    %get3A_771 = arith.constant 0 : index
    %get3A_772 = vector.load %arg4[%get3A_769, %get3A_770, %get3A_771] : memref<8x384x384xf32, #tpu.memory_space<vmem>>, vector<1x384x384xf32>
    %get3A_773 = vector.shape_cast %get3A_772 : vector<1x384x384xf32> to vector<384x384xf32>
    %mul3A_774 = vector.broadcast %get3A_768 : f32 to vector<384x384xf32>
    %mul3A_775 = arith.mulf %mul3A_774, %get3A_773 : vector<384x384xf32>
    %add3A_776 = arith.addf %add3A_765, %mul3A_775 : vector<384x384xf32>
    %get3A_777 = arith.constant 7 : index
    %get3A_778 = arith.constant 6 : index
    %get3A_779 = memref.load %arg3[%get3A_777, %get3A_778] : memref<12x8xf32, #tpu.memory_space<smem>>
    %get3A_780 = arith.constant 6 : index
    %get3A_781 = arith.constant 0 : index
    %get3A_782 = arith.constant 0 : index
    %get3A_783 = vector.load %arg4[%get3A_780, %get3A_781, %get3A_782] : memref<8x384x384xf32, #tpu.memory_space<vmem>>, vector<1x384x384xf32>
    %get3A_784 = vector.shape_cast %get3A_783 : vector<1x384x384xf32> to vector<384x384xf32>
    %mul3A_785 = vector.broadcast %get3A_779 : f32 to vector<384x384xf32>
    %mul3A_786 = arith.mulf %mul3A_785, %get3A_784 : vector<384x384xf32>
    %add3A_787 = arith.addf %add3A_776, %mul3A_786 : vector<384x384xf32>
    %get3A_788 = arith.constant 7 : index
    %get3A_789 = arith.constant 7 : index
    %get3A_790 = memref.load %arg3[%get3A_788, %get3A_789] : memref<12x8xf32, #tpu.memory_space<smem>>
    %get3A_791 = arith.constant 7 : index
    %get3A_792 = arith.constant 0 : index
    %get3A_793 = arith.constant 0 : index
    %get3A_794 = vector.load %arg4[%get3A_791, %get3A_792, %get3A_793] : memref<8x384x384xf32, #tpu.memory_space<vmem>>, vector<1x384x384xf32>
    %get3A_795 = vector.shape_cast %get3A_794 : vector<1x384x384xf32> to vector<384x384xf32>
    %mul3A_796 = vector.broadcast %get3A_790 : f32 to vector<384x384xf32>
    %mul3A_797 = arith.mulf %mul3A_796, %get3A_795 : vector<384x384xf32>
    %add3A_798 = arith.addf %add3A_787, %mul3A_797 : vector<384x384xf32>
    %get3A_799 = arith.constant 0 : index
    %get3A_800 = arith.constant 2688 : index
    %get3A_801 = vector.load %arg0[%get3A_799, %get3A_800] : memref<512x4608xf32, #tpu.memory_space<vmem>>, vector<512x384xf32>
    %slice3A_802 = vector.extract_strided_slice %div3A_5 {offsets = [0, 7], sizes = [512, 1], strides = [1, 1]} : vector<512x12xf32> to vector<512x1xf32>
    %mul3A_803 = vector.broadcast %slice3A_802 : vector<512x1xf32> to vector<512x384xf32>
    %mul3A_804 = arith.mulf %get3A_801, %mul3A_803 : vector<512x384xf32>
    %convert_element_type3A_805 = arith.truncf %mul3A_804 : vector<512x384xf32> to vector<512x384xbf16>
    %convert_element_type3A_806 = arith.truncf %add3A_798 : vector<384x384xf32> to vector<384x384xbf16>
    %dot_general3A_807 = arith.constant dense<0.000000e+00> : vector<512x384xf32>
    %dot_general3A_808 = tpu.matmul %convert_element_type3A_805, %convert_element_type3A_806, %dot_general3A_807 {dimension_numbers = #tpu.dot_dimension_numbers<[1], [0], [0], [1], [0, 0, 1, 1], [], []>, transpose_lhs_hint = false} : vector<512x384xbf16>, vector<384x384xbf16>, vector<512x384xf32> -> vector<512x384xf32>
    %add3A_809 = arith.addf %add3A_708, %dot_general3A_808 : vector<512x384xf32>
    %broadcast_in_dim3A_810 = arith.constant 0.000000e+00 : f32
    %broadcast_in_dim3A_811 = vector.broadcast %broadcast_in_dim3A_810 : f32 to vector<384x384xf32>
    %get3A_812 = arith.constant 8 : index
    %get3A_813 = arith.constant 0 : index
    %get3A_814 = memref.load %arg3[%get3A_812, %get3A_813] : memref<12x8xf32, #tpu.memory_space<smem>>
    %get3A_815 = arith.constant 0 : index
    %get3A_816 = arith.constant 0 : index
    %get3A_817 = arith.constant 0 : index
    %get3A_818 = vector.load %arg4[%get3A_815, %get3A_816, %get3A_817] : memref<8x384x384xf32, #tpu.memory_space<vmem>>, vector<1x384x384xf32>
    %get3A_819 = vector.shape_cast %get3A_818 : vector<1x384x384xf32> to vector<384x384xf32>
    %mul3A_820 = vector.broadcast %get3A_814 : f32 to vector<384x384xf32>
    %mul3A_821 = arith.mulf %mul3A_820, %get3A_819 : vector<384x384xf32>
    %add3A_822 = arith.addf %broadcast_in_dim3A_811, %mul3A_821 : vector<384x384xf32>
    %get3A_823 = arith.constant 8 : index
    %get3A_824 = arith.constant 1 : index
    %get3A_825 = memref.load %arg3[%get3A_823, %get3A_824] : memref<12x8xf32, #tpu.memory_space<smem>>
    %get3A_826 = arith.constant 1 : index
    %get3A_827 = arith.constant 0 : index
    %get3A_828 = arith.constant 0 : index
    %get3A_829 = vector.load %arg4[%get3A_826, %get3A_827, %get3A_828] : memref<8x384x384xf32, #tpu.memory_space<vmem>>, vector<1x384x384xf32>
    %get3A_830 = vector.shape_cast %get3A_829 : vector<1x384x384xf32> to vector<384x384xf32>
    %mul3A_831 = vector.broadcast %get3A_825 : f32 to vector<384x384xf32>
    %mul3A_832 = arith.mulf %mul3A_831, %get3A_830 : vector<384x384xf32>
    %add3A_833 = arith.addf %add3A_822, %mul3A_832 : vector<384x384xf32>
    %get3A_834 = arith.constant 8 : index
    %get3A_835 = arith.constant 2 : index
    %get3A_836 = memref.load %arg3[%get3A_834, %get3A_835] : memref<12x8xf32, #tpu.memory_space<smem>>
    %get3A_837 = arith.constant 2 : index
    %get3A_838 = arith.constant 0 : index
    %get3A_839 = arith.constant 0 : index
    %get3A_840 = vector.load %arg4[%get3A_837, %get3A_838, %get3A_839] : memref<8x384x384xf32, #tpu.memory_space<vmem>>, vector<1x384x384xf32>
    %get3A_841 = vector.shape_cast %get3A_840 : vector<1x384x384xf32> to vector<384x384xf32>
    %mul3A_842 = vector.broadcast %get3A_836 : f32 to vector<384x384xf32>
    %mul3A_843 = arith.mulf %mul3A_842, %get3A_841 : vector<384x384xf32>
    %add3A_844 = arith.addf %add3A_833, %mul3A_843 : vector<384x384xf32>
    %get3A_845 = arith.constant 8 : index
    %get3A_846 = arith.constant 3 : index
    %get3A_847 = memref.load %arg3[%get3A_845, %get3A_846] : memref<12x8xf32, #tpu.memory_space<smem>>
    %get3A_848 = arith.constant 3 : index
    %get3A_849 = arith.constant 0 : index
    %get3A_850 = arith.constant 0 : index
    %get3A_851 = vector.load %arg4[%get3A_848, %get3A_849, %get3A_850] : memref<8x384x384xf32, #tpu.memory_space<vmem>>, vector<1x384x384xf32>
    %get3A_852 = vector.shape_cast %get3A_851 : vector<1x384x384xf32> to vector<384x384xf32>
    %mul3A_853 = vector.broadcast %get3A_847 : f32 to vector<384x384xf32>
    %mul3A_854 = arith.mulf %mul3A_853, %get3A_852 : vector<384x384xf32>
    %add3A_855 = arith.addf %add3A_844, %mul3A_854 : vector<384x384xf32>
    %get3A_856 = arith.constant 8 : index
    %get3A_857 = arith.constant 4 : index
    %get3A_858 = memref.load %arg3[%get3A_856, %get3A_857] : memref<12x8xf32, #tpu.memory_space<smem>>
    %get3A_859 = arith.constant 4 : index
    %get3A_860 = arith.constant 0 : index
    %get3A_861 = arith.constant 0 : index
    %get3A_862 = vector.load %arg4[%get3A_859, %get3A_860, %get3A_861] : memref<8x384x384xf32, #tpu.memory_space<vmem>>, vector<1x384x384xf32>
    %get3A_863 = vector.shape_cast %get3A_862 : vector<1x384x384xf32> to vector<384x384xf32>
    %mul3A_864 = vector.broadcast %get3A_858 : f32 to vector<384x384xf32>
    %mul3A_865 = arith.mulf %mul3A_864, %get3A_863 : vector<384x384xf32>
    %add3A_866 = arith.addf %add3A_855, %mul3A_865 : vector<384x384xf32>
    %get3A_867 = arith.constant 8 : index
    %get3A_868 = arith.constant 5 : index
    %get3A_869 = memref.load %arg3[%get3A_867, %get3A_868] : memref<12x8xf32, #tpu.memory_space<smem>>
    %get3A_870 = arith.constant 5 : index
    %get3A_871 = arith.constant 0 : index
    %get3A_872 = arith.constant 0 : index
    %get3A_873 = vector.load %arg4[%get3A_870, %get3A_871, %get3A_872] : memref<8x384x384xf32, #tpu.memory_space<vmem>>, vector<1x384x384xf32>
    %get3A_874 = vector.shape_cast %get3A_873 : vector<1x384x384xf32> to vector<384x384xf32>
    %mul3A_875 = vector.broadcast %get3A_869 : f32 to vector<384x384xf32>
    %mul3A_876 = arith.mulf %mul3A_875, %get3A_874 : vector<384x384xf32>
    %add3A_877 = arith.addf %add3A_866, %mul3A_876 : vector<384x384xf32>
    %get3A_878 = arith.constant 8 : index
    %get3A_879 = arith.constant 6 : index
    %get3A_880 = memref.load %arg3[%get3A_878, %get3A_879] : memref<12x8xf32, #tpu.memory_space<smem>>
    %get3A_881 = arith.constant 6 : index
    %get3A_882 = arith.constant 0 : index
    %get3A_883 = arith.constant 0 : index
    %get3A_884 = vector.load %arg4[%get3A_881, %get3A_882, %get3A_883] : memref<8x384x384xf32, #tpu.memory_space<vmem>>, vector<1x384x384xf32>
    %get3A_885 = vector.shape_cast %get3A_884 : vector<1x384x384xf32> to vector<384x384xf32>
    %mul3A_886 = vector.broadcast %get3A_880 : f32 to vector<384x384xf32>
    %mul3A_887 = arith.mulf %mul3A_886, %get3A_885 : vector<384x384xf32>
    %add3A_888 = arith.addf %add3A_877, %mul3A_887 : vector<384x384xf32>
    %get3A_889 = arith.constant 8 : index
    %get3A_890 = arith.constant 7 : index
    %get3A_891 = memref.load %arg3[%get3A_889, %get3A_890] : memref<12x8xf32, #tpu.memory_space<smem>>
    %get3A_892 = arith.constant 7 : index
    %get3A_893 = arith.constant 0 : index
    %get3A_894 = arith.constant 0 : index
    %get3A_895 = vector.load %arg4[%get3A_892, %get3A_893, %get3A_894] : memref<8x384x384xf32, #tpu.memory_space<vmem>>, vector<1x384x384xf32>
    %get3A_896 = vector.shape_cast %get3A_895 : vector<1x384x384xf32> to vector<384x384xf32>
    %mul3A_897 = vector.broadcast %get3A_891 : f32 to vector<384x384xf32>
    %mul3A_898 = arith.mulf %mul3A_897, %get3A_896 : vector<384x384xf32>
    %add3A_899 = arith.addf %add3A_888, %mul3A_898 : vector<384x384xf32>
    %get3A_900 = arith.constant 0 : index
    %get3A_901 = arith.constant 3072 : index
    %get3A_902 = vector.load %arg0[%get3A_900, %get3A_901] : memref<512x4608xf32, #tpu.memory_space<vmem>>, vector<512x384xf32>
    %slice3A_903 = vector.extract_strided_slice %div3A_5 {offsets = [0, 8], sizes = [512, 1], strides = [1, 1]} : vector<512x12xf32> to vector<512x1xf32>
    %mul3A_904 = vector.broadcast %slice3A_903 : vector<512x1xf32> to vector<512x384xf32>
    %mul3A_905 = arith.mulf %get3A_902, %mul3A_904 : vector<512x384xf32>
    %convert_element_type3A_906 = arith.truncf %mul3A_905 : vector<512x384xf32> to vector<512x384xbf16>
    %convert_element_type3A_907 = arith.truncf %add3A_899 : vector<384x384xf32> to vector<384x384xbf16>
    %dot_general3A_908 = arith.constant dense<0.000000e+00> : vector<512x384xf32>
    %dot_general3A_909 = tpu.matmul %convert_element_type3A_906, %convert_element_type3A_907, %dot_general3A_908 {dimension_numbers = #tpu.dot_dimension_numbers<[1], [0], [0], [1], [0, 0, 1, 1], [], []>, transpose_lhs_hint = false} : vector<512x384xbf16>, vector<384x384xbf16>, vector<512x384xf32> -> vector<512x384xf32>
    %add3A_910 = arith.addf %add3A_809, %dot_general3A_909 : vector<512x384xf32>
    %broadcast_in_dim3A_911 = arith.constant 0.000000e+00 : f32
    %broadcast_in_dim3A_912 = vector.broadcast %broadcast_in_dim3A_911 : f32 to vector<384x384xf32>
    %get3A_913 = arith.constant 9 : index
    %get3A_914 = arith.constant 0 : index
    %get3A_915 = memref.load %arg3[%get3A_913, %get3A_914] : memref<12x8xf32, #tpu.memory_space<smem>>
    %get3A_916 = arith.constant 0 : index
    %get3A_917 = arith.constant 0 : index
    %get3A_918 = arith.constant 0 : index
    %get3A_919 = vector.load %arg4[%get3A_916, %get3A_917, %get3A_918] : memref<8x384x384xf32, #tpu.memory_space<vmem>>, vector<1x384x384xf32>
    %get3A_920 = vector.shape_cast %get3A_919 : vector<1x384x384xf32> to vector<384x384xf32>
    %mul3A_921 = vector.broadcast %get3A_915 : f32 to vector<384x384xf32>
    %mul3A_922 = arith.mulf %mul3A_921, %get3A_920 : vector<384x384xf32>
    %add3A_923 = arith.addf %broadcast_in_dim3A_912, %mul3A_922 : vector<384x384xf32>
    %get3A_924 = arith.constant 9 : index
    %get3A_925 = arith.constant 1 : index
    %get3A_926 = memref.load %arg3[%get3A_924, %get3A_925] : memref<12x8xf32, #tpu.memory_space<smem>>
    %get3A_927 = arith.constant 1 : index
    %get3A_928 = arith.constant 0 : index
    %get3A_929 = arith.constant 0 : index
    %get3A_930 = vector.load %arg4[%get3A_927, %get3A_928, %get3A_929] : memref<8x384x384xf32, #tpu.memory_space<vmem>>, vector<1x384x384xf32>
    %get3A_931 = vector.shape_cast %get3A_930 : vector<1x384x384xf32> to vector<384x384xf32>
    %mul3A_932 = vector.broadcast %get3A_926 : f32 to vector<384x384xf32>
    %mul3A_933 = arith.mulf %mul3A_932, %get3A_931 : vector<384x384xf32>
    %add3A_934 = arith.addf %add3A_923, %mul3A_933 : vector<384x384xf32>
    %get3A_935 = arith.constant 9 : index
    %get3A_936 = arith.constant 2 : index
    %get3A_937 = memref.load %arg3[%get3A_935, %get3A_936] : memref<12x8xf32, #tpu.memory_space<smem>>
    %get3A_938 = arith.constant 2 : index
    %get3A_939 = arith.constant 0 : index
    %get3A_940 = arith.constant 0 : index
    %get3A_941 = vector.load %arg4[%get3A_938, %get3A_939, %get3A_940] : memref<8x384x384xf32, #tpu.memory_space<vmem>>, vector<1x384x384xf32>
    %get3A_942 = vector.shape_cast %get3A_941 : vector<1x384x384xf32> to vector<384x384xf32>
    %mul3A_943 = vector.broadcast %get3A_937 : f32 to vector<384x384xf32>
    %mul3A_944 = arith.mulf %mul3A_943, %get3A_942 : vector<384x384xf32>
    %add3A_945 = arith.addf %add3A_934, %mul3A_944 : vector<384x384xf32>
    %get3A_946 = arith.constant 9 : index
    %get3A_947 = arith.constant 3 : index
    %get3A_948 = memref.load %arg3[%get3A_946, %get3A_947] : memref<12x8xf32, #tpu.memory_space<smem>>
    %get3A_949 = arith.constant 3 : index
    %get3A_950 = arith.constant 0 : index
    %get3A_951 = arith.constant 0 : index
    %get3A_952 = vector.load %arg4[%get3A_949, %get3A_950, %get3A_951] : memref<8x384x384xf32, #tpu.memory_space<vmem>>, vector<1x384x384xf32>
    %get3A_953 = vector.shape_cast %get3A_952 : vector<1x384x384xf32> to vector<384x384xf32>
    %mul3A_954 = vector.broadcast %get3A_948 : f32 to vector<384x384xf32>
    %mul3A_955 = arith.mulf %mul3A_954, %get3A_953 : vector<384x384xf32>
    %add3A_956 = arith.addf %add3A_945, %mul3A_955 : vector<384x384xf32>
    %get3A_957 = arith.constant 9 : index
    %get3A_958 = arith.constant 4 : index
    %get3A_959 = memref.load %arg3[%get3A_957, %get3A_958] : memref<12x8xf32, #tpu.memory_space<smem>>
    %get3A_960 = arith.constant 4 : index
    %get3A_961 = arith.constant 0 : index
    %get3A_962 = arith.constant 0 : index
    %get3A_963 = vector.load %arg4[%get3A_960, %get3A_961, %get3A_962] : memref<8x384x384xf32, #tpu.memory_space<vmem>>, vector<1x384x384xf32>
    %get3A_964 = vector.shape_cast %get3A_963 : vector<1x384x384xf32> to vector<384x384xf32>
    %mul3A_965 = vector.broadcast %get3A_959 : f32 to vector<384x384xf32>
    %mul3A_966 = arith.mulf %mul3A_965, %get3A_964 : vector<384x384xf32>
    %add3A_967 = arith.addf %add3A_956, %mul3A_966 : vector<384x384xf32>
    %get3A_968 = arith.constant 9 : index
    %get3A_969 = arith.constant 5 : index
    %get3A_970 = memref.load %arg3[%get3A_968, %get3A_969] : memref<12x8xf32, #tpu.memory_space<smem>>
    %get3A_971 = arith.constant 5 : index
    %get3A_972 = arith.constant 0 : index
    %get3A_973 = arith.constant 0 : index
    %get3A_974 = vector.load %arg4[%get3A_971, %get3A_972, %get3A_973] : memref<8x384x384xf32, #tpu.memory_space<vmem>>, vector<1x384x384xf32>
    %get3A_975 = vector.shape_cast %get3A_974 : vector<1x384x384xf32> to vector<384x384xf32>
    %mul3A_976 = vector.broadcast %get3A_970 : f32 to vector<384x384xf32>
    %mul3A_977 = arith.mulf %mul3A_976, %get3A_975 : vector<384x384xf32>
    %add3A_978 = arith.addf %add3A_967, %mul3A_977 : vector<384x384xf32>
    %get3A_979 = arith.constant 9 : index
    %get3A_980 = arith.constant 6 : index
    %get3A_981 = memref.load %arg3[%get3A_979, %get3A_980] : memref<12x8xf32, #tpu.memory_space<smem>>
    %get3A_982 = arith.constant 6 : index
    %get3A_983 = arith.constant 0 : index
    %get3A_984 = arith.constant 0 : index
    %get3A_985 = vector.load %arg4[%get3A_982, %get3A_983, %get3A_984] : memref<8x384x384xf32, #tpu.memory_space<vmem>>, vector<1x384x384xf32>
    %get3A_986 = vector.shape_cast %get3A_985 : vector<1x384x384xf32> to vector<384x384xf32>
    %mul3A_987 = vector.broadcast %get3A_981 : f32 to vector<384x384xf32>
    %mul3A_988 = arith.mulf %mul3A_987, %get3A_986 : vector<384x384xf32>
    %add3A_989 = arith.addf %add3A_978, %mul3A_988 : vector<384x384xf32>
    %get3A_990 = arith.constant 9 : index
    %get3A_991 = arith.constant 7 : index
    %get3A_992 = memref.load %arg3[%get3A_990, %get3A_991] : memref<12x8xf32, #tpu.memory_space<smem>>
    %get3A_993 = arith.constant 7 : index
    %get3A_994 = arith.constant 0 : index
    %get3A_995 = arith.constant 0 : index
    %get3A_996 = vector.load %arg4[%get3A_993, %get3A_994, %get3A_995] : memref<8x384x384xf32, #tpu.memory_space<vmem>>, vector<1x384x384xf32>
    %get3A_997 = vector.shape_cast %get3A_996 : vector<1x384x384xf32> to vector<384x384xf32>
    %mul3A_998 = vector.broadcast %get3A_992 : f32 to vector<384x384xf32>
    %mul3A_999 = arith.mulf %mul3A_998, %get3A_997 : vector<384x384xf32>
    %add3A_1000 = arith.addf %add3A_989, %mul3A_999 : vector<384x384xf32>
    %get3A_1001 = arith.constant 0 : index
    %get3A_1002 = arith.constant 3456 : index
    %get3A_1003 = vector.load %arg0[%get3A_1001, %get3A_1002] : memref<512x4608xf32, #tpu.memory_space<vmem>>, vector<512x384xf32>
    %slice3A_1004 = vector.extract_strided_slice %div3A_5 {offsets = [0, 9], sizes = [512, 1], strides = [1, 1]} : vector<512x12xf32> to vector<512x1xf32>
    %mul3A_1005 = vector.broadcast %slice3A_1004 : vector<512x1xf32> to vector<512x384xf32>
    %mul3A_1006 = arith.mulf %get3A_1003, %mul3A_1005 : vector<512x384xf32>
    %convert_element_type3A_1007 = arith.truncf %mul3A_1006 : vector<512x384xf32> to vector<512x384xbf16>
    %convert_element_type3A_1008 = arith.truncf %add3A_1000 : vector<384x384xf32> to vector<384x384xbf16>
    %dot_general3A_1009 = arith.constant dense<0.000000e+00> : vector<512x384xf32>
    %dot_general3A_1010 = tpu.matmul %convert_element_type3A_1007, %convert_element_type3A_1008, %dot_general3A_1009 {dimension_numbers = #tpu.dot_dimension_numbers<[1], [0], [0], [1], [0, 0, 1, 1], [], []>, transpose_lhs_hint = false} : vector<512x384xbf16>, vector<384x384xbf16>, vector<512x384xf32> -> vector<512x384xf32>
    %add3A_1011 = arith.addf %add3A_910, %dot_general3A_1010 : vector<512x384xf32>
    %broadcast_in_dim3A_1012 = arith.constant 0.000000e+00 : f32
    %broadcast_in_dim3A_1013 = vector.broadcast %broadcast_in_dim3A_1012 : f32 to vector<384x384xf32>
    %get3A_1014 = arith.constant 10 : index
    %get3A_1015 = arith.constant 0 : index
    %get3A_1016 = memref.load %arg3[%get3A_1014, %get3A_1015] : memref<12x8xf32, #tpu.memory_space<smem>>
    %get3A_1017 = arith.constant 0 : index
    %get3A_1018 = arith.constant 0 : index
    %get3A_1019 = arith.constant 0 : index
    %get3A_1020 = vector.load %arg4[%get3A_1017, %get3A_1018, %get3A_1019] : memref<8x384x384xf32, #tpu.memory_space<vmem>>, vector<1x384x384xf32>
    %get3A_1021 = vector.shape_cast %get3A_1020 : vector<1x384x384xf32> to vector<384x384xf32>
    %mul3A_1022 = vector.broadcast %get3A_1016 : f32 to vector<384x384xf32>
    %mul3A_1023 = arith.mulf %mul3A_1022, %get3A_1021 : vector<384x384xf32>
    %add3A_1024 = arith.addf %broadcast_in_dim3A_1013, %mul3A_1023 : vector<384x384xf32>
    %get3A_1025 = arith.constant 10 : index
    %get3A_1026 = arith.constant 1 : index
    %get3A_1027 = memref.load %arg3[%get3A_1025, %get3A_1026] : memref<12x8xf32, #tpu.memory_space<smem>>
    %get3A_1028 = arith.constant 1 : index
    %get3A_1029 = arith.constant 0 : index
    %get3A_1030 = arith.constant 0 : index
    %get3A_1031 = vector.load %arg4[%get3A_1028, %get3A_1029, %get3A_1030] : memref<8x384x384xf32, #tpu.memory_space<vmem>>, vector<1x384x384xf32>
    %get3A_1032 = vector.shape_cast %get3A_1031 : vector<1x384x384xf32> to vector<384x384xf32>
    %mul3A_1033 = vector.broadcast %get3A_1027 : f32 to vector<384x384xf32>
    %mul3A_1034 = arith.mulf %mul3A_1033, %get3A_1032 : vector<384x384xf32>
    %add3A_1035 = arith.addf %add3A_1024, %mul3A_1034 : vector<384x384xf32>
    %get3A_1036 = arith.constant 10 : index
    %get3A_1037 = arith.constant 2 : index
    %get3A_1038 = memref.load %arg3[%get3A_1036, %get3A_1037] : memref<12x8xf32, #tpu.memory_space<smem>>
    %get3A_1039 = arith.constant 2 : index
    %get3A_1040 = arith.constant 0 : index
    %get3A_1041 = arith.constant 0 : index
    %get3A_1042 = vector.load %arg4[%get3A_1039, %get3A_1040, %get3A_1041] : memref<8x384x384xf32, #tpu.memory_space<vmem>>, vector<1x384x384xf32>
    %get3A_1043 = vector.shape_cast %get3A_1042 : vector<1x384x384xf32> to vector<384x384xf32>
    %mul3A_1044 = vector.broadcast %get3A_1038 : f32 to vector<384x384xf32>
    %mul3A_1045 = arith.mulf %mul3A_1044, %get3A_1043 : vector<384x384xf32>
    %add3A_1046 = arith.addf %add3A_1035, %mul3A_1045 : vector<384x384xf32>
    %get3A_1047 = arith.constant 10 : index
    %get3A_1048 = arith.constant 3 : index
    %get3A_1049 = memref.load %arg3[%get3A_1047, %get3A_1048] : memref<12x8xf32, #tpu.memory_space<smem>>
    %get3A_1050 = arith.constant 3 : index
    %get3A_1051 = arith.constant 0 : index
    %get3A_1052 = arith.constant 0 : index
    %get3A_1053 = vector.load %arg4[%get3A_1050, %get3A_1051, %get3A_1052] : memref<8x384x384xf32, #tpu.memory_space<vmem>>, vector<1x384x384xf32>
    %get3A_1054 = vector.shape_cast %get3A_1053 : vector<1x384x384xf32> to vector<384x384xf32>
    %mul3A_1055 = vector.broadcast %get3A_1049 : f32 to vector<384x384xf32>
    %mul3A_1056 = arith.mulf %mul3A_1055, %get3A_1054 : vector<384x384xf32>
    %add3A_1057 = arith.addf %add3A_1046, %mul3A_1056 : vector<384x384xf32>
    %get3A_1058 = arith.constant 10 : index
    %get3A_1059 = arith.constant 4 : index
    %get3A_1060 = memref.load %arg3[%get3A_1058, %get3A_1059] : memref<12x8xf32, #tpu.memory_space<smem>>
    %get3A_1061 = arith.constant 4 : index
    %get3A_1062 = arith.constant 0 : index
    %get3A_1063 = arith.constant 0 : index
    %get3A_1064 = vector.load %arg4[%get3A_1061, %get3A_1062, %get3A_1063] : memref<8x384x384xf32, #tpu.memory_space<vmem>>, vector<1x384x384xf32>
    %get3A_1065 = vector.shape_cast %get3A_1064 : vector<1x384x384xf32> to vector<384x384xf32>
    %mul3A_1066 = vector.broadcast %get3A_1060 : f32 to vector<384x384xf32>
    %mul3A_1067 = arith.mulf %mul3A_1066, %get3A_1065 : vector<384x384xf32>
    %add3A_1068 = arith.addf %add3A_1057, %mul3A_1067 : vector<384x384xf32>
    %get3A_1069 = arith.constant 10 : index
    %get3A_1070 = arith.constant 5 : index
    %get3A_1071 = memref.load %arg3[%get3A_1069, %get3A_1070] : memref<12x8xf32, #tpu.memory_space<smem>>
    %get3A_1072 = arith.constant 5 : index
    %get3A_1073 = arith.constant 0 : index
    %get3A_1074 = arith.constant 0 : index
    %get3A_1075 = vector.load %arg4[%get3A_1072, %get3A_1073, %get3A_1074] : memref<8x384x384xf32, #tpu.memory_space<vmem>>, vector<1x384x384xf32>
    %get3A_1076 = vector.shape_cast %get3A_1075 : vector<1x384x384xf32> to vector<384x384xf32>
    %mul3A_1077 = vector.broadcast %get3A_1071 : f32 to vector<384x384xf32>
    %mul3A_1078 = arith.mulf %mul3A_1077, %get3A_1076 : vector<384x384xf32>
    %add3A_1079 = arith.addf %add3A_1068, %mul3A_1078 : vector<384x384xf32>
    %get3A_1080 = arith.constant 10 : index
    %get3A_1081 = arith.constant 6 : index
    %get3A_1082 = memref.load %arg3[%get3A_1080, %get3A_1081] : memref<12x8xf32, #tpu.memory_space<smem>>
    %get3A_1083 = arith.constant 6 : index
    %get3A_1084 = arith.constant 0 : index
    %get3A_1085 = arith.constant 0 : index
    %get3A_1086 = vector.load %arg4[%get3A_1083, %get3A_1084, %get3A_1085] : memref<8x384x384xf32, #tpu.memory_space<vmem>>, vector<1x384x384xf32>
    %get3A_1087 = vector.shape_cast %get3A_1086 : vector<1x384x384xf32> to vector<384x384xf32>
    %mul3A_1088 = vector.broadcast %get3A_1082 : f32 to vector<384x384xf32>
    %mul3A_1089 = arith.mulf %mul3A_1088, %get3A_1087 : vector<384x384xf32>
    %add3A_1090 = arith.addf %add3A_1079, %mul3A_1089 : vector<384x384xf32>
    %get3A_1091 = arith.constant 10 : index
    %get3A_1092 = arith.constant 7 : index
    %get3A_1093 = memref.load %arg3[%get3A_1091, %get3A_1092] : memref<12x8xf32, #tpu.memory_space<smem>>
    %get3A_1094 = arith.constant 7 : index
    %get3A_1095 = arith.constant 0 : index
    %get3A_1096 = arith.constant 0 : index
    %get3A_1097 = vector.load %arg4[%get3A_1094, %get3A_1095, %get3A_1096] : memref<8x384x384xf32, #tpu.memory_space<vmem>>, vector<1x384x384xf32>
    %get3A_1098 = vector.shape_cast %get3A_1097 : vector<1x384x384xf32> to vector<384x384xf32>
    %mul3A_1099 = vector.broadcast %get3A_1093 : f32 to vector<384x384xf32>
    %mul3A_1100 = arith.mulf %mul3A_1099, %get3A_1098 : vector<384x384xf32>
    %add3A_1101 = arith.addf %add3A_1090, %mul3A_1100 : vector<384x384xf32>
    %get3A_1102 = arith.constant 0 : index
    %get3A_1103 = arith.constant 3840 : index
    %get3A_1104 = vector.load %arg0[%get3A_1102, %get3A_1103] : memref<512x4608xf32, #tpu.memory_space<vmem>>, vector<512x384xf32>
    %slice3A_1105 = vector.extract_strided_slice %div3A_5 {offsets = [0, 10], sizes = [512, 1], strides = [1, 1]} : vector<512x12xf32> to vector<512x1xf32>
    %mul3A_1106 = vector.broadcast %slice3A_1105 : vector<512x1xf32> to vector<512x384xf32>
    %mul3A_1107 = arith.mulf %get3A_1104, %mul3A_1106 : vector<512x384xf32>
    %convert_element_type3A_1108 = arith.truncf %mul3A_1107 : vector<512x384xf32> to vector<512x384xbf16>
    %convert_element_type3A_1109 = arith.truncf %add3A_1101 : vector<384x384xf32> to vector<384x384xbf16>
    %dot_general3A_1110 = arith.constant dense<0.000000e+00> : vector<512x384xf32>
    %dot_general3A_1111 = tpu.matmul %convert_element_type3A_1108, %convert_element_type3A_1109, %dot_general3A_1110 {dimension_numbers = #tpu.dot_dimension_numbers<[1], [0], [0], [1], [0, 0, 1, 1], [], []>, transpose_lhs_hint = false} : vector<512x384xbf16>, vector<384x384xbf16>, vector<512x384xf32> -> vector<512x384xf32>
    %add3A_1112 = arith.addf %add3A_1011, %dot_general3A_1111 : vector<512x384xf32>
    %broadcast_in_dim3A_1113 = arith.constant 0.000000e+00 : f32
    %broadcast_in_dim3A_1114 = vector.broadcast %broadcast_in_dim3A_1113 : f32 to vector<384x384xf32>
    %get3A_1115 = arith.constant 11 : index
    %get3A_1116 = arith.constant 0 : index
    %get3A_1117 = memref.load %arg3[%get3A_1115, %get3A_1116] : memref<12x8xf32, #tpu.memory_space<smem>>
    %get3A_1118 = arith.constant 0 : index
    %get3A_1119 = arith.constant 0 : index
    %get3A_1120 = arith.constant 0 : index
    %get3A_1121 = vector.load %arg4[%get3A_1118, %get3A_1119, %get3A_1120] : memref<8x384x384xf32, #tpu.memory_space<vmem>>, vector<1x384x384xf32>
    %get3A_1122 = vector.shape_cast %get3A_1121 : vector<1x384x384xf32> to vector<384x384xf32>
    %mul3A_1123 = vector.broadcast %get3A_1117 : f32 to vector<384x384xf32>
    %mul3A_1124 = arith.mulf %mul3A_1123, %get3A_1122 : vector<384x384xf32>
    %add3A_1125 = arith.addf %broadcast_in_dim3A_1114, %mul3A_1124 : vector<384x384xf32>
    %get3A_1126 = arith.constant 11 : index
    %get3A_1127 = arith.constant 1 : index
    %get3A_1128 = memref.load %arg3[%get3A_1126, %get3A_1127] : memref<12x8xf32, #tpu.memory_space<smem>>
    %get3A_1129 = arith.constant 1 : index
    %get3A_1130 = arith.constant 0 : index
    %get3A_1131 = arith.constant 0 : index
    %get3A_1132 = vector.load %arg4[%get3A_1129, %get3A_1130, %get3A_1131] : memref<8x384x384xf32, #tpu.memory_space<vmem>>, vector<1x384x384xf32>
    %get3A_1133 = vector.shape_cast %get3A_1132 : vector<1x384x384xf32> to vector<384x384xf32>
    %mul3A_1134 = vector.broadcast %get3A_1128 : f32 to vector<384x384xf32>
    %mul3A_1135 = arith.mulf %mul3A_1134, %get3A_1133 : vector<384x384xf32>
    %add3A_1136 = arith.addf %add3A_1125, %mul3A_1135 : vector<384x384xf32>
    %get3A_1137 = arith.constant 11 : index
    %get3A_1138 = arith.constant 2 : index
    %get3A_1139 = memref.load %arg3[%get3A_1137, %get3A_1138] : memref<12x8xf32, #tpu.memory_space<smem>>
    %get3A_1140 = arith.constant 2 : index
    %get3A_1141 = arith.constant 0 : index
    %get3A_1142 = arith.constant 0 : index
    %get3A_1143 = vector.load %arg4[%get3A_1140, %get3A_1141, %get3A_1142] : memref<8x384x384xf32, #tpu.memory_space<vmem>>, vector<1x384x384xf32>
    %get3A_1144 = vector.shape_cast %get3A_1143 : vector<1x384x384xf32> to vector<384x384xf32>
    %mul3A_1145 = vector.broadcast %get3A_1139 : f32 to vector<384x384xf32>
    %mul3A_1146 = arith.mulf %mul3A_1145, %get3A_1144 : vector<384x384xf32>
    %add3A_1147 = arith.addf %add3A_1136, %mul3A_1146 : vector<384x384xf32>
    %get3A_1148 = arith.constant 11 : index
    %get3A_1149 = arith.constant 3 : index
    %get3A_1150 = memref.load %arg3[%get3A_1148, %get3A_1149] : memref<12x8xf32, #tpu.memory_space<smem>>
    %get3A_1151 = arith.constant 3 : index
    %get3A_1152 = arith.constant 0 : index
    %get3A_1153 = arith.constant 0 : index
    %get3A_1154 = vector.load %arg4[%get3A_1151, %get3A_1152, %get3A_1153] : memref<8x384x384xf32, #tpu.memory_space<vmem>>, vector<1x384x384xf32>
    %get3A_1155 = vector.shape_cast %get3A_1154 : vector<1x384x384xf32> to vector<384x384xf32>
    %mul3A_1156 = vector.broadcast %get3A_1150 : f32 to vector<384x384xf32>
    %mul3A_1157 = arith.mulf %mul3A_1156, %get3A_1155 : vector<384x384xf32>
    %add3A_1158 = arith.addf %add3A_1147, %mul3A_1157 : vector<384x384xf32>
    %get3A_1159 = arith.constant 11 : index
    %get3A_1160 = arith.constant 4 : index
    %get3A_1161 = memref.load %arg3[%get3A_1159, %get3A_1160] : memref<12x8xf32, #tpu.memory_space<smem>>
    %get3A_1162 = arith.constant 4 : index
    %get3A_1163 = arith.constant 0 : index
    %get3A_1164 = arith.constant 0 : index
    %get3A_1165 = vector.load %arg4[%get3A_1162, %get3A_1163, %get3A_1164] : memref<8x384x384xf32, #tpu.memory_space<vmem>>, vector<1x384x384xf32>
    %get3A_1166 = vector.shape_cast %get3A_1165 : vector<1x384x384xf32> to vector<384x384xf32>
    %mul3A_1167 = vector.broadcast %get3A_1161 : f32 to vector<384x384xf32>
    %mul3A_1168 = arith.mulf %mul3A_1167, %get3A_1166 : vector<384x384xf32>
    %add3A_1169 = arith.addf %add3A_1158, %mul3A_1168 : vector<384x384xf32>
    %get3A_1170 = arith.constant 11 : index
    %get3A_1171 = arith.constant 5 : index
    %get3A_1172 = memref.load %arg3[%get3A_1170, %get3A_1171] : memref<12x8xf32, #tpu.memory_space<smem>>
    %get3A_1173 = arith.constant 5 : index
    %get3A_1174 = arith.constant 0 : index
    %get3A_1175 = arith.constant 0 : index
    %get3A_1176 = vector.load %arg4[%get3A_1173, %get3A_1174, %get3A_1175] : memref<8x384x384xf32, #tpu.memory_space<vmem>>, vector<1x384x384xf32>
    %get3A_1177 = vector.shape_cast %get3A_1176 : vector<1x384x384xf32> to vector<384x384xf32>
    %mul3A_1178 = vector.broadcast %get3A_1172 : f32 to vector<384x384xf32>
    %mul3A_1179 = arith.mulf %mul3A_1178, %get3A_1177 : vector<384x384xf32>
    %add3A_1180 = arith.addf %add3A_1169, %mul3A_1179 : vector<384x384xf32>
    %get3A_1181 = arith.constant 11 : index
    %get3A_1182 = arith.constant 6 : index
    %get3A_1183 = memref.load %arg3[%get3A_1181, %get3A_1182] : memref<12x8xf32, #tpu.memory_space<smem>>
    %get3A_1184 = arith.constant 6 : index
    %get3A_1185 = arith.constant 0 : index
    %get3A_1186 = arith.constant 0 : index
    %get3A_1187 = vector.load %arg4[%get3A_1184, %get3A_1185, %get3A_1186] : memref<8x384x384xf32, #tpu.memory_space<vmem>>, vector<1x384x384xf32>
    %get3A_1188 = vector.shape_cast %get3A_1187 : vector<1x384x384xf32> to vector<384x384xf32>
    %mul3A_1189 = vector.broadcast %get3A_1183 : f32 to vector<384x384xf32>
    %mul3A_1190 = arith.mulf %mul3A_1189, %get3A_1188 : vector<384x384xf32>
    %add3A_1191 = arith.addf %add3A_1180, %mul3A_1190 : vector<384x384xf32>
    %get3A_1192 = arith.constant 11 : index
    %get3A_1193 = arith.constant 7 : index
    %get3A_1194 = memref.load %arg3[%get3A_1192, %get3A_1193] : memref<12x8xf32, #tpu.memory_space<smem>>
    %get3A_1195 = arith.constant 7 : index
    %get3A_1196 = arith.constant 0 : index
    %get3A_1197 = arith.constant 0 : index
    %get3A_1198 = vector.load %arg4[%get3A_1195, %get3A_1196, %get3A_1197] : memref<8x384x384xf32, #tpu.memory_space<vmem>>, vector<1x384x384xf32>
    %get3A_1199 = vector.shape_cast %get3A_1198 : vector<1x384x384xf32> to vector<384x384xf32>
    %mul3A_1200 = vector.broadcast %get3A_1194 : f32 to vector<384x384xf32>
    %mul3A_1201 = arith.mulf %mul3A_1200, %get3A_1199 : vector<384x384xf32>
    %add3A_1202 = arith.addf %add3A_1191, %mul3A_1201 : vector<384x384xf32>
    %get3A_1203 = arith.constant 0 : index
    %get3A_1204 = arith.constant 4224 : index
    %get3A_1205 = vector.load %arg0[%get3A_1203, %get3A_1204] : memref<512x4608xf32, #tpu.memory_space<vmem>>, vector<512x384xf32>
    %slice3A_1206 = vector.extract_strided_slice %div3A_5 {offsets = [0, 11], sizes = [512, 1], strides = [1, 1]} : vector<512x12xf32> to vector<512x1xf32>
    %mul3A_1207 = vector.broadcast %slice3A_1206 : vector<512x1xf32> to vector<512x384xf32>
    %mul3A_1208 = arith.mulf %get3A_1205, %mul3A_1207 : vector<512x384xf32>
    %convert_element_type3A_1209 = arith.truncf %mul3A_1208 : vector<512x384xf32> to vector<512x384xbf16>
    %convert_element_type3A_1210 = arith.truncf %add3A_1202 : vector<384x384xf32> to vector<384x384xbf16>
    %dot_general3A_1211 = arith.constant dense<0.000000e+00> : vector<512x384xf32>
    %dot_general3A_1212 = tpu.matmul %convert_element_type3A_1209, %convert_element_type3A_1210, %dot_general3A_1211 {dimension_numbers = #tpu.dot_dimension_numbers<[1], [0], [0], [1], [0, 0, 1, 1], [], []>, transpose_lhs_hint = false} : vector<512x384xbf16>, vector<384x384xbf16>, vector<512x384xf32> -> vector<512x384xf32>
    %add3A_1213 = arith.addf %add3A_1112, %dot_general3A_1212 : vector<512x384xf32>
    %get3A_1214 = arith.constant 0 : index
    %get3A_1215 = arith.constant 0 : index
    %get3A_1216 = vector.load %arg2[%get3A_1214, %get3A_1215] : memref<512x384xf32, #tpu.memory_space<vmem>>, vector<512x384xf32>
    %get3A_1217 = arith.constant 0 : index
    %get3A_1218 = arith.constant 0 : index
    %get3A_1219 = vector.load %arg5[%get3A_1217, %get3A_1218] : memref<384x384xf32, #tpu.memory_space<vmem>>, vector<384x384xf32>
    %dot_general3A_1220 = arith.constant dense<0.000000e+00> : vector<512x384xf32>
    %dot_general3A_1221 = tpu.matmul %get3A_1216, %get3A_1219, %dot_general3A_1220 {dimension_numbers = #tpu.dot_dimension_numbers<[1], [0], [0], [1], [0, 0, 1, 1], [], []>, transpose_lhs_hint = false} : vector<512x384xf32>, vector<384x384xf32>, vector<512x384xf32> -> vector<512x384xf32>
    %add3A_1222 = arith.addf %add3A_1213, %dot_general3A_1221 : vector<512x384xf32>
    %get3A_1223 = arith.constant 0 : index
    %get3A_1224 = vector.load %arg6[%get3A_1223] : memref<384xf32, #tpu.memory_space<vmem>>, vector<384xf32>
    %broadcast_in_dim3A_1225 = vector.shape_cast %get3A_1224 : vector<384xf32> to vector<1x384xf32>
    %add3A_1226 = vector.broadcast %broadcast_in_dim3A_1225 : vector<1x384xf32> to vector<512x384xf32>
    %add3A_1227 = arith.addf %add3A_1222, %add3A_1226 : vector<512x384xf32>
    %add3A_1228 = arith.addf %add3A_1227, %get3A_1216 : vector<512x384xf32>
    %get3A_1229 = arith.constant 0 : index
    %get3A_1230 = arith.constant 0 : index
    %get3A_1231 = vector.load %arg7[%get3A_1229, %get3A_1230] : memref<384x192xf32, #tpu.memory_space<vmem>>, vector<384x192xf32>
    %dot_general3A_1232 = arith.constant dense<0.000000e+00> : vector<512x192xf32>
    %dot_general3A_1233 = tpu.matmul %add3A_1228, %get3A_1231, %dot_general3A_1232 {dimension_numbers = #tpu.dot_dimension_numbers<[1], [0], [0], [1], [0, 0, 1, 1], [], []>, transpose_lhs_hint = false} : vector<512x384xf32>, vector<384x192xf32>, vector<512x192xf32> -> vector<512x192xf32>
    %get3A_1234 = arith.constant 0 : index
    %get3A_1235 = vector.load %arg8[%get3A_1234] : memref<192xf32, #tpu.memory_space<vmem>>, vector<192xf32>
    %broadcast_in_dim3A_1236 = vector.shape_cast %get3A_1235 : vector<192xf32> to vector<1x192xf32>
    %add3A_1237 = vector.broadcast %broadcast_in_dim3A_1236 : vector<1x192xf32> to vector<512x192xf32>
    %add3A_1238 = arith.addf %dot_general3A_1233, %add3A_1237 : vector<512x192xf32>
    %max3A_1239 = arith.constant 0.000000e+00 : f32
    %max3A_1240 = vector.broadcast %max3A_1239 : f32 to vector<512x192xf32>
    %max3A_1241 = arith.maximumf %add3A_1238, %max3A_1240 : vector<512x192xf32>
    %get3A_1242 = arith.constant 0 : index
    %get3A_1243 = arith.constant 0 : index
    %get3A_1244 = vector.load %arg9[%get3A_1242, %get3A_1243] : memref<192x384xf32, #tpu.memory_space<vmem>>, vector<192x384xf32>
    %dot_general3A_1245 = arith.constant dense<0.000000e+00> : vector<512x384xf32>
    %dot_general3A_1246 = tpu.matmul %max3A_1241, %get3A_1244, %dot_general3A_1245 {dimension_numbers = #tpu.dot_dimension_numbers<[1], [0], [0], [1], [0, 0, 1, 1], [], []>, transpose_lhs_hint = false} : vector<512x192xf32>, vector<192x384xf32>, vector<512x384xf32> -> vector<512x384xf32>
    %get3A_1247 = arith.constant 0 : index
    %get3A_1248 = vector.load %arg10[%get3A_1247] : memref<384xf32, #tpu.memory_space<vmem>>, vector<384xf32>
    %broadcast_in_dim3A_1249 = vector.shape_cast %get3A_1248 : vector<384xf32> to vector<1x384xf32>
    %add3A_1250 = vector.broadcast %broadcast_in_dim3A_1249 : vector<1x384xf32> to vector<512x384xf32>
    %add3A_1251 = arith.addf %dot_general3A_1246, %add3A_1250 : vector<512x384xf32>
    %add3A_1252 = arith.addf %add3A_1251, %add3A_1228 : vector<512x384xf32>
    %get3A_1253 = arith.constant 0 : index
    %get3A_1254 = arith.constant 0 : index
    %get3A_1255 = vector.load %arg11[%get3A_1253, %get3A_1254] : memref<384x768xf32, #tpu.memory_space<vmem>>, vector<384x768xf32>
    %dot_general3A_1256 = arith.constant dense<0.000000e+00> : vector<512x768xf32>
    %dot_general3A_1257 = tpu.matmul %add3A_1252, %get3A_1255, %dot_general3A_1256 {dimension_numbers = #tpu.dot_dimension_numbers<[1], [0], [0], [1], [0, 0, 1, 1], [], []>, transpose_lhs_hint = false} : vector<512x384xf32>, vector<384x768xf32>, vector<512x768xf32> -> vector<512x768xf32>
    %get3A_1258 = arith.constant 0 : index
    %get3A_1259 = vector.load %arg12[%get3A_1258] : memref<768xf32, #tpu.memory_space<vmem>>, vector<768xf32>
    %broadcast_in_dim3A_1260 = vector.shape_cast %get3A_1259 : vector<768xf32> to vector<1x768xf32>
    %add3A_1261 = vector.broadcast %broadcast_in_dim3A_1260 : vector<1x768xf32> to vector<512x768xf32>
    %add3A_1262 = arith.addf %dot_general3A_1257, %add3A_1261 : vector<512x768xf32>
    %swap3A = arith.constant 0 : index
    %swap3A_1263 = arith.constant 0 : index
    %swap3A_1264 = vector.load %arg13[%swap3A, %swap3A_1263] : memref<512x768xf32, #tpu.memory_space<vmem>>, vector<512x768xf32>
    tpu.vector_store %arg13[%swap3A, %swap3A_1263], %add3A_1262 {strides = array<i32>} : memref<512x768xf32, #tpu.memory_space<vmem>>, vector<512x768xf32>,
    return
  }
}

module attributes {stable_mosaic.version = 14 : i64} {
  func.func @body(%arg0: i32, %arg1: memref<1x64x768xf32, #tpu.memory_space<vmem>>, %arg2: memref<1x32x768xf32, #tpu.memory_space<vmem>>, %arg3: memref<768x384xf32, #tpu.memory_space<vmem>>, %arg4: memref<384xf32, #tpu.memory_space<vmem>>, %arg5: memref<384x768xf32, #tpu.memory_space<vmem>>, %arg6: memref<768xf32, #tpu.memory_space<vmem>>, %arg7: memref<768x768xf32, #tpu.memory_space<vmem>>, %arg8: memref<768xf32, #tpu.memory_space<vmem>>, %arg9: memref<768x768xf32, #tpu.memory_space<vmem>>, %arg10: memref<768x384xf32, #tpu.memory_space<vmem>>, %arg11: memref<384xf32, #tpu.memory_space<vmem>>, %arg12: memref<384x768xf32, #tpu.memory_space<vmem>>, %arg13: memref<768xf32, #tpu.memory_space<vmem>>, %arg14: memref<1x32x768xf32, #tpu.memory_space<vmem>>) attributes {dimension_semantics = [#tpu.dimension_semantics<arbitrary>], iteration_bounds = array<i64: 16>, scalar_prefetch = 0 : i64, scratch_operands = 0 : i64, tpu.core_type = #tpu.core_type<tc>, window_params = [{transform_indices = @transform_0, window_bounds = array<i64: 1, 64, 768>}, {transform_indices = @transform_1, window_bounds = array<i64: 1, 32, 768>}, {pipeline_mode = #tpu.pipeline_mode<synchronous>, transform_indices = @transform_2, window_bounds = array<i64: 768, 384>}, {pipeline_mode = #tpu.pipeline_mode<synchronous>, transform_indices = @transform_3, window_bounds = array<i64: 384>}, {pipeline_mode = #tpu.pipeline_mode<synchronous>, transform_indices = @transform_4, window_bounds = array<i64: 384, 768>}, {pipeline_mode = #tpu.pipeline_mode<synchronous>, transform_indices = @transform_5, window_bounds = array<i64: 768>}, {pipeline_mode = #tpu.pipeline_mode<synchronous>, transform_indices = @transform_6, window_bounds = array<i64: 768, 768>}, {pipeline_mode = #tpu.pipeline_mode<synchronous>, transform_indices = @transform_7, window_bounds = array<i64: 768>}, {pipeline_mode = #tpu.pipeline_mode<synchronous>, transform_indices = @transform_8, window_bounds = array<i64: 768, 768>}, {pipeline_mode = #tpu.pipeline_mode<synchronous>, transform_indices = @transform_9, window_bounds = array<i64: 768, 384>}, {pipeline_mode = #tpu.pipeline_mode<synchronous>, transform_indices = @transform_10, window_bounds = array<i64: 384>}, {pipeline_mode = #tpu.pipeline_mode<synchronous>, transform_indices = @transform_11, window_bounds = array<i64: 384, 768>}, {pipeline_mode = #tpu.pipeline_mode<synchronous>, transform_indices = @transform_12, window_bounds = array<i64: 768>}, {transform_indices = @transform_13, window_bounds = array<i64: 1, 32, 768>}]} {
    %get3A = arith.constant 0 : index
    %get3A_0 = arith.constant 0 : index
    %get3A_1 = arith.constant 0 : index
    %get3A_2 = vector.load %arg1[%get3A, %get3A_0, %get3A_1] : memref<1x64x768xf32, #tpu.memory_space<vmem>>, vector<1x64x768xf32>
    %get3A_3 = vector.shape_cast %get3A_2 : vector<1x64x768xf32> to vector<64x768xf32>
    %get3A_4 = arith.constant 0 : index
    %get3A_5 = arith.constant 0 : index
    %get3A_6 = vector.load %arg3[%get3A_4, %get3A_5] : memref<768x384xf32, #tpu.memory_space<vmem>>, vector<768x384xf32>
    %dot_general3A = arith.constant dense<0.000000e+00> : vector<64x384xf32>
    %dot_general3A_7 = tpu.matmul %get3A_3, %get3A_6, %dot_general3A {dimension_numbers = #tpu.dot_dimension_numbers<[1], [0], [0], [1], [0, 0, 1, 1], [], []>, transpose_lhs_hint = false} : vector<64x768xf32>, vector<768x384xf32>, vector<64x384xf32> -> vector<64x384xf32>
    %get3A_8 = arith.constant 0 : index
    %get3A_9 = vector.load %arg4[%get3A_8] : memref<384xf32, #tpu.memory_space<vmem>>, vector<384xf32>
    %broadcast_in_dim3A = vector.shape_cast %get3A_9 : vector<384xf32> to vector<1x384xf32>
    %add3A = vector.broadcast %broadcast_in_dim3A : vector<1x384xf32> to vector<64x384xf32>
    %add3A_10 = arith.addf %dot_general3A_7, %add3A : vector<64x384xf32>
    %max3A = arith.constant 0.000000e+00 : f32
    %max3A_11 = vector.broadcast %max3A : f32 to vector<64x384xf32>
    %max3A_12 = arith.maximumf %add3A_10, %max3A_11 : vector<64x384xf32>
    %get3A_13 = arith.constant 0 : index
    %get3A_14 = arith.constant 0 : index
    %get3A_15 = vector.load %arg5[%get3A_13, %get3A_14] : memref<384x768xf32, #tpu.memory_space<vmem>>, vector<384x768xf32>
    %dot_general3A_16 = arith.constant dense<0.000000e+00> : vector<64x768xf32>
    %dot_general3A_17 = tpu.matmul %max3A_12, %get3A_15, %dot_general3A_16 {dimension_numbers = #tpu.dot_dimension_numbers<[1], [0], [0], [1], [0, 0, 1, 1], [], []>, transpose_lhs_hint = false} : vector<64x384xf32>, vector<384x768xf32>, vector<64x768xf32> -> vector<64x768xf32>
    %get3A_18 = arith.constant 0 : index
    %get3A_19 = vector.load %arg6[%get3A_18] : memref<768xf32, #tpu.memory_space<vmem>>, vector<768xf32>
    %broadcast_in_dim3A_20 = vector.shape_cast %get3A_19 : vector<768xf32> to vector<1x768xf32>
    %add3A_21 = vector.broadcast %broadcast_in_dim3A_20 : vector<1x768xf32> to vector<64x768xf32>
    %add3A_22 = arith.addf %dot_general3A_17, %add3A_21 : vector<64x768xf32>
    %add3A_23 = arith.addf %add3A_22, %get3A_3 : vector<64x768xf32>
    %get3A_24 = arith.constant 0 : index
    %get3A_25 = arith.constant 0 : index
    %get3A_26 = vector.load %arg7[%get3A_24, %get3A_25] : memref<768x768xf32, #tpu.memory_space<vmem>>, vector<768x768xf32>
    %dot_general3A_27 = arith.constant dense<0.000000e+00> : vector<64x768xf32>
    %dot_general3A_28 = tpu.matmul %add3A_23, %get3A_26, %dot_general3A_27 {dimension_numbers = #tpu.dot_dimension_numbers<[1], [0], [0], [1], [0, 0, 1, 1], [], []>, transpose_lhs_hint = false} : vector<64x768xf32>, vector<768x768xf32>, vector<64x768xf32> -> vector<64x768xf32>
    %get3A_29 = arith.constant 0 : index
    %get3A_30 = vector.load %arg8[%get3A_29] : memref<768xf32, #tpu.memory_space<vmem>>, vector<768xf32>
    %broadcast_in_dim3A_31 = vector.shape_cast %get3A_30 : vector<768xf32> to vector<1x768xf32>
    %add3A_32 = vector.broadcast %broadcast_in_dim3A_31 : vector<1x768xf32> to vector<64x768xf32>
    %add3A_33 = arith.addf %dot_general3A_28, %add3A_32 : vector<64x768xf32>
    %get3A_34 = arith.constant 0 : index
    %get3A_35 = arith.constant 0 : index
    %get3A_36 = arith.constant 0 : index
    %get3A_37 = vector.load %arg2[%get3A_34, %get3A_35, %get3A_36] : memref<1x32x768xf32, #tpu.memory_space<vmem>>, vector<1x32x768xf32>
    %get3A_38 = vector.shape_cast %get3A_37 : vector<1x32x768xf32> to vector<32x768xf32>
    %get3A_39 = arith.constant 0 : index
    %get3A_40 = arith.constant 0 : index
    %get3A_41 = vector.load %arg9[%get3A_39, %get3A_40] : memref<768x768xf32, #tpu.memory_space<vmem>>, vector<768x768xf32>
    %dot_general3A_42 = arith.constant dense<0.000000e+00> : vector<64x768xf32>
    %dot_general3A_43 = tpu.matmul %add3A_33, %get3A_41, %dot_general3A_42 {dimension_numbers = #tpu.dot_dimension_numbers<[1], [0], [0], [1], [0, 0, 1, 1], [], []>, transpose_lhs_hint = false} : vector<64x768xf32>, vector<768x768xf32>, vector<64x768xf32> -> vector<64x768xf32>
    %dot_general3A_44 = arith.constant dense<0.000000e+00> : vector<64x32xf32>
    %dot_general3A_45 = tpu.matmul %dot_general3A_43, %get3A_38, %dot_general3A_44 {dimension_numbers = #tpu.dot_dimension_numbers<[1], [1], [0], [0], [0, 0, 1, 0], [], []>, transpose_lhs_hint = false} : vector<64x768xf32>, vector<32x768xf32>, vector<64x32xf32> -> vector<64x32xf32>
    %div3A = arith.constant 7.680000e+02 : f32
    %div3A_46 = vector.broadcast %div3A : f32 to vector<64x32xf32>
    %div3A_47 = arith.divf %dot_general3A_45, %div3A_46 : vector<64x32xf32>
    %reduce_max3A = arith.constant dense<0xFF800000> : vector<32xf32>
    %reduce_max3A_48 = vector.multi_reduction <maximumf>, %div3A_47, %reduce_max3A [0] : vector<64x32xf32> to vector<32xf32>
    %broadcast_in_dim3A_49 = vector.shape_cast %reduce_max3A_48 : vector<32xf32> to vector<1x32xf32>
    %sub3A = vector.broadcast %broadcast_in_dim3A_49 : vector<1x32xf32> to vector<64x32xf32>
    %sub3A_50 = arith.subf %div3A_47, %sub3A : vector<64x32xf32>
    %exp3A = math.exp %sub3A_50 : vector<64x32xf32>
    %reduce_sum3A = arith.constant dense<0.000000e+00> : vector<32xf32>
    %reduce_sum3A_51 = vector.multi_reduction <add>, %exp3A, %reduce_sum3A [0] : vector<64x32xf32> to vector<32xf32>
    %broadcast_in_dim3A_52 = vector.shape_cast %reduce_sum3A_51 : vector<32xf32> to vector<1x32xf32>
    %div3A_53 = vector.broadcast %broadcast_in_dim3A_52 : vector<1x32xf32> to vector<64x32xf32>
    %div3A_54 = arith.divf %exp3A, %div3A_53 : vector<64x32xf32>
    %dot_general3A_55 = arith.constant dense<0.000000e+00> : vector<32x768xf32>
    %dot_general3A_56 = tpu.matmul %div3A_54, %add3A_33, %dot_general3A_55 {dimension_numbers = #tpu.dot_dimension_numbers<[0], [0], [1], [1], [0, 1, 1, 1], [], []>, transpose_lhs_hint = false} : vector<64x32xf32>, vector<64x768xf32>, vector<32x768xf32> -> vector<32x768xf32>
    %add3A_57 = arith.addf %dot_general3A_56, %get3A_38 : vector<32x768xf32>
    %get3A_58 = arith.constant 0 : index
    %get3A_59 = arith.constant 0 : index
    %get3A_60 = vector.load %arg10[%get3A_58, %get3A_59] : memref<768x384xf32, #tpu.memory_space<vmem>>, vector<768x384xf32>
    %dot_general3A_61 = arith.constant dense<0.000000e+00> : vector<32x384xf32>
    %dot_general3A_62 = tpu.matmul %add3A_57, %get3A_60, %dot_general3A_61 {dimension_numbers = #tpu.dot_dimension_numbers<[1], [0], [0], [1], [0, 0, 1, 1], [], []>, transpose_lhs_hint = false} : vector<32x768xf32>, vector<768x384xf32>, vector<32x384xf32> -> vector<32x384xf32>
    %get3A_63 = arith.constant 0 : index
    %get3A_64 = vector.load %arg11[%get3A_63] : memref<384xf32, #tpu.memory_space<vmem>>, vector<384xf32>
    %broadcast_in_dim3A_65 = vector.shape_cast %get3A_64 : vector<384xf32> to vector<1x384xf32>
    %add3A_66 = vector.broadcast %broadcast_in_dim3A_65 : vector<1x384xf32> to vector<32x384xf32>
    %add3A_67 = arith.addf %dot_general3A_62, %add3A_66 : vector<32x384xf32>
    %max3A_68 = arith.constant 0.000000e+00 : f32
    %max3A_69 = vector.broadcast %max3A_68 : f32 to vector<32x384xf32>
    %max3A_70 = arith.maximumf %add3A_67, %max3A_69 : vector<32x384xf32>
    %get3A_71 = arith.constant 0 : index
    %get3A_72 = arith.constant 0 : index
    %get3A_73 = vector.load %arg12[%get3A_71, %get3A_72] : memref<384x768xf32, #tpu.memory_space<vmem>>, vector<384x768xf32>
    %dot_general3A_74 = arith.constant dense<0.000000e+00> : vector<32x768xf32>
    %dot_general3A_75 = tpu.matmul %max3A_70, %get3A_73, %dot_general3A_74 {dimension_numbers = #tpu.dot_dimension_numbers<[1], [0], [0], [1], [0, 0, 1, 1], [], []>, transpose_lhs_hint = false} : vector<32x384xf32>, vector<384x768xf32>, vector<32x768xf32> -> vector<32x768xf32>
    %get3A_76 = arith.constant 0 : index
    %get3A_77 = vector.load %arg13[%get3A_76] : memref<768xf32, #tpu.memory_space<vmem>>, vector<768xf32>
    %broadcast_in_dim3A_78 = vector.shape_cast %get3A_77 : vector<768xf32> to vector<1x768xf32>
    %add3A_79 = vector.broadcast %broadcast_in_dim3A_78 : vector<1x768xf32> to vector<32x768xf32>
    %add3A_80 = arith.addf %dot_general3A_75, %add3A_79 : vector<32x768xf32>
    %add3A_81 = arith.addf %add3A_80, %add3A_57 : vector<32x768xf32>
    %swap3A = arith.constant 0 : index
    %swap3A_82 = arith.constant 0 : index
    %swap3A_83 = arith.constant 0 : index
    %swap3A_84 = vector.load %arg14[%swap3A, %swap3A_82, %swap3A_83] : memref<1x32x768xf32, #tpu.memory_space<vmem>>, vector<1x32x768xf32>
    %swap3A_85 = vector.shape_cast %swap3A_84 : vector<1x32x768xf32> to vector<32x768xf32>
    %swap3A_86 = vector.shape_cast %add3A_81 : vector<32x768xf32> to vector<1x32x768xf32>
    tpu.vector_store %arg14[%swap3A, %swap3A_82, %swap3A_83], %swap3A_86 {strides = array<i32>} : memref<1x32x768xf32, #tpu.memory_space<vmem>>, vector<1x32x768xf32>,
    return
  }
  func.func @transform_0(%arg0: i32) -> (i32, i32, i32) {
    %c0_i32 = arith.constant 0 : i32
    %c0_i32_0 = arith.constant 0 : i32
    %c0_i32_1 = arith.constant 0 : i32
    return %arg0, %c0_i32, %c0_i32_0 : i32, i32, i32
  }
  func.func @transform_1(%arg0: i32) -> (i32, i32, i32) {
    %c0_i32 = arith.constant 0 : i32
    %c0_i32_0 = arith.constant 0 : i32
    %c0_i32_1 = arith.constant 0 : i32
    return %arg0, %c0_i32, %c0_i32_0 : i32, i32, i32
  }
  func.func @transform_2(%arg0: i32) -> (i32, i32) {
    %c0_i32 = arith.constant 0 : i32
    %c0_i32_0 = arith.constant 0 : i32
    %c0_i32_1 = arith.constant 0 : i32
    return %c0_i32, %c0_i32_0 : i32, i32
  }
  func.func @transform_3(%arg0: i32) -> i32 {
    %c0_i32 = arith.constant 0 : i32
    %c0_i32_0 = arith.constant 0 : i32
    return %c0_i32 : i32
  }
  func.func @transform_4(%arg0: i32) -> (i32, i32) {
    %c0_i32 = arith.constant 0 : i32
    %c0_i32_0 = arith.constant 0 : i32
    %c0_i32_1 = arith.constant 0 : i32
    return %c0_i32, %c0_i32_0 : i32, i32
  }
  func.func @transform_5(%arg0: i32) -> i32 {
    %c0_i32 = arith.constant 0 : i32
    %c0_i32_0 = arith.constant 0 : i32
    return %c0_i32 : i32
  }
  func.func @transform_6(%arg0: i32) -> (i32, i32) {
    %c0_i32 = arith.constant 0 : i32
    %c0_i32_0 = arith.constant 0 : i32
    %c0_i32_1 = arith.constant 0 : i32
    return %c0_i32, %c0_i32_0 : i32, i32
  }
  func.func @transform_7(%arg0: i32) -> i32 {
    %c0_i32 = arith.constant 0 : i32
    %c0_i32_0 = arith.constant 0 : i32
    return %c0_i32 : i32
  }
  func.func @transform_8(%arg0: i32) -> (i32, i32) {
    %c0_i32 = arith.constant 0 : i32
    %c0_i32_0 = arith.constant 0 : i32
    %c0_i32_1 = arith.constant 0 : i32
    return %c0_i32, %c0_i32_0 : i32, i32
  }
  func.func @transform_9(%arg0: i32) -> (i32, i32) {
    %c0_i32 = arith.constant 0 : i32
    %c0_i32_0 = arith.constant 0 : i32
    %c0_i32_1 = arith.constant 0 : i32
    return %c0_i32, %c0_i32_0 : i32, i32
  }
  func.func @transform_10(%arg0: i32) -> i32 {
    %c0_i32 = arith.constant 0 : i32
    %c0_i32_0 = arith.constant 0 : i32
    return %c0_i32 : i32
  }
  func.func @transform_11(%arg0: i32) -> (i32, i32) {
    %c0_i32 = arith.constant 0 : i32
    %c0_i32_0 = arith.constant 0 : i32
    %c0_i32_1 = arith.constant 0 : i32
    return %c0_i32, %c0_i32_0 : i32, i32
  }
  func.func @transform_12(%arg0: i32) -> i32 {
    %c0_i32 = arith.constant 0 : i32
    %c0_i32_0 = arith.constant 0 : i32
    return %c0_i32 : i32
  }
  func.func @transform_13(%arg0: i32) -> (i32, i32, i32) {
    %c0_i32 = arith.constant 0 : i32
    %c0_i32_0 = arith.constant 0 : i32
    %c0_i32_1 = arith.constant 0 : i32
    return %arg0, %c0_i32, %c0_i32_0 : i32, i32, i32
  }
}

module attributes {stable_mosaic.version = 14 : i64} {
  func.func @body(%arg0: i32, %arg1: memref<512x768xf32, #tpu.memory_space<vmem>>, %arg2: memref<768x768xbf16, #tpu.memory_space<vmem>>, %arg3: memref<1x768xf32, #tpu.memory_space<vmem>>, %arg4: memref<1x1x16x12x32x64xf32, #tpu.memory_space<vmem>>) attributes {dimension_semantics = [#tpu.dimension_semantics<arbitrary>], iteration_bounds = array<i64: 24>, scalar_prefetch = 0 : i64, scratch_operands = 0 : i64, tpu.core_type = #tpu.core_type<tc>, window_params = [{pipeline_mode = #tpu.pipeline_mode<synchronous>, transform_indices = @transform_0, window_bounds = array<i64: 512, 768>}, {transform_indices = @transform_1, window_bounds = array<i64: 768, 768>}, {transform_indices = @transform_2, window_bounds = array<i64: 1, 768>}, {transform_indices = @transform_3, window_bounds = array<i64: 1, 1, 16, 12, 32, 64>}]} {
    %get3A = arith.constant 0 : index
    %get3A_0 = arith.constant 0 : index
    %get3A_1 = vector.load %arg1[%get3A, %get3A_0] : memref<512x768xf32, #tpu.memory_space<vmem>>, vector<512x768xf32>
    %convert_element_type3A = arith.truncf %get3A_1 : vector<512x768xf32> to vector<512x768xbf16>
    %get3A_2 = arith.constant 0 : index
    %get3A_3 = arith.constant 0 : index
    %get3A_4 = vector.load %arg2[%get3A_2, %get3A_3] : memref<768x768xbf16, #tpu.memory_space<vmem>>, vector<768x768xbf16>
    %dot_general3A = arith.constant dense<0.000000e+00> : vector<512x768xf32>
    %dot_general3A_5 = tpu.matmul %convert_element_type3A, %get3A_4, %dot_general3A {dimension_numbers = #tpu.dot_dimension_numbers<[1], [0], [0], [1], [0, 0, 1, 1], [], []>, transpose_lhs_hint = false} : vector<512x768xbf16>, vector<768x768xbf16>, vector<512x768xf32> -> vector<512x768xf32>
    %get3A_6 = arith.constant 0 : index
    %get3A_7 = arith.constant 0 : index
    %get3A_8 = vector.load %arg3[%get3A_6, %get3A_7] : memref<1x768xf32, #tpu.memory_space<vmem>>, vector<1x768xf32>
    %add3A = vector.broadcast %get3A_8 : vector<1x768xf32> to vector<512x768xf32>
    %add3A_9 = arith.addf %dot_general3A_5, %add3A : vector<512x768xf32>
    %reshape3A = vector.shape_cast %add3A_9 : vector<512x768xf32> to vector<16x32x12x64xf32>
    %transpose3A = tpu.transpose %reshape3A, [0, 2, 1, 3] : vector<16x32x12x64xf32> -> vector<16x12x32x64xf32>
    %swap3A = arith.constant 0 : index
    %swap3A_10 = arith.constant 0 : index
    %swap3A_11 = arith.constant 0 : index
    %swap3A_12 = arith.constant 0 : index
    %swap3A_13 = arith.constant 0 : index
    %swap3A_14 = arith.constant 0 : index
    %swap3A_15 = vector.load %arg4[%swap3A, %swap3A_10, %swap3A_11, %swap3A_12, %swap3A_13, %swap3A_14] : memref<1x1x16x12x32x64xf32, #tpu.memory_space<vmem>>, vector<1x1x16x12x32x64xf32>
    %swap3A_16 = vector.shape_cast %swap3A_15 : vector<1x1x16x12x32x64xf32> to vector<16x12x32x64xf32>
    %swap3A_17 = vector.shape_cast %transpose3A : vector<16x12x32x64xf32> to vector<1x1x16x12x32x64xf32>
    tpu.vector_store %arg4[%swap3A, %swap3A_10, %swap3A_11, %swap3A_12, %swap3A_13, %swap3A_14], %swap3A_17 {strides = array<i32>} : memref<1x1x16x12x32x64xf32, #tpu.memory_space<vmem>>, vector<1x1x16x12x32x64xf32>,
    return
  }
  func.func @transform_0(%arg0: i32) -> (i32, i32) {
    %c0_i32 = arith.constant 0 : i32
    %c0_i32_0 = arith.constant 0 : i32
    %c0_i32_1 = arith.constant 0 : i32
    return %c0_i32, %c0_i32_0 : i32, i32
  }
  func.func @transform_1(%arg0: i32) -> (i32, i32) {
    %c0_i32 = arith.constant 0 : i32
    %c0_i32_0 = arith.constant 0 : i32
    return %c0_i32, %arg0 : i32, i32
  }
  func.func @transform_2(%arg0: i32) -> (i32, i32) {
    %c0_i32 = arith.constant 0 : i32
    %c0_i32_0 = arith.constant 0 : i32
    return %c0_i32, %arg0 : i32, i32
  }
  func.func @transform_3(%arg0: i32) -> (i32, i32, i32, i32, i32, i32) {
    %jit3A = arith.constant 2 : i32
    %div3A = arith.divsi %arg0, %jit3A : i32
    %sign3A = arith.constant 0 : i32
    %sign3A_0 = arith.cmpi sgt, %arg0, %sign3A : i32
    %sign3A_1 = arith.extui %sign3A_0 : i1 to i32
    %sign3A_2 = arith.constant 0 : i32
    %sign3A_3 = arith.cmpi slt, %arg0, %sign3A_2 : i32
    %sign3A_4 = arith.extui %sign3A_3 : i1 to i32
    %sign3A_5 = arith.subi %sign3A_1, %sign3A_4 : i32
    %sign3A_6 = arith.constant 0 : i32
    %sign3A_7 = arith.cmpi sgt, %jit3A, %sign3A_6 : i32
    %sign3A_8 = arith.extui %sign3A_7 : i1 to i32
    %sign3A_9 = arith.constant 0 : i32
    %sign3A_10 = arith.cmpi slt, %jit3A, %sign3A_9 : i32
    %sign3A_11 = arith.extui %sign3A_10 : i1 to i32
    %sign3A_12 = arith.subi %sign3A_8, %sign3A_11 : i32
    %ne3A = arith.cmpi ne, %sign3A_5, %sign3A_12 : i32
    %rem3A = arith.remsi %arg0, %jit3A : i32
    %ne3A_13 = arith.constant 0 : i32
    %ne3A_14 = arith.cmpi ne, %rem3A, %ne3A_13 : i32
    %and3A = arith.andi %ne3A, %ne3A_14 : i1
    %sub3A = arith.constant 1 : i32
    %sub3A_15 = arith.subi %div3A, %sub3A : i32
    %select_n3A = arith.select %and3A, %sub3A_15, %div3A : i32
    %jit3A_16 = arith.constant 2 : i32
    %eq3A = arith.constant 0 : i32
    %eq3A_17 = arith.cmpi eq, %jit3A_16, %eq3A : i32
    %jit3A_18 = arith.constant 1 : i32
    %select_n3A_19 = arith.select %eq3A_17, %jit3A_18, %jit3A_16 : i32
    %rem3A_20 = arith.remsi %arg0, %select_n3A_19 : i32
    %ne3A_21 = arith.constant 0 : i32
    %ne3A_22 = arith.cmpi ne, %rem3A_20, %ne3A_21 : i32
    %lt3A = arith.constant 0 : i32
    %lt3A_23 = arith.cmpi slt, %rem3A_20, %lt3A : i32
    %lt3A_24 = arith.constant 0 : i32
    %lt3A_25 = arith.cmpi slt, %select_n3A_19, %lt3A_24 : i32
    %ne3A_26 = arith.xori %lt3A_23, %lt3A_25 : i1
    %and3A_27 = arith.andi %ne3A_26, %ne3A_22 : i1
    %add3A = arith.addi %rem3A_20, %select_n3A_19 : i32
    %select_n3A_28 = arith.select %and3A_27, %add3A, %rem3A_20 : i32
    %c0_i32 = arith.constant 0 : i32
    %c0_i32_29 = arith.constant 0 : i32
    %c0_i32_30 = arith.constant 0 : i32
    %c0_i32_31 = arith.constant 0 : i32
    %c0_i32_32 = arith.constant 0 : i32
    return %select_n3A, %select_n3A_28, %c0_i32, %c0_i32_29, %c0_i32_30, %c0_i32_31 : i32, i32, i32, i32, i32, i32
  }
}

</mosaic_0001>

<sc_bundles>
// kernel: kernel.12.cloned.1.call-start
scs
__scs_entry_jumppad:
0x0: {  	(pc) =	sbr.rel $0x88, $3  }
0x1: {  	(tag) =	ssettag $0x0;
	lr =	simm.s32 $0x1  }
0x2: {  	[smem:$0x3F85] =	sst lr;
	_ =	strace $0xD0000000  }
0x3: {  	_ = 	snop  }
0x4: {  	_ = 	snop  }
0x5: {  	_ = 	snop  }
0x6: {  	_ = 	snop  }
0x7: {  	_ = 	snop  }
__scs_overlays_trampoline_lowered:
0x8: {  	[smem:$0x3F94] =	sst s0  }
0x9: {  	[smem:$0x3F95] =	sst s1  }
0xa: {  	[smem:$0x3F96] =	sst s2  }
0xb: {  	[smem:$0x3F97] =	sst s3  }
0xc: {  	[smem:$0x3F98] =	sst s4  }
0xd: {  	[smem:$0x3F99] =	sst s5  }
0xe: {  	[smem:$0x3F9A] =	sst s6  }
0xf: {  	[smem:$0x3F9B] =	sst s7  }
0x10: {  	[smem:$0x3F9C] =	sst s8  }
0x11: {  	[smem:$0x3F9D] =	sst s9;
	s0 =	simm.s32 @!p0 $0x0  }
0x12: {  	s1 =	sld [smem:$0x3F83];
	s0 =	simm.s32 @p0 $0x1  }
0x13: {  	[smem:$0x3F9E] =	sst s0;
	s0 =	simm.s32 @!p1 $0x0  }
0x14: {  	s2 =	sld [smem:$0x3F82];
	s0 =	simm.s32 @p1 $0x1  }
0x15: {  	[smem:$0x3F9F] =	sst s0;
	s0 =	simm.s32 @!p2 $0x0  }
0x16: {  	s3 =	sld [smem:$0x3FDB];
	s0 =	simm.s32 @p2 $0x1  }
0x17: {  	s4 =	simm.s32 $0x1BF5;
	[smem:$0x3FA1] =	sst s0  }
0x18: {  	s0 =	sld [smem:$0x3F84];
	_ =	swait.ge [sflag:s4], $0x0  }
0x19: {  	s7 =	sld [smem:$0x3F85]  }
0x1a: {  	s8 =	sadd.s32 $0xFFFFE003, lr  }
0x1b: {  	s9 =	sadd.s32 $0xFFFFFEF7, lr;
	s5 =	simm.s32 $0xFFFFFFFF;
	p2 =	slt.u32 s8, $0xFFFFF086  }
0x1c: {  	p1 =	slt.u32 s9, $0xF7A;
	s5 =	simm.s32 @!p2 $0x0  }
0x1d: {  	s5 =	simm.s32 @p1 $0x1;
	p0 =	seq.s32 s7, s2  }
0x1e: {  	s7 =	smul.u32 @!p0 $0xF7A, s2;
	p2 =	seq.s32 @!p0 s5, $0x0  }
0x1f: {  	s9 =	smul.u32 $0xF7A, s1;
	s8 =	simm.s32 @!p0 $0x1BF5;
	p2 =	por !p2, p0  }
0x20: {  	[sflag:s8] =	ssyncset.s32 @!p0 $0xFFFFF086;
	s6 =	sadd.s32 @!p0 s3, s7;
	s7 =	simm.s32 @!p0 $0x108  }
0x21: {  	s3 =	sadd.s32 s3, s9;
	s6 =	sadd.s32 @!p0 $0x88, s6;
	s7 =	simm.s32 @p2 $0x1082  }
0x22: {  	[simem:s7], [sflag:s8] =	dma.local @!p0 [hbm:s6], $0xF7A  }
0x23: {  	s9 =	sor.u32 $0xD0000000, s2;
	s6 =	simm.s32 $0x108;
	_ =	swait.ge @!p0 [sflag:s8], $0x0  }
0x24: {  	s3 =	sadd.s32 $0x88, s3;
	s6 =	simm.s32 @!p1 $0x1082;
	[sflag:s4] =	ssyncset.s32 $0xFFFFF086  }
0x25: {  	[simem:s6], [sflag:s4] =	dma.local [hbm:s3], $0xF7A  }
0x26: {  	[smem:$0x3F85] =	sst s1;
	(tag) =	ssettag s2;
	_ =	strace s9  }
0x27: {  	s1 =	sld [smem:$0x3F95]  }
0x28: {  	s2 =	sld [smem:$0x3F96]  }
0x29: {  	s4 =	sld [smem:$0x3F98]  }
0x2a: {  	p0 =	seq.s32 s5, $0x0;
	s5 =	sld [smem:$0x3F99]  }
0x2b: {  	s6 =	sld [smem:$0x3F9A]  }
0x2c: {  	s7 =	sld [smem:$0x3F9B]  }
0x2d: {  	s3 =	simm.s32 $0x108;
	s8 =	sld [smem:$0x3F9C]  }
0x2e: {  	s3 =	simm.s32 @!p0 $0x1082;
	s9 =	sld [smem:$0x3F9D]  }
0x2f: {  	lr =	sadd.s32 s0, s3;
	s0 =	sld [smem:$0x3F94]  }
0x30: {  	s3 =	sld [smem:$0x3F97]  }
0x31: {  	[smem:$0x3FA0] =	sst s10  }
0x32: {  	s10 =	sld [smem:$0x3F9E];
	_ =	sdelay $0x3  }
0x33: {  	p0 =	seq.s32 s10, $0x1;
	s10 =	sld [smem:$0x3FA0];
	_ =	sdelay $0x3  }
0x34: {  	[smem:$0x3FA0] =	sst s10  }
0x35: {  	s10 =	sld [smem:$0x3F9F];
	_ =	sdelay $0x3  }
0x36: {  	p1 =	seq.s32 s10, $0x1;
	s10 =	sld [smem:$0x3FA0];
	_ =	sdelay $0x3  }
0x37: {  	[smem:$0x3FA0] =	sst s10  }
0x38: {  	s10 =	sld [smem:$0x3FA1]  }
0x39: {  	_ = 	snop;
	(pc) =	sbr.ind lr, $3  }
0x3a: {  	_ = 	snop  }
0x3b: {  	_ = 	snop  }
0x3c: {  	p2 =	seq.s32 s10, $0x1;
	s10 =	sld [smem:$0x3FA0]  }
0x3d: {  	_ =	shalt  }
0x3e: {  	_ =	shalt  }
0x3f: {  	_ =	shalt  }
0x40: {  	_ =	shalt  }
0x41: {  	_ =	shalt  }
0x42: {  	_ =	shalt  }
0x43: {  	_ =	shalt  }
0x44: {  	_ =	shalt  }
0x45: {  	_ =	shalt  }
0x46: {  	_ =	shalt  }
0x47: {  	_ =	shalt  }
0x48: {  	_ =	shalt  }
0x49: {  	_ =	shalt  }
0x4a: {  	_ =	shalt  }
0x4b: {  	_ =	shalt  }
0x4c: {  	_ =	shalt  }
0x4d: {  	_ =	shalt  }
0x4e: {  	_ =	shalt  }
0x4f: {  	_ =	shalt  }
0x50: {  	_ =	shalt  }
0x51: {  	_ =	shalt  }
0x52: {  	_ =	shalt  }
0x53: {  	_ =	shalt  }
0x54: {  	_ =	shalt  }
0x55: {  	_ =	shalt  }
0x56: {  	_ =	shalt  }
0x57: {  	_ =	shalt  }
0x58: {  	_ =	shalt  }
0x59: {  	_ =	shalt  }
0x5a: {  	_ =	shalt  }
0x5b: {  	_ =	shalt  }
0x5c: {  	_ =	shalt  }
0x5d: {  	_ =	shalt  }
0x5e: {  	_ =	shalt  }
0x5f: {  	_ =	shalt  }
0x60: {  	_ =	shalt  }
0x61: {  	_ =	shalt  }
0x62: {  	_ =	shalt  }
0x63: {  	_ =	shalt  }
0x64: {  	_ =	shalt  }
0x65: {  	_ =	shalt  }
0x66: {  	_ =	shalt  }
0x67: {  	_ =	shalt  }
0x68: {  	_ =	shalt  }
0x69: {  	_ =	shalt  }
0x6a: {  	_ =	shalt  }
0x6b: {  	_ =	shalt  }
0x6c: {  	_ =	shalt  }
0x6d: {  	_ =	shalt  }
0x6e: {  	_ =	shalt  }
0x6f: {  	_ =	shalt  }
0x70: {  	_ =	shalt  }
0x71: {  	_ =	shalt  }
0x72: {  	_ =	shalt  }
0x73: {  	_ =	shalt  }
0x74: {  	_ =	shalt  }
0x75: {  	_ =	shalt  }
0x76: {  	_ =	shalt  }
0x77: {  	_ =	shalt  }
0x78: {  	_ =	shalt  }
0x79: {  	_ =	shalt  }
0x7a: {  	_ =	shalt  }
0x7b: {  	_ =	shalt  }
0x7c: {  	_ =	shalt  }
0x7d: {  	_ =	shalt  }
0x7e: {  	_ =	shalt  }
0x7f: {  	_ =	shalt  }
0x80: {  	_ =	shalt  }
0x81: {  	_ =	shalt  }
0x82: {  	_ =	shalt  }
0x83: {  	_ =	shalt  }
0x84: {  	_ =	shalt  }
0x85: {  	_ =	shalt  }
0x86: {  	_ =	shalt  }
0x87: {  	_ =	shalt  }
.Lfunc_end0:
.L_simem_size_0:
called_computation.1_lowered:
.L_overlay_start_0:
0x88: {  	s2 =	sld [smem:$0x3FD9]  }
0x89: {  	s3 =	sld [smem:$0x3FFE];
	_ =	sdelay $0x1  }
0x8a: {  	s1 =	srdreg.scid  }
0x8b: {  	s0 =	sand.u32 $0x1, s1  }
0x8c: {  	s17 =	sshll.u32 s0, $0xA;
	s2 =	sadd.s32 s3, s2  }
0x8d: {  	s2 =	sadd.s32 s2, s17  }
0x8e: {  	[smem:$0x3FAC] =	sst s2  }
0x8f: {  	_ = 	snop  }
0x90: {  	s2 =	sld [smem:$0x3FC5]  }
0x91: {  	s18 =	sld [smem:$0x3FD0];
	(tm) =	ssettm $0x1  }
0x92: {  	s4 =	sld [smem:$0x3FFB];
	_ =	sdelay $0x3  }
0x93: {  	_ =	strace s4  }
0x94: {  	s4 =	sld [smem:$0x3FFC];
	_ =	sdelay $0x3  }
0x95: {  	_ =	strace s4  }
0x96: {  	s4 =	sld [smem:$0x3FFD];
	_ =	sdelay $0x3  }
0x97: {  	_ =	strace s4  }
0x98: {  	_ =	strace $0x8FFFFFFF  }
0x99: {  	s19 =	sld [smem:$0x3FDB];
	_ =	sdelay $0x1  }
0x9a: {  	s5 =	simm.s32 $_scs_section_size  }
0x9b: {  	s6 =	simm.s32 $_size__tile_overlayer_lowered;
	s7 =	simm.s32 $_tile_overlayer_lowered  }
0x9c: {  	s22 =	simm.s32 $0x1BFF;
	s21 =	sshll.u32 s7, $0x1;
	s4 =	sadd.s32 s5, s19  }
0x9d: {  	s8 =	simm.s32 $0x0;
	s20 =	sshll.u32 s6, $0x1;
	s6 =	sadd.s32 s21, s4  }
0x9e: {  	[timem:s8], [sflag:s22] =	dma.local [hbm:s6], s20  }
0x9f: {  	_ =	swait.ge [sflag:s22], s20  }
0xa0: {  	s5 =	ssub.s32 $0x0, s20;
	[sflag:s22] =	ssyncset.done $0x0  }
0xa1: {  	[sflag:s22] =	ssyncadd.s32 s5;
	_ =	sdelay $0x1  }
0xa2: {  	s23 =	simm.s32 $0x1B8B  }
0xa3: {  	_ =	swait.ge [sflag:s23], $0x1  }
0xa4: {  	[sflag:s23] =	ssyncset.done $0x0  }
0xa5: {  	s25 =	simm.s32 $0x1B8E;
	s24 =	sld [smem:$0x3FFE];
	[sflag:s23] =	ssyncadd.s32 $0xFFFFFFFF  }
0xa6: {  	s26 =	simm.s32 $execute0_lowered;
	[smem:$0x3FD2] =	sst s25  }
0xa7: {  	s6 =	sshll.u32 s26, $0x1;
	_ =	strace $0x80000049;
	[dreg:$0x1] =	wrdreg $0xFFFFFFFF  }
0xa8: {  	s28 =	simm.s32 $_size_execute0_lowered;
	s4 =	sadd.s32 s4, s6;
	[dreg:$0x0] =	wrdreg $0x0  }
0xa9: {  	s6 =	sshll.u32 s28, $0x1;
	[dreg:$0x2] =	wrdreg s4  }
0xaa: {  	[dreg:$0x3] =	wrdreg s6  }
0xab: {  	[dreg:$0x4] =	wrdreg $0xC0  }
0xac: {  	_ =	task [dreg:s8], $0x5FFFF  }
0xad: {  	[dreg:$0x1] =	wrdreg $0xFFFFFFFF  }
0xae: {  	[dreg:$0x0] =	wrdreg $0x60  }
0xaf: {  	[dreg:$0x2] =	wrdreg s24  }
0xb0: {  	[dreg:$0x3] =	wrdreg s2  }
0xb1: {  	[dreg:$0x4] =	wrdreg s18  }
0xb2: {  	[dreg:$0x5] =	wrdreg $0x9  }
0xb3: {  	_ =	task.clear_ibuf [dreg:s8], $0x6FFFF;
	_ =	strace $0x90000049  }
0xb4: {  	s29 =	simm.s32 $0x9;
	_ =	strace $0x8000004B  }
0xb5: {  	_ =	swait.ge [sflag:s29], $0x1  }
0xb6: {  	[sflag:s29] =	ssyncadd.s32 $0xFFFFFFFF  }
0xb7: {  	_ =	strace $0x9000004B  }
0xb8: {  	_ =	sfence  }
0xb9: {  	s30 =	sld [smem:$0x0];
	_ =	sdelay $0x2  }
0xba: {  	s31 =	sshll.u32 s1, $0xD;
	s1 =	sshrl.u32 s1, $0x2  }
0xbb: {  	s3 =	sand.u32 $0x4000, s31;
	s1 =	sadd.s32 s1, s30  }
0xbc: {  	s0 =	sor.u32 s3, s0;
	s1 =	sshll.u32 s1, $0x11  }
0xbd: {  	s0 =	sor.u32 s1, s0  }
0xbe: {  	s0 =	sadd.s32 $0x8F2B, s0  }
0xbf: {  	[sflag:s0] =	ssyncadd.remote.s32 $0x1  }
0xc0: {  	_ =	sfence.sel $0xFFFF  }
0xc1: {  	[dreg:$0x0] =	wrdreg $0xFFFFFFFF;
	(pc) =	sbr.abs _section_cstart, $3  }
0xc2: {  	[dreg:$0x1] =	wrdreg $0xFFFFFFFF  }
0xc3: {  	_ =	task.clear_ibuf [dreg:s8], $0x2FFFF;
	_ =	strace $0x9FFFFFFF  }
0xc4: {  	(tm) =	ssettm $0x7FFFFFFF  }
0xc5: {  	_ =	shalt  }
tec
execute0_lowered:
.L_overlay_start_1:
0x0: {  	(tag) =	ssettag $0x1  }
0x1: {  	s0 =	rddreg [dreg:$0x0]  }
0x2: {  	s2 =	rddreg [dreg:$0x1]  }
0x3: {  	s1 =	rddreg [dreg:$0x2];
	s3 =	srdreg.scid  }
0x4: {  	s4 =	stileid.u32;
	s8 =	simm.s32 $0x0;
	s12 =	simm.s32 $0x4  }
0x5: {  	s13 =	simm.s32 $0x80;
	s14 =	simm.s32 $0x400;
	s28 =	simm.s32 $0x18D00  }
0x6: {  	s29 =	simm.s32 $0x14400;
	s30 =	simm.s32 $0x14C00;
	s31 =	simm.s32 $0x15000  }
0x7: {  	s15 =	simm.s32 $0x16400;
	s10 =	simm.s32 $0x18800;
	s19 =	simm.s32 $0x12C00  }
0x8: {  	s3 =	sand.u32 $0x1, s3;
	s4 =	sshll.u32 s4, $0x1;
	[smem:$0x7FF] =	sst s8  }
0x9: {  	s11 =	sadd.s32 $0x5000, s0;
	s6 =	sadd.s32 $0xA000, s0;
	s20 =	sadd.s32 $0x4C00, s0  }
0xa: {  	s7 =	sadd.s32 $0xA200, s0;
	_ =	strace $0x8000004A;
	[dreg:$0x5] =	wrdreg s6  }
0xb: {  	s9 =	sadd.s32 $0x100, s2;
	s4 =	sor.u32 s3, s4;
	[dreg:$0x6] =	wrdreg s20  }
0xc: {  	[dreg:$0x7] =	wrdreg s7;
	s3 =	ssub.s32 $0x2, s3;
	s20 =	simm.s32 $0x1  }
0xd: {  	s6 =	simm.s32 $0x17C00;
	s7 =	simm.s32 $0x18000;
	s5 =	smul.u32 $0x18, s4  }
0xe: {  	[dreg:$0x4] =	wrdreg s11;
	s21 =	smul.u32 $0x300, s4;
	s22 =	sshrl.u32 s3, $0x1  }
0xf: {  	s23 =	smul.u32 $0x2400, s4;
	s4 =	sshll.u32 s4, $0x4;
	s3 =	ssub.s32 s3, s22  }
0x10: {  	[dreg:$0x8] =	wrdreg s4;
	v0 =	vmov s4;
	s4 =	simm.s32 $0x0;
	s5 =	sadd.s32 s5, s0  }
.Ltmp0:
0x11: {  	s0 =	sadd.s32 s21, s0;
	s24 =	sadd.s32 s1, s23;
	(pc) =	sbr.rel .LBB2_1-.Ltmp0, $4  }
0x12: {  	v1 =	vlaneseq.u32;
	s26 =	smax.u32 s3, $0x1;
	s1 =	simm.s32 $0x15C00;
	[dreg:$0xa] =	wrdreg s24  }
0x13: {  	v2 =	vimm.f32 $0.0e+00;
	vm0 =	vmmov $0xffff;
	vm1 =	vmmov $0xff;
	s21 =	simm.s32 $0x16800;
	s0 =	sadd.s32 $0xCC00, s0;
	[dreg:$0xc] =	wrdreg s26  }
0x14: {  	v6 =	vimm.s32 $0x0;
	v7 =	vimm.f32 $1.000000000e+00;
	v4 =	vshrl.u32 v1, $0x3;
	s25 =	sadd.s32 $0xC800, s5;
	s24 =	simm.s32 $0x17000;
	[dreg:$0x9] =	wrdreg s0  }
0x15: {  	v3 =	vand.u32 $0x7, v1;
	v5 =	vor.u32 $0x8, v1;
	v4 =	vmul.u32 $0x8, v4;
	s5 =	simm.s32 $0x17400;
	[dreg:$0xb] =	wrdreg s25;
	s0 =	simm.s32 $0x15800  }
.LBB2_56:
0x16: {  	s8 =	simm.s32 $0x0;
	s3 =	rddreg [dreg:$0xa];
	s12 =	simm.s32 $0x4  }
0x17: {  	[hbm4b:s3+s8] =	stream.linear.scatter [tilespmem:s8], [sflag:$0x4], $0x12000, $0x38;
	[tilespmem:$0x1EC00] =	vst v63  }
0x18: {  	_ =	swait.ge [sflag:s12], $0x12000  }
0x19: {  	[sflag:s12] =	ssyncset.done $0x0  }
0x1a: {  	s25 =	rddreg [dreg:$0xb];
	[sflag:s12] =	ssyncadd.s32 $0xFFFEE000  }
0x1b: {  	[hbm4b:s25+s8] =	stream.linear.scatter [tilespmem:s28], [sflag:$0x4], $0xC0, $0x38;
	[tilespmem:$0x1EC00] =	vst v63  }
0x1c: {  	_ =	swait.ge [sflag:s12], $0xC0  }
0x1d: {  	s4 =	rddreg [dreg:$0xd]  }
0x1e: {  	s26 =	rddreg [dreg:$0xc];
	s4 =	sadd.s32 $0x1, s4  }
0x1f: {  	p0 =	sne.s32 s4, s26  }
.Ltmp1:
0x20: {  	_ = 	snop;
	(pc) =	sbr.rel @!p0 .LBB2_57-.Ltmp1, $3  }
0x21: {  	_ =	sdelay $0x1  }
0x22: {  	s13 =	simm.s32 $0x80;
	[sflag:s12] =	ssyncset.done $0x0  }
0x23: {  	s14 =	simm.s32 $0x400;
	s11 =	rddreg [dreg:$0x4];
	[sflag:s12] =	ssyncadd.s32 $0xFFFFFF40  }
.LBB2_1:
0x24: {  	[dreg:$0xd] =	wrdreg s4  }
0x25: {  	s3 =	rddreg [dreg:$0x7]  }
0x26: {  	[tilespmem:s8], [sflag:$0x4] =	stream.linear.gather [hbm4b:s3+s8], $0x12C00, $0x38;
	[tilespmem:$0x1EC00] =	vst v63  }
0x27: {  	_ =	swait.ge [sflag:s12], $0x12C00  }
0x28: {  	[sflag:s12] =	ssyncset.done $0x0  }
0x29: {  	[sflag:s12] =	ssyncadd.s32 $0xFFFED400  }
0x2a: {  	[tilespmem:$0x18D00] =	vst v2  }
0x2b: {  	[tilespmem:$0x18D10] =	vst v2  }
0x2c: {  	[tilespmem:$0x18D20] =	vst v2  }
0x2d: {  	[tilespmem:$0x18D30] =	vst v2  }
0x2e: {  	[tilespmem:$0x18D40] =	vst v2  }
0x2f: {  	[tilespmem:$0x18D50] =	vst v2  }
0x30: {  	[tilespmem:$0x18D60] =	vst v2  }
0x31: {  	[tilespmem:$0x18D70] =	vst v2  }
0x32: {  	[tilespmem:$0x18D80] =	vst v2  }
0x33: {  	[tilespmem:$0x18D90] =	vst v2  }
0x34: {  	[tilespmem:$0x18DA0] =	vst v2  }
0x35: {  	[tilespmem:$0x18DB0] =	vst v2  }
0x36: {  	s23 =	simm.s32 $0x18E00;
	s22 =	rddreg [dreg:$0x6];
	[tilespmem:$0x18DC0] =	vst v2  }
0x37: {  	[tilespmem:s23], [sflag:$0x4] =	stream.linear.gather [hbm4b:s22+s8], $0x200, $0x38;
	[tilespmem:$0x1EC00] =	vst v63  }
0x38: {  	_ =	swait.ge [sflag:s12], $0x200  }
0x39: {  	[sflag:s12] =	ssyncset.done $0x0  }
0x3a: {  	s25 =	rddreg [dreg:$0x8];
	[sflag:s12] =	ssyncadd.s32 $0xFFFFFE00  }
0x3b: {  	v8 =	vld [tilespmem:s25+$0x18E00];
	_ =	sdelay $0x4  }
0x3c: {  	v9 =	vshrl.u32 v8, $0x3  }
0x3d: {  	v9 =	vmul.u32 $0x18, v9  }
0x3e: {  	v8 =	vand.u32 $0x7, v8  }
0x3f: {  	v8 =	vor.u32 v8, v9  }
0x40: {  	v9 =	vperm.xlane v8, v3;
	_ =	sdelay $0x1  }
0x41: {  	v9 =	vadd.s32 v4, v9;
	_ =	sdelay $0x1  }
0x42: {  	v8 =	vperm.xlane v8, v5;
	_ =	sdelay $0x1  }
0x43: {  	s26 =	simm.s32 $0x12C00;
	v8 =	vadd.s32 v4, v8  }
0x44: {  	[tilespmem:s26], [sflag:$0x1] =	stream.indirect_vreg.gather [hbm4b:s2+s8], $0x80, v9, vm0, $0xb8;
	[tilespmem:$0x1EC00] =	vst v63  }
0x45: {  	s16 =	simm.s32 $0x13400  }
0x46: {  	[tilespmem:s16], [sflag:$0x1] =	stream.indirect_vreg.gather [hbm4b:s9+s8], $0x80, v9, vm1, $0xb8;
	[tilespmem:$0x1EC00] =	vst v63  }
0x47: {  	s17 =	simm.s32 $0x13800  }
0x48: {  	[tilespmem:s17], [sflag:$0x1] =	stream.indirect_vreg.gather [hbm4b:s2+s8], $0x80, v8, vm0, $0xb8;
	[tilespmem:$0x1EC00] =	vst v63  }
0x49: {  	s18 =	simm.s32 $0x14000  }
0x4a: {  	[tilespmem:s18], [sflag:$0x1] =	stream.indirect_vreg.gather [hbm4b:s9+s8], $0x80, v8, vm1, $0xb8;
	[tilespmem:$0x1EC00] =	vst v63  }
0x4b: {  	_ =	swait.ge [sflag:s20], $0x1800  }
0x4c: {  	[sflag:s20] =	ssyncset.done $0x0  }
0x4d: {  	s22 =	rddreg [dreg:$0x9];
	[sflag:s20] =	ssyncadd.s32 $0xFFFFE800  }
0x4e: {  	[hbm4b:s22+s8] =	stream.linear.scatter [tilespmem:s26], [sflag:$0x4], $0x1800, $0x38;
	[tilespmem:$0x1EC00] =	vst v63  }
0x4f: {  	_ =	swait.ge [sflag:s12], $0x1800  }
0x50: {  	[sflag:s12] =	ssyncset.done $0x0  }
0x51: {  	s25 =	simm.s32 $0x1A800;
	s23 =	rddreg [dreg:$0x5];
	[sflag:s12] =	ssyncadd.s32 $0xFFFFE800  }
0x52: {  	[tilespmem:s25], [sflag:$0x4] =	stream.linear.gather [hbm4b:s23+s8], $0x1000, $0x38;
	[tilespmem:$0x1EC00] =	vst v63  }
.Ltmp2:
0x53: {  	_ = 	snop;
	(pc) =	sbr.rel .LBB2_2-.Ltmp2, $4  }
0x54: {  	_ =	swait.ge [sflag:s12], $0x1000  }
0x55: {  	s18 =	simm.s32 $0x0;
	[sflag:s12] =	ssyncset.done $0x0  }
0x56: {  	s26 =	simm.s32 $0x1A400;
	s8 =	simm.s32 $0x0;
	[sflag:s12] =	ssyncadd.s32 $0xFFFFF000  }
0x57: {  	[tilespmem:s26], [sflag:$0x2] =	stream.strided.gather [hbm4b:s11+s13], $0x200, s14, s13, $0x38;
	[tilespmem:$0x1EC00] =	vst v63  }
.LBB2_48:
0x58: {  	s18 =	rddreg [dreg:$0xe]  }
0x59: {  	s18 =	sadd.s32 $0x1, s18  }
0x5a: {  	p1 =	sne.s32 s18, $0x10  }
.Ltmp3:
0x5b: {  	_ = 	snop;
	(pc) =	sbr.rel @!p1 .LBB2_49-.Ltmp3, $3  }
0x5c: {  	_ =	sdelay $0x1  }
0x5d: {  	p0 =	sgt.s32 s8, $0x1FFF  }
0x5e: {  	s8 =	simm.s32 @p0 $0x0  }
.LBB2_2:
0x5f: {  	s4 =	sshllo.u32 s18, $0x1;
	s3 =	sshrl.u32 s18, $0x2  }
0x60: {  	s3 =	smul.u32 $0xA000, s3;
	s22 =	sshll.u32 s4, $0x7  }
0x61: {  	s4 =	sand.u32 $0x380, s22  }
0x62: {  	s14 =	rddreg [dreg:$0x4];
	s4 =	sor.u32 s3, s4  }
0x63: {  	s16 =	simm.s32 $0x80;
	s17 =	simm.s32 $0x400;
	s4 =	sshrl.u32 s4, $0x3  }
0x64: {  	s13 =	simm.s32 $0x1A600;
	s23 =	simm.s32 $0x2;
	s25 =	sadd.s32 s14, s4  }
0x65: {  	[tilespmem:s13], [sflag:$0x3] =	stream.strided.gather [hbm4b:s25+s16], $0x200, s17, s16, $0x38;
	[tilespmem:$0x1EC00] =	vst v63  }
0x66: {  	_ =	swait.ge [sflag:s23], $0x200  }
0x67: {  	s12 =	sshll.u32 s18, $0x8;
	[sflag:s23] =	ssyncset.done $0x0  }
0x68: {  	s26 =	sand.u32 $0x3FFFFF00, s12;
	[sflag:s23] =	ssyncadd.s32 $0xFFFFFE00  }
0x69: {  	v8 =	vld [tilespmem:s26+$0x1A800];
	_ =	sdelay $0x4  }
0x6a: {  	(v2sf) =	vpush v8, $0x0;
	_ =	sdelay $0xe  }
0x6b: {  	s13 =	spop (v2sf)  }
0x6c: {  	p0 =	sgt.s32 s13, $0x200  }
.Ltmp4:
0x6d: {  	_ = 	snop;
	(pc) =	sbr.rel @p0 .LBB2_10-.Ltmp4, $3  }
0x6e: {  	_ =	sdelay $0x1  }
0x6f: {  	s4 =	sadd.s32 $0xF, s13  }
0x70: {  	[dreg:$0xe] =	wrdreg s18;
	s11 =	sshra.s32 s4, $0x1F  }
0x71: {  	s3 =	sand.u32 $0xF, s4  }
0x72: {  	p0 =	slt.s32 s13, $0xFFFFFFF2;
	p1 =	sne.s32 s3, $0x0  }
0x73: {  	s26 =	sshrl.u32 s11, $0x1C;
	p0 =	por !p0, !p1  }
0x74: {  	s3 =	sadd.s32 s26, s4;
	s4 =	simm.s32 $0x1;
	p0 =	por !p0, !p0  }
0x75: {  	s3 =	sshra.s32 s3, $0x4;
	s4 =	simm.s32 @!p0 $0x0  }
0x76: {  	s4 =	ssub.s32 s3, s4  }
0x77: {  	p0 =	slt.s32 s4, $0x1  }
.Ltmp5:
0x78: {  	_ = 	snop;
	(pc) =	sbr.rel @p0 .LBB2_26-.Ltmp5, $1  }
0x79: {  	_ =	sdelay $0x3  }
0x7a: {  	s3 =	simm.s32 $0x1A400  }
0x7b: {  	v9 =	vld [tilespmem:s3+$0x0];
	_ =	sdelay $0x4  }
0x7c: {  	v10 =	vshrl.u32 v9, $0x4  }
0x7d: {  	v10 =	vand.u32 $0x1FF, v10  }
0x7e: {  	v8 =	vbroadcast v8, $0x0;
	s26 =	simm.s32 $0x0;
	p1 =	seq.s32 s4, $0x1;
	v10 =	vsub.s32 v10, v0  }
.Ltmp6:
0x7f: {  	v11 =	vor.u32 s26, v1;
	v12 =	vmul.u32 $0xC, v10;
	(pc) =	sbr.rel @p1 .LBB2_5-.Ltmp6, $4  }
0x80: {  	vm2 =	vlt.s32 v11, v8;
	vm3 =	vlt.u32 v10, $0x10;
	v10 =	vand.u32 $0xF, v9  }
0x81: {  	v9 =	vshrl.u32 v9, $0x5;
	vm2 =	vmand vm2, vm3;
	v10 =	vadd.s32 v10, v12  }
0x82: {  	v9 =	vand.u32 $0x7FFFF00, v9;
	v11 =	vsel vm2, $0x1, v6;
	v10 =	vnsel vm2, $0x0, v10  }
0x83: {  	[dreg:$0x10] =	wrdreg s22;
	s4 =	sadd.s32 $0xFFFFFFFF, s4;
	p0 =	por $0x0, $0x0;
	(xrf0) =	vadd.scan.msk.s32 $0xffff, v11;
	v9 =	vor.u32 v9, v10  }
0x84: {  	_ =	sdelay $0x4  }
0x85: {  	[tilespmem:s8+$0x1B800] =	vst.msk vm2, v9;
	s12 =	simm.s32 $0x1A410;
	v10, _, _ =	vpop (xrf0)  }
0x86: {  	v9 =	vld [tilespmem:s12+$0x0];
	(v2sf) =	vpush v10, $0xF;
	_ =	sdelay $0x4  }
0x87: {  	v10 =	vshrl.u32 v9, $0x4  }
0x88: {  	s22 =	simm.s32 $0x10;
	v10 =	vand.u32 $0x1FF, v10  }
0x89: {  	v11 =	vor.u32 s22, v1;
	v10 =	vsub.s32 v10, v0  }
0x8a: {  	vm2 =	vlt.s32 v11, v8;
	vm3 =	vlt.u32 v10, $0x10  }
0x8b: {  	vm2 =	vmand vm2, vm3  }
0x8c: {  	p1 =	seq.s32 s4, $0x1;
	v11 =	vsel vm2, $0x1, v6  }
.Ltmp7:
0x8d: {  	v12 =	vmul.u32 $0xC, v10;
	(xrf0) =	vadd.scan.msk.s32 $0xffff, v11;
	(pc) =	sbr.rel @p1 .LBB2_7-.Ltmp7, $4  }
0x8e: {  	v10 =	vand.u32 $0xF, v9  }
0x8f: {  	v9 =	vshrl.u32 v9, $0x5;
	v10 =	vadd.s32 v10, v12  }
0x90: {  	s26 =	sadd.s32 $0xFFFFFFFF, s4;
	v9 =	vand.u32 $0x7FFFF00, v9;
	v10 =	vnsel vm2, $0x0, v10  }
0x91: {  	p0 =	por $0x1, $0x1;
	s23 =	smov.u32 s8;
	v9 =	vor.u32 v9, v10;
	s3 =	spop (v2sf)  }
.LBB2_8:
0x92: {  	p1 =	seq.s32 s26, $0x1;
	s26 =	sadd.s32 $0xFFFFFFFF, s26;
	s23 =	sadd.s32 s23, s3  }
0x93: {  	s12 =	sadd.s32 $0x10, s12;
	[tilespmem:s23+$0x1B800] =	vst.msk vm2, v9;
	v9, _, _ =	vpop (xrf0)  }
0x94: {  	v10 =	vld [tilespmem:s12+$0x0];
	(v2sf) =	vpush v9, $0xF;
	_ =	sdelay $0x4  }
0x95: {  	v9 =	vshrl.u32 v10, $0x4;
	v11 =	vshrl.u32 v10, $0x5  }
0x96: {  	s22 =	sadd.s32 $0x10, s22;
	v9 =	vand.u32 $0x1FF, v9  }
0x97: {  	v12 =	vor.u32 s22, v1;
	v9 =	vsub.s32 v9, v0  }
0x98: {  	vm2 =	vlt.s32 v12, v8;
	vm3 =	vlt.u32 v9, $0x10;
	v9 =	vmul.u32 $0xC, v9  }
0x99: {  	v10 =	vand.u32 $0xF, v10;
	vm2 =	vmand vm2, vm3  }
0x9a: {  	v9 =	vadd.s32 v10, v9;
	v10 =	vsel vm2, $0x1, v6  }
.Ltmp8:
0x9b: {  	v11 =	vand.u32 $0x7FFFF00, v11;
	v9 =	vnsel vm2, $0x0, v9;
	(xrf0) =	vadd.scan.msk.s32 $0xffff, v10;
	(pc) =	sbr.rel @!p1 .LBB2_8-.Ltmp8, $2  }
0x9c: {  	v9 =	vor.u32 v11, v9;
	_ =	sdelay $0x2  }
0x9d: {  	s3 =	spop (v2sf)  }
.LBB2_9:
0x9e: {  	_ = 	snop  }
0x9f: {  	v8, _, _ =	vpop (xrf0)  }
0xa0: {  	(v2sf) =	vpush v8, $0xF;
	_ =	sdelay $0xb  }
.Ltmp9:
0xa1: {  	_ = 	snop;
	(pc) =	sbr.rel .LBB2_17-.Ltmp9, $4  }
0xa2: {  	_ = 	snop  }
0xa3: {  	s3 =	sadd.s32 @p0 s23, s3  }
0xa4: {  	s8 =	smov.u32 @p0 s3;
	s26 =	spop (v2sf)  }
0xa5: {  	[tilespmem:s8+$0x1B800] =	vst.msk vm2, v9;
	s8 =	sadd.s32 s8, s26  }
.LBB2_10:
0xa6: {  	s12 =	sand.u32 $0x300, s12  }
0xa7: {  	s26 =	simm.s32 $0x19000;
	s13 =	sand.u32 $0xF, s4;
	s3 =	sor.u32 s12, s3  }
0xa8: {  	p0 =	slt.s32 s4, $0x0;
	p1 =	sne.s32 s13, $0x0;
	s3 =	sshrl.u32 s3, $0x3  }
0xa9: {  	s23 =	sshrl.u32 s11, $0x1C;
	p0 =	por !p0, !p1;
	s3 =	sadd.s32 s14, s3  }
0xaa: {  	[tilespmem:s26], [sflag:$0x4] =	stream.strided.gather [hbm4b:s3+s16], $0x1400, s17, s16, $0x38;
	[tilespmem:$0x1EC00] =	vst v63  }
0xab: {  	p0 =	por !p0, !p0;
	s3 =	sadd.s32 s23, s4;
	s4 =	simm.s32 $0x1  }
0xac: {  	s3 =	sshra.s32 s3, $0x4;
	s4 =	simm.s32 @!p0 $0x0  }
0xad: {  	s4 =	ssub.s32 s3, s4  }
0xae: {  	p0 =	slt.s32 s4, $0x1  }
.Ltmp10:
0xaf: {  	_ = 	snop;
	(pc) =	sbr.rel @p0 .LBB2_26-.Ltmp10, $4  }
0xb0: {  	s26 =	simm.s32 $0x4  }
0xb1: {  	_ =	swait.ge [sflag:s26], $0x1400  }
0xb2: {  	[sflag:s26] =	ssyncset.done $0x0  }
0xb3: {  	[sflag:s26] =	ssyncadd.s32 $0xFFFFEC00  }
0xb4: {  	s3 =	simm.s32 $0x19000  }
0xb5: {  	v9 =	vld [tilespmem:s3+$0x0];
	_ =	sdelay $0x4  }
0xb6: {  	v10 =	vshrl.u32 v9, $0x4  }
0xb7: {  	v10 =	vand.u32 $0x1FF, v10  }
0xb8: {  	v8 =	vbroadcast v8, $0x0;
	s26 =	simm.s32 $0x0;
	p1 =	sne.s32 s4, $0x1;
	v10 =	vsub.s32 v10, v0  }
.Ltmp11:
0xb9: {  	v11 =	vor.u32 s26, v1;
	v12 =	vmul.u32 $0xC, v10;
	(pc) =	sbr.rel @!p1 .LBB2_12-.Ltmp11, $4  }
0xba: {  	vm2 =	vlt.s32 v11, v8;
	vm3 =	vlt.u32 v10, $0x10;
	v10 =	vand.u32 $0xF, v9  }
0xbb: {  	v9 =	vshrl.u32 v9, $0x5;
	vm2 =	vmand vm2, vm3;
	v10 =	vadd.s32 v10, v12  }
0xbc: {  	v9 =	vand.u32 $0x7FFFF00, v9;
	v11 =	vsel vm2, $0x1, v6;
	v10 =	vnsel vm2, $0x0, v10  }
0xbd: {  	[dreg:$0x10] =	wrdreg s22;
	s4 =	sadd.s32 $0xFFFFFFFF, s4;
	p0 =	por $0x0, $0x0;
	(xrf0) =	vadd.scan.msk.s32 $0xffff, v11;
	v9 =	vor.u32 v9, v10  }
0xbe: {  	_ =	sdelay $0x4  }
0xbf: {  	[tilespmem:s8+$0x1B800] =	vst.msk vm2, v9;
	s12 =	simm.s32 $0x19010;
	v10, _, _ =	vpop (xrf0)  }
0xc0: {  	v9 =	vld [tilespmem:s12+$0x0];
	(v2sf) =	vpush v10, $0xF;
	_ =	sdelay $0x4  }
0xc1: {  	v10 =	vshrl.u32 v9, $0x4  }
0xc2: {  	s22 =	simm.s32 $0x10;
	v10 =	vand.u32 $0x1FF, v10  }
0xc3: {  	v11 =	vor.u32 s22, v1;
	v10 =	vsub.s32 v10, v0  }
0xc4: {  	vm2 =	vlt.s32 v11, v8;
	vm3 =	vlt.u32 v10, $0x10  }
0xc5: {  	vm2 =	vmand vm2, vm3  }
0xc6: {  	p1 =	sne.s32 s4, $0x1;
	v11 =	vsel vm2, $0x1, v6  }
.Ltmp12:
0xc7: {  	v12 =	vmul.u32 $0xC, v10;
	(xrf0) =	vadd.scan.msk.s32 $0xffff, v11;
	(pc) =	sbr.rel @!p1 .LBB2_14-.Ltmp12, $4  }
0xc8: {  	v10 =	vand.u32 $0xF, v9  }
0xc9: {  	v9 =	vshrl.u32 v9, $0x5;
	v10 =	vadd.s32 v10, v12  }
0xca: {  	s26 =	sadd.s32 $0xFFFFFFFF, s4;
	v9 =	vand.u32 $0x7FFFF00, v9;
	v10 =	vnsel vm2, $0x0, v10  }
0xcb: {  	p0 =	por $0x1, $0x1;
	s23 =	smov.u32 s8;
	v9 =	vor.u32 v9, v10;
	s3 =	spop (v2sf)  }
.LBB2_15:
0xcc: {  	p1 =	sne.s32 s26, $0x1;
	s26 =	sadd.s32 $0xFFFFFFFF, s26;
	s23 =	sadd.s32 s23, s3  }
0xcd: {  	s12 =	sadd.s32 $0x10, s12;
	[tilespmem:s23+$0x1B800] =	vst.msk vm2, v9;
	v9, _, _ =	vpop (xrf0)  }
0xce: {  	v10 =	vld [tilespmem:s12+$0x0];
	(v2sf) =	vpush v9, $0xF;
	_ =	sdelay $0x4  }
0xcf: {  	v9 =	vshrl.u32 v10, $0x4;
	v11 =	vshrl.u32 v10, $0x5  }
0xd0: {  	s22 =	sadd.s32 $0x10, s22;
	v9 =	vand.u32 $0x1FF, v9  }
0xd1: {  	v12 =	vor.u32 s22, v1;
	v9 =	vsub.s32 v9, v0  }
0xd2: {  	vm2 =	vlt.s32 v12, v8;
	vm3 =	vlt.u32 v9, $0x10;
	v9 =	vmul.u32 $0xC, v9  }
0xd3: {  	v10 =	vand.u32 $0xF, v10;
	vm2 =	vmand vm2, vm3  }
0xd4: {  	v9 =	vadd.s32 v10, v9;
	v10 =	vsel vm2, $0x1, v6  }
.Ltmp13:
0xd5: {  	v11 =	vand.u32 $0x7FFFF00, v11;
	v9 =	vnsel vm2, $0x0, v9;
	(xrf0) =	vadd.scan.msk.s32 $0xffff, v10;
	(pc) =	sbr.rel @p1 .LBB2_15-.Ltmp13, $2  }
0xd6: {  	v9 =	vor.u32 v11, v9;
	_ =	sdelay $0x2  }
0xd7: {  	s3 =	spop (v2sf)  }
.LBB2_16:
0xd8: {  	_ = 	snop  }
0xd9: {  	v8, _, _ =	vpop (xrf0)  }
0xda: {  	(v2sf) =	vpush v8, $0xF;
	_ =	sdelay $0xd  }
0xdb: {  	s3 =	sadd.s32 @p0 s23, s3  }
0xdc: {  	s8 =	smov.u32 @p0 s3;
	s26 =	spop (v2sf)  }
0xdd: {  	[tilespmem:s8+$0x1B800] =	vst.msk vm2, v9;
	s8 =	sadd.s32 s8, s26  }
.LBB2_17:
0xde: {  	p0 =	slt.s32 s8, $0x2000  }
0xdf: {  	s3 =	sadd.s32 @!p0 $0x3F, s8  }
0xe0: {  	s4 =	sand.u32 @!p0 $0x3F, s3  }
0xe1: {  	p1 =	slt.s32 @!p0 s3, $0x0;
	p2 =	sne.s32 @!p0 s4, $0x0  }
0xe2: {  	s4 =	sshra.s32 @!p0 s3, $0x1F;
	p1 =	por @!p0 !p1, !p2  }
0xe3: {  	s4 =	sshrl.u32 @!p0 s4, $0x1A;
	p1 =	por @!p0 !p1, !p1  }
0xe4: {  	s3 =	sadd.s32 @!p0 s4, s3;
	s4 =	simm.s32 @!p0 $0x1;
	p1 =	por !p1, p0  }
0xe5: {  	s3 =	sshra.s32 @!p0 s3, $0x6;
	s4 =	simm.s32 @p1 $0x0  }
0xe6: {  	s12 =	ssub.s32 @!p0 s3, s4  }
0xe7: {  	p1 =	slt.s32 @!p0 s12, $0x1  }
0xe8: {  	p1 =	por p0, p1  }
.Ltmp14:
0xe9: {  	_ = 	snop;
	(pc) =	sbr.rel @p1 .LBB2_18-.Ltmp14, $1  }
0xea: {  	_ =	sdelay $0x3  }
0xeb: {  	[dreg:$0xf] =	wrdreg s25;
	p0 =	sgt.s32 s8, $0x1FFF  }
0xec: {  	v8 =	vmov s8;
	s22 =	simm.s32 $0x0;
	s23 =	simm.s32 $0x0;
	s8 =	simm.s32 @p0 $0x0  }
.LBB2_20:
0xed: {  	s3 =	sshll.u32 s23, $0x6  }
0xee: {  	v9 =	vld [tilespmem:s3+$0x1B800];
	_ =	sdelay $0x3  }
0xef: {  	v10 =	vor.u32 s3, v1  }
0xf0: {  	vm2 =	vlt.s32 v10, v8;
	v10 =	vand.u32 $0xFF, v9  }
0xf1: {  	v10 =	vnsel vm2, $0xC0, v10  }
0xf2: {  	v9 =	vshrl.u32 v9, $0x8  }
0xf3: {  	v9 =	vnsel vm2, $0x0, v9  }
0xf4: {  	[tilespmem:$0x18C00] =	vst v9  }
0xf5: {  	[tilespmem:$0x18C80] =	vst v10  }
0xf6: {  	[tilespmem:v10+s28+$0x0] =	vst.idx.add.f32.msk vm2, v7  }
0xf7: {  	v9 =	vld [tilespmem:s3+$0x1B810];
	_ =	sdelay $0x2  }
0xf8: {  	s4 =	sor.u32 $0x10, s3  }
0xf9: {  	v10 =	vor.u32 s4, v1  }
0xfa: {  	vm2 =	vlt.s32 v10, v8;
	v10 =	vand.u32 $0xFF, v9  }
0xfb: {  	v10 =	vnsel vm2, $0xC0, v10  }
0xfc: {  	v9 =	vshrl.u32 v9, $0x8  }
0xfd: {  	v9 =	vnsel vm2, $0x0, v9  }
0xfe: {  	[tilespmem:$0x18C10] =	vst v9  }
0xff: {  	[tilespmem:$0x18C90] =	vst v10  }
0x100: {  	[tilespmem:v10+s28+$0x0] =	vst.idx.add.f32.msk vm2, v7  }
0x101: {  	v9 =	vld [tilespmem:s3+$0x1B820];
	_ =	sdelay $0x2  }
0x102: {  	s17 =	sor.u32 $0x20, s3  }
0x103: {  	v10 =	vor.u32 s17, v1  }
0x104: {  	vm2 =	vlt.s32 v10, v8;
	v10 =	vand.u32 $0xFF, v9  }
0x105: {  	v10 =	vnsel vm2, $0xC0, v10  }
0x106: {  	v9 =	vshrl.u32 v9, $0x8  }
0x107: {  	v9 =	vnsel vm2, $0x0, v9  }
0x108: {  	[tilespmem:$0x18C20] =	vst v9  }
0x109: {  	[tilespmem:$0x18CA0] =	vst v10  }
0x10a: {  	[tilespmem:v10+s28+$0x0] =	vst.idx.add.f32.msk vm2, v7  }
0x10b: {  	v9 =	vld [tilespmem:s3+$0x1B830];
	_ =	sdelay $0x2  }
0x10c: {  	s3 =	sor.u32 $0x30, s3  }
0x10d: {  	v10 =	vor.u32 s3, v1  }
0x10e: {  	vm2 =	vlt.s32 v10, v8;
	v10 =	vand.u32 $0xFF, v9  }
0x10f: {  	v10 =	vnsel vm2, $0xC0, v10  }
0x110: {  	v9 =	vshrl.u32 v9, $0x8  }
0x111: {  	v9 =	vnsel vm2, $0x0, v9  }
0x112: {  	[tilespmem:$0x18C30] =	vst v9  }
0x113: {  	[tilespmem:$0x18CB0] =	vst v10  }
0x114: {  	[tilespmem:v10+s28+$0x0] =	vst.idx.add.f32.msk vm2, v7  }
0x115: {  	v9 =	vld [tilespmem:$0x18C00];
	_ =	sdelay $0x4  }
0x116: {  	v10 =	vshrl.u32 v9, $0x3  }
0x117: {  	v10 =	vmul.u32 $0x18, v10  }
0x118: {  	v9 =	vand.u32 $0x7, v9  }
0x119: {  	v9 =	vor.u32 v9, v10  }
0x11a: {  	v10 =	vperm.xlane v9, v3;
	_ =	sdelay $0x1  }
0x11b: {  	v10 =	vadd.s32 v4, v10;
	_ =	sdelay $0x1  }
0x11c: {  	v9 =	vperm.xlane v9, v5;
	_ =	sdelay $0x1  }
0x11d: {  	v9 =	vadd.s32 v4, v9  }
0x11e: {  	[tilespmem:s19], [sflag:$0x1] =	stream.indirect_vreg.gather [hbm4b:s2+s22], $0x80, v10, vm0, $0xb8;
	[tilespmem:$0x1EC00] =	vst v63  }
0x11f: {  	s18 =	simm.s32 $0x13400  }
0x120: {  	[tilespmem:s18], [sflag:$0x1] =	stream.indirect_vreg.gather [hbm4b:s9+s22], $0x80, v10, vm1, $0xb8;
	[tilespmem:$0x1EC00] =	vst v63  }
0x121: {  	s25 =	simm.s32 $0x13800  }
0x122: {  	[tilespmem:s25], [sflag:$0x1] =	stream.indirect_vreg.gather [hbm4b:s2+s22], $0x80, v9, vm0, $0xb8;
	[tilespmem:$0x1EC00] =	vst v63  }
0x123: {  	s26 =	simm.s32 $0x14000  }
0x124: {  	[tilespmem:s26], [sflag:$0x1] =	stream.indirect_vreg.gather [hbm4b:s9+s22], $0x80, v9, vm1, $0xb8;
	[tilespmem:$0x1EC00] =	vst v63  }
0x125: {  	v9 =	vld [tilespmem:$0x18C10];
	_ =	sdelay $0x4  }
0x126: {  	v10 =	vshrl.u32 v9, $0x3  }
0x127: {  	v10 =	vmul.u32 $0x18, v10  }
0x128: {  	v9 =	vand.u32 $0x7, v9  }
0x129: {  	v9 =	vor.u32 v9, v10  }
0x12a: {  	v10 =	vperm.xlane v9, v3;
	_ =	sdelay $0x1  }
0x12b: {  	v10 =	vadd.s32 v4, v10;
	_ =	sdelay $0x1  }
0x12c: {  	v9 =	vperm.xlane v9, v5;
	_ =	sdelay $0x1  }
0x12d: {  	v9 =	vadd.s32 v4, v9  }
0x12e: {  	[tilespmem:s29], [sflag:$0x1] =	stream.indirect_vreg.gather [hbm4b:s2+s22], $0x80, v10, vm0, $0xb8;
	[tilespmem:$0x1EC00] =	vst v63  }
0x12f: {  	_ = 	snop  }
0x130: {  	[tilespmem:s30], [sflag:$0x1] =	stream.indirect_vreg.gather [hbm4b:s9+s22], $0x80, v10, vm1, $0xb8;
	[tilespmem:$0x1EC00] =	vst v63  }
0x131: {  	_ = 	snop  }
0x132: {  	[tilespmem:s31], [sflag:$0x1] =	stream.indirect_vreg.gather [hbm4b:s2+s22], $0x80, v9, vm0, $0xb8;
	[tilespmem:$0x1EC00] =	vst v63  }
0x133: {  	_ = 	snop  }
0x134: {  	[tilespmem:s0], [sflag:$0x1] =	stream.indirect_vreg.gather [hbm4b:s9+s22], $0x80, v9, vm1, $0xb8;
	[tilespmem:$0x1EC00] =	vst v63  }
0x135: {  	v9 =	vld [tilespmem:$0x18C20];
	_ =	sdelay $0x4  }
0x136: {  	v10 =	vshrl.u32 v9, $0x3  }
0x137: {  	v10 =	vmul.u32 $0x18, v10  }
0x138: {  	v9 =	vand.u32 $0x7, v9  }
0x139: {  	v9 =	vor.u32 v9, v10  }
0x13a: {  	v10 =	vperm.xlane v9, v3;
	_ =	sdelay $0x1  }
0x13b: {  	v10 =	vadd.s32 v4, v10;
	_ =	sdelay $0x1  }
0x13c: {  	v9 =	vperm.xlane v9, v5;
	_ =	sdelay $0x1  }
0x13d: {  	v9 =	vadd.s32 v4, v9  }
0x13e: {  	[tilespmem:s1], [sflag:$0x1] =	stream.indirect_vreg.gather [hbm4b:s2+s22], $0x80, v10, vm0, $0xb8;
	[tilespmem:$0x1EC00] =	vst v63  }
0x13f: {  	_ = 	snop  }
0x140: {  	[tilespmem:s15], [sflag:$0x1] =	stream.indirect_vreg.gather [hbm4b:s9+s22], $0x80, v10, vm1, $0xb8;
	[tilespmem:$0x1EC00] =	vst v63  }
0x141: {  	_ = 	snop  }
0x142: {  	[tilespmem:s21], [sflag:$0x1] =	stream.indirect_vreg.gather [hbm4b:s2+s22], $0x80, v9, vm0, $0xb8;
	[tilespmem:$0x1EC00] =	vst v63  }
0x143: {  	_ = 	snop  }
0x144: {  	[tilespmem:s24], [sflag:$0x1] =	stream.indirect_vreg.gather [hbm4b:s9+s22], $0x80, v9, vm1, $0xb8;
	[tilespmem:$0x1EC00] =	vst v63  }
0x145: {  	v9 =	vld [tilespmem:$0x18C30];
	_ =	sdelay $0x4  }
0x146: {  	v10 =	vshrl.u32 v9, $0x3  }
0x147: {  	v10 =	vmul.u32 $0x18, v10  }
0x148: {  	v9 =	vand.u32 $0x7, v9  }
0x149: {  	v9 =	vor.u32 v9, v10  }
0x14a: {  	v10 =	vperm.xlane v9, v3;
	_ =	sdelay $0x1  }
0x14b: {  	v10 =	vadd.s32 v4, v10;
	_ =	sdelay $0x1  }
0x14c: {  	v9 =	vperm.xlane v9, v5;
	_ =	sdelay $0x1  }
0x14d: {  	v9 =	vadd.s32 v4, v9  }
0x14e: {  	[tilespmem:s5], [sflag:$0x1] =	stream.indirect_vreg.gather [hbm4b:s2+s22], $0x80, v10, vm0, $0xb8;
	[tilespmem:$0x1EC00] =	vst v63  }
0x14f: {  	_ = 	snop  }
0x150: {  	[tilespmem:s6], [sflag:$0x1] =	stream.indirect_vreg.gather [hbm4b:s9+s22], $0x80, v10, vm1, $0xb8;
	[tilespmem:$0x1EC00] =	vst v63  }
0x151: {  	_ = 	snop  }
0x152: {  	[tilespmem:s7], [sflag:$0x1] =	stream.indirect_vreg.gather [hbm4b:s2+s22], $0x80, v9, vm0, $0xb8;
	[tilespmem:$0x1EC00] =	vst v63  }
0x153: {  	_ = 	snop  }
0x154: {  	[tilespmem:s10], [sflag:$0x1] =	stream.indirect_vreg.gather [hbm4b:s9+s22], $0x80, v9, vm1, $0xb8;
	[tilespmem:$0x1EC00] =	vst v63  }
0x155: {  	_ =	swait.ge [sflag:s20], $0x6000  }
0x156: {  	[sflag:s20] =	ssyncset.done $0x0  }
0x157: {  	s26 =	simm.s32 $0x0;
	[sflag:s20] =	ssyncadd.s32 $0xFFFFA000  }
.LBB2_21:
0x158: {  	v9 =	vld [tilespmem:s26+$0x18C80];
	_ =	sdelay $0x4  }
0x159: {  	(v2sf) =	vpush v9, $0x0;
	_ =	sdelay $0xb  }
0x15a: {  	s3 =	sshrl.u32 s26, $0x3  }
0x15b: {  	s3 =	smul.u32 $0x3000, s3  }
0x15c: {  	s4 =	sshll.u32 s26, $0x7  }
0x15d: {  	s4 =	sand.u32 $0x380, s4;
	s3 =	sshra.s32 s3, $0x2;
	s14 =	spop (v2sf)  }
0x15e: {  	s25 =	simm.s32 $0x0;
	s3 =	sor.u32 s4, s3;
	s13 =	sshrl.u32 s14, $0x3  }
0x15f: {  	s11 =	sadd.s32 $0x12C00, s3;
	s16 =	smul.u32 $0x3000, s13;
	s13 =	sand.u32 $0xC00, s25  }
0x160: {  	s17 =	sshll.u32 s14, $0x7;
	s14 =	sand.u32 $0x70, s25;
	s18 =	sadd.s32 s13, s11  }
0x161: {  	s4 =	sand.u32 $0x380, s17;
	s17 =	sadd.s32 s14, s18  }
0x162: {  	s3 =	sshra.s32 s16, $0x2;
	v9 =	vld [tilespmem:s17+$0x0]  }
0x163: {  	s25 =	simm.s32 $0x10;
	s4 =	sor.u32 s4, s3;
	s3 =	simm.s32 $0x80  }
.LBB2_22:
0x164: {  	s17 =	sand.u32 $0xC00, s3;
	s16 =	smov.u32 s25;
	p0 =	sne.s32 s25, $0x170  }
.Ltmp15:
0x165: {  	s25 =	sadd.s32 $0x10, s25;
	s13 =	sadd.s32 s13, s4;
	(pc) =	sbr.rel @p0 .LBB2_22-.Ltmp15, $4  }
0x166: {  	s18 =	sadd.s32 s17, s11;
	s13 =	sadd.s32 s14, s13;
	s14 =	sand.u32 $0x70, s16  }
0x167: {  	s16 =	sadd.s32 s14, s18;
	[tilespmem:s13+$0x0] =	vst.add.f32.msk $0xffff, v9;
	s13 =	smov.u32 s17  }
0x168: {  	v9 =	vld [tilespmem:s16+$0x0]  }
0x169: {  	s3 =	sadd.s32 $0x80, s3  }
0x16a: {  	s26 =	sadd.s32 $0x1, s26  }
0x16b: {  	p0 =	sne.s32 s26, $0x40  }
.Ltmp16:
0x16c: {  	_ = 	snop;
	(pc) =	sbr.rel @p0 .LBB2_21-.Ltmp16, $4  }
0x16d: {  	_ = 	snop  }
0x16e: {  	s3 =	sadd.s32 s13, s4  }
0x16f: {  	s3 =	sadd.s32 s14, s3  }
0x170: {  	[tilespmem:s3+$0x0] =	vst.add.f32.msk $0xffff, v9  }
0x171: {  	s23 =	sadd.s32 $0x1, s23  }
0x172: {  	p0 =	sne.s32 s23, s12  }
.Ltmp17:
0x173: {  	_ = 	snop;
	(pc) =	sbr.rel @p0 .LBB2_20-.Ltmp17, $1  }
0x174: {  	_ =	sdelay $0x3  }
.Ltmp18:
0x175: {  	(pc) =	sbr.rel .LBB2_26-.Ltmp18, $4  }
0x176: {  	s14 =	rddreg [dreg:$0x4]  }
0x177: {  	s18 =	rddreg [dreg:$0xe]  }
0x178: {  	s25 =	rddreg [dreg:$0xf]  }
0x179: {  	s16 =	simm.s32 $0x80;
	s17 =	simm.s32 $0x400;
	s22 =	rddreg [dreg:$0x10]  }
.LBB2_18:
0x17a: {  	s8 =	simm.s32 @!p0 $0x0;
	s22 =	rddreg [dreg:$0x10]  }
.LBB2_26:
0x17b: {  	s3 =	sshll.u32 s18, $0x1;
	p0 =	seq.s32 s18, $0xF  }
0x17c: {  	s3 =	sadd.s32 @!p0 $0x2, s3  }
0x17d: {  	s4 =	sshrl.u32 @!p0 s3, $0x3  }
0x17e: {  	s3 =	sshll.u32 @!p0 s3, $0x7;
	s4 =	smul.u32 @!p0 $0xA000, s4  }
0x17f: {  	s3 =	sand.u32 @!p0 $0x300, s3  }
0x180: {  	s3 =	sor.u32 @!p0 s3, s4  }
0x181: {  	s23 =	simm.s32 $0x3;
	s11 =	simm.s32 @!p0 $0x400;
	s3 =	sshrl.u32 @!p0 s3, $0x3  }
0x182: {  	s12 =	simm.s32 @!p0 $0x1A400;
	s4 =	simm.s32 @!p0 $0x80;
	s3 =	sadd.s32 @!p0 s14, s3  }
0x183: {  	[tilespmem:s12], [sflag:$0x2] =	stream.strided.gather @!p0 [hbm4b:s3+s4], $0x200, s11, s4, $0x38;
	[tilespmem:$0x1EC00] =	vst v63  }
0x184: {  	_ =	swait.ge [sflag:s23], $0x200  }
0x185: {  	[sflag:s23] =	ssyncset.done $0x0  }
0x186: {  	s26 =	sand.u32 $0x3FFFFF80, s22;
	[sflag:s23] =	ssyncadd.s32 $0xFFFFFE00  }
0x187: {  	v8 =	vld [tilespmem:s26+$0x1A800];
	_ =	sdelay $0x4  }
0x188: {  	(v2sf) =	vpush v8, $0x0;
	_ =	sdelay $0xe  }
0x189: {  	s11 =	spop (v2sf)  }
0x18a: {  	p0 =	sgt.s32 s11, $0x200  }
.Ltmp19:
0x18b: {  	_ = 	snop;
	(pc) =	sbr.rel @p0 .LBB2_34-.Ltmp19, $3  }
0x18c: {  	_ =	sdelay $0x1  }
0x18d: {  	s3 =	sadd.s32 $0xF, s11  }
0x18e: {  	s4 =	sshra.s32 s3, $0x1F  }
0x18f: {  	s12 =	sand.u32 $0xF, s3  }
0x190: {  	p0 =	slt.s32 s11, $0xFFFFFFF2;
	p1 =	sne.s32 s12, $0x0  }
0x191: {  	s4 =	sshrl.u32 s4, $0x1C;
	p0 =	por !p0, !p1  }
0x192: {  	s26 =	sadd.s32 s4, s3;
	s4 =	simm.s32 $0x1;
	p0 =	por !p0, !p0  }
0x193: {  	s3 =	sshra.s32 s26, $0x4;
	s4 =	simm.s32 @!p0 $0x0  }
0x194: {  	s4 =	ssub.s32 s3, s4  }
0x195: {  	p0 =	slt.s32 s4, $0x1  }
.Ltmp20:
0x196: {  	_ = 	snop;
	(pc) =	sbr.rel @p0 .LBB2_41-.Ltmp20, $1  }
0x197: {  	_ =	sdelay $0x3  }
0x198: {  	s3 =	simm.s32 $0x1A600  }
0x199: {  	v9 =	vld [tilespmem:s3+$0x0];
	_ =	sdelay $0x4  }
0x19a: {  	v10 =	vshrl.u32 v9, $0x4  }
0x19b: {  	v10 =	vand.u32 $0x1FF, v10  }
0x19c: {  	v8 =	vbroadcast v8, $0x0;
	s26 =	simm.s32 $0x0;
	p1 =	seq.s32 s4, $0x1;
	v10 =	vsub.s32 v10, v0  }
.Ltmp21:
0x19d: {  	v11 =	vor.u32 s26, v1;
	v12 =	vmul.u32 $0xC, v10;
	(pc) =	sbr.rel @p1 .LBB2_29-.Ltmp21, $4  }
0x19e: {  	vm2 =	vlt.s32 v11, v8;
	vm3 =	vlt.u32 v10, $0x10;
	v10 =	vand.u32 $0xF, v9  }
0x19f: {  	v9 =	vshrl.u32 v9, $0x5;
	vm2 =	vmand vm2, vm3;
	v10 =	vadd.s32 v10, v12  }
0x1a0: {  	v9 =	vand.u32 $0x7FFFF00, v9;
	v11 =	vsel vm2, $0x1, v6;
	v10 =	vnsel vm2, $0x0, v10  }
0x1a1: {  	s4 =	sadd.s32 $0xFFFFFFFF, s4;
	p0 =	por $0x0, $0x0;
	(xrf0) =	vadd.scan.msk.s32 $0xffff, v11;
	v9 =	vor.u32 v9, v10  }
0x1a2: {  	_ =	sdelay $0x4  }
0x1a3: {  	[tilespmem:s8+$0x1B800] =	vst.msk vm2, v9;
	s12 =	simm.s32 $0x1A610;
	v10, _, _ =	vpop (xrf0)  }
0x1a4: {  	v9 =	vld [tilespmem:s12+$0x0];
	(v2sf) =	vpush v10, $0xF;
	_ =	sdelay $0x4  }
0x1a5: {  	v10 =	vshrl.u32 v9, $0x4  }
0x1a6: {  	s13 =	simm.s32 $0x10;
	v10 =	vand.u32 $0x1FF, v10  }
0x1a7: {  	v11 =	vor.u32 s13, v1;
	v10 =	vsub.s32 v10, v0  }
0x1a8: {  	vm2 =	vlt.s32 v11, v8;
	vm3 =	vlt.u32 v10, $0x10  }
0x1a9: {  	vm2 =	vmand vm2, vm3  }
0x1aa: {  	p1 =	seq.s32 s4, $0x1;
	v11 =	vsel vm2, $0x1, v6  }
.Ltmp22:
0x1ab: {  	v12 =	vmul.u32 $0xC, v10;
	(xrf0) =	vadd.scan.msk.s32 $0xffff, v11;
	(pc) =	sbr.rel @p1 .LBB2_31-.Ltmp22, $4  }
0x1ac: {  	v10 =	vand.u32 $0xF, v9  }
0x1ad: {  	v9 =	vshrl.u32 v9, $0x5;
	v10 =	vadd.s32 v10, v12  }
0x1ae: {  	s23 =	sadd.s32 $0xFFFFFFFF, s4;
	v9 =	vand.u32 $0x7FFFF00, v9;
	v10 =	vnsel vm2, $0x0, v10  }
0x1af: {  	p0 =	por $0x1, $0x1;
	s22 =	smov.u32 s8;
	v9 =	vor.u32 v9, v10;
	s3 =	spop (v2sf)  }
.LBB2_32:
0x1b0: {  	p1 =	seq.s32 s23, $0x1;
	s23 =	sadd.s32 $0xFFFFFFFF, s23;
	s22 =	sadd.s32 s22, s3  }
0x1b1: {  	s12 =	sadd.s32 $0x10, s12;
	[tilespmem:s22+$0x1B800] =	vst.msk vm2, v9;
	v9, _, _ =	vpop (xrf0)  }
0x1b2: {  	v10 =	vld [tilespmem:s12+$0x0];
	(v2sf) =	vpush v9, $0xF;
	_ =	sdelay $0x4  }
0x1b3: {  	v9 =	vshrl.u32 v10, $0x4;
	v11 =	vshrl.u32 v10, $0x5  }
0x1b4: {  	s13 =	sadd.s32 $0x10, s13;
	v9 =	vand.u32 $0x1FF, v9  }
0x1b5: {  	v12 =	vor.u32 s13, v1;
	v9 =	vsub.s32 v9, v0  }
0x1b6: {  	vm2 =	vlt.s32 v12, v8;
	vm3 =	vlt.u32 v9, $0x10;
	v9 =	vmul.u32 $0xC, v9  }
0x1b7: {  	v10 =	vand.u32 $0xF, v10;
	vm2 =	vmand vm2, vm3  }
0x1b8: {  	v9 =	vadd.s32 v10, v9;
	v10 =	vsel vm2, $0x1, v6  }
.Ltmp23:
0x1b9: {  	v11 =	vand.u32 $0x7FFFF00, v11;
	v9 =	vnsel vm2, $0x0, v9;
	(xrf0) =	vadd.scan.msk.s32 $0xffff, v10;
	(pc) =	sbr.rel @!p1 .LBB2_32-.Ltmp23, $2  }
0x1ba: {  	v9 =	vor.u32 v11, v9;
	_ =	sdelay $0x2  }
0x1bb: {  	s3 =	spop (v2sf)  }
.LBB2_33:
0x1bc: {  	_ = 	snop  }
0x1bd: {  	v8, _, _ =	vpop (xrf0)  }
0x1be: {  	(v2sf) =	vpush v8, $0xF;
	_ =	sdelay $0xb  }
.Ltmp24:
0x1bf: {  	_ = 	snop;
	(pc) =	sbr.rel .LBB2_41-.Ltmp24, $4  }
0x1c0: {  	_ = 	snop  }
0x1c1: {  	s3 =	sadd.s32 @p0 s22, s3  }
0x1c2: {  	s8 =	smov.u32 @p0 s3;
	s26 =	spop (v2sf)  }
0x1c3: {  	[tilespmem:s8+$0x1B800] =	vst.msk vm2, v9;
	s8 =	sadd.s32 s8, s26  }
.LBB2_34:
0x1c4: {  	s11 =	simm.s32 $0x19000;
	s23 =	sand.u32 $0xF, s3  }
0x1c5: {  	[tilespmem:s11], [sflag:$0x4] =	stream.strided.gather [hbm4b:s25+s16], $0x1400, s17, s16, $0x38;
	[tilespmem:$0x1EC00] =	vst v63  }
0x1c6: {  	p0 =	slt.s32 s3, $0x0;
	p1 =	sne.s32 s23, $0x0  }
0x1c7: {  	s4 =	sshrl.u32 s4, $0x1C;
	p0 =	por !p0, !p1  }
0x1c8: {  	s25 =	sadd.s32 s4, s3;
	s4 =	simm.s32 $0x1;
	p0 =	por !p0, !p0  }
0x1c9: {  	s3 =	sshra.s32 s25, $0x4;
	s4 =	simm.s32 @!p0 $0x0  }
0x1ca: {  	s4 =	ssub.s32 s3, s4  }
0x1cb: {  	p0 =	slt.s32 s4, $0x1  }
.Ltmp25:
0x1cc: {  	_ = 	snop;
	(pc) =	sbr.rel @p0 .LBB2_41-.Ltmp25, $4  }
0x1cd: {  	s26 =	simm.s32 $0x4  }
0x1ce: {  	_ =	swait.ge [sflag:s26], $0x1400  }
0x1cf: {  	[sflag:s26] =	ssyncset.done $0x0  }
0x1d0: {  	[sflag:s26] =	ssyncadd.s32 $0xFFFFEC00  }
0x1d1: {  	s3 =	simm.s32 $0x19000  }
0x1d2: {  	v9 =	vld [tilespmem:s3+$0x0];
	_ =	sdelay $0x4  }
0x1d3: {  	v10 =	vshrl.u32 v9, $0x4  }
0x1d4: {  	v10 =	vand.u32 $0x1FF, v10  }
0x1d5: {  	v8 =	vbroadcast v8, $0x0;
	s26 =	simm.s32 $0x0;
	p1 =	sne.s32 s4, $0x1;
	v10 =	vsub.s32 v10, v0  }
.Ltmp26:
0x1d6: {  	v11 =	vor.u32 s26, v1;
	v12 =	vmul.u32 $0xC, v10;
	(pc) =	sbr.rel @!p1 .LBB2_36-.Ltmp26, $4  }
0x1d7: {  	vm2 =	vlt.s32 v11, v8;
	vm3 =	vlt.u32 v10, $0x10;
	v10 =	vand.u32 $0xF, v9  }
0x1d8: {  	v9 =	vshrl.u32 v9, $0x5;
	vm2 =	vmand vm2, vm3;
	v10 =	vadd.s32 v10, v12  }
0x1d9: {  	v9 =	vand.u32 $0x7FFFF00, v9;
	v11 =	vsel vm2, $0x1, v6;
	v10 =	vnsel vm2, $0x0, v10  }
0x1da: {  	s4 =	sadd.s32 $0xFFFFFFFF, s4;
	p0 =	por $0x0, $0x0;
	(xrf0) =	vadd.scan.msk.s32 $0xffff, v11;
	v9 =	vor.u32 v9, v10  }
0x1db: {  	_ =	sdelay $0x4  }
0x1dc: {  	[tilespmem:s8+$0x1B800] =	vst.msk vm2, v9;
	s12 =	simm.s32 $0x19010;
	v10, _, _ =	vpop (xrf0)  }
0x1dd: {  	v9 =	vld [tilespmem:s12+$0x0];
	(v2sf) =	vpush v10, $0xF;
	_ =	sdelay $0x4  }
0x1de: {  	v10 =	vshrl.u32 v9, $0x4  }
0x1df: {  	s13 =	simm.s32 $0x10;
	v10 =	vand.u32 $0x1FF, v10  }
0x1e0: {  	v11 =	vor.u32 s13, v1;
	v10 =	vsub.s32 v10, v0  }
0x1e1: {  	vm2 =	vlt.s32 v11, v8;
	vm3 =	vlt.u32 v10, $0x10  }
0x1e2: {  	vm2 =	vmand vm2, vm3  }
0x1e3: {  	p1 =	sne.s32 s4, $0x1;
	v11 =	vsel vm2, $0x1, v6  }
.Ltmp27:
0x1e4: {  	v12 =	vmul.u32 $0xC, v10;
	(xrf0) =	vadd.scan.msk.s32 $0xffff, v11;
	(pc) =	sbr.rel @!p1 .LBB2_38-.Ltmp27, $4  }
0x1e5: {  	v10 =	vand.u32 $0xF, v9  }
0x1e6: {  	v9 =	vshrl.u32 v9, $0x5;
	v10 =	vadd.s32 v10, v12  }
0x1e7: {  	s23 =	sadd.s32 $0xFFFFFFFF, s4;
	v9 =	vand.u32 $0x7FFFF00, v9;
	v10 =	vnsel vm2, $0x0, v10  }
0x1e8: {  	p0 =	por $0x1, $0x1;
	s22 =	smov.u32 s8;
	v9 =	vor.u32 v9, v10;
	s3 =	spop (v2sf)  }
.LBB2_39:
0x1e9: {  	p1 =	sne.s32 s23, $0x1;
	s23 =	sadd.s32 $0xFFFFFFFF, s23;
	s22 =	sadd.s32 s22, s3  }
0x1ea: {  	s12 =	sadd.s32 $0x10, s12;
	[tilespmem:s22+$0x1B800] =	vst.msk vm2, v9;
	v9, _, _ =	vpop (xrf0)  }
0x1eb: {  	v10 =	vld [tilespmem:s12+$0x0];
	(v2sf) =	vpush v9, $0xF;
	_ =	sdelay $0x4  }
0x1ec: {  	v9 =	vshrl.u32 v10, $0x4;
	v11 =	vshrl.u32 v10, $0x5  }
0x1ed: {  	s13 =	sadd.s32 $0x10, s13;
	v9 =	vand.u32 $0x1FF, v9  }
0x1ee: {  	v12 =	vor.u32 s13, v1;
	v9 =	vsub.s32 v9, v0  }
0x1ef: {  	vm2 =	vlt.s32 v12, v8;
	vm3 =	vlt.u32 v9, $0x10;
	v9 =	vmul.u32 $0xC, v9  }
0x1f0: {  	v10 =	vand.u32 $0xF, v10;
	vm2 =	vmand vm2, vm3  }
0x1f1: {  	v9 =	vadd.s32 v10, v9;
	v10 =	vsel vm2, $0x1, v6  }
.Ltmp28:
0x1f2: {  	v11 =	vand.u32 $0x7FFFF00, v11;
	v9 =	vnsel vm2, $0x0, v9;
	(xrf0) =	vadd.scan.msk.s32 $0xffff, v10;
	(pc) =	sbr.rel @p1 .LBB2_39-.Ltmp28, $2  }
0x1f3: {  	v9 =	vor.u32 v11, v9;
	_ =	sdelay $0x2  }
0x1f4: {  	s3 =	spop (v2sf)  }
.LBB2_40:
0x1f5: {  	_ = 	snop  }
0x1f6: {  	v8, _, _ =	vpop (xrf0)  }
0x1f7: {  	(v2sf) =	vpush v8, $0xF;
	_ =	sdelay $0xd  }
0x1f8: {  	s3 =	sadd.s32 @p0 s22, s3  }
0x1f9: {  	s8 =	smov.u32 @p0 s3;
	s26 =	spop (v2sf)  }
0x1fa: {  	[tilespmem:s8+$0x1B800] =	vst.msk vm2, v9;
	s8 =	sadd.s32 s8, s26  }
.LBB2_41:
0x1fb: {  	p0 =	slt.s32 s8, $0x2000  }
0x1fc: {  	s3 =	sadd.s32 @!p0 $0x3F, s8  }
0x1fd: {  	s4 =	sand.u32 @!p0 $0x3F, s3  }
0x1fe: {  	p1 =	slt.s32 @!p0 s3, $0x0;
	p2 =	sne.s32 @!p0 s4, $0x0  }
0x1ff: {  	s4 =	sshra.s32 @!p0 s3, $0x1F;
	p1 =	por @!p0 !p1, !p2  }
0x200: {  	s4 =	sshrl.u32 @!p0 s4, $0x1A;
	p1 =	por @!p0 !p1, !p1  }
0x201: {  	s3 =	sadd.s32 @!p0 s4, s3;
	s4 =	simm.s32 @!p0 $0x1;
	p1 =	por !p1, p0  }
0x202: {  	s3 =	sshra.s32 @!p0 s3, $0x6;
	s4 =	simm.s32 @p1 $0x0  }
0x203: {  	s12 =	ssub.s32 @!p0 s3, s4  }
0x204: {  	p1 =	slt.s32 @!p0 s12, $0x1  }
0x205: {  	p0 =	por p0, p1  }
.Ltmp29:
0x206: {  	_ = 	snop;
	(pc) =	sbr.rel @p0 .LBB2_48-.Ltmp29, $1  }
0x207: {  	_ =	sdelay $0x3  }
0x208: {  	v8 =	vmov s8;
	s13 =	simm.s32 $0x0;
	s22 =	simm.s32 $0x0  }
.LBB2_43:
0x209: {  	s3 =	sshll.u32 s22, $0x6  }
0x20a: {  	v9 =	vld [tilespmem:s3+$0x1B800];
	_ =	sdelay $0x3  }
0x20b: {  	v10 =	vor.u32 s3, v1  }
0x20c: {  	vm2 =	vlt.s32 v10, v8;
	v10 =	vand.u32 $0xFF, v9  }
0x20d: {  	v10 =	vnsel vm2, $0xC0, v10  }
0x20e: {  	v9 =	vshrl.u32 v9, $0x8  }
0x20f: {  	v9 =	vnsel vm2, $0x0, v9  }
0x210: {  	[tilespmem:$0x18C00] =	vst v9  }
0x211: {  	[tilespmem:$0x18C80] =	vst v10  }
0x212: {  	[tilespmem:v10+s28+$0x0] =	vst.idx.add.f32.msk vm2, v7  }
0x213: {  	v9 =	vld [tilespmem:s3+$0x1B810];
	_ =	sdelay $0x2  }
0x214: {  	s4 =	sor.u32 $0x10, s3  }
0x215: {  	v10 =	vor.u32 s4, v1  }
0x216: {  	vm2 =	vlt.s32 v10, v8;
	v10 =	vand.u32 $0xFF, v9  }
0x217: {  	v10 =	vnsel vm2, $0xC0, v10  }
0x218: {  	v9 =	vshrl.u32 v9, $0x8  }
0x219: {  	v9 =	vnsel vm2, $0x0, v9  }
0x21a: {  	[tilespmem:$0x18C10] =	vst v9  }
0x21b: {  	[tilespmem:$0x18C90] =	vst v10  }
0x21c: {  	[tilespmem:v10+s28+$0x0] =	vst.idx.add.f32.msk vm2, v7  }
0x21d: {  	v9 =	vld [tilespmem:s3+$0x1B820];
	_ =	sdelay $0x2  }
0x21e: {  	s18 =	sor.u32 $0x20, s3  }
0x21f: {  	v10 =	vor.u32 s18, v1  }
0x220: {  	vm2 =	vlt.s32 v10, v8;
	v10 =	vand.u32 $0xFF, v9  }
0x221: {  	v10 =	vnsel vm2, $0xC0, v10  }
0x222: {  	v9 =	vshrl.u32 v9, $0x8  }
0x223: {  	v9 =	vnsel vm2, $0x0, v9  }
0x224: {  	[tilespmem:$0x18C20] =	vst v9  }
0x225: {  	[tilespmem:$0x18CA0] =	vst v10  }
0x226: {  	[tilespmem:v10+s28+$0x0] =	vst.idx.add.f32.msk vm2, v7  }
0x227: {  	v9 =	vld [tilespmem:s3+$0x1B830];
	_ =	sdelay $0x2  }
0x228: {  	s3 =	sor.u32 $0x30, s3  }
0x229: {  	v10 =	vor.u32 s3, v1  }
0x22a: {  	vm2 =	vlt.s32 v10, v8;
	v10 =	vand.u32 $0xFF, v9  }
0x22b: {  	v10 =	vnsel vm2, $0xC0, v10  }
0x22c: {  	v9 =	vshrl.u32 v9, $0x8  }
0x22d: {  	v9 =	vnsel vm2, $0x0, v9  }
0x22e: {  	[tilespmem:$0x18C30] =	vst v9  }
0x22f: {  	[tilespmem:$0x18CB0] =	vst v10  }
0x230: {  	[tilespmem:v10+s28+$0x0] =	vst.idx.add.f32.msk vm2, v7  }
0x231: {  	v9 =	vld [tilespmem:$0x18C00];
	_ =	sdelay $0x4  }
0x232: {  	v10 =	vshrl.u32 v9, $0x3  }
0x233: {  	v10 =	vmul.u32 $0x18, v10  }
0x234: {  	v9 =	vand.u32 $0x7, v9  }
0x235: {  	v9 =	vor.u32 v9, v10  }
0x236: {  	v10 =	vperm.xlane v9, v3;
	_ =	sdelay $0x1  }
0x237: {  	v10 =	vadd.s32 v4, v10;
	_ =	sdelay $0x1  }
0x238: {  	v9 =	vperm.xlane v9, v5;
	_ =	sdelay $0x1  }
0x239: {  	v9 =	vadd.s32 v4, v9  }
0x23a: {  	[tilespmem:s19], [sflag:$0x1] =	stream.indirect_vreg.gather [hbm4b:s2+s13], $0x80, v10, vm0, $0xb8;
	[tilespmem:$0x1EC00] =	vst v63  }
0x23b: {  	s23 =	simm.s32 $0x13400  }
0x23c: {  	[tilespmem:s23], [sflag:$0x1] =	stream.indirect_vreg.gather [hbm4b:s9+s13], $0x80, v10, vm1, $0xb8;
	[tilespmem:$0x1EC00] =	vst v63  }
0x23d: {  	s25 =	simm.s32 $0x13800  }
0x23e: {  	[tilespmem:s25], [sflag:$0x1] =	stream.indirect_vreg.gather [hbm4b:s2+s13], $0x80, v9, vm0, $0xb8;
	[tilespmem:$0x1EC00] =	vst v63  }
0x23f: {  	s26 =	simm.s32 $0x14000  }
0x240: {  	[tilespmem:s26], [sflag:$0x1] =	stream.indirect_vreg.gather [hbm4b:s9+s13], $0x80, v9, vm1, $0xb8;
	[tilespmem:$0x1EC00] =	vst v63  }
0x241: {  	v9 =	vld [tilespmem:$0x18C10];
	_ =	sdelay $0x4  }
0x242: {  	v10 =	vshrl.u32 v9, $0x3  }
0x243: {  	v10 =	vmul.u32 $0x18, v10  }
0x244: {  	v9 =	vand.u32 $0x7, v9  }
0x245: {  	v9 =	vor.u32 v9, v10  }
0x246: {  	v10 =	vperm.xlane v9, v3;
	_ =	sdelay $0x1  }
0x247: {  	v10 =	vadd.s32 v4, v10;
	_ =	sdelay $0x1  }
0x248: {  	v9 =	vperm.xlane v9, v5;
	_ =	sdelay $0x1  }
0x249: {  	v9 =	vadd.s32 v4, v9  }
0x24a: {  	[tilespmem:s29], [sflag:$0x1] =	stream.indirect_vreg.gather [hbm4b:s2+s13], $0x80, v10, vm0, $0xb8;
	[tilespmem:$0x1EC00] =	vst v63  }
0x24b: {  	_ = 	snop  }
0x24c: {  	[tilespmem:s30], [sflag:$0x1] =	stream.indirect_vreg.gather [hbm4b:s9+s13], $0x80, v10, vm1, $0xb8;
	[tilespmem:$0x1EC00] =	vst v63  }
0x24d: {  	_ = 	snop  }
0x24e: {  	[tilespmem:s31], [sflag:$0x1] =	stream.indirect_vreg.gather [hbm4b:s2+s13], $0x80, v9, vm0, $0xb8;
	[tilespmem:$0x1EC00] =	vst v63  }
0x24f: {  	_ = 	snop  }
0x250: {  	[tilespmem:s0], [sflag:$0x1] =	stream.indirect_vreg.gather [hbm4b:s9+s13], $0x80, v9, vm1, $0xb8;
	[tilespmem:$0x1EC00] =	vst v63  }
0x251: {  	v9 =	vld [tilespmem:$0x18C20];
	_ =	sdelay $0x4  }
0x252: {  	v10 =	vshrl.u32 v9, $0x3  }
0x253: {  	v10 =	vmul.u32 $0x18, v10  }
0x254: {  	v9 =	vand.u32 $0x7, v9  }
0x255: {  	v9 =	vor.u32 v9, v10  }
0x256: {  	v10 =	vperm.xlane v9, v3;
	_ =	sdelay $0x1  }
0x257: {  	v10 =	vadd.s32 v4, v10;
	_ =	sdelay $0x1  }
0x258: {  	v9 =	vperm.xlane v9, v5;
	_ =	sdelay $0x1  }
0x259: {  	v9 =	vadd.s32 v4, v9  }
0x25a: {  	[tilespmem:s1], [sflag:$0x1] =	stream.indirect_vreg.gather [hbm4b:s2+s13], $0x80, v10, vm0, $0xb8;
	[tilespmem:$0x1EC00] =	vst v63  }
0x25b: {  	_ = 	snop  }
0x25c: {  	[tilespmem:s15], [sflag:$0x1] =	stream.indirect_vreg.gather [hbm4b:s9+s13], $0x80, v10, vm1, $0xb8;
	[tilespmem:$0x1EC00] =	vst v63  }
0x25d: {  	_ = 	snop  }
0x25e: {  	[tilespmem:s21], [sflag:$0x1] =	stream.indirect_vreg.gather [hbm4b:s2+s13], $0x80, v9, vm0, $0xb8;
	[tilespmem:$0x1EC00] =	vst v63  }
0x25f: {  	_ = 	snop  }
0x260: {  	[tilespmem:s24], [sflag:$0x1] =	stream.indirect_vreg.gather [hbm4b:s9+s13], $0x80, v9, vm1, $0xb8;
	[tilespmem:$0x1EC00] =	vst v63  }
0x261: {  	v9 =	vld [tilespmem:$0x18C30];
	_ =	sdelay $0x4  }
0x262: {  	v10 =	vshrl.u32 v9, $0x3  }
0x263: {  	v10 =	vmul.u32 $0x18, v10  }
0x264: {  	v9 =	vand.u32 $0x7, v9  }
0x265: {  	v9 =	vor.u32 v9, v10  }
0x266: {  	v10 =	vperm.xlane v9, v3;
	_ =	sdelay $0x1  }
0x267: {  	v10 =	vadd.s32 v4, v10;
	_ =	sdelay $0x1  }
0x268: {  	v9 =	vperm.xlane v9, v5;
	_ =	sdelay $0x1  }
0x269: {  	v9 =	vadd.s32 v4, v9  }
0x26a: {  	[tilespmem:s5], [sflag:$0x1] =	stream.indirect_vreg.gather [hbm4b:s2+s13], $0x80, v10, vm0, $0xb8;
	[tilespmem:$0x1EC00] =	vst v63  }
0x26b: {  	_ = 	snop  }
0x26c: {  	[tilespmem:s6], [sflag:$0x1] =	stream.indirect_vreg.gather [hbm4b:s9+s13], $0x80, v10, vm1, $0xb8;
	[tilespmem:$0x1EC00] =	vst v63  }
0x26d: {  	_ = 	snop  }
0x26e: {  	[tilespmem:s7], [sflag:$0x1] =	stream.indirect_vreg.gather [hbm4b:s2+s13], $0x80, v9, vm0, $0xb8;
	[tilespmem:$0x1EC00] =	vst v63  }
0x26f: {  	_ = 	snop  }
0x270: {  	[tilespmem:s10], [sflag:$0x1] =	stream.indirect_vreg.gather [hbm4b:s9+s13], $0x80, v9, vm1, $0xb8;
	[tilespmem:$0x1EC00] =	vst v63  }
0x271: {  	_ =	swait.ge [sflag:s20], $0x6000  }
0x272: {  	[sflag:s20] =	ssyncset.done $0x0  }
0x273: {  	s23 =	simm.s32 $0x0;
	[sflag:s20] =	ssyncadd.s32 $0xFFFFA000  }
.LBB2_44:
0x274: {  	v9 =	vld [tilespmem:s23+$0x18C80];
	_ =	sdelay $0x4  }
0x275: {  	(v2sf) =	vpush v9, $0x0;
	_ =	sdelay $0xa  }
0x276: {  	s3 =	sshrl.u32 s23, $0x3  }
0x277: {  	s3 =	smul.u32 $0x3000, s3  }
0x278: {  	s4 =	sshll.u32 s23, $0x7  }
0x279: {  	s16 =	simm.s32 $0x0;
	s4 =	sand.u32 $0x380, s4;
	s3 =	sshra.s32 s3, $0x2  }
0x27a: {  	s25 =	sand.u32 $0xC00, s16;
	s3 =	sor.u32 s4, s3;
	s14 =	spop (v2sf)  }
0x27b: {  	s11 =	sadd.s32 $0x12C00, s3;
	s26 =	sshrl.u32 s14, $0x3;
	s18 =	sshll.u32 s14, $0x7  }
0x27c: {  	s14 =	sand.u32 $0x70, s16;
	s17 =	smul.u32 $0x3000, s26;
	s26 =	sadd.s32 s25, s11  }
0x27d: {  	s16 =	sadd.s32 s14, s26  }
0x27e: {  	s4 =	sand.u32 $0x380, s18;
	s3 =	sshra.s32 s17, $0x2;
	v9 =	vld [tilespmem:s16+$0x0]  }
0x27f: {  	s26 =	simm.s32 $0x10;
	s4 =	sor.u32 s4, s3;
	s3 =	simm.s32 $0x80  }
.LBB2_45:
0x280: {  	s16 =	sand.u32 $0xC00, s3;
	s17 =	smov.u32 s26;
	p0 =	sne.s32 s26, $0x170  }
.Ltmp30:
0x281: {  	s26 =	sadd.s32 $0x10, s26;
	s18 =	sadd.s32 s25, s4;
	(pc) =	sbr.rel @p0 .LBB2_45-.Ltmp30, $4  }
0x282: {  	s25 =	sadd.s32 s16, s11;
	s18 =	sadd.s32 s14, s18;
	s14 =	sand.u32 $0x70, s17  }
0x283: {  	s17 =	sadd.s32 s14, s25;
	s25 =	smov.u32 s16;
	[tilespmem:s18+$0x0] =	vst.add.f32.msk $0xffff, v9  }
0x284: {  	v9 =	vld [tilespmem:s17+$0x0]  }
0x285: {  	s3 =	sadd.s32 $0x80, s3  }
0x286: {  	s23 =	sadd.s32 $0x1, s23  }
0x287: {  	p0 =	sne.s32 s23, $0x40  }
.Ltmp31:
0x288: {  	_ = 	snop;
	(pc) =	sbr.rel @p0 .LBB2_44-.Ltmp31, $4  }
0x289: {  	_ = 	snop  }
0x28a: {  	s3 =	sadd.s32 s25, s4  }
0x28b: {  	s3 =	sadd.s32 s14, s3  }
0x28c: {  	[tilespmem:s3+$0x0] =	vst.add.f32.msk $0xffff, v9  }
0x28d: {  	s22 =	sadd.s32 $0x1, s22  }
0x28e: {  	p0 =	sne.s32 s22, s12  }
.Ltmp32:
0x28f: {  	_ = 	snop;
	(pc) =	sbr.rel @p0 .LBB2_43-.Ltmp32, $4  }
.Ltmp33:
0x290: {  	_ = 	snop;
	(pc) =	sbr.rel @!p0 .LBB2_48-.Ltmp33, $4  }
0x291: {  	_ = 	snop  }
0x292: {  	_ = 	snop  }
0x293: {  	_ = 	snop  }
0x294: {  	_ = 	snop  }
.LBB2_5:
.Ltmp34:
0x295: {  	(pc) =	sbr.rel .LBB2_9-.Ltmp34, $2  }
0x296: {  	_ =	sdelay $0x2  }
0x297: {  	s23 =	smov.u32 s8  }
.LBB2_12:
.Ltmp35:
0x298: {  	(pc) =	sbr.rel .LBB2_16-.Ltmp35, $2  }
0x299: {  	_ =	sdelay $0x2  }
0x29a: {  	s23 =	smov.u32 s8  }
.LBB2_29:
.Ltmp36:
0x29b: {  	(pc) =	sbr.rel .LBB2_33-.Ltmp36, $2  }
0x29c: {  	_ =	sdelay $0x2  }
0x29d: {  	s22 =	smov.u32 s8  }
.LBB2_36:
.Ltmp37:
0x29e: {  	(pc) =	sbr.rel .LBB2_40-.Ltmp37, $2  }
0x29f: {  	_ =	sdelay $0x2  }
0x2a0: {  	s22 =	smov.u32 s8  }
.LBB2_7:
.Ltmp38:
0x2a1: {  	(pc) =	sbr.rel .LBB2_9-.Ltmp38, $2  }
0x2a2: {  	_ =	sdelay $0x2  }
0x2a3: {  	s23 =	smov.u32 s8  }
.LBB2_14:
.Ltmp39:
0x2a4: {  	(pc) =	sbr.rel .LBB2_16-.Ltmp39, $2  }
0x2a5: {  	_ =	sdelay $0x2  }
0x2a6: {  	s23 =	smov.u32 s8  }
.LBB2_31:
.Ltmp40:
0x2a7: {  	(pc) =	sbr.rel .LBB2_33-.Ltmp40, $2  }
0x2a8: {  	_ =	sdelay $0x2  }
0x2a9: {  	s22 =	smov.u32 s8  }
.LBB2_38:
.Ltmp41:
0x2aa: {  	(pc) =	sbr.rel .LBB2_40-.Ltmp41, $2  }
0x2ab: {  	_ =	sdelay $0x2  }
0x2ac: {  	s22 =	smov.u32 s8  }
.LBB2_49:
0x2ad: {  	s3 =	sadd.s32 $0x3F, s8  }
0x2ae: {  	s4 =	sand.u32 $0x3F, s3  }
0x2af: {  	s11 =	sshra.s32 s3, $0x1F;
	p0 =	slt.s32 s3, $0x1;
	p1 =	sne.s32 s4, $0x0  }
0x2b0: {  	s26 =	sshrl.u32 s11, $0x1A;
	p0 =	por !p0, !p1  }
0x2b1: {  	s4 =	simm.s32 $0x1;
	s3 =	sadd.s32 s26, s3;
	p0 =	por !p0, !p0  }
0x2b2: {  	s3 =	sshra.s32 s3, $0x6;
	s4 =	simm.s32 @!p0 $0x0  }
0x2b3: {  	s3 =	ssub.s32 s3, s4  }
0x2b4: {  	p0 =	slt.s32 s3, $0x1  }
.Ltmp42:
0x2b5: {  	_ = 	snop;
	(pc) =	sbr.rel @p0 .LBB2_56-.Ltmp42, $1  }
0x2b6: {  	_ =	sdelay $0x3  }
0x2b7: {  	v8 =	vmov s8;
	s8 =	simm.s32 $0x0;
	s12 =	simm.s32 $0x0  }
.LBB2_51:
0x2b8: {  	s4 =	sshll.u32 s12, $0x6  }
0x2b9: {  	v9 =	vld [tilespmem:s4+$0x1B800];
	_ =	sdelay $0x3  }
0x2ba: {  	v10 =	vor.u32 s4, v1  }
0x2bb: {  	vm2 =	vlt.s32 v10, v8;
	v10 =	vand.u32 $0xFF, v9  }
0x2bc: {  	v10 =	vnsel vm2, $0xC0, v10  }
0x2bd: {  	v9 =	vshrl.u32 v9, $0x8  }
0x2be: {  	v9 =	vnsel vm2, $0x0, v9  }
0x2bf: {  	[tilespmem:$0x18C00] =	vst v9  }
0x2c0: {  	[tilespmem:$0x18C80] =	vst v10  }
0x2c1: {  	[tilespmem:v10+s28+$0x0] =	vst.idx.add.f32.msk vm2, v7  }
0x2c2: {  	v9 =	vld [tilespmem:s4+$0x1B810];
	_ =	sdelay $0x2  }
0x2c3: {  	s11 =	sor.u32 $0x10, s4  }
0x2c4: {  	v10 =	vor.u32 s11, v1  }
0x2c5: {  	vm2 =	vlt.s32 v10, v8;
	v10 =	vand.u32 $0xFF, v9  }
0x2c6: {  	v10 =	vnsel vm2, $0xC0, v10  }
0x2c7: {  	v9 =	vshrl.u32 v9, $0x8  }
0x2c8: {  	v9 =	vnsel vm2, $0x0, v9  }
0x2c9: {  	[tilespmem:$0x18C10] =	vst v9  }
0x2ca: {  	[tilespmem:$0x18C90] =	vst v10  }
0x2cb: {  	[tilespmem:v10+s28+$0x0] =	vst.idx.add.f32.msk vm2, v7  }
0x2cc: {  	v9 =	vld [tilespmem:s4+$0x1B820];
	_ =	sdelay $0x2  }
0x2cd: {  	s22 =	sor.u32 $0x20, s4  }
0x2ce: {  	v10 =	vor.u32 s22, v1  }
0x2cf: {  	vm2 =	vlt.s32 v10, v8;
	v10 =	vand.u32 $0xFF, v9  }
0x2d0: {  	v10 =	vnsel vm2, $0xC0, v10  }
0x2d1: {  	v9 =	vshrl.u32 v9, $0x8  }
0x2d2: {  	v9 =	vnsel vm2, $0x0, v9  }
0x2d3: {  	[tilespmem:$0x18C20] =	vst v9  }
0x2d4: {  	[tilespmem:$0x18CA0] =	vst v10  }
0x2d5: {  	[tilespmem:v10+s28+$0x0] =	vst.idx.add.f32.msk vm2, v7  }
0x2d6: {  	v9 =	vld [tilespmem:s4+$0x1B830];
	_ =	sdelay $0x2  }
0x2d7: {  	s4 =	sor.u32 $0x30, s4  }
0x2d8: {  	v10 =	vor.u32 s4, v1  }
0x2d9: {  	vm2 =	vlt.s32 v10, v8;
	v10 =	vand.u32 $0xFF, v9  }
0x2da: {  	v10 =	vnsel vm2, $0xC0, v10  }
0x2db: {  	v9 =	vshrl.u32 v9, $0x8  }
0x2dc: {  	v9 =	vnsel vm2, $0x0, v9  }
0x2dd: {  	[tilespmem:$0x18C30] =	vst v9  }
0x2de: {  	[tilespmem:$0x18CB0] =	vst v10  }
0x2df: {  	[tilespmem:v10+s28+$0x0] =	vst.idx.add.f32.msk vm2, v7  }
0x2e0: {  	v9 =	vld [tilespmem:$0x18C00];
	_ =	sdelay $0x4  }
0x2e1: {  	v10 =	vshrl.u32 v9, $0x3  }
0x2e2: {  	v10 =	vmul.u32 $0x18, v10  }
0x2e3: {  	v9 =	vand.u32 $0x7, v9  }
0x2e4: {  	v9 =	vor.u32 v9, v10  }
0x2e5: {  	v10 =	vperm.xlane v9, v3;
	_ =	sdelay $0x1  }
0x2e6: {  	v10 =	vadd.s32 v4, v10;
	_ =	sdelay $0x1  }
0x2e7: {  	v9 =	vperm.xlane v9, v5;
	_ =	sdelay $0x1  }
0x2e8: {  	v9 =	vadd.s32 v4, v9  }
0x2e9: {  	[tilespmem:s19], [sflag:$0x1] =	stream.indirect_vreg.gather [hbm4b:s2+s8], $0x80, v10, vm0, $0xb8;
	[tilespmem:$0x1EC00] =	vst v63  }
0x2ea: {  	s23 =	simm.s32 $0x13400  }
0x2eb: {  	[tilespmem:s23], [sflag:$0x1] =	stream.indirect_vreg.gather [hbm4b:s9+s8], $0x80, v10, vm1, $0xb8;
	[tilespmem:$0x1EC00] =	vst v63  }
0x2ec: {  	s25 =	simm.s32 $0x13800  }
0x2ed: {  	[tilespmem:s25], [sflag:$0x1] =	stream.indirect_vreg.gather [hbm4b:s2+s8], $0x80, v9, vm0, $0xb8;
	[tilespmem:$0x1EC00] =	vst v63  }
0x2ee: {  	s26 =	simm.s32 $0x14000  }
0x2ef: {  	[tilespmem:s26], [sflag:$0x1] =	stream.indirect_vreg.gather [hbm4b:s9+s8], $0x80, v9, vm1, $0xb8;
	[tilespmem:$0x1EC00] =	vst v63  }
0x2f0: {  	v9 =	vld [tilespmem:$0x18C10];
	_ =	sdelay $0x4  }
0x2f1: {  	v10 =	vshrl.u32 v9, $0x3  }
0x2f2: {  	v10 =	vmul.u32 $0x18, v10  }
0x2f3: {  	v9 =	vand.u32 $0x7, v9  }
0x2f4: {  	v9 =	vor.u32 v9, v10  }
0x2f5: {  	v10 =	vperm.xlane v9, v3;
	_ =	sdelay $0x1  }
0x2f6: {  	v10 =	vadd.s32 v4, v10;
	_ =	sdelay $0x1  }
0x2f7: {  	v9 =	vperm.xlane v9, v5;
	_ =	sdelay $0x1  }
0x2f8: {  	v9 =	vadd.s32 v4, v9  }
0x2f9: {  	[tilespmem:s29], [sflag:$0x1] =	stream.indirect_vreg.gather [hbm4b:s2+s8], $0x80, v10, vm0, $0xb8;
	[tilespmem:$0x1EC00] =	vst v63  }
0x2fa: {  	_ = 	snop  }
0x2fb: {  	[tilespmem:s30], [sflag:$0x1] =	stream.indirect_vreg.gather [hbm4b:s9+s8], $0x80, v10, vm1, $0xb8;
	[tilespmem:$0x1EC00] =	vst v63  }
0x2fc: {  	_ = 	snop  }
0x2fd: {  	[tilespmem:s31], [sflag:$0x1] =	stream.indirect_vreg.gather [hbm4b:s2+s8], $0x80, v9, vm0, $0xb8;
	[tilespmem:$0x1EC00] =	vst v63  }
0x2fe: {  	_ = 	snop  }
0x2ff: {  	[tilespmem:s0], [sflag:$0x1] =	stream.indirect_vreg.gather [hbm4b:s9+s8], $0x80, v9, vm1, $0xb8;
	[tilespmem:$0x1EC00] =	vst v63  }
0x300: {  	v9 =	vld [tilespmem:$0x18C20];
	_ =	sdelay $0x4  }
0x301: {  	v10 =	vshrl.u32 v9, $0x3  }
0x302: {  	v10 =	vmul.u32 $0x18, v10  }
0x303: {  	v9 =	vand.u32 $0x7, v9  }
0x304: {  	v9 =	vor.u32 v9, v10  }
0x305: {  	v10 =	vperm.xlane v9, v3;
	_ =	sdelay $0x1  }
0x306: {  	v10 =	vadd.s32 v4, v10;
	_ =	sdelay $0x1  }
0x307: {  	v9 =	vperm.xlane v9, v5;
	_ =	sdelay $0x1  }
0x308: {  	v9 =	vadd.s32 v4, v9  }
0x309: {  	[tilespmem:s1], [sflag:$0x1] =	stream.indirect_vreg.gather [hbm4b:s2+s8], $0x80, v10, vm0, $0xb8;
	[tilespmem:$0x1EC00] =	vst v63  }
0x30a: {  	_ = 	snop  }
0x30b: {  	[tilespmem:s15], [sflag:$0x1] =	stream.indirect_vreg.gather [hbm4b:s9+s8], $0x80, v10, vm1, $0xb8;
	[tilespmem:$0x1EC00] =	vst v63  }
0x30c: {  	_ = 	snop  }
0x30d: {  	[tilespmem:s21], [sflag:$0x1] =	stream.indirect_vreg.gather [hbm4b:s2+s8], $0x80, v9, vm0, $0xb8;
	[tilespmem:$0x1EC00] =	vst v63  }
0x30e: {  	_ = 	snop  }
0x30f: {  	[tilespmem:s24], [sflag:$0x1] =	stream.indirect_vreg.gather [hbm4b:s9+s8], $0x80, v9, vm1, $0xb8;
	[tilespmem:$0x1EC00] =	vst v63  }
0x310: {  	v9 =	vld [tilespmem:$0x18C30];
	_ =	sdelay $0x4  }
0x311: {  	v10 =	vshrl.u32 v9, $0x3  }
0x312: {  	v10 =	vmul.u32 $0x18, v10  }
0x313: {  	v9 =	vand.u32 $0x7, v9  }
0x314: {  	v9 =	vor.u32 v9, v10  }
0x315: {  	v10 =	vperm.xlane v9, v3;
	_ =	sdelay $0x1  }
0x316: {  	v10 =	vadd.s32 v4, v10;
	_ =	sdelay $0x1  }
0x317: {  	v9 =	vperm.xlane v9, v5;
	_ =	sdelay $0x1  }
0x318: {  	v9 =	vadd.s32 v4, v9  }
0x319: {  	[tilespmem:s5], [sflag:$0x1] =	stream.indirect_vreg.gather [hbm4b:s2+s8], $0x80, v10, vm0, $0xb8;
	[tilespmem:$0x1EC00] =	vst v63  }
0x31a: {  	_ = 	snop  }
0x31b: {  	[tilespmem:s6], [sflag:$0x1] =	stream.indirect_vreg.gather [hbm4b:s9+s8], $0x80, v10, vm1, $0xb8;
	[tilespmem:$0x1EC00] =	vst v63  }
0x31c: {  	_ = 	snop  }
0x31d: {  	[tilespmem:s7], [sflag:$0x1] =	stream.indirect_vreg.gather [hbm4b:s2+s8], $0x80, v9, vm0, $0xb8;
	[tilespmem:$0x1EC00] =	vst v63  }
0x31e: {  	_ = 	snop  }
0x31f: {  	[tilespmem:s10], [sflag:$0x1] =	stream.indirect_vreg.gather [hbm4b:s9+s8], $0x80, v9, vm1, $0xb8;
	[tilespmem:$0x1EC00] =	vst v63  }
0x320: {  	_ =	swait.ge [sflag:s20], $0x6000  }
0x321: {  	[sflag:s20] =	ssyncset.done $0x0  }
0x322: {  	s13 =	simm.s32 $0x0;
	[sflag:s20] =	ssyncadd.s32 $0xFFFFA000  }
.LBB2_52:
0x323: {  	v9 =	vld [tilespmem:s13+$0x18C80];
	_ =	sdelay $0x4  }
0x324: {  	(v2sf) =	vpush v9, $0x0;
	_ =	sdelay $0x9  }
0x325: {  	s4 =	sshrl.u32 s13, $0x3  }
0x326: {  	s4 =	smul.u32 $0x3000, s4  }
0x327: {  	s11 =	sshll.u32 s13, $0x7  }
0x328: {  	s11 =	sand.u32 $0x380, s11;
	s4 =	sshra.s32 s4, $0x2  }
0x329: {  	s17 =	simm.s32 $0x0;
	s4 =	sor.u32 s11, s4  }
0x32a: {  	s22 =	sand.u32 $0xC00, s17;
	s11 =	sadd.s32 $0x12C00, s4;
	s14 =	spop (v2sf)  }
0x32b: {  	s26 =	sadd.s32 s22, s11;
	s16 =	sshrl.u32 s14, $0x3  }
0x32c: {  	s25 =	sshll.u32 s14, $0x7;
	s14 =	sand.u32 $0x70, s17;
	s23 =	smul.u32 $0x3000, s16  }
0x32d: {  	s17 =	sadd.s32 s14, s26  }
0x32e: {  	s16 =	sand.u32 $0x380, s25;
	v9 =	vld [tilespmem:s17+$0x0];
	s4 =	sshra.s32 s23, $0x2  }
0x32f: {  	s25 =	simm.s32 $0x80;
	s23 =	simm.s32 $0x10;
	s4 =	sor.u32 s16, s4  }
.LBB2_53:
0x330: {  	s16 =	sand.u32 $0xC00, s25;
	s17 =	smov.u32 s23;
	p0 =	sne.s32 s23, $0x170  }
.Ltmp43:
0x331: {  	s23 =	sadd.s32 $0x10, s23;
	s18 =	sadd.s32 s22, s4;
	(pc) =	sbr.rel @p0 .LBB2_53-.Ltmp43, $4  }
0x332: {  	s22 =	sadd.s32 s16, s11;
	s18 =	sadd.s32 s14, s18;
	s14 =	sand.u32 $0x70, s17  }
0x333: {  	s17 =	sadd.s32 s14, s22;
	s22 =	smov.u32 s16;
	[tilespmem:s18+$0x0] =	vst.add.f32.msk $0xffff, v9  }
0x334: {  	v9 =	vld [tilespmem:s17+$0x0]  }
0x335: {  	s25 =	sadd.s32 $0x80, s25  }
0x336: {  	s13 =	sadd.s32 $0x1, s13  }
0x337: {  	p0 =	sne.s32 s13, $0x40  }
.Ltmp44:
0x338: {  	_ = 	snop;
	(pc) =	sbr.rel @p0 .LBB2_52-.Ltmp44, $4  }
0x339: {  	_ = 	snop  }
0x33a: {  	s4 =	sadd.s32 s22, s4  }
0x33b: {  	s4 =	sadd.s32 s14, s4  }
0x33c: {  	[tilespmem:s4+$0x0] =	vst.add.f32.msk $0xffff, v9  }
0x33d: {  	s12 =	sadd.s32 $0x1, s12  }
0x33e: {  	p0 =	sne.s32 s12, s3  }
.Ltmp45:
0x33f: {  	_ = 	snop;
	(pc) =	sbr.rel @p0 .LBB2_51-.Ltmp45, $4  }
.Ltmp46:
0x340: {  	_ = 	snop;
	(pc) =	sbr.rel @!p0 .LBB2_56-.Ltmp46, $4  }
0x341: {  	_ = 	snop  }
0x342: {  	_ = 	snop  }
0x343: {  	_ = 	snop  }
0x344: {  	_ = 	snop  }
.LBB2_57:
0x345: {  	_ =	sfence.sel $0x180000  }
0x346: {  	[bflag:$0x0] =	sbarrier.arrive $0xFFFF  }
0x347: {  	_ =	strace $0x9000004A  }
0x348: {  	s0 =	stileid.u32;
	[bflag:$0x2] =	sbarrier.arrive $0xFFFF  }
0x349: {  	p0 =	sne.s32 s0, $0x0;
	s0 =	rddreg [dreg:$0x3]  }
0x34a: {  	s0 =	sadd.s32 @!p0 $0x100000, s0  }
0x34b: {  	[sflag:s0] =	ssyncadd.tile.s32 @!p0 $0x1;
	_ =	shalt  }
.Lfunc_end2:
_tile_overlayer_lowered:
.L_overlay_start_2:
0x34c: {  	(tag) =	ssettag $0x2  }
0x34d: {  	s0 =	rddreg [dreg:$0x0];
	s2 =	stileid.u32  }
0x34e: {  	s1 =	rddreg [dreg:$0x1];
	p0 =	sne.s32 s2, $0x0  }
0x34f: {  	s3 =	rddreg [dreg:$0x2];
	[bflag:$0x3] =	sbarrier.arrive $0xFFFF;
	s2 =	simm.s32 @!p0 $0x1C04  }
0x350: {  	[timem:s3], [sflag:s2] =	dma.local @!p0 [hbm:s0], s1  }
0x351: {  	s0 =	simm.s32 @!p0 $0x4  }
0x352: {  	_ =	swait.ge @!p0 [sflag:s0], s1  }
0x353: {  	s1 =	ssub.s32 @!p0 $0x0, s1;
	[sflag:s0] =	ssyncset.done @!p0 $0x0  }
0x354: {  	[sflag:s0] =	ssyncadd.s32 @!p0 s1  }
0x355: {  	[bflag:$0x3] =	sbarrier.arrive $0xFFFF  }
0x356: {  	_ =	shalt  }

// kernel: kernel.15.cloned.1.call-start
scs
__scs_entry_jumppad:
0x0: {  	(pc) =	sbr.rel $0x88, $3  }
0x1: {  	(tag) =	ssettag $0x0;
	lr =	simm.s32 $0x1  }
0x2: {  	[smem:$0x3F85] =	sst lr;
	_ =	strace $0xD0000000  }
0x3: {  	_ = 	snop  }
0x4: {  	_ = 	snop  }
0x5: {  	_ = 	snop  }
0x6: {  	_ = 	snop  }
0x7: {  	_ = 	snop  }
__scs_overlays_trampoline_lowered:
0x8: {  	[smem:$0x3F94] =	sst s0  }
0x9: {  	[smem:$0x3F95] =	sst s1  }
0xa: {  	[smem:$0x3F96] =	sst s2  }
0xb: {  	[smem:$0x3F97] =	sst s3  }
0xc: {  	[smem:$0x3F98] =	sst s4  }
0xd: {  	[smem:$0x3F99] =	sst s5  }
0xe: {  	[smem:$0x3F9A] =	sst s6  }
0xf: {  	[smem:$0x3F9B] =	sst s7  }
0x10: {  	[smem:$0x3F9C] =	sst s8  }
0x11: {  	[smem:$0x3F9D] =	sst s9;
	s0 =	simm.s32 @!p0 $0x0  }
0x12: {  	s1 =	sld [smem:$0x3F83];
	s0 =	simm.s32 @p0 $0x1  }
0x13: {  	[smem:$0x3F9E] =	sst s0;
	s0 =	simm.s32 @!p1 $0x0  }
0x14: {  	s2 =	sld [smem:$0x3F82];
	s0 =	simm.s32 @p1 $0x1  }
0x15: {  	[smem:$0x3F9F] =	sst s0;
	s0 =	simm.s32 @!p2 $0x0  }
0x16: {  	s3 =	sld [smem:$0x3FDB];
	s0 =	simm.s32 @p2 $0x1  }
0x17: {  	s4 =	simm.s32 $0x1BF5;
	[smem:$0x3FA1] =	sst s0  }
0x18: {  	s0 =	sld [smem:$0x3F84];
	_ =	swait.ge [sflag:s4], $0x0  }
0x19: {  	s7 =	sld [smem:$0x3F85]  }
0x1a: {  	s8 =	sadd.s32 $0xFFFFE003, lr  }
0x1b: {  	s9 =	sadd.s32 $0xFFFFFEF7, lr;
	s5 =	simm.s32 $0xFFFFFFFF;
	p2 =	slt.u32 s8, $0xFFFFF086  }
0x1c: {  	p1 =	slt.u32 s9, $0xF7A;
	s5 =	simm.s32 @!p2 $0x0  }
0x1d: {  	s5 =	simm.s32 @p1 $0x1;
	p0 =	seq.s32 s7, s2  }
0x1e: {  	s7 =	smul.u32 @!p0 $0xF7A, s2;
	p2 =	seq.s32 @!p0 s5, $0x0  }
0x1f: {  	s9 =	smul.u32 $0xF7A, s1;
	s8 =	simm.s32 @!p0 $0x1BF5;
	p2 =	por !p2, p0  }
0x20: {  	[sflag:s8] =	ssyncset.s32 @!p0 $0xFFFFF086;
	s6 =	sadd.s32 @!p0 s3, s7;
	s7 =	simm.s32 @!p0 $0x108  }
0x21: {  	s3 =	sadd.s32 s3, s9;
	s6 =	sadd.s32 @!p0 $0x88, s6;
	s7 =	simm.s32 @p2 $0x1082  }
0x22: {  	[simem:s7], [sflag:s8] =	dma.local @!p0 [hbm:s6], $0xF7A  }
0x23: {  	s9 =	sor.u32 $0xD0000000, s2;
	s6 =	simm.s32 $0x108;
	_ =	swait.ge @!p0 [sflag:s8], $0x0  }
0x24: {  	s3 =	sadd.s32 $0x88, s3;
	s6 =	simm.s32 @!p1 $0x1082;
	[sflag:s4] =	ssyncset.s32 $0xFFFFF086  }
0x25: {  	[simem:s6], [sflag:s4] =	dma.local [hbm:s3], $0xF7A  }
0x26: {  	[smem:$0x3F85] =	sst s1;
	(tag) =	ssettag s2;
	_ =	strace s9  }
0x27: {  	s1 =	sld [smem:$0x3F95]  }
0x28: {  	s2 =	sld [smem:$0x3F96]  }
0x29: {  	s4 =	sld [smem:$0x3F98]  }
0x2a: {  	p0 =	seq.s32 s5, $0x0;
	s5 =	sld [smem:$0x3F99]  }
0x2b: {  	s6 =	sld [smem:$0x3F9A]  }
0x2c: {  	s7 =	sld [smem:$0x3F9B]  }
0x2d: {  	s3 =	simm.s32 $0x108;
	s8 =	sld [smem:$0x3F9C]  }
0x2e: {  	s3 =	simm.s32 @!p0 $0x1082;
	s9 =	sld [smem:$0x3F9D]  }
0x2f: {  	lr =	sadd.s32 s0, s3;
	s0 =	sld [smem:$0x3F94]  }
0x30: {  	s3 =	sld [smem:$0x3F97]  }
0x31: {  	[smem:$0x3FA0] =	sst s10  }
0x32: {  	s10 =	sld [smem:$0x3F9E];
	_ =	sdelay $0x3  }
0x33: {  	p0 =	seq.s32 s10, $0x1;
	s10 =	sld [smem:$0x3FA0];
	_ =	sdelay $0x3  }
0x34: {  	[smem:$0x3FA0] =	sst s10  }
0x35: {  	s10 =	sld [smem:$0x3F9F];
	_ =	sdelay $0x3  }
0x36: {  	p1 =	seq.s32 s10, $0x1;
	s10 =	sld [smem:$0x3FA0];
	_ =	sdelay $0x3  }
0x37: {  	[smem:$0x3FA0] =	sst s10  }
0x38: {  	s10 =	sld [smem:$0x3FA1]  }
0x39: {  	_ = 	snop;
	(pc) =	sbr.ind lr, $3  }
0x3a: {  	_ = 	snop  }
0x3b: {  	_ = 	snop  }
0x3c: {  	p2 =	seq.s32 s10, $0x1;
	s10 =	sld [smem:$0x3FA0]  }
0x3d: {  	_ =	shalt  }
0x3e: {  	_ =	shalt  }
0x3f: {  	_ =	shalt  }
0x40: {  	_ =	shalt  }
0x41: {  	_ =	shalt  }
0x42: {  	_ =	shalt  }
0x43: {  	_ =	shalt  }
0x44: {  	_ =	shalt  }
0x45: {  	_ =	shalt  }
0x46: {  	_ =	shalt  }
0x47: {  	_ =	shalt  }
0x48: {  	_ =	shalt  }
0x49: {  	_ =	shalt  }
0x4a: {  	_ =	shalt  }
0x4b: {  	_ =	shalt  }
0x4c: {  	_ =	shalt  }
0x4d: {  	_ =	shalt  }
0x4e: {  	_ =	shalt  }
0x4f: {  	_ =	shalt  }
0x50: {  	_ =	shalt  }
0x51: {  	_ =	shalt  }
0x52: {  	_ =	shalt  }
0x53: {  	_ =	shalt  }
0x54: {  	_ =	shalt  }
0x55: {  	_ =	shalt  }
0x56: {  	_ =	shalt  }
0x57: {  	_ =	shalt  }
0x58: {  	_ =	shalt  }
0x59: {  	_ =	shalt  }
0x5a: {  	_ =	shalt  }
0x5b: {  	_ =	shalt  }
0x5c: {  	_ =	shalt  }
0x5d: {  	_ =	shalt  }
0x5e: {  	_ =	shalt  }
0x5f: {  	_ =	shalt  }
0x60: {  	_ =	shalt  }
0x61: {  	_ =	shalt  }
0x62: {  	_ =	shalt  }
0x63: {  	_ =	shalt  }
0x64: {  	_ =	shalt  }
0x65: {  	_ =	shalt  }
0x66: {  	_ =	shalt  }
0x67: {  	_ =	shalt  }
0x68: {  	_ =	shalt  }
0x69: {  	_ =	shalt  }
0x6a: {  	_ =	shalt  }
0x6b: {  	_ =	shalt  }
0x6c: {  	_ =	shalt  }
0x6d: {  	_ =	shalt  }
0x6e: {  	_ =	shalt  }
0x6f: {  	_ =	shalt  }
0x70: {  	_ =	shalt  }
0x71: {  	_ =	shalt  }
0x72: {  	_ =	shalt  }
0x73: {  	_ =	shalt  }
0x74: {  	_ =	shalt  }
0x75: {  	_ =	shalt  }
0x76: {  	_ =	shalt  }
0x77: {  	_ =	shalt  }
0x78: {  	_ =	shalt  }
0x79: {  	_ =	shalt  }
0x7a: {  	_ =	shalt  }
0x7b: {  	_ =	shalt  }
0x7c: {  	_ =	shalt  }
0x7d: {  	_ =	shalt  }
0x7e: {  	_ =	shalt  }
0x7f: {  	_ =	shalt  }
0x80: {  	_ =	shalt  }
0x81: {  	_ =	shalt  }
0x82: {  	_ =	shalt  }
0x83: {  	_ =	shalt  }
0x84: {  	_ =	shalt  }
0x85: {  	_ =	shalt  }
0x86: {  	_ =	shalt  }
0x87: {  	_ =	shalt  }
.Lfunc_end0:
.L_simem_size_0:
called_computation.2_lowered:
.L_overlay_start_0:
0x88: {  	s2 =	sld [smem:$0x3FD9]  }
0x89: {  	s3 =	sld [smem:$0x3FFE];
	_ =	sdelay $0x1  }
0x8a: {  	s1 =	srdreg.scid  }
0x8b: {  	s0 =	sand.u32 $0x1, s1  }
0x8c: {  	s17 =	sshll.u32 s0, $0xA;
	s2 =	sadd.s32 s3, s2  }
0x8d: {  	s2 =	sadd.s32 s2, s17  }
0x8e: {  	[smem:$0x3FAC] =	sst s2  }
0x8f: {  	_ = 	snop  }
0x90: {  	s2 =	sld [smem:$0x3FD0];
	(tm) =	ssettm $0x1  }
0x91: {  	s18 =	sld [smem:$0x3FFB];
	_ =	sdelay $0x3  }
0x92: {  	_ =	strace s18  }
0x93: {  	s3 =	sld [smem:$0x3FFC];
	_ =	sdelay $0x3  }
0x94: {  	_ =	strace s3  }
0x95: {  	s3 =	sld [smem:$0x3FFD];
	_ =	sdelay $0x3  }
0x96: {  	_ =	strace s3  }
0x97: {  	_ =	strace $0x8FFFFFFF  }
0x98: {  	s19 =	sld [smem:$0x3FDB];
	_ =	sdelay $0x1  }
0x99: {  	s4 =	simm.s32 $_scs_section_size  }
0x9a: {  	s5 =	simm.s32 $_size__tile_overlayer_lowered;
	s6 =	simm.s32 $_tile_overlayer_lowered  }
0x9b: {  	s22 =	simm.s32 $0x1BFF;
	s21 =	sshll.u32 s6, $0x1;
	s3 =	sadd.s32 s4, s19  }
0x9c: {  	s7 =	simm.s32 $0x0;
	s20 =	sshll.u32 s5, $0x1;
	s5 =	sadd.s32 s21, s3  }
0x9d: {  	[timem:s7], [sflag:s22] =	dma.local [hbm:s5], s20  }
0x9e: {  	_ =	swait.ge [sflag:s22], s20  }
0x9f: {  	s4 =	ssub.s32 $0x0, s20;
	[sflag:s22] =	ssyncset.done $0x0  }
0xa0: {  	[sflag:s22] =	ssyncadd.s32 s4;
	_ =	sdelay $0x1  }
0xa1: {  	s23 =	simm.s32 $0x1B8B  }
0xa2: {  	_ =	swait.ge [sflag:s23], $0x1  }
0xa3: {  	[sflag:s23] =	ssyncset.done $0x0  }
0xa4: {  	s25 =	simm.s32 $0x1B8E;
	s24 =	sld [smem:$0x3FFE];
	[sflag:s23] =	ssyncadd.s32 $0xFFFFFFFF  }
0xa5: {  	s26 =	simm.s32 $execute0_lowered;
	[smem:$0x3FD2] =	sst s25  }
0xa6: {  	s5 =	sshll.u32 s26, $0x1;
	_ =	strace $0x8000004C;
	[dreg:$0x1] =	wrdreg $0xFFFFFFFF  }
0xa7: {  	s28 =	simm.s32 $_size_execute0_lowered;
	s3 =	sadd.s32 s3, s5;
	[dreg:$0x0] =	wrdreg $0x0  }
0xa8: {  	s5 =	sshll.u32 s28, $0x1;
	[dreg:$0x2] =	wrdreg s3  }
0xa9: {  	[dreg:$0x3] =	wrdreg s5  }
0xaa: {  	[dreg:$0x4] =	wrdreg $0xC0  }
0xab: {  	_ =	task [dreg:s7], $0x5FFFF  }
0xac: {  	[dreg:$0x1] =	wrdreg $0xFFFFFFFF  }
0xad: {  	[dreg:$0x0] =	wrdreg $0x60  }
0xae: {  	[dreg:$0x2] =	wrdreg s2  }
0xaf: {  	[dreg:$0x3] =	wrdreg s24  }
0xb0: {  	[dreg:$0x4] =	wrdreg $0x9  }
0xb1: {  	_ =	task.clear_ibuf [dreg:s7], $0x5FFFF;
	_ =	strace $0x9000004C  }
0xb2: {  	s29 =	simm.s32 $0x9;
	_ =	strace $0x8000004E  }
0xb3: {  	_ =	swait.ge [sflag:s29], $0x1  }
0xb4: {  	[sflag:s29] =	ssyncadd.s32 $0xFFFFFFFF  }
0xb5: {  	_ =	strace $0x9000004E  }
0xb6: {  	_ =	sfence  }
0xb7: {  	s30 =	sld [smem:$0x0];
	_ =	sdelay $0x2  }
0xb8: {  	s31 =	sshll.u32 s1, $0xD;
	s1 =	sshrl.u32 s1, $0x2  }
0xb9: {  	s3 =	sand.u32 $0x4000, s31;
	s1 =	sadd.s32 s1, s30  }
0xba: {  	s0 =	sor.u32 s3, s0;
	s1 =	sshll.u32 s1, $0x11  }
0xbb: {  	s0 =	sor.u32 s1, s0  }
0xbc: {  	s0 =	sadd.s32 $0x8F2B, s0  }
0xbd: {  	[sflag:s0] =	ssyncadd.remote.s32 $0x1  }
0xbe: {  	_ =	sfence.sel $0xFFFF  }
0xbf: {  	[dreg:$0x0] =	wrdreg $0xFFFFFFFF;
	(pc) =	sbr.abs _section_cstart, $3  }
0xc0: {  	[dreg:$0x1] =	wrdreg $0xFFFFFFFF  }
0xc1: {  	_ =	task.clear_ibuf [dreg:s7], $0x2FFFF;
	_ =	strace $0x9FFFFFFF  }
0xc2: {  	(tm) =	ssettm $0x7FFFFFFF  }
0xc3: {  	_ =	shalt  }
tec
execute0_lowered:
.L_overlay_start_1:
0x0: {  	(tag) =	ssettag $0x1  }
0x1: {  	s1 =	srdreg.scid  }
0x2: {  	s2 =	rddreg [dreg:$0x0];
	s0 =	stileid.u32;
	s13 =	sand.u32 $0x1, s1  }
0x3: {  	s15 =	rddreg [dreg:$0x1];
	s4 =	sshll.u32 s0, $0x2;
	s5 =	sshll.u32 s13, $0x1  }
0x4: {  	s3 =	simm.s32 $0x0;
	s1 =	rddreg [dreg:$0x2];
	s12 =	sor.u32 s5, s4  }
0x5: {  	[smem:$0x7FF] =	sst s3;
	s4 =	sadd.s32 s12, s15  }
0x6: {  	_ =	strace $0x8000004D;
	s5 =	sadd.s32 $0x4E00, s4;
	s4 =	simm.s32 $0x2  }
0x7: {  	[tilespmem:s3], [sflag:$0x2] =	stream.linear.gather [hbm4b:s5+s3], $0x10, $0x38;
	[tilespmem:$0x3080] =	vst v63  }
0x8: {  	_ =	swait.ge [sflag:s4], $0x10  }
0x9: {  	[sflag:s4] =	ssyncset.done $0x0  }
0xa: {  	[sflag:s4] =	ssyncadd.s32 $0xFFFFFFF0  }
0xb: {  	v0 =	vld [tilespmem:$0x0];
	_ =	sdelay $0x4  }
0xc: {  	v1 =	vshrl.u32 v0, $0x3  }
0xd: {  	v1 =	vmul.u32 $0x30, v1  }
0xe: {  	v2 =	vlaneseq.u32;
	v3 =	vand.u32 $0x7, v0  }
0xf: {  	v4 =	vshrl.u32 v2, $0x3;
	v0 =	vand.u32 $0x7, v2;
	v3 =	vor.u32 v3, v1  }
0x10: {  	v1 =	vmul.u32 $0x8, v4;
	v63 =	vperm.xlane v3, v0;
	_ =	sdelay $0x1  }
0x11: {  	v4 =	vadd.s32 v1, v63;
	_ =	sdelay $0x2  }
0x12: {  	v2 =	vor.u32 $0x8, v2  }
0x13: {  	vm0 =	vmmov $0xffff;
	s6 =	simm.s32 $0x80;
	v3 =	vperm.xlane v3, v2  }
0x14: {  	[tilespmem:s6], [sflag:$0x1] =	stream.indirect_vreg.gather [hbm4b:s2+s3], $0x80, v4, vm0, $0xb8;
	[tilespmem:$0x3080] =	vst v63  }
0x15: {  	s8 =	simm.s32 $0x880;
	s7 =	sadd.s32 $0x100, s2;
	v3 =	vadd.s32 v1, v3  }
0x16: {  	[tilespmem:s8], [sflag:$0x1] =	stream.indirect_vreg.gather [hbm4b:s7+s3], $0x80, v4, vm0, $0xb8;
	[tilespmem:$0x3080] =	vst v63  }
0x17: {  	s10 =	simm.s32 $0x1080;
	s9 =	sadd.s32 $0x200, s2;
	s17 =	ssub.s32 $0x2, s13  }
0x18: {  	[tilespmem:s10], [sflag:$0x1] =	stream.indirect_vreg.gather [hbm4b:s9+s3], $0x80, v4, vm0, $0xb8;
	[tilespmem:$0x3080] =	vst v63  }
0x19: {  	s11 =	simm.s32 $0x1880;
	s14 =	simm.s32 $0x1;
	s18 =	sshrl.u32 s17, $0x1  }
0x1a: {  	[tilespmem:s11], [sflag:$0x1] =	stream.indirect_vreg.gather [hbm4b:s2+s3], $0x80, v3, vm0, $0xb8;
	[tilespmem:$0x3080] =	vst v63  }
0x1b: {  	s16 =	smul.u32 $0x300, s12;
	s12 =	simm.s32 $0x2080;
	s31 =	ssub.s32 s17, s18  }
0x1c: {  	[tilespmem:s12], [sflag:$0x1] =	stream.indirect_vreg.gather [hbm4b:s7+s3], $0x80, v3, vm0, $0xb8;
	[tilespmem:$0x3080] =	vst v63  }
0x1d: {  	s13 =	simm.s32 $0x2880;
	s15 =	sadd.s32 s16, s15;
	s16 =	smax.u32 s31, $0x1  }
0x1e: {  	[tilespmem:s13], [sflag:$0x1] =	stream.indirect_vreg.gather [hbm4b:s9+s3], $0x80, v3, vm0, $0xb8;
	[tilespmem:$0x3080] =	vst v63  }
0x1f: {  	p0 =	sne.s32 s16, $0x1;
	_ =	swait.ge [sflag:s14], $0x3000  }
.Ltmp0:
0x20: {  	[sflag:s14] =	ssyncset.done $0x0;
	(pc) =	sbr.rel @!p0 .LBB2_2-.Ltmp0, $4  }
0x21: {  	s15 =	sadd.s32 $0x5000, s15;
	[sflag:s14] =	ssyncadd.s32 $0xFFFFD000  }
0x22: {  	[hbm4b:s15+s3] =	stream.linear.scatter [tilespmem:s6], [sflag:$0x2], $0x3000, $0x38;
	[tilespmem:$0x3080] =	vst v63  }
0x23: {  	_ =	swait.ge [sflag:s4], $0x3000  }
0x24: {  	s16 =	sadd.s32 $0xFFFFFFFF, s16;
	[sflag:s4] =	ssyncset.done $0x0  }
.LBB2_1:
0x25: {  	p0 =	sne.s32 s16, $0x1;
	s16 =	sadd.s32 $0xFFFFFFFF, s16;
	[sflag:s4] =	ssyncadd.s32 $0xFFFFD000  }
0x26: {  	[tilespmem:s3], [sflag:$0x2] =	stream.linear.gather [hbm4b:s5+s3], $0x10, $0x38;
	[tilespmem:$0x3080] =	vst v63  }
0x27: {  	_ =	swait.ge [sflag:s4], $0x10  }
0x28: {  	[sflag:s4] =	ssyncset.done $0x0  }
0x29: {  	[sflag:s4] =	ssyncadd.s32 $0xFFFFFFF0  }
0x2a: {  	v3 =	vld [tilespmem:$0x0];
	_ =	sdelay $0x4  }
0x2b: {  	v4 =	vshrl.u32 v3, $0x3  }
0x2c: {  	v4 =	vmul.u32 $0x30, v4  }
0x2d: {  	v3 =	vand.u32 $0x7, v3  }
0x2e: {  	v3 =	vor.u32 v3, v4  }
0x2f: {  	v4 =	vperm.xlane v3, v0;
	v3 =	vperm.xlane v3, v2;
	_ =	sdelay $0x1  }
0x30: {  	v4 =	vadd.s32 v1, v4;
	_ =	sdelay $0x4  }
0x31: {  	[tilespmem:s6], [sflag:$0x1] =	stream.indirect_vreg.gather [hbm4b:s2+s3], $0x80, v4, vm0, $0xb8;
	[tilespmem:$0x3080] =	vst v63  }
0x32: {  	v3 =	vadd.s32 v1, v3  }
0x33: {  	[tilespmem:s8], [sflag:$0x1] =	stream.indirect_vreg.gather [hbm4b:s7+s3], $0x80, v4, vm0, $0xb8;
	[tilespmem:$0x3080] =	vst v63  }
0x34: {  	_ = 	snop  }
0x35: {  	[tilespmem:s10], [sflag:$0x1] =	stream.indirect_vreg.gather [hbm4b:s9+s3], $0x80, v4, vm0, $0xb8;
	[tilespmem:$0x3080] =	vst v63  }
0x36: {  	_ = 	snop  }
0x37: {  	[tilespmem:s11], [sflag:$0x1] =	stream.indirect_vreg.gather [hbm4b:s2+s3], $0x80, v3, vm0, $0xb8;
	[tilespmem:$0x3080] =	vst v63  }
0x38: {  	_ = 	snop  }
0x39: {  	[tilespmem:s12], [sflag:$0x1] =	stream.indirect_vreg.gather [hbm4b:s7+s3], $0x80, v3, vm0, $0xb8;
	[tilespmem:$0x3080] =	vst v63  }
0x3a: {  	_ = 	snop  }
0x3b: {  	[tilespmem:s13], [sflag:$0x1] =	stream.indirect_vreg.gather [hbm4b:s9+s3], $0x80, v3, vm0, $0xb8;
	[tilespmem:$0x3080] =	vst v63  }
0x3c: {  	_ =	swait.ge [sflag:s14], $0x3000  }
.Ltmp1:
0x3d: {  	[sflag:s14] =	ssyncset.done $0x0;
	(pc) =	sbr.rel @p0 .LBB2_1-.Ltmp1, $4  }
0x3e: {  	[sflag:s14] =	ssyncadd.s32 $0xFFFFD000  }
0x3f: {  	[hbm4b:s15+s3] =	stream.linear.scatter [tilespmem:s6], [sflag:$0x2], $0x3000, $0x38;
	[tilespmem:$0x3080] =	vst v63  }
0x40: {  	_ =	swait.ge [sflag:s4], $0x3000  }
0x41: {  	[sflag:s4] =	ssyncset.done $0x0  }
.LBB2_2:
0x42: {  	[sflag:s4] =	ssyncadd.s32 $0xFFFFD000  }
0x43: {  	_ =	sfence.sel $0x180000  }
0x44: {  	[bflag:$0x0] =	sbarrier.arrive $0xFFFF  }
0x45: {  	p0 =	sne.s32 s0, $0x0;
	_ =	strace $0x9000004D  }
0x46: {  	s0 =	sadd.s32 @!p0 $0x100000, s1;
	[bflag:$0x2] =	sbarrier.arrive $0xFFFF  }
0x47: {  	[sflag:s0] =	ssyncadd.tile.s32 @!p0 $0x1;
	_ =	shalt  }
.Lfunc_end2:
_tile_overlayer_lowered:
.L_overlay_start_2:
0x48: {  	(tag) =	ssettag $0x2  }
0x49: {  	s0 =	rddreg [dreg:$0x0];
	s2 =	stileid.u32  }
0x4a: {  	s1 =	rddreg [dreg:$0x1];
	p0 =	sne.s32 s2, $0x0  }
0x4b: {  	s3 =	rddreg [dreg:$0x2];
	[bflag:$0x3] =	sbarrier.arrive $0xFFFF;
	s2 =	simm.s32 @!p0 $0x1C02  }
0x4c: {  	[timem:s3], [sflag:s2] =	dma.local @!p0 [hbm:s0], s1  }
0x4d: {  	s0 =	simm.s32 @!p0 $0x2  }
0x4e: {  	_ =	swait.ge @!p0 [sflag:s0], s1  }
0x4f: {  	s1 =	ssub.s32 @!p0 $0x0, s1;
	[sflag:s0] =	ssyncset.done @!p0 $0x0  }
0x50: {  	[sflag:s0] =	ssyncadd.s32 @!p0 s1  }
0x51: {  	[bflag:$0x3] =	sbarrier.arrive $0xFFFF  }
0x52: {  	_ =	shalt  }

// kernel: kernel.9.cloned.1.call-start
scs
__scs_entry_jumppad:
0x0: {  	(pc) =	sbr.rel $0x88, $3  }
0x1: {  	(tag) =	ssettag $0x0;
	lr =	simm.s32 $0x1  }
0x2: {  	[smem:$0x3F85] =	sst lr;
	_ =	strace $0xD0000000  }
0x3: {  	_ = 	snop  }
0x4: {  	_ = 	snop  }
0x5: {  	_ = 	snop  }
0x6: {  	_ = 	snop  }
0x7: {  	_ = 	snop  }
__scs_overlays_trampoline_lowered:
0x8: {  	[smem:$0x3F94] =	sst s0  }
0x9: {  	[smem:$0x3F95] =	sst s1  }
0xa: {  	[smem:$0x3F96] =	sst s2  }
0xb: {  	[smem:$0x3F97] =	sst s3  }
0xc: {  	[smem:$0x3F98] =	sst s4  }
0xd: {  	[smem:$0x3F99] =	sst s5  }
0xe: {  	[smem:$0x3F9A] =	sst s6  }
0xf: {  	[smem:$0x3F9B] =	sst s7  }
0x10: {  	[smem:$0x3F9C] =	sst s8  }
0x11: {  	[smem:$0x3F9D] =	sst s9;
	s0 =	simm.s32 @!p0 $0x0  }
0x12: {  	s1 =	sld [smem:$0x3F83];
	s0 =	simm.s32 @p0 $0x1  }
0x13: {  	[smem:$0x3F9E] =	sst s0;
	s0 =	simm.s32 @!p1 $0x0  }
0x14: {  	s2 =	sld [smem:$0x3F82];
	s0 =	simm.s32 @p1 $0x1  }
0x15: {  	[smem:$0x3F9F] =	sst s0;
	s0 =	simm.s32 @!p2 $0x0  }
0x16: {  	s3 =	sld [smem:$0x3FDB];
	s0 =	simm.s32 @p2 $0x1  }
0x17: {  	s4 =	simm.s32 $0x1BF5;
	[smem:$0x3FA1] =	sst s0  }
0x18: {  	s0 =	sld [smem:$0x3F84];
	_ =	swait.ge [sflag:s4], $0x0  }
0x19: {  	s7 =	sld [smem:$0x3F85]  }
0x1a: {  	s8 =	sadd.s32 $0xFFFFE003, lr  }
0x1b: {  	s9 =	sadd.s32 $0xFFFFFEF7, lr;
	s5 =	simm.s32 $0xFFFFFFFF;
	p2 =	slt.u32 s8, $0xFFFFF086  }
0x1c: {  	p1 =	slt.u32 s9, $0xF7A;
	s5 =	simm.s32 @!p2 $0x0  }
0x1d: {  	s5 =	simm.s32 @p1 $0x1;
	p0 =	seq.s32 s7, s2  }
0x1e: {  	s7 =	smul.u32 @!p0 $0xF7A, s2;
	p2 =	seq.s32 @!p0 s5, $0x0  }
0x1f: {  	s9 =	smul.u32 $0xF7A, s1;
	s8 =	simm.s32 @!p0 $0x1BF5;
	p2 =	por !p2, p0  }
0x20: {  	[sflag:s8] =	ssyncset.s32 @!p0 $0xFFFFF086;
	s6 =	sadd.s32 @!p0 s3, s7;
	s7 =	simm.s32 @!p0 $0x108  }
0x21: {  	s3 =	sadd.s32 s3, s9;
	s6 =	sadd.s32 @!p0 $0x88, s6;
	s7 =	simm.s32 @p2 $0x1082  }
0x22: {  	[simem:s7], [sflag:s8] =	dma.local @!p0 [hbm:s6], $0xF7A  }
0x23: {  	s9 =	sor.u32 $0xD0000000, s2;
	s6 =	simm.s32 $0x108;
	_ =	swait.ge @!p0 [sflag:s8], $0x0  }
0x24: {  	s3 =	sadd.s32 $0x88, s3;
	s6 =	simm.s32 @!p1 $0x1082;
	[sflag:s4] =	ssyncset.s32 $0xFFFFF086  }
0x25: {  	[simem:s6], [sflag:s4] =	dma.local [hbm:s3], $0xF7A  }
0x26: {  	[smem:$0x3F85] =	sst s1;
	(tag) =	ssettag s2;
	_ =	strace s9  }
0x27: {  	s1 =	sld [smem:$0x3F95]  }
0x28: {  	s2 =	sld [smem:$0x3F96]  }
0x29: {  	s4 =	sld [smem:$0x3F98]  }
0x2a: {  	p0 =	seq.s32 s5, $0x0;
	s5 =	sld [smem:$0x3F99]  }
0x2b: {  	s6 =	sld [smem:$0x3F9A]  }
0x2c: {  	s7 =	sld [smem:$0x3F9B]  }
0x2d: {  	s3 =	simm.s32 $0x108;
	s8 =	sld [smem:$0x3F9C]  }
0x2e: {  	s3 =	simm.s32 @!p0 $0x1082;
	s9 =	sld [smem:$0x3F9D]  }
0x2f: {  	lr =	sadd.s32 s0, s3;
	s0 =	sld [smem:$0x3F94]  }
0x30: {  	s3 =	sld [smem:$0x3F97]  }
0x31: {  	[smem:$0x3FA0] =	sst s10  }
0x32: {  	s10 =	sld [smem:$0x3F9E];
	_ =	sdelay $0x3  }
0x33: {  	p0 =	seq.s32 s10, $0x1;
	s10 =	sld [smem:$0x3FA0];
	_ =	sdelay $0x3  }
0x34: {  	[smem:$0x3FA0] =	sst s10  }
0x35: {  	s10 =	sld [smem:$0x3F9F];
	_ =	sdelay $0x3  }
0x36: {  	p1 =	seq.s32 s10, $0x1;
	s10 =	sld [smem:$0x3FA0];
	_ =	sdelay $0x3  }
0x37: {  	[smem:$0x3FA0] =	sst s10  }
0x38: {  	s10 =	sld [smem:$0x3FA1]  }
0x39: {  	_ = 	snop;
	(pc) =	sbr.ind lr, $3  }
0x3a: {  	_ = 	snop  }
0x3b: {  	_ = 	snop  }
0x3c: {  	p2 =	seq.s32 s10, $0x1;
	s10 =	sld [smem:$0x3FA0]  }
0x3d: {  	_ =	shalt  }
0x3e: {  	_ =	shalt  }
0x3f: {  	_ =	shalt  }
0x40: {  	_ =	shalt  }
0x41: {  	_ =	shalt  }
0x42: {  	_ =	shalt  }
0x43: {  	_ =	shalt  }
0x44: {  	_ =	shalt  }
0x45: {  	_ =	shalt  }
0x46: {  	_ =	shalt  }
0x47: {  	_ =	shalt  }
0x48: {  	_ =	shalt  }
0x49: {  	_ =	shalt  }
0x4a: {  	_ =	shalt  }
0x4b: {  	_ =	shalt  }
0x4c: {  	_ =	shalt  }
0x4d: {  	_ =	shalt  }
0x4e: {  	_ =	shalt  }
0x4f: {  	_ =	shalt  }
0x50: {  	_ =	shalt  }
0x51: {  	_ =	shalt  }
0x52: {  	_ =	shalt  }
0x53: {  	_ =	shalt  }
0x54: {  	_ =	shalt  }
0x55: {  	_ =	shalt  }
0x56: {  	_ =	shalt  }
0x57: {  	_ =	shalt  }
0x58: {  	_ =	shalt  }
0x59: {  	_ =	shalt  }
0x5a: {  	_ =	shalt  }
0x5b: {  	_ =	shalt  }
0x5c: {  	_ =	shalt  }
0x5d: {  	_ =	shalt  }
0x5e: {  	_ =	shalt  }
0x5f: {  	_ =	shalt  }
0x60: {  	_ =	shalt  }
0x61: {  	_ =	shalt  }
0x62: {  	_ =	shalt  }
0x63: {  	_ =	shalt  }
0x64: {  	_ =	shalt  }
0x65: {  	_ =	shalt  }
0x66: {  	_ =	shalt  }
0x67: {  	_ =	shalt  }
0x68: {  	_ =	shalt  }
0x69: {  	_ =	shalt  }
0x6a: {  	_ =	shalt  }
0x6b: {  	_ =	shalt  }
0x6c: {  	_ =	shalt  }
0x6d: {  	_ =	shalt  }
0x6e: {  	_ =	shalt  }
0x6f: {  	_ =	shalt  }
0x70: {  	_ =	shalt  }
0x71: {  	_ =	shalt  }
0x72: {  	_ =	shalt  }
0x73: {  	_ =	shalt  }
0x74: {  	_ =	shalt  }
0x75: {  	_ =	shalt  }
0x76: {  	_ =	shalt  }
0x77: {  	_ =	shalt  }
0x78: {  	_ =	shalt  }
0x79: {  	_ =	shalt  }
0x7a: {  	_ =	shalt  }
0x7b: {  	_ =	shalt  }
0x7c: {  	_ =	shalt  }
0x7d: {  	_ =	shalt  }
0x7e: {  	_ =	shalt  }
0x7f: {  	_ =	shalt  }
0x80: {  	_ =	shalt  }
0x81: {  	_ =	shalt  }
0x82: {  	_ =	shalt  }
0x83: {  	_ =	shalt  }
0x84: {  	_ =	shalt  }
0x85: {  	_ =	shalt  }
0x86: {  	_ =	shalt  }
0x87: {  	_ =	shalt  }
.Lfunc_end0:
.L_simem_size_0:
called_computation_lowered:
.L_overlay_start_0:
0x88: {  	s2 =	sld [smem:$0x3FD9]  }
0x89: {  	s3 =	sld [smem:$0x3FFE];
	_ =	sdelay $0x1  }
0x8a: {  	s1 =	srdreg.scid  }
0x8b: {  	s0 =	sand.u32 $0x1, s1  }
0x8c: {  	s17 =	sshll.u32 s0, $0xA;
	s2 =	sadd.s32 s3, s2  }
0x8d: {  	s2 =	sadd.s32 s2, s17  }
0x8e: {  	[smem:$0x3FAC] =	sst s2  }
0x8f: {  	_ = 	snop  }
0x90: {  	s2 =	sld [smem:$0x3FC6]  }
0x91: {  	s18 =	sld [smem:$0x3FD0];
	(tm) =	ssettm $0x1  }
0x92: {  	s4 =	sld [smem:$0x3FFB];
	_ =	sdelay $0x3  }
0x93: {  	_ =	strace s4  }
0x94: {  	s4 =	sld [smem:$0x3FFC];
	_ =	sdelay $0x3  }
0x95: {  	_ =	strace s4  }
0x96: {  	s4 =	sld [smem:$0x3FFD];
	_ =	sdelay $0x3  }
0x97: {  	_ =	strace s4  }
0x98: {  	_ =	strace $0x8FFFFFFF  }
0x99: {  	s19 =	sld [smem:$0x3FDB];
	_ =	sdelay $0x1  }
0x9a: {  	s5 =	simm.s32 $_scs_section_size  }
0x9b: {  	s6 =	simm.s32 $_size__tile_overlayer_lowered;
	s7 =	simm.s32 $_tile_overlayer_lowered  }
0x9c: {  	s22 =	simm.s32 $0x1BFF;
	s21 =	sshll.u32 s7, $0x1;
	s4 =	sadd.s32 s5, s19  }
0x9d: {  	s8 =	simm.s32 $0x0;
	s20 =	sshll.u32 s6, $0x1;
	s6 =	sadd.s32 s21, s4  }
0x9e: {  	[timem:s8], [sflag:s22] =	dma.local [hbm:s6], s20  }
0x9f: {  	_ =	swait.ge [sflag:s22], s20  }
0xa0: {  	s5 =	ssub.s32 $0x0, s20;
	[sflag:s22] =	ssyncset.done $0x0  }
0xa1: {  	[sflag:s22] =	ssyncadd.s32 s5;
	_ =	sdelay $0x1  }
0xa2: {  	s23 =	simm.s32 $0x1B8B  }
0xa3: {  	_ =	swait.ge [sflag:s23], $0x1  }
0xa4: {  	[sflag:s23] =	ssyncset.done $0x0  }
0xa5: {  	s25 =	simm.s32 $0x1B8E;
	s24 =	sld [smem:$0x3FFE];
	[sflag:s23] =	ssyncadd.s32 $0xFFFFFFFF  }
0xa6: {  	s26 =	simm.s32 $execute0_lowered;
	[smem:$0x3FD2] =	sst s25  }
0xa7: {  	s6 =	sshll.u32 s26, $0x1;
	_ =	strace $0x80000046;
	[dreg:$0x1] =	wrdreg $0xFFFFFFFF  }
0xa8: {  	s28 =	simm.s32 $_size_execute0_lowered;
	s4 =	sadd.s32 s4, s6;
	[dreg:$0x0] =	wrdreg $0x0  }
0xa9: {  	s6 =	sshll.u32 s28, $0x1;
	[dreg:$0x2] =	wrdreg s4  }
0xaa: {  	[dreg:$0x3] =	wrdreg s6  }
0xab: {  	[dreg:$0x4] =	wrdreg $0xC0  }
0xac: {  	_ =	task [dreg:s8], $0x5FFFF  }
0xad: {  	[dreg:$0x1] =	wrdreg $0xFFFFFFFF  }
0xae: {  	[dreg:$0x0] =	wrdreg $0x60  }
0xaf: {  	[dreg:$0x2] =	wrdreg s24  }
0xb0: {  	[dreg:$0x3] =	wrdreg s18  }
0xb1: {  	[dreg:$0x4] =	wrdreg s2  }
0xb2: {  	[dreg:$0x5] =	wrdreg $0x9  }
0xb3: {  	_ =	task.clear_ibuf [dreg:s8], $0x6FFFF;
	_ =	strace $0x90000046  }
0xb4: {  	s29 =	simm.s32 $0x9;
	_ =	strace $0x80000048  }
0xb5: {  	_ =	swait.ge [sflag:s29], $0x1  }
0xb6: {  	[sflag:s29] =	ssyncadd.s32 $0xFFFFFFFF  }
0xb7: {  	_ =	strace $0x90000048  }
0xb8: {  	_ =	sfence  }
0xb9: {  	s30 =	sld [smem:$0x0];
	_ =	sdelay $0x2  }
0xba: {  	s31 =	sshll.u32 s1, $0xD;
	s1 =	sshrl.u32 s1, $0x2  }
0xbb: {  	s3 =	sand.u32 $0x4000, s31;
	s1 =	sadd.s32 s1, s30  }
0xbc: {  	s0 =	sor.u32 s3, s0;
	s1 =	sshll.u32 s1, $0x11  }
0xbd: {  	s0 =	sor.u32 s1, s0  }
0xbe: {  	s0 =	sadd.s32 $0x8F2B, s0  }
0xbf: {  	[sflag:s0] =	ssyncadd.remote.s32 $0x1  }
0xc0: {  	_ =	sfence.sel $0xFFFF  }
0xc1: {  	[dreg:$0x0] =	wrdreg $0xFFFFFFFF;
	(pc) =	sbr.abs _section_cstart, $3  }
0xc2: {  	[dreg:$0x1] =	wrdreg $0xFFFFFFFF  }
0xc3: {  	_ =	task.clear_ibuf [dreg:s8], $0x2FFFF;
	_ =	strace $0x9FFFFFFF  }
0xc4: {  	(tm) =	ssettm $0x7FFFFFFF  }
0xc5: {  	_ =	shalt  }
tec
execute0_lowered:
.L_overlay_start_1:
0x0: {  	(tag) =	ssettag $0x1  }
0x1: {  	s6 =	rddreg [dreg:$0x0]  }
0x2: {  	s5 =	rddreg [dreg:$0x1];
	s1 =	srdreg.scid  }
0x3: {  	s0 =	stileid.u32;
	s7 =	rddreg [dreg:$0x2]  }
0x4: {  	s13 =	simm.s32 $0x2A00;
	s14 =	simm.s32 $0x2C00;
	s15 =	simm.s32 $0x4000  }
0x5: {  	s16 =	simm.s32 $0x5400;
	s17 =	simm.s32 $0x80;
	s18 =	simm.s32 $0x400  }
0x6: {  	s19 =	simm.s32 $0x6800;
	s20 =	simm.s32 $0x7C00;
	s21 =	simm.s32 $0x0  }
0x7: {  	s8 =	sand.u32 $0x1, s1;
	s2 =	sshll.u32 s0, $0x1;
	s1 =	rddreg [dreg:$0x3]  }
0x8: {  	s9 =	sshrl.u32 s0, $0x2;
	s4 =	sor.u32 s8, s2;
	s2 =	simm.s32 $0x0  }
0x9: {  	s3 =	smul.u32 $0xA000, s9;
	s9 =	sshll.u32 s9, $0xA;
	s8 =	ssub.s32 $0x2, s8  }
0xa: {  	s10 =	sshll.u32 s4, $0x7;
	[smem:$0x7FF] =	sst s2;
	s12 =	smul.u32 $0x1388, s4  }
0xb: {  	s4 =	sadd.s32 $0x4E00, s6;
	s31 =	sshrl.u32 s8, $0x1;
	s10 =	sand.u32 $0x380, s10  }
0xc: {  	_ =	strace $0x80000047;
	s11 =	sor.u32 s3, s10;
	s3 =	sadd.s32 $0x4C00, s6  }
0xd: {  	s9 =	sor.u32 s9, s10;
	s30 =	sshrl.u32 s12, $0x3;
	s12 =	ssub.s32 s8, s31  }
0xe: {  	s11 =	sshrl.u32 s11, $0x3;
	s9 =	sshrl.u32 s9, $0x3;
	s5 =	sadd.s32 s5, s30  }
0xf: {  	s7 =	sadd.s32 s7, s30;
	s10 =	smax.u32 s12, $0x1;
	s12 =	simm.s32 $0x1  }
0x10: {  	s11 =	sadd.s32 s11, s6;
	s9 =	sadd.s32 s9, s6;
	s6 =	sadd.s32 $0x4E20, s5  }
0x11: {  	v0 =	vimm.s32 $0xFFFFFFFF;
	v1 =	vimm.s32 $0x0;
	vm0 =	vcmask $0x300;
	s8 =	sadd.s32 $0x5000, s11;
	s9 =	sadd.s32 $0xA000, s9;
	s11 =	simm.s32 $0x2800  }
.LBB2_1:
0x12: {  	s22 =	simm.s32 $0x40;
	s23 =	simm.s32 $0x0  }
.LBB2_2:
0x13: {  	p0 =	sne.s32 s22, $0x9FC0;
	[tilespmem:s23+$0x0] =	vst v0;
	s23 =	smov.u32 s22;
	s22 =	sadd.s32 $0x40, s22  }
.Ltmp0:
0x14: {  	(pc) =	sbr.rel @p0 .LBB2_2-.Ltmp0, $2  }
0x15: {  	_ =	sdelay $0x2  }
0x16: {  	s23 =	sshra.s32 s23, $0x2  }
0x17: {  	[tilespmem:s23+$0x0] =	vst v0;
	s22 =	simm.s32 $0x0  }
0x18: {  	[tilespmem:s11], [sflag:$0x1] =	stream.linear.gather [hbm4b:s3+s22], $0x200, $0x38;
	[tilespmem:$0x7C80] =	vst v63  }
0x19: {  	_ =	swait.ge [sflag:s12], $0x200  }
0x1a: {  	[sflag:s12] =	ssyncset.done $0x0  }
0x1b: {  	[sflag:s12] =	ssyncadd.s32 $0xFFFFFE00  }
0x1c: {  	[tilespmem:s13], [sflag:$0x1] =	stream.linear.gather [hbm4b:s4+s22], $0x200, $0x38;
	[tilespmem:$0x7C80] =	vst v63  }
0x1d: {  	_ =	swait.ge [sflag:s12], $0x200  }
0x1e: {  	[sflag:s12] =	ssyncset.done $0x0  }
0x1f: {  	s23 =	simm.s32 $0x0;
	s22 =	simm.s32 $0x40;
	[sflag:s12] =	ssyncadd.s32 $0xFFFFFE00  }
.LBB2_4:
0x20: {  	p0 =	sne.s32 s22, $0x7C0;
	v2 =	vld [tilespmem:s23+$0x2800];
	_ =	sdelay $0x2  }
0x21: {  	v3 =	vld [tilespmem:s23+$0x2A00]  }
.Ltmp1:
0x22: {  	(pc) =	sbr.rel @p0 .LBB2_4-.Ltmp1, $2  }
0x23: {  	_ =	sdelay $0x2  }
0x24: {  	s23 =	sshra.s32 s22, $0x2;
	s22 =	sadd.s32 $0x40, s22;
	[tilespmem:v2+s2+$0x0] =	vst.idx.msk $0xffff, v3  }
0x25: {  	v2 =	vld [tilespmem:s23+$0x2800];
	_ =	sdelay $0x2  }
0x26: {  	v3 =	vld [tilespmem:s23+$0x2A00];
	_ =	sdelay $0x4  }
0x27: {  	s22 =	simm.s32 $0x0;
	[tilespmem:v2+s2+$0x0] =	vst.idx.msk $0xffff, v3  }
0x28: {  	[tilespmem:s14], [sflag:$0x1] =	stream.linear.gather [hbm4b:s5+s22], $0x1388, $0x38;
	[tilespmem:$0x7C80] =	vst v63  }
0x29: {  	_ =	swait.ge [sflag:s12], $0x1388  }
0x2a: {  	[sflag:s12] =	ssyncset.done $0x0  }
0x2b: {  	[sflag:s12] =	ssyncadd.s32 $0xFFFFEC78  }
0x2c: {  	[tilespmem:s15], [sflag:$0x1] =	stream.linear.gather [hbm4b:s6+s22], $0x1388, $0x38;
	[tilespmem:$0x7C80] =	vst v63  }
0x2d: {  	_ =	swait.ge [sflag:s12], $0x1388  }
0x2e: {  	[sflag:s12] =	ssyncset.done $0x0  }
0x2f: {  	[sflag:s12] =	ssyncadd.s32 $0xFFFFEC78  }
0x30: {  	[tilespmem:s16], [sflag:$0x1] =	stream.linear.gather [hbm4b:s7+s22], $0x1388, $0x38;
	[tilespmem:$0x7C80] =	vst v63  }
0x31: {  	_ =	swait.ge [sflag:s12], $0x1388  }
0x32: {  	[sflag:s12] =	ssyncset.done $0x0  }
0x33: {  	s30 =	simm.s32 $0x0;
	[sflag:s12] =	ssyncadd.s32 $0xFFFFEC78  }
0x34: {  	v2 =	vld [tilespmem:s30+$0x4000];
	_ =	sdelay $0x7  }
0x35: {  	v2 =	vld.idx.msk [tilespmem:v2+s2+$0x0], $0xffff;
	_ =	sdelay $0x3  }
0x36: {  	v3 =	vld [tilespmem:s30+$0x2C00]  }
0x37: {  	v4 =	vld [tilespmem:s30+$0x5400];
	vm1 =	vgt.s32 v2, $0xFFFFFFFF  }
0x38: {  	v5 =	vsel vm1, $0x1, v1  }
0x39: {  	(xrf0) =	vadd.scan.msk.s32 $0xffff, v5  }
0x3a: {  	vm2 =	vgt.s32 v2, $0x0  }
0x3b: {  	v3 =	vshll.u32 v3, $0xD;
	v2 =	vnsel vm2, $0x0, v2  }
0x3c: {  	v3 =	vor.u32 v3, v4;
	v2 =	vshll.u32 v2, $0x4  }
0x3d: {  	v2 =	vor.u32 v2, v3  }
0x3e: {  	s31 =	simm.s32 $0x10;
	[tilespmem:s22+$0x6800] =	vst.msk vm1, v2  }
0x3f: {  	v2 =	vld [tilespmem:s31+$0x4000];
	v3, _, _ =	vpop (xrf0)  }
0x40: {  	(v2sf) =	vpush v3, $0xF;
	_ =	sdelay $0x6  }
0x41: {  	v2 =	vld.idx.msk [tilespmem:v2+s2+$0x0], $0xffff  }
0x42: {  	v3 =	vld [tilespmem:s31+$0x2C00]  }
0x43: {  	v62 =	vld [tilespmem:s31+$0x5400];
	_ =	sdelay $0x2  }
0x44: {  	vm2 =	vgt.s32 v2, $0x0  }
0x45: {  	v3 =	vshll.u32 v3, $0xD;
	vm1 =	vgt.s32 v2, $0xFFFFFFFF;
	v2 =	vnsel vm2, $0x0, v2  }
0x46: {  	v3 =	vor.u32 v3, v62;
	v63 =	vsel vm1, $0x1, v1;
	v2 =	vshll.u32 v2, $0x4  }
0x47: {  	s23 =	simm.s32 $0x80;
	(xrf0) =	vadd.scan.msk.s32 $0xffff, v63;
	v2 =	vor.u32 v2, v3;
	s24 =	spop (v2sf)  }
.LBB2_6:
0x48: {  	p0 =	sne.s32 s23, $0x4DC0  }
0x49: {  	s22 =	sadd.s32 s22, s24;
	s24 =	smov.u32 s23;
	s23 =	sadd.s32 $0x40, s23  }
0x4a: {  	[tilespmem:s22+$0x6800] =	vst.msk vm1, v2  }
0x4b: {  	s24 =	sshra.s32 s24, $0x2  }
0x4c: {  	v2 =	vld [tilespmem:s24+$0x4000]  }
0x4d: {  	v3, _, _ =	vpop (xrf0)  }
0x4e: {  	(v2sf) =	vpush v3, $0xF;
	_ =	sdelay $0x5  }
0x4f: {  	v2 =	vld.idx.msk [tilespmem:v2+s2+$0x0], $0xffff;
	_ =	sdelay $0x1  }
0x50: {  	v3 =	vld [tilespmem:s24+$0x2C00]  }
0x51: {  	v4 =	vld [tilespmem:s24+$0x5400];
	_ =	sdelay $0x1  }
.Ltmp2:
0x52: {  	(pc) =	sbr.rel @p0 .LBB2_6-.Ltmp2, $4  }
0x53: {  	vm1 =	vgt.s32 v2, $0xFFFFFFFF;
	vm2 =	vgt.s32 v2, $0x0  }
0x54: {  	v2 =	vnsel vm2, $0x0, v2;
	v5 =	vsel vm1, $0x1, v1;
	v3 =	vshll.u32 v3, $0xD  }
0x55: {  	v2 =	vshll.u32 v2, $0x4;
	v3 =	vor.u32 v3, v4;
	(xrf0) =	vadd.scan.msk.s32 $0xffff, v5  }
0x56: {  	v2 =	vor.u32 v2, v3;
	s24 =	spop (v2sf)  }
0x57: {  	_ =	sdelay $0x3  }
0x58: {  	v3, _, _ =	vpop (xrf0)  }
0x59: {  	(v2sf) =	vpush v3, $0xF;
	_ =	sdelay $0xe  }
0x5a: {  	s22 =	sadd.s32 s22, s24;
	s23 =	spop (v2sf)  }
0x5b: {  	s23 =	sadd.s32 s22, s23  }
0x5c: {  	v3 =	vmov s23  }
0x5d: {  	[tilespmem:s22+$0x6800] =	vst.msk vm1, v2;
	v2 =	vnsel vm0, $0x0, v3  }
0x5e: {  	[tilespmem:$0x7C00] =	vst v2  }
0x5f: {  	[hbm4b:s8+s17] =	stream.strided.scatter [tilespmem:s19], [sflag:$0x1], $0x1400, s18, s17, $0x38;
	[tilespmem:$0x7C80] =	vst v63  }
0x60: {  	s21 =	sadd.s32 $0x1, s21;
	_ =	swait.ge [sflag:s12], $0x1400  }
0x61: {  	p0 =	sne.s32 s21, s10;
	[sflag:s12] =	ssyncset.done $0x0  }
.Ltmp3:
0x62: {  	[sflag:s12] =	ssyncadd.s32 $0xFFFFEC00;
	(pc) =	sbr.rel @p0 .LBB2_1-.Ltmp3, $4  }
0x63: {  	[hbm4b:s9+s2] =	stream.linear.scatter [tilespmem:s20], [sflag:$0x1], $0x80, $0x38;
	[tilespmem:$0x7C80] =	vst v63  }
0x64: {  	_ =	swait.ge [sflag:s12], $0x80  }
0x65: {  	[sflag:s12] =	ssyncset.done $0x0  }
0x66: {  	[sflag:s12] =	ssyncadd.s32 $0xFFFFFF80  }
0x67: {  	_ =	sfence.sel $0x180000  }
0x68: {  	[bflag:$0x0] =	sbarrier.arrive $0xFFFF  }
0x69: {  	p0 =	sne.s32 s0, $0x0;
	_ =	strace $0x90000047  }
0x6a: {  	s0 =	sadd.s32 @!p0 $0x100000, s1;
	[bflag:$0x2] =	sbarrier.arrive $0xFFFF  }
0x6b: {  	[sflag:s0] =	ssyncadd.tile.s32 @!p0 $0x1;
	_ =	shalt  }
.Lfunc_end2:
_tile_overlayer_lowered:
.L_overlay_start_2:
0x6c: {  	(tag) =	ssettag $0x2  }
0x6d: {  	s0 =	rddreg [dreg:$0x0];
	s2 =	stileid.u32  }
0x6e: {  	s1 =	rddreg [dreg:$0x1];
	p0 =	sne.s32 s2, $0x0  }
0x6f: {  	s3 =	rddreg [dreg:$0x2];
	[bflag:$0x3] =	sbarrier.arrive $0xFFFF;
	s2 =	simm.s32 @!p0 $0x1C01  }
0x70: {  	[timem:s3], [sflag:s2] =	dma.local @!p0 [hbm:s0], s1  }
0x71: {  	s0 =	simm.s32 @!p0 $0x1  }
0x72: {  	_ =	swait.ge @!p0 [sflag:s0], s1  }
0x73: {  	s1 =	ssub.s32 @!p0 $0x0, s1;
	[sflag:s0] =	ssyncset.done @!p0 $0x0  }
0x74: {  	[sflag:s0] =	ssyncadd.s32 @!p0 s1  }
0x75: {  	[bflag:$0x3] =	sbarrier.arrive $0xFFFF  }
0x76: {  	_ =	shalt  }

</sc_bundles>
